<compile_context>
chip_gen: v7x
topology: tpu7x:2x2x1
jax: 0.10.2.dev20260603
libtpu: 0.0.44.dev20260713+nightly
codegen_flags: <defaults>
</compile_context>

<pallas_src>
import functools

import jax
import jax.numpy as jnp
from jax import lax
from jax.experimental import pallas as pl
from jax.experimental.pallas import tpu as pltpu
from jax.experimental.pallas import tpu_sc as plsc

B = 130000
V = 1000000
H = 64
L = 16
NC, NS = 2, 16
NW = NC * NS
BP = 131072
BW = BP // NW
CH = 128
NCHUNK = BW // CH
NB = 2
NGRP = NCHUNK // NB
RW = BW // CH


def _sc_dots(wrd2d, cntxt2d, word_emb, context_emb):
    mesh = plsc.VectorSubcoreMesh(core_axis_name="c", subcore_axis_name="s")

    @functools.partial(
        pl.kernel,
        compiler_params=pltpu.CompilerParams(
            needs_layout_passes=False, use_tc_tiling_on_sc=True),
        out_type=jax.ShapeDtypeStruct((BP // CH, CH), jnp.float32),
        mesh=mesh,
        scratch_types=[
            pltpu.VMEM((NCHUNK, CH), jnp.int32),
            pltpu.VMEM((NCHUNK, CH), jnp.int32),
            [pltpu.VMEM((CH, H), jnp.float32)] * NB,
            [pltpu.VMEM((CH, H), jnp.float32)] * NB,
            pltpu.VMEM((NCHUNK, CH), jnp.float32),
            [pltpu.SemaphoreType.DMA] * NB,
        ],
    )
    def k(wrd_h, cx_h, wemb_h, cemb_h, out_h,
          widx, cidx, wrows, crows, dots, gsems):
        wid = lax.axis_index("s") * NC + lax.axis_index("c")
        r0 = pl.multiple_of(wid * RW, RW)

        pltpu.sync_copy(wrd_h.at[pl.ds(r0, RW)], widx)
        pltpu.sync_copy(cx_h.at[pl.ds(r0, RW)], cidx)

        def chunk_start(g, b):
            def sub(s, _):
                off = pl.multiple_of(s * L, L)
                ivw = widx[g, pl.ds(off, L)]
                ivc = cidx[g, pl.ds(off, L)]
                for j in range(L):
                    pltpu.make_async_copy(
                        wemb_h.at[pl.ds(ivw[j], 1)],
                        wrows[b].at[pl.ds(s * L + j, 1)], gsems[b]).start()
                    pltpu.make_async_copy(
                        cemb_h.at[pl.ds(ivc[j], 1)],
                        crows[b].at[pl.ds(s * L + j, 1)], gsems[b]).start()
                return 0
            lax.fori_loop(0, CH // L, sub, 0)

        def chunk_wait(b):
            pltpu.make_async_copy(
                wemb_h.at[pl.ds(0, CH)], wrows[b], gsems[b]).wait()
            pltpu.make_async_copy(
                cemb_h.at[pl.ds(0, CH)], crows[b], gsems[b]).wait()

        for b in range(NB):
            chunk_start(b, b)

        lanes = lax.iota(jnp.int32, L)
        lastlane = lanes == (L - 1)
        gsplat_cache = {}

        def dotitem(wr, cr, g, i):
            parts = []
            for q in range(4):
                sl = pl.ds(q * L, L)
                parts.append(wr[i, sl] * cr[i, sl])
            t = (parts[0] + parts[1]) + (parts[2] + parts[3])
            c = plsc.cumsum(t)
            plsc.store_scatter(
                dots, [gsplat_cache[0], jnp.full((L,), i, jnp.int32)],
                c, mask=lastlane)

        def compute(g, b):
            gsplat_cache[0] = jnp.full((L,), g, jnp.int32)

            def body(it, _):
                i = it * 2
                dotitem(wrows[b], crows[b], g, i)
                dotitem(wrows[b], crows[b], g, i + 1)
                return 0
            lax.fori_loop(0, CH // 2, body, 0)

        def grp_body(grp, _):
            for b in range(NB):
                g = grp * NB + b
                chunk_wait(b)
                compute(g, b)

                @pl.when(grp < NGRP - 1)
                def _():
                    chunk_start(g + NB, b)
            return 0

        lax.fori_loop(0, NGRP, grp_body, 0)

        pltpu.sync_copy(dots, out_h.at[pl.ds(r0, RW)])

    return k(wrd2d, cntxt2d, word_emb, context_emb)


def _tc_loss(dots2d, labels2d):

    def body(d_ref, l_ref, o_ref):
        x = d_ref[...] * l_ref[...]
        r = lax.broadcasted_iota(jnp.int32, x.shape, 0)
        c = lax.broadcasted_iota(jnp.int32, x.shape, 1)
        valid = (r * x.shape[1] + c) < B
        ls = jnp.where(valid, jax.nn.log_sigmoid(x), 0.0)
        o_ref[0, 0] = jnp.sum(ls) * (-1.0 / B)

    out = pl.pallas_call(
        body,
        out_shape=jax.ShapeDtypeStruct((1, 1), jnp.float32),
        out_specs=pl.BlockSpec(memory_space=pltpu.SMEM),
    )(dots2d, labels2d)
    return out[0, 0]


def kernel(wrd, cntxt, labels, word_emb, context_emb):
    pad = BP - B
    wrd_p = jnp.concatenate(
        [wrd.reshape(-1), jnp.zeros((pad,), jnp.int32)]).reshape(BP // CH, CH)
    cx_p = jnp.concatenate(
        [cntxt.reshape(-1), jnp.zeros((pad,), jnp.int32)]).reshape(BP // CH, CH)
    lab_p = jnp.concatenate(
        [labels.reshape(-1), jnp.zeros((pad,), jnp.float32)]).reshape(BP // CH, CH)
    dots = _sc_dots(wrd_p, cx_p, word_emb, context_emb)
    return _tc_loss(dots, lab_p)

# --- scband reference (transcript-rebuilt; emitter-appended) ---
"""Pipeline reference for scband-word2-vec-89661737271928 (READ-ONLY COPY).

The authoritative reference and input builder live on the scoring server;
editing this copy changes nothing except your own understanding.
"""

import jax, jax.numpy as jnp
import numpy as np

B = 130000
V = 1000000
H = 64

def setup_inputs(seed: int = 0) -> dict:
    key = jax.random.key(seed)
    k1, k2, k3, k4, k5 = jax.random.split(key, 5)
    wrd = jax.random.randint(k1, (B, 1), 0, V, dtype=jnp.int32)
    cntxt = jax.random.randint(k2, (B,), 0, V, dtype=jnp.int32)
    labels = jax.random.normal(k3, (B, 1), dtype=jnp.float32)
    word_emb = jax.random.normal(k4, (V, H), dtype=jnp.float32) * 0.02
    context_emb = jax.random.normal(k5, (V, H), dtype=jnp.float32) * 0.02
    return {"wrd": wrd, "cntxt": cntxt, "labels": labels, "word_emb": word_emb, "context_emb": context_emb}

def reference(wrd, cntxt, labels, word_emb, context_emb):
    # wrd_vec = self.word_emb(wrd): gather rows -> [B, 1, H]
    wrd_vec = jnp.take(word_emb, wrd, axis=0)
    # cntxt_vec = self.context_emb(cntxt): gather rows -> [B, H]
    cntxt_vec = jnp.take(context_emb, cntxt, axis=0)
    # torch.bmm(wrd_vec, cntxt_vec.view(BATCH_SIZE, hid_dim, -1)) -> [B, 1, 1]
    res = jnp.matmul(wrd_vec, cntxt_vec.reshape(B, H, -1))
    # res.squeeze(1) -> [B, 1]
    res = jnp.squeeze(res, axis=1)
    res = res * labels
    res = jax.nn.log_sigmoid(res)
    return jnp.sum(res) * -1.0 / res.shape[0]

if __name__ == "__main__":
    import jax
    _d = setup_inputs()
    print(jax.jit(kernel)(*tuple(_d.values())))

</pallas_src>

<mosaic_0001>
#map = affine_map<(d0, d1) -> (0, 0)>
module attributes {stable_mosaic.version = 14 : i64} {
  func.func @k(%arg0: i32, %arg1: i32, %arg2: memref<1024x128xi32, #tpu.memory_space<hbm>>, %arg3: memref<1024x128xi32, #tpu.memory_space<hbm>>, %arg4: memref<1000000x64xf32, #tpu.memory_space<hbm>>, %arg5: memref<1000000x64xf32, #tpu.memory_space<hbm>>, %arg6: memref<1024x128xf32, #tpu.memory_space<hbm>>, %arg7: memref<32x128xi32, #tpu.memory_space<vmem>>, %arg8: memref<32x128xi32, #tpu.memory_space<vmem>>, %arg9: memref<128x64xf32, #tpu.memory_space<vmem>>, %arg10: memref<128x64xf32, #tpu.memory_space<vmem>>, %arg11: memref<128x64xf32, #tpu.memory_space<vmem>>, %arg12: memref<128x64xf32, #tpu.memory_space<vmem>>, %arg13: memref<32x128xf32, #tpu.memory_space<vmem>>, %arg14: memref<!tpu.dma_semaphore, #tpu.memory_space<semaphore_mem>>, %arg15: memref<!tpu.dma_semaphore, #tpu.memory_space<semaphore_mem>>) attributes {dimension_semantics = [#tpu.dimension_semantics<core_parallel>, #tpu.dimension_semantics<subcore_parallel>], iteration_bounds = array<i64: 2, 16>, scalar_prefetch = 0 : i64, scratch_operands = 9 : i64, tpu.core_type = #tpu.core_type<sc_vector_subcore>, window_params = [{transform_indices = #map}, {transform_indices = #map}, {transform_indices = #map}, {transform_indices = #map}, {transform_indices = #map}]} {
    %mul3A = arith.constant 2 : i32
    %mul3A_0 = arith.muli %arg1, %mul3A : i32
    %add3A = arith.addi %mul3A_0, %arg0 : i32
    %mul3A_1 = arith.constant 32 : i32
    %mul3A_2 = arith.muli %add3A, %mul3A_1 : i32
    %multiple_of3A = tpu.assume_multiple %mul3A_2, 32 : i32
    "tpu.region"() ({
      %run_scoped3A = tpu.sem_alloc : memref<!tpu.dma_semaphore, #tpu.memory_space<semaphore_mem>>
      %dma_start3A = arith.constant 0 : i32
      %dma_start3A_25 = tpu.memref_slice %arg2[%multiple_of3A, %dma_start3A] : memref<1024x128xi32, #tpu.memory_space<hbm>> -> memref<32x128xi32, #tpu.memory_space<hbm>>
      %dma_start3A_26 = arith.constant 0 : i32
      %dma_start3A_27 = tpu.memref_slice %arg2[%multiple_of3A, %dma_start3A_26] : memref<1024x128xi32, #tpu.memory_space<hbm>> -> memref<32x128xi32, #tpu.memory_space<hbm>>
      tpu.enqueue_dma source(%dma_start3A_27 : memref<32x128xi32, #tpu.memory_space<hbm>>) target(%arg7 : memref<32x128xi32, #tpu.memory_space<vmem>>) target_semaphore(%run_scoped3A : memref<!tpu.dma_semaphore, #tpu.memory_space<semaphore_mem>>)
      %dma_wait3A = arith.constant 0 : i32
      %dma_wait3A_28 = tpu.memref_slice %arg2[%multiple_of3A, %dma_wait3A] : memref<1024x128xi32, #tpu.memory_space<hbm>> -> memref<32x128xi32, #tpu.memory_space<hbm>>
      %dma_wait3A_29 = arith.constant 0 : i32
      %dma_wait3A_30 = tpu.memref_slice %arg2[%multiple_of3A, %dma_wait3A_29] : memref<1024x128xi32, #tpu.memory_space<hbm>> -> memref<32x128xi32, #tpu.memory_space<hbm>>
      tpu.wait_dma2 semaphore(%run_scoped3A : memref<!tpu.dma_semaphore, #tpu.memory_space<semaphore_mem>>) src(%dma_wait3A_30 : memref<32x128xi32, #tpu.memory_space<hbm>>) dst(%arg7 : memref<32x128xi32, #tpu.memory_space<vmem>>)
      tpu.yield
    }) : () -> ()
    "tpu.region"() ({
      %run_scoped3A = tpu.sem_alloc : memref<!tpu.dma_semaphore, #tpu.memory_space<semaphore_mem>>
      %dma_start3A = arith.constant 0 : i32
      %dma_start3A_25 = tpu.memref_slice %arg3[%multiple_of3A, %dma_start3A] : memref<1024x128xi32, #tpu.memory_space<hbm>> -> memref<32x128xi32, #tpu.memory_space<hbm>>
      %dma_start3A_26 = arith.constant 0 : i32
      %dma_start3A_27 = tpu.memref_slice %arg3[%multiple_of3A, %dma_start3A_26] : memref<1024x128xi32, #tpu.memory_space<hbm>> -> memref<32x128xi32, #tpu.memory_space<hbm>>
      tpu.enqueue_dma source(%dma_start3A_27 : memref<32x128xi32, #tpu.memory_space<hbm>>) target(%arg8 : memref<32x128xi32, #tpu.memory_space<vmem>>) target_semaphore(%run_scoped3A : memref<!tpu.dma_semaphore, #tpu.memory_space<semaphore_mem>>)
      %dma_wait3A = arith.constant 0 : i32
      %dma_wait3A_28 = tpu.memref_slice %arg3[%multiple_of3A, %dma_wait3A] : memref<1024x128xi32, #tpu.memory_space<hbm>> -> memref<32x128xi32, #tpu.memory_space<hbm>>
      %dma_wait3A_29 = arith.constant 0 : i32
      %dma_wait3A_30 = tpu.memref_slice %arg3[%multiple_of3A, %dma_wait3A_29] : memref<1024x128xi32, #tpu.memory_space<hbm>> -> memref<32x128xi32, #tpu.memory_space<hbm>>
      tpu.wait_dma2 semaphore(%run_scoped3A : memref<!tpu.dma_semaphore, #tpu.memory_space<semaphore_mem>>) src(%dma_wait3A_30 : memref<32x128xi32, #tpu.memory_space<hbm>>) dst(%arg8 : memref<32x128xi32, #tpu.memory_space<vmem>>)
      tpu.yield
    }) : () -> ()
    %scan3A = arith.constant 0 : i32
    %scan3A_3 = arith.constant 0 : i32
    %scan3A_4 = arith.constant 8 : i32
    %scan3A_5 = arith.addi %scan3A_3, %scan3A_4 : i32
    %scan3A_6 = arith.constant 1 : i32
    %scan3A_7 = scf.for %scan3A_25 = %scan3A_3 to %scan3A_5 step %scan3A_6 iter_args(%scan3A_26 = %scan3A) -> (i32)  : i32 {
      %mul3A_27 = arith.constant 16 : i32
      %mul3A_28 = arith.muli %scan3A_25, %mul3A_27 : i32
      %multiple_of3A_29 = tpu.assume_multiple %mul3A_28, 16 : i32
      %get3A = arith.constant 0 : i32
      %get3A_30 = arith.index_cast %get3A : i32 to index
      %get3A_31 = arith.index_cast %multiple_of3A_29 : i32 to index
      %get3A_32 = tpu.vector_load %arg7[%get3A_30, %get3A_31] {strides = array<i32>} : memref<32x128xi32, #tpu.memory_space<vmem>>, vector<16xi32>,
      %get3A_33 = arith.constant 0 : i32
      %get3A_34 = arith.index_cast %get3A_33 : i32 to index
      %get3A_35 = arith.index_cast %multiple_of3A_29 : i32 to index
      %get3A_36 = tpu.vector_load %arg8[%get3A_34, %get3A_35] {strides = array<i32>} : memref<32x128xi32, #tpu.memory_space<vmem>>, vector<16xi32>,
      %slice3A = vector.extract_strided_slice %get3A_32 {offsets = [0], sizes = [1], strides = [1]} : vector<16xi32> to vector<1xi32>
      %squeeze3A = vector.extract %slice3A[0] : i32 from vector<1xi32>
      %mul3A_37 = arith.constant 16 : i32
      %mul3A_38 = arith.muli %scan3A_25, %mul3A_37 : i32
      %add3A_39 = arith.constant 0 : i32
      %add3A_40 = arith.addi %mul3A_38, %add3A_39 : i32
      %dma_start3A = arith.constant 0 : i32
      %dma_start3A_41 = tpu.memref_slice %arg9[%add3A_40, %dma_start3A] : memref<128x64xf32, #tpu.memory_space<vmem>> -> memref<1x64xf32, #tpu.memory_space<vmem>>
      %dma_start3A_42 = arith.constant 0 : i32
      %dma_start3A_43 = tpu.memref_slice %arg4[%squeeze3A, %dma_start3A_42] : memref<1000000x64xf32, #tpu.memory_space<hbm>> -> memref<1x64xf32, #tpu.memory_space<hbm>>
      %dma_start3A_44 = arith.constant 0 : i32
      %dma_start3A_45 = tpu.memref_slice %arg9[%add3A_40, %dma_start3A_44] : memref<128x64xf32, #tpu.memory_space<vmem>> -> memref<1x64xf32, #tpu.memory_space<vmem>>
      %dma_start3A_46 = arith.constant 0 : i32
      %dma_start3A_47 = tpu.memref_slice %arg4[%squeeze3A, %dma_start3A_46] : memref<1000000x64xf32, #tpu.memory_space<hbm>> -> memref<1x64xf32, #tpu.memory_space<hbm>>
      tpu.enqueue_dma source(%dma_start3A_47 : memref<1x64xf32, #tpu.memory_space<hbm>>) target(%dma_start3A_45 : memref<1x64xf32, #tpu.memory_space<vmem>>) target_semaphore(%arg14 : memref<!tpu.dma_semaphore, #tpu.memory_space<semaphore_mem>>)
      %slice3A_48 = vector.extract_strided_slice %get3A_36 {offsets = [0], sizes = [1], strides = [1]} : vector<16xi32> to vector<1xi32>
      %squeeze3A_49 = vector.extract %slice3A_48[0] : i32 from vector<1xi32>
      %mul3A_50 = arith.constant 16 : i32
      %mul3A_51 = arith.muli %scan3A_25, %mul3A_50 : i32
      %add3A_52 = arith.constant 0 : i32
      %add3A_53 = arith.addi %mul3A_51, %add3A_52 : i32
      %dma_start3A_54 = arith.constant 0 : i32
      %dma_start3A_55 = tpu.memref_slice %arg11[%add3A_53, %dma_start3A_54] : memref<128x64xf32, #tpu.memory_space<vmem>> -> memref<1x64xf32, #tpu.memory_space<vmem>>
      %dma_start3A_56 = arith.constant 0 : i32
      %dma_start3A_57 = tpu.memref_slice %arg5[%squeeze3A_49, %dma_start3A_56] : memref<1000000x64xf32, #tpu.memory_space<hbm>> -> memref<1x64xf32, #tpu.memory_space<hbm>>
      %dma_start3A_58 = arith.constant 0 : i32
      %dma_start3A_59 = tpu.memref_slice %arg11[%add3A_53, %dma_start3A_58] : memref<128x64xf32, #tpu.memory_space<vmem>> -> memref<1x64xf32, #tpu.memory_space<vmem>>
      %dma_start3A_60 = arith.constant 0 : i32
      %dma_start3A_61 = tpu.memref_slice %arg5[%squeeze3A_49, %dma_start3A_60] : memref<1000000x64xf32, #tpu.memory_space<hbm>> -> memref<1x64xf32, #tpu.memory_space<hbm>>
      tpu.enqueue_dma source(%dma_start3A_61 : memref<1x64xf32, #tpu.memory_space<hbm>>) target(%dma_start3A_59 : memref<1x64xf32, #tpu.memory_space<vmem>>) target_semaphore(%arg14 : memref<!tpu.dma_semaphore, #tpu.memory_space<semaphore_mem>>)
      %slice3A_62 = vector.extract_strided_slice %get3A_32 {offsets = [1], sizes = [1], strides = [1]} : vector<16xi32> to vector<1xi32>
      %squeeze3A_63 = vector.extract %slice3A_62[0] : i32 from vector<1xi32>
      %mul3A_64 = arith.constant 16 : i32
      %mul3A_65 = arith.muli %scan3A_25, %mul3A_64 : i32
      %add3A_66 = arith.constant 1 : i32
      %add3A_67 = arith.addi %mul3A_65, %add3A_66 : i32
      %dma_start3A_68 = arith.constant 0 : i32
      %dma_start3A_69 = tpu.memref_slice %arg9[%add3A_67, %dma_start3A_68] : memref<128x64xf32, #tpu.memory_space<vmem>> -> memref<1x64xf32, #tpu.memory_space<vmem>>
      %dma_start3A_70 = arith.constant 0 : i32
      %dma_start3A_71 = tpu.memref_slice %arg4[%squeeze3A_63, %dma_start3A_70] : memref<1000000x64xf32, #tpu.memory_space<hbm>> -> memref<1x64xf32, #tpu.memory_space<hbm>>
      %dma_start3A_72 = arith.constant 0 : i32
      %dma_start3A_73 = tpu.memref_slice %arg9[%add3A_67, %dma_start3A_72] : memref<128x64xf32, #tpu.memory_space<vmem>> -> memref<1x64xf32, #tpu.memory_space<vmem>>
      %dma_start3A_74 = arith.constant 0 : i32
      %dma_start3A_75 = tpu.memref_slice %arg4[%squeeze3A_63, %dma_start3A_74] : memref<1000000x64xf32, #tpu.memory_space<hbm>> -> memref<1x64xf32, #tpu.memory_space<hbm>>
      tpu.enqueue_dma source(%dma_start3A_75 : memref<1x64xf32, #tpu.memory_space<hbm>>) target(%dma_start3A_73 : memref<1x64xf32, #tpu.memory_space<vmem>>) target_semaphore(%arg14 : memref<!tpu.dma_semaphore, #tpu.memory_space<semaphore_mem>>)
      %slice3A_76 = vector.extract_strided_slice %get3A_36 {offsets = [1], sizes = [1], strides = [1]} : vector<16xi32> to vector<1xi32>
      %squeeze3A_77 = vector.extract %slice3A_76[0] : i32 from vector<1xi32>
      %mul3A_78 = arith.constant 16 : i32
      %mul3A_79 = arith.muli %scan3A_25, %mul3A_78 : i32
      %add3A_80 = arith.constant 1 : i32
      %add3A_81 = arith.addi %mul3A_79, %add3A_80 : i32
      %dma_start3A_82 = arith.constant 0 : i32
      %dma_start3A_83 = tpu.memref_slice %arg11[%add3A_81, %dma_start3A_82] : memref<128x64xf32, #tpu.memory_space<vmem>> -> memref<1x64xf32, #tpu.memory_space<vmem>>
      %dma_start3A_84 = arith.constant 0 : i32
      %dma_start3A_85 = tpu.memref_slice %arg5[%squeeze3A_77, %dma_start3A_84] : memref<1000000x64xf32, #tpu.memory_space<hbm>> -> memref<1x64xf32, #tpu.memory_space<hbm>>
      %dma_start3A_86 = arith.constant 0 : i32
      %dma_start3A_87 = tpu.memref_slice %arg11[%add3A_81, %dma_start3A_86] : memref<128x64xf32, #tpu.memory_space<vmem>> -> memref<1x64xf32, #tpu.memory_space<vmem>>
      %dma_start3A_88 = arith.constant 0 : i32
      %dma_start3A_89 = tpu.memref_slice %arg5[%squeeze3A_77, %dma_start3A_88] : memref<1000000x64xf32, #tpu.memory_space<hbm>> -> memref<1x64xf32, #tpu.memory_space<hbm>>
      tpu.enqueue_dma source(%dma_start3A_89 : memref<1x64xf32, #tpu.memory_space<hbm>>) target(%dma_start3A_87 : memref<1x64xf32, #tpu.memory_space<vmem>>) target_semaphore(%arg14 : memref<!tpu.dma_semaphore, #tpu.memory_space<semaphore_mem>>)
      %slice3A_90 = vector.extract_strided_slice %get3A_32 {offsets = [2], sizes = [1], strides = [1]} : vector<16xi32> to vector<1xi32>
      %squeeze3A_91 = vector.extract %slice3A_90[0] : i32 from vector<1xi32>
      %mul3A_92 = arith.constant 16 : i32
      %mul3A_93 = arith.muli %scan3A_25, %mul3A_92 : i32
      %add3A_94 = arith.constant 2 : i32
      %add3A_95 = arith.addi %mul3A_93, %add3A_94 : i32
      %dma_start3A_96 = arith.constant 0 : i32
      %dma_start3A_97 = tpu.memref_slice %arg9[%add3A_95, %dma_start3A_96] : memref<128x64xf32, #tpu.memory_space<vmem>> -> memref<1x64xf32, #tpu.memory_space<vmem>>
      %dma_start3A_98 = arith.constant 0 : i32
      %dma_start3A_99 = tpu.memref_slice %arg4[%squeeze3A_91, %dma_start3A_98] : memref<1000000x64xf32, #tpu.memory_space<hbm>> -> memref<1x64xf32, #tpu.memory_space<hbm>>
      %dma_start3A_100 = arith.constant 0 : i32
      %dma_start3A_101 = tpu.memref_slice %arg9[%add3A_95, %dma_start3A_100] : memref<128x64xf32, #tpu.memory_space<vmem>> -> memref<1x64xf32, #tpu.memory_space<vmem>>
      %dma_start3A_102 = arith.constant 0 : i32
      %dma_start3A_103 = tpu.memref_slice %arg4[%squeeze3A_91, %dma_start3A_102] : memref<1000000x64xf32, #tpu.memory_space<hbm>> -> memref<1x64xf32, #tpu.memory_space<hbm>>
      tpu.enqueue_dma source(%dma_start3A_103 : memref<1x64xf32, #tpu.memory_space<hbm>>) target(%dma_start3A_101 : memref<1x64xf32, #tpu.memory_space<vmem>>) target_semaphore(%arg14 : memref<!tpu.dma_semaphore, #tpu.memory_space<semaphore_mem>>)
      %slice3A_104 = vector.extract_strided_slice %get3A_36 {offsets = [2], sizes = [1], strides = [1]} : vector<16xi32> to vector<1xi32>
      %squeeze3A_105 = vector.extract %slice3A_104[0] : i32 from vector<1xi32>
      %mul3A_106 = arith.constant 16 : i32
      %mul3A_107 = arith.muli %scan3A_25, %mul3A_106 : i32
      %add3A_108 = arith.constant 2 : i32
      %add3A_109 = arith.addi %mul3A_107, %add3A_108 : i32
      %dma_start3A_110 = arith.constant 0 : i32
      %dma_start3A_111 = tpu.memref_slice %arg11[%add3A_109, %dma_start3A_110] : memref<128x64xf32, #tpu.memory_space<vmem>> -> memref<1x64xf32, #tpu.memory_space<vmem>>
      %dma_start3A_112 = arith.constant 0 : i32
      %dma_start3A_113 = tpu.memref_slice %arg5[%squeeze3A_105, %dma_start3A_112] : memref<1000000x64xf32, #tpu.memory_space<hbm>> -> memref<1x64xf32, #tpu.memory_space<hbm>>
      %dma_start3A_114 = arith.constant 0 : i32
      %dma_start3A_115 = tpu.memref_slice %arg11[%add3A_109, %dma_start3A_114] : memref<128x64xf32, #tpu.memory_space<vmem>> -> memref<1x64xf32, #tpu.memory_space<vmem>>
      %dma_start3A_116 = arith.constant 0 : i32
      %dma_start3A_117 = tpu.memref_slice %arg5[%squeeze3A_105, %dma_start3A_116] : memref<1000000x64xf32, #tpu.memory_space<hbm>> -> memref<1x64xf32, #tpu.memory_space<hbm>>
      tpu.enqueue_dma source(%dma_start3A_117 : memref<1x64xf32, #tpu.memory_space<hbm>>) target(%dma_start3A_115 : memref<1x64xf32, #tpu.memory_space<vmem>>) target_semaphore(%arg14 : memref<!tpu.dma_semaphore, #tpu.memory_space<semaphore_mem>>)
      %slice3A_118 = vector.extract_strided_slice %get3A_32 {offsets = [3], sizes = [1], strides = [1]} : vector<16xi32> to vector<1xi32>
      %squeeze3A_119 = vector.extract %slice3A_118[0] : i32 from vector<1xi32>
      %mul3A_120 = arith.constant 16 : i32
      %mul3A_121 = arith.muli %scan3A_25, %mul3A_120 : i32
      %add3A_122 = arith.constant 3 : i32
      %add3A_123 = arith.addi %mul3A_121, %add3A_122 : i32
      %dma_start3A_124 = arith.constant 0 : i32
      %dma_start3A_125 = tpu.memref_slice %arg9[%add3A_123, %dma_start3A_124] : memref<128x64xf32, #tpu.memory_space<vmem>> -> memref<1x64xf32, #tpu.memory_space<vmem>>
      %dma_start3A_126 = arith.constant 0 : i32
      %dma_start3A_127 = tpu.memref_slice %arg4[%squeeze3A_119, %dma_start3A_126] : memref<1000000x64xf32, #tpu.memory_space<hbm>> -> memref<1x64xf32, #tpu.memory_space<hbm>>
      %dma_start3A_128 = arith.constant 0 : i32
      %dma_start3A_129 = tpu.memref_slice %arg9[%add3A_123, %dma_start3A_128] : memref<128x64xf32, #tpu.memory_space<vmem>> -> memref<1x64xf32, #tpu.memory_space<vmem>>
      %dma_start3A_130 = arith.constant 0 : i32
      %dma_start3A_131 = tpu.memref_slice %arg4[%squeeze3A_119, %dma_start3A_130] : memref<1000000x64xf32, #tpu.memory_space<hbm>> -> memref<1x64xf32, #tpu.memory_space<hbm>>
      tpu.enqueue_dma source(%dma_start3A_131 : memref<1x64xf32, #tpu.memory_space<hbm>>) target(%dma_start3A_129 : memref<1x64xf32, #tpu.memory_space<vmem>>) target_semaphore(%arg14 : memref<!tpu.dma_semaphore, #tpu.memory_space<semaphore_mem>>)
      %slice3A_132 = vector.extract_strided_slice %get3A_36 {offsets = [3], sizes = [1], strides = [1]} : vector<16xi32> to vector<1xi32>
      %squeeze3A_133 = vector.extract %slice3A_132[0] : i32 from vector<1xi32>
      %mul3A_134 = arith.constant 16 : i32
      %mul3A_135 = arith.muli %scan3A_25, %mul3A_134 : i32
      %add3A_136 = arith.constant 3 : i32
      %add3A_137 = arith.addi %mul3A_135, %add3A_136 : i32
      %dma_start3A_138 = arith.constant 0 : i32
      %dma_start3A_139 = tpu.memref_slice %arg11[%add3A_137, %dma_start3A_138] : memref<128x64xf32, #tpu.memory_space<vmem>> -> memref<1x64xf32, #tpu.memory_space<vmem>>
      %dma_start3A_140 = arith.constant 0 : i32
      %dma_start3A_141 = tpu.memref_slice %arg5[%squeeze3A_133, %dma_start3A_140] : memref<1000000x64xf32, #tpu.memory_space<hbm>> -> memref<1x64xf32, #tpu.memory_space<hbm>>
      %dma_start3A_142 = arith.constant 0 : i32
      %dma_start3A_143 = tpu.memref_slice %arg11[%add3A_137, %dma_start3A_142] : memref<128x64xf32, #tpu.memory_space<vmem>> -> memref<1x64xf32, #tpu.memory_space<vmem>>
      %dma_start3A_144 = arith.constant 0 : i32
      %dma_start3A_145 = tpu.memref_slice %arg5[%squeeze3A_133, %dma_start3A_144] : memref<1000000x64xf32, #tpu.memory_space<hbm>> -> memref<1x64xf32, #tpu.memory_space<hbm>>
      tpu.enqueue_dma source(%dma_start3A_145 : memref<1x64xf32, #tpu.memory_space<hbm>>) target(%dma_start3A_143 : memref<1x64xf32, #tpu.memory_space<vmem>>) target_semaphore(%arg14 : memref<!tpu.dma_semaphore, #tpu.memory_space<semaphore_mem>>)
      %slice3A_146 = vector.extract_strided_slice %get3A_32 {offsets = [4], sizes = [1], strides = [1]} : vector<16xi32> to vector<1xi32>
      %squeeze3A_147 = vector.extract %slice3A_146[0] : i32 from vector<1xi32>
      %mul3A_148 = arith.constant 16 : i32
      %mul3A_149 = arith.muli %scan3A_25, %mul3A_148 : i32
      %add3A_150 = arith.constant 4 : i32
      %add3A_151 = arith.addi %mul3A_149, %add3A_150 : i32
      %dma_start3A_152 = arith.constant 0 : i32
      %dma_start3A_153 = tpu.memref_slice %arg9[%add3A_151, %dma_start3A_152] : memref<128x64xf32, #tpu.memory_space<vmem>> -> memref<1x64xf32, #tpu.memory_space<vmem>>
      %dma_start3A_154 = arith.constant 0 : i32
      %dma_start3A_155 = tpu.memref_slice %arg4[%squeeze3A_147, %dma_start3A_154] : memref<1000000x64xf32, #tpu.memory_space<hbm>> -> memref<1x64xf32, #tpu.memory_space<hbm>>
      %dma_start3A_156 = arith.constant 0 : i32
      %dma_start3A_157 = tpu.memref_slice %arg9[%add3A_151, %dma_start3A_156] : memref<128x64xf32, #tpu.memory_space<vmem>> -> memref<1x64xf32, #tpu.memory_space<vmem>>
      %dma_start3A_158 = arith.constant 0 : i32
      %dma_start3A_159 = tpu.memref_slice %arg4[%squeeze3A_147, %dma_start3A_158] : memref<1000000x64xf32, #tpu.memory_space<hbm>> -> memref<1x64xf32, #tpu.memory_space<hbm>>
      tpu.enqueue_dma source(%dma_start3A_159 : memref<1x64xf32, #tpu.memory_space<hbm>>) target(%dma_start3A_157 : memref<1x64xf32, #tpu.memory_space<vmem>>) target_semaphore(%arg14 : memref<!tpu.dma_semaphore, #tpu.memory_space<semaphore_mem>>)
      %slice3A_160 = vector.extract_strided_slice %get3A_36 {offsets = [4], sizes = [1], strides = [1]} : vector<16xi32> to vector<1xi32>
      %squeeze3A_161 = vector.extract %slice3A_160[0] : i32 from vector<1xi32>
      %mul3A_162 = arith.constant 16 : i32
      %mul3A_163 = arith.muli %scan3A_25, %mul3A_162 : i32
      %add3A_164 = arith.constant 4 : i32
      %add3A_165 = arith.addi %mul3A_163, %add3A_164 : i32
      %dma_start3A_166 = arith.constant 0 : i32
      %dma_start3A_167 = tpu.memref_slice %arg11[%add3A_165, %dma_start3A_166] : memref<128x64xf32, #tpu.memory_space<vmem>> -> memref<1x64xf32, #tpu.memory_space<vmem>>
      %dma_start3A_168 = arith.constant 0 : i32
      %dma_start3A_169 = tpu.memref_slice %arg5[%squeeze3A_161, %dma_start3A_168] : memref<1000000x64xf32, #tpu.memory_space<hbm>> -> memref<1x64xf32, #tpu.memory_space<hbm>>
      %dma_start3A_170 = arith.constant 0 : i32
      %dma_start3A_171 = tpu.memref_slice %arg11[%add3A_165, %dma_start3A_170] : memref<128x64xf32, #tpu.memory_space<vmem>> -> memref<1x64xf32, #tpu.memory_space<vmem>>
      %dma_start3A_172 = arith.constant 0 : i32
      %dma_start3A_173 = tpu.memref_slice %arg5[%squeeze3A_161, %dma_start3A_172] : memref<1000000x64xf32, #tpu.memory_space<hbm>> -> memref<1x64xf32, #tpu.memory_space<hbm>>
      tpu.enqueue_dma source(%dma_start3A_173 : memref<1x64xf32, #tpu.memory_space<hbm>>) target(%dma_start3A_171 : memref<1x64xf32, #tpu.memory_space<vmem>>) target_semaphore(%arg14 : memref<!tpu.dma_semaphore, #tpu.memory_space<semaphore_mem>>)
      %slice3A_174 = vector.extract_strided_slice %get3A_32 {offsets = [5], sizes = [1], strides = [1]} : vector<16xi32> to vector<1xi32>
      %squeeze3A_175 = vector.extract %slice3A_174[0] : i32 from vector<1xi32>
      %mul3A_176 = arith.constant 16 : i32
      %mul3A_177 = arith.muli %scan3A_25, %mul3A_176 : i32
      %add3A_178 = arith.constant 5 : i32
      %add3A_179 = arith.addi %mul3A_177, %add3A_178 : i32
      %dma_start3A_180 = arith.constant 0 : i32
      %dma_start3A_181 = tpu.memref_slice %arg9[%add3A_179, %dma_start3A_180] : memref<128x64xf32, #tpu.memory_space<vmem>> -> memref<1x64xf32, #tpu.memory_space<vmem>>
      %dma_start3A_182 = arith.constant 0 : i32
      %dma_start3A_183 = tpu.memref_slice %arg4[%squeeze3A_175, %dma_start3A_182] : memref<1000000x64xf32, #tpu.memory_space<hbm>> -> memref<1x64xf32, #tpu.memory_space<hbm>>
      %dma_start3A_184 = arith.constant 0 : i32
      %dma_start3A_185 = tpu.memref_slice %arg9[%add3A_179, %dma_start3A_184] : memref<128x64xf32, #tpu.memory_space<vmem>> -> memref<1x64xf32, #tpu.memory_space<vmem>>
      %dma_start3A_186 = arith.constant 0 : i32
      %dma_start3A_187 = tpu.memref_slice %arg4[%squeeze3A_175, %dma_start3A_186] : memref<1000000x64xf32, #tpu.memory_space<hbm>> -> memref<1x64xf32, #tpu.memory_space<hbm>>
      tpu.enqueue_dma source(%dma_start3A_187 : memref<1x64xf32, #tpu.memory_space<hbm>>) target(%dma_start3A_185 : memref<1x64xf32, #tpu.memory_space<vmem>>) target_semaphore(%arg14 : memref<!tpu.dma_semaphore, #tpu.memory_space<semaphore_mem>>)
      %slice3A_188 = vector.extract_strided_slice %get3A_36 {offsets = [5], sizes = [1], strides = [1]} : vector<16xi32> to vector<1xi32>
      %squeeze3A_189 = vector.extract %slice3A_188[0] : i32 from vector<1xi32>
      %mul3A_190 = arith.constant 16 : i32
      %mul3A_191 = arith.muli %scan3A_25, %mul3A_190 : i32
      %add3A_192 = arith.constant 5 : i32
      %add3A_193 = arith.addi %mul3A_191, %add3A_192 : i32
      %dma_start3A_194 = arith.constant 0 : i32
      %dma_start3A_195 = tpu.memref_slice %arg11[%add3A_193, %dma_start3A_194] : memref<128x64xf32, #tpu.memory_space<vmem>> -> memref<1x64xf32, #tpu.memory_space<vmem>>
      %dma_start3A_196 = arith.constant 0 : i32
      %dma_start3A_197 = tpu.memref_slice %arg5[%squeeze3A_189, %dma_start3A_196] : memref<1000000x64xf32, #tpu.memory_space<hbm>> -> memref<1x64xf32, #tpu.memory_space<hbm>>
      %dma_start3A_198 = arith.constant 0 : i32
      %dma_start3A_199 = tpu.memref_slice %arg11[%add3A_193, %dma_start3A_198] : memref<128x64xf32, #tpu.memory_space<vmem>> -> memref<1x64xf32, #tpu.memory_space<vmem>>
      %dma_start3A_200 = arith.constant 0 : i32
      %dma_start3A_201 = tpu.memref_slice %arg5[%squeeze3A_189, %dma_start3A_200] : memref<1000000x64xf32, #tpu.memory_space<hbm>> -> memref<1x64xf32, #tpu.memory_space<hbm>>
      tpu.enqueue_dma source(%dma_start3A_201 : memref<1x64xf32, #tpu.memory_space<hbm>>) target(%dma_start3A_199 : memref<1x64xf32, #tpu.memory_space<vmem>>) target_semaphore(%arg14 : memref<!tpu.dma_semaphore, #tpu.memory_space<semaphore_mem>>)
      %slice3A_202 = vector.extract_strided_slice %get3A_32 {offsets = [6], sizes = [1], strides = [1]} : vector<16xi32> to vector<1xi32>
      %squeeze3A_203 = vector.extract %slice3A_202[0] : i32 from vector<1xi32>
      %mul3A_204 = arith.constant 16 : i32
      %mul3A_205 = arith.muli %scan3A_25, %mul3A_204 : i32
      %add3A_206 = arith.constant 6 : i32
      %add3A_207 = arith.addi %mul3A_205, %add3A_206 : i32
      %dma_start3A_208 = arith.constant 0 : i32
      %dma_start3A_209 = tpu.memref_slice %arg9[%add3A_207, %dma_start3A_208] : memref<128x64xf32, #tpu.memory_space<vmem>> -> memref<1x64xf32, #tpu.memory_space<vmem>>
      %dma_start3A_210 = arith.constant 0 : i32
      %dma_start3A_211 = tpu.memref_slice %arg4[%squeeze3A_203, %dma_start3A_210] : memref<1000000x64xf32, #tpu.memory_space<hbm>> -> memref<1x64xf32, #tpu.memory_space<hbm>>
      %dma_start3A_212 = arith.constant 0 : i32
      %dma_start3A_213 = tpu.memref_slice %arg9[%add3A_207, %dma_start3A_212] : memref<128x64xf32, #tpu.memory_space<vmem>> -> memref<1x64xf32, #tpu.memory_space<vmem>>
      %dma_start3A_214 = arith.constant 0 : i32
      %dma_start3A_215 = tpu.memref_slice %arg4[%squeeze3A_203, %dma_start3A_214] : memref<1000000x64xf32, #tpu.memory_space<hbm>> -> memref<1x64xf32, #tpu.memory_space<hbm>>
      tpu.enqueue_dma source(%dma_start3A_215 : memref<1x64xf32, #tpu.memory_space<hbm>>) target(%dma_start3A_213 : memref<1x64xf32, #tpu.memory_space<vmem>>) target_semaphore(%arg14 : memref<!tpu.dma_semaphore, #tpu.memory_space<semaphore_mem>>)
      %slice3A_216 = vector.extract_strided_slice %get3A_36 {offsets = [6], sizes = [1], strides = [1]} : vector<16xi32> to vector<1xi32>
      %squeeze3A_217 = vector.extract %slice3A_216[0] : i32 from vector<1xi32>
      %mul3A_218 = arith.constant 16 : i32
      %mul3A_219 = arith.muli %scan3A_25, %mul3A_218 : i32
      %add3A_220 = arith.constant 6 : i32
      %add3A_221 = arith.addi %mul3A_219, %add3A_220 : i32
      %dma_start3A_222 = arith.constant 0 : i32
      %dma_start3A_223 = tpu.memref_slice %arg11[%add3A_221, %dma_start3A_222] : memref<128x64xf32, #tpu.memory_space<vmem>> -> memref<1x64xf32, #tpu.memory_space<vmem>>
      %dma_start3A_224 = arith.constant 0 : i32
      %dma_start3A_225 = tpu.memref_slice %arg5[%squeeze3A_217, %dma_start3A_224] : memref<1000000x64xf32, #tpu.memory_space<hbm>> -> memref<1x64xf32, #tpu.memory_space<hbm>>
      %dma_start3A_226 = arith.constant 0 : i32
      %dma_start3A_227 = tpu.memref_slice %arg11[%add3A_221, %dma_start3A_226] : memref<128x64xf32, #tpu.memory_space<vmem>> -> memref<1x64xf32, #tpu.memory_space<vmem>>
      %dma_start3A_228 = arith.constant 0 : i32
      %dma_start3A_229 = tpu.memref_slice %arg5[%squeeze3A_217, %dma_start3A_228] : memref<1000000x64xf32, #tpu.memory_space<hbm>> -> memref<1x64xf32, #tpu.memory_space<hbm>>
      tpu.enqueue_dma source(%dma_start3A_229 : memref<1x64xf32, #tpu.memory_space<hbm>>) target(%dma_start3A_227 : memref<1x64xf32, #tpu.memory_space<vmem>>) target_semaphore(%arg14 : memref<!tpu.dma_semaphore, #tpu.memory_space<semaphore_mem>>)
      %slice3A_230 = vector.extract_strided_slice %get3A_32 {offsets = [7], sizes = [1], strides = [1]} : vector<16xi32> to vector<1xi32>
      %squeeze3A_231 = vector.extract %slice3A_230[0] : i32 from vector<1xi32>
      %mul3A_232 = arith.constant 16 : i32
      %mul3A_233 = arith.muli %scan3A_25, %mul3A_232 : i32
      %add3A_234 = arith.constant 7 : i32
      %add3A_235 = arith.addi %mul3A_233, %add3A_234 : i32
      %dma_start3A_236 = arith.constant 0 : i32
      %dma_start3A_237 = tpu.memref_slice %arg9[%add3A_235, %dma_start3A_236] : memref<128x64xf32, #tpu.memory_space<vmem>> -> memref<1x64xf32, #tpu.memory_space<vmem>>
      %dma_start3A_238 = arith.constant 0 : i32
      %dma_start3A_239 = tpu.memref_slice %arg4[%squeeze3A_231, %dma_start3A_238] : memref<1000000x64xf32, #tpu.memory_space<hbm>> -> memref<1x64xf32, #tpu.memory_space<hbm>>
      %dma_start3A_240 = arith.constant 0 : i32
      %dma_start3A_241 = tpu.memref_slice %arg9[%add3A_235, %dma_start3A_240] : memref<128x64xf32, #tpu.memory_space<vmem>> -> memref<1x64xf32, #tpu.memory_space<vmem>>
      %dma_start3A_242 = arith.constant 0 : i32
      %dma_start3A_243 = tpu.memref_slice %arg4[%squeeze3A_231, %dma_start3A_242] : memref<1000000x64xf32, #tpu.memory_space<hbm>> -> memref<1x64xf32, #tpu.memory_space<hbm>>
      tpu.enqueue_dma source(%dma_start3A_243 : memref<1x64xf32, #tpu.memory_space<hbm>>) target(%dma_start3A_241 : memref<1x64xf32, #tpu.memory_space<vmem>>) target_semaphore(%arg14 : memref<!tpu.dma_semaphore, #tpu.memory_space<semaphore_mem>>)
      %slice3A_244 = vector.extract_strided_slice %get3A_36 {offsets = [7], sizes = [1], strides = [1]} : vector<16xi32> to vector<1xi32>
      %squeeze3A_245 = vector.extract %slice3A_244[0] : i32 from vector<1xi32>
      %mul3A_246 = arith.constant 16 : i32
      %mul3A_247 = arith.muli %scan3A_25, %mul3A_246 : i32
      %add3A_248 = arith.constant 7 : i32
      %add3A_249 = arith.addi %mul3A_247, %add3A_248 : i32
      %dma_start3A_250 = arith.constant 0 : i32
      %dma_start3A_251 = tpu.memref_slice %arg11[%add3A_249, %dma_start3A_250] : memref<128x64xf32, #tpu.memory_space<vmem>> -> memref<1x64xf32, #tpu.memory_space<vmem>>
      %dma_start3A_252 = arith.constant 0 : i32
      %dma_start3A_253 = tpu.memref_slice %arg5[%squeeze3A_245, %dma_start3A_252] : memref<1000000x64xf32, #tpu.memory_space<hbm>> -> memref<1x64xf32, #tpu.memory_space<hbm>>
      %dma_start3A_254 = arith.constant 0 : i32
      %dma_start3A_255 = tpu.memref_slice %arg11[%add3A_249, %dma_start3A_254] : memref<128x64xf32, #tpu.memory_space<vmem>> -> memref<1x64xf32, #tpu.memory_space<vmem>>
      %dma_start3A_256 = arith.constant 0 : i32
      %dma_start3A_257 = tpu.memref_slice %arg5[%squeeze3A_245, %dma_start3A_256] : memref<1000000x64xf32, #tpu.memory_space<hbm>> -> memref<1x64xf32, #tpu.memory_space<hbm>>
      tpu.enqueue_dma source(%dma_start3A_257 : memref<1x64xf32, #tpu.memory_space<hbm>>) target(%dma_start3A_255 : memref<1x64xf32, #tpu.memory_space<vmem>>) target_semaphore(%arg14 : memref<!tpu.dma_semaphore, #tpu.memory_space<semaphore_mem>>)
      %slice3A_258 = vector.extract_strided_slice %get3A_32 {offsets = [8], sizes = [1], strides = [1]} : vector<16xi32> to vector<1xi32>
      %squeeze3A_259 = vector.extract %slice3A_258[0] : i32 from vector<1xi32>
      %mul3A_260 = arith.constant 16 : i32
      %mul3A_261 = arith.muli %scan3A_25, %mul3A_260 : i32
      %add3A_262 = arith.constant 8 : i32
      %add3A_263 = arith.addi %mul3A_261, %add3A_262 : i32
      %dma_start3A_264 = arith.constant 0 : i32
      %dma_start3A_265 = tpu.memref_slice %arg9[%add3A_263, %dma_start3A_264] : memref<128x64xf32, #tpu.memory_space<vmem>> -> memref<1x64xf32, #tpu.memory_space<vmem>>
      %dma_start3A_266 = arith.constant 0 : i32
      %dma_start3A_267 = tpu.memref_slice %arg4[%squeeze3A_259, %dma_start3A_266] : memref<1000000x64xf32, #tpu.memory_space<hbm>> -> memref<1x64xf32, #tpu.memory_space<hbm>>
      %dma_start3A_268 = arith.constant 0 : i32
      %dma_start3A_269 = tpu.memref_slice %arg9[%add3A_263, %dma_start3A_268] : memref<128x64xf32, #tpu.memory_space<vmem>> -> memref<1x64xf32, #tpu.memory_space<vmem>>
      %dma_start3A_270 = arith.constant 0 : i32
      %dma_start3A_271 = tpu.memref_slice %arg4[%squeeze3A_259, %dma_start3A_270] : memref<1000000x64xf32, #tpu.memory_space<hbm>> -> memref<1x64xf32, #tpu.memory_space<hbm>>
      tpu.enqueue_dma source(%dma_start3A_271 : memref<1x64xf32, #tpu.memory_space<hbm>>) target(%dma_start3A_269 : memref<1x64xf32, #tpu.memory_space<vmem>>) target_semaphore(%arg14 : memref<!tpu.dma_semaphore, #tpu.memory_space<semaphore_mem>>)
      %slice3A_272 = vector.extract_strided_slice %get3A_36 {offsets = [8], sizes = [1], strides = [1]} : vector<16xi32> to vector<1xi32>
      %squeeze3A_273 = vector.extract %slice3A_272[0] : i32 from vector<1xi32>
      %mul3A_274 = arith.constant 16 : i32
      %mul3A_275 = arith.muli %scan3A_25, %mul3A_274 : i32
      %add3A_276 = arith.constant 8 : i32
      %add3A_277 = arith.addi %mul3A_275, %add3A_276 : i32
      %dma_start3A_278 = arith.constant 0 : i32
      %dma_start3A_279 = tpu.memref_slice %arg11[%add3A_277, %dma_start3A_278] : memref<128x64xf32, #tpu.memory_space<vmem>> -> memref<1x64xf32, #tpu.memory_space<vmem>>
      %dma_start3A_280 = arith.constant 0 : i32
      %dma_start3A_281 = tpu.memref_slice %arg5[%squeeze3A_273, %dma_start3A_280] : memref<1000000x64xf32, #tpu.memory_space<hbm>> -> memref<1x64xf32, #tpu.memory_space<hbm>>
      %dma_start3A_282 = arith.constant 0 : i32
      %dma_start3A_283 = tpu.memref_slice %arg11[%add3A_277, %dma_start3A_282] : memref<128x64xf32, #tpu.memory_space<vmem>> -> memref<1x64xf32, #tpu.memory_space<vmem>>
      %dma_start3A_284 = arith.constant 0 : i32
      %dma_start3A_285 = tpu.memref_slice %arg5[%squeeze3A_273, %dma_start3A_284] : memref<1000000x64xf32, #tpu.memory_space<hbm>> -> memref<1x64xf32, #tpu.memory_space<hbm>>
      tpu.enqueue_dma source(%dma_start3A_285 : memref<1x64xf32, #tpu.memory_space<hbm>>) target(%dma_start3A_283 : memref<1x64xf32, #tpu.memory_space<vmem>>) target_semaphore(%arg14 : memref<!tpu.dma_semaphore, #tpu.memory_space<semaphore_mem>>)
      %slice3A_286 = vector.extract_strided_slice %get3A_32 {offsets = [9], sizes = [1], strides = [1]} : vector<16xi32> to vector<1xi32>
      %squeeze3A_287 = vector.extract %slice3A_286[0] : i32 from vector<1xi32>
      %mul3A_288 = arith.constant 16 : i32
      %mul3A_289 = arith.muli %scan3A_25, %mul3A_288 : i32
      %add3A_290 = arith.constant 9 : i32
      %add3A_291 = arith.addi %mul3A_289, %add3A_290 : i32
      %dma_start3A_292 = arith.constant 0 : i32
      %dma_start3A_293 = tpu.memref_slice %arg9[%add3A_291, %dma_start3A_292] : memref<128x64xf32, #tpu.memory_space<vmem>> -> memref<1x64xf32, #tpu.memory_space<vmem>>
      %dma_start3A_294 = arith.constant 0 : i32
      %dma_start3A_295 = tpu.memref_slice %arg4[%squeeze3A_287, %dma_start3A_294] : memref<1000000x64xf32, #tpu.memory_space<hbm>> -> memref<1x64xf32, #tpu.memory_space<hbm>>
      %dma_start3A_296 = arith.constant 0 : i32
      %dma_start3A_297 = tpu.memref_slice %arg9[%add3A_291, %dma_start3A_296] : memref<128x64xf32, #tpu.memory_space<vmem>> -> memref<1x64xf32, #tpu.memory_space<vmem>>
      %dma_start3A_298 = arith.constant 0 : i32
      %dma_start3A_299 = tpu.memref_slice %arg4[%squeeze3A_287, %dma_start3A_298] : memref<1000000x64xf32, #tpu.memory_space<hbm>> -> memref<1x64xf32, #tpu.memory_space<hbm>>
      tpu.enqueue_dma source(%dma_start3A_299 : memref<1x64xf32, #tpu.memory_space<hbm>>) target(%dma_start3A_297 : memref<1x64xf32, #tpu.memory_space<vmem>>) target_semaphore(%arg14 : memref<!tpu.dma_semaphore, #tpu.memory_space<semaphore_mem>>)
      %slice3A_300 = vector.extract_strided_slice %get3A_36 {offsets = [9], sizes = [1], strides = [1]} : vector<16xi32> to vector<1xi32>
      %squeeze3A_301 = vector.extract %slice3A_300[0] : i32 from vector<1xi32>
      %mul3A_302 = arith.constant 16 : i32
      %mul3A_303 = arith.muli %scan3A_25, %mul3A_302 : i32
      %add3A_304 = arith.constant 9 : i32
      %add3A_305 = arith.addi %mul3A_303, %add3A_304 : i32
      %dma_start3A_306 = arith.constant 0 : i32
      %dma_start3A_307 = tpu.memref_slice %arg11[%add3A_305, %dma_start3A_306] : memref<128x64xf32, #tpu.memory_space<vmem>> -> memref<1x64xf32, #tpu.memory_space<vmem>>
      %dma_start3A_308 = arith.constant 0 : i32
      %dma_start3A_309 = tpu.memref_slice %arg5[%squeeze3A_301, %dma_start3A_308] : memref<1000000x64xf32, #tpu.memory_space<hbm>> -> memref<1x64xf32, #tpu.memory_space<hbm>>
      %dma_start3A_310 = arith.constant 0 : i32
      %dma_start3A_311 = tpu.memref_slice %arg11[%add3A_305, %dma_start3A_310] : memref<128x64xf32, #tpu.memory_space<vmem>> -> memref<1x64xf32, #tpu.memory_space<vmem>>
      %dma_start3A_312 = arith.constant 0 : i32
      %dma_start3A_313 = tpu.memref_slice %arg5[%squeeze3A_301, %dma_start3A_312] : memref<1000000x64xf32, #tpu.memory_space<hbm>> -> memref<1x64xf32, #tpu.memory_space<hbm>>
      tpu.enqueue_dma source(%dma_start3A_313 : memref<1x64xf32, #tpu.memory_space<hbm>>) target(%dma_start3A_311 : memref<1x64xf32, #tpu.memory_space<vmem>>) target_semaphore(%arg14 : memref<!tpu.dma_semaphore, #tpu.memory_space<semaphore_mem>>)
      %slice3A_314 = vector.extract_strided_slice %get3A_32 {offsets = [10], sizes = [1], strides = [1]} : vector<16xi32> to vector<1xi32>
      %squeeze3A_315 = vector.extract %slice3A_314[0] : i32 from vector<1xi32>
      %mul3A_316 = arith.constant 16 : i32
      %mul3A_317 = arith.muli %scan3A_25, %mul3A_316 : i32
      %add3A_318 = arith.constant 10 : i32
      %add3A_319 = arith.addi %mul3A_317, %add3A_318 : i32
      %dma_start3A_320 = arith.constant 0 : i32
      %dma_start3A_321 = tpu.memref_slice %arg9[%add3A_319, %dma_start3A_320] : memref<128x64xf32, #tpu.memory_space<vmem>> -> memref<1x64xf32, #tpu.memory_space<vmem>>
      %dma_start3A_322 = arith.constant 0 : i32
      %dma_start3A_323 = tpu.memref_slice %arg4[%squeeze3A_315, %dma_start3A_322] : memref<1000000x64xf32, #tpu.memory_space<hbm>> -> memref<1x64xf32, #tpu.memory_space<hbm>>
      %dma_start3A_324 = arith.constant 0 : i32
      %dma_start3A_325 = tpu.memref_slice %arg9[%add3A_319, %dma_start3A_324] : memref<128x64xf32, #tpu.memory_space<vmem>> -> memref<1x64xf32, #tpu.memory_space<vmem>>
      %dma_start3A_326 = arith.constant 0 : i32
      %dma_start3A_327 = tpu.memref_slice %arg4[%squeeze3A_315, %dma_start3A_326] : memref<1000000x64xf32, #tpu.memory_space<hbm>> -> memref<1x64xf32, #tpu.memory_space<hbm>>
      tpu.enqueue_dma source(%dma_start3A_327 : memref<1x64xf32, #tpu.memory_space<hbm>>) target(%dma_start3A_325 : memref<1x64xf32, #tpu.memory_space<vmem>>) target_semaphore(%arg14 : memref<!tpu.dma_semaphore, #tpu.memory_space<semaphore_mem>>)
      %slice3A_328 = vector.extract_strided_slice %get3A_36 {offsets = [10], sizes = [1], strides = [1]} : vector<16xi32> to vector<1xi32>
      %squeeze3A_329 = vector.extract %slice3A_328[0] : i32 from vector<1xi32>
      %mul3A_330 = arith.constant 16 : i32
      %mul3A_331 = arith.muli %scan3A_25, %mul3A_330 : i32
      %add3A_332 = arith.constant 10 : i32
      %add3A_333 = arith.addi %mul3A_331, %add3A_332 : i32
      %dma_start3A_334 = arith.constant 0 : i32
      %dma_start3A_335 = tpu.memref_slice %arg11[%add3A_333, %dma_start3A_334] : memref<128x64xf32, #tpu.memory_space<vmem>> -> memref<1x64xf32, #tpu.memory_space<vmem>>
      %dma_start3A_336 = arith.constant 0 : i32
      %dma_start3A_337 = tpu.memref_slice %arg5[%squeeze3A_329, %dma_start3A_336] : memref<1000000x64xf32, #tpu.memory_space<hbm>> -> memref<1x64xf32, #tpu.memory_space<hbm>>
      %dma_start3A_338 = arith.constant 0 : i32
      %dma_start3A_339 = tpu.memref_slice %arg11[%add3A_333, %dma_start3A_338] : memref<128x64xf32, #tpu.memory_space<vmem>> -> memref<1x64xf32, #tpu.memory_space<vmem>>
      %dma_start3A_340 = arith.constant 0 : i32
      %dma_start3A_341 = tpu.memref_slice %arg5[%squeeze3A_329, %dma_start3A_340] : memref<1000000x64xf32, #tpu.memory_space<hbm>> -> memref<1x64xf32, #tpu.memory_space<hbm>>
      tpu.enqueue_dma source(%dma_start3A_341 : memref<1x64xf32, #tpu.memory_space<hbm>>) target(%dma_start3A_339 : memref<1x64xf32, #tpu.memory_space<vmem>>) target_semaphore(%arg14 : memref<!tpu.dma_semaphore, #tpu.memory_space<semaphore_mem>>)
      %slice3A_342 = vector.extract_strided_slice %get3A_32 {offsets = [11], sizes = [1], strides = [1]} : vector<16xi32> to vector<1xi32>
      %squeeze3A_343 = vector.extract %slice3A_342[0] : i32 from vector<1xi32>
      %mul3A_344 = arith.constant 16 : i32
      %mul3A_345 = arith.muli %scan3A_25, %mul3A_344 : i32
      %add3A_346 = arith.constant 11 : i32
      %add3A_347 = arith.addi %mul3A_345, %add3A_346 : i32
      %dma_start3A_348 = arith.constant 0 : i32
      %dma_start3A_349 = tpu.memref_slice %arg9[%add3A_347, %dma_start3A_348] : memref<128x64xf32, #tpu.memory_space<vmem>> -> memref<1x64xf32, #tpu.memory_space<vmem>>
      %dma_start3A_350 = arith.constant 0 : i32
      %dma_start3A_351 = tpu.memref_slice %arg4[%squeeze3A_343, %dma_start3A_350] : memref<1000000x64xf32, #tpu.memory_space<hbm>> -> memref<1x64xf32, #tpu.memory_space<hbm>>
      %dma_start3A_352 = arith.constant 0 : i32
      %dma_start3A_353 = tpu.memref_slice %arg9[%add3A_347, %dma_start3A_352] : memref<128x64xf32, #tpu.memory_space<vmem>> -> memref<1x64xf32, #tpu.memory_space<vmem>>
      %dma_start3A_354 = arith.constant 0 : i32
      %dma_start3A_355 = tpu.memref_slice %arg4[%squeeze3A_343, %dma_start3A_354] : memref<1000000x64xf32, #tpu.memory_space<hbm>> -> memref<1x64xf32, #tpu.memory_space<hbm>>
      tpu.enqueue_dma source(%dma_start3A_355 : memref<1x64xf32, #tpu.memory_space<hbm>>) target(%dma_start3A_353 : memref<1x64xf32, #tpu.memory_space<vmem>>) target_semaphore(%arg14 : memref<!tpu.dma_semaphore, #tpu.memory_space<semaphore_mem>>)
      %slice3A_356 = vector.extract_strided_slice %get3A_36 {offsets = [11], sizes = [1], strides = [1]} : vector<16xi32> to vector<1xi32>
      %squeeze3A_357 = vector.extract %slice3A_356[0] : i32 from vector<1xi32>
      %mul3A_358 = arith.constant 16 : i32
      %mul3A_359 = arith.muli %scan3A_25, %mul3A_358 : i32
      %add3A_360 = arith.constant 11 : i32
      %add3A_361 = arith.addi %mul3A_359, %add3A_360 : i32
      %dma_start3A_362 = arith.constant 0 : i32
      %dma_start3A_363 = tpu.memref_slice %arg11[%add3A_361, %dma_start3A_362] : memref<128x64xf32, #tpu.memory_space<vmem>> -> memref<1x64xf32, #tpu.memory_space<vmem>>
      %dma_start3A_364 = arith.constant 0 : i32
      %dma_start3A_365 = tpu.memref_slice %arg5[%squeeze3A_357, %dma_start3A_364] : memref<1000000x64xf32, #tpu.memory_space<hbm>> -> memref<1x64xf32, #tpu.memory_space<hbm>>
      %dma_start3A_366 = arith.constant 0 : i32
      %dma_start3A_367 = tpu.memref_slice %arg11[%add3A_361, %dma_start3A_366] : memref<128x64xf32, #tpu.memory_space<vmem>> -> memref<1x64xf32, #tpu.memory_space<vmem>>
      %dma_start3A_368 = arith.constant 0 : i32
      %dma_start3A_369 = tpu.memref_slice %arg5[%squeeze3A_357, %dma_start3A_368] : memref<1000000x64xf32, #tpu.memory_space<hbm>> -> memref<1x64xf32, #tpu.memory_space<hbm>>
      tpu.enqueue_dma source(%dma_start3A_369 : memref<1x64xf32, #tpu.memory_space<hbm>>) target(%dma_start3A_367 : memref<1x64xf32, #tpu.memory_space<vmem>>) target_semaphore(%arg14 : memref<!tpu.dma_semaphore, #tpu.memory_space<semaphore_mem>>)
      %slice3A_370 = vector.extract_strided_slice %get3A_32 {offsets = [12], sizes = [1], strides = [1]} : vector<16xi32> to vector<1xi32>
      %squeeze3A_371 = vector.extract %slice3A_370[0] : i32 from vector<1xi32>
      %mul3A_372 = arith.constant 16 : i32
      %mul3A_373 = arith.muli %scan3A_25, %mul3A_372 : i32
      %add3A_374 = arith.constant 12 : i32
      %add3A_375 = arith.addi %mul3A_373, %add3A_374 : i32
      %dma_start3A_376 = arith.constant 0 : i32
      %dma_start3A_377 = tpu.memref_slice %arg9[%add3A_375, %dma_start3A_376] : memref<128x64xf32, #tpu.memory_space<vmem>> -> memref<1x64xf32, #tpu.memory_space<vmem>>
      %dma_start3A_378 = arith.constant 0 : i32
      %dma_start3A_379 = tpu.memref_slice %arg4[%squeeze3A_371, %dma_start3A_378] : memref<1000000x64xf32, #tpu.memory_space<hbm>> -> memref<1x64xf32, #tpu.memory_space<hbm>>
      %dma_start3A_380 = arith.constant 0 : i32
      %dma_start3A_381 = tpu.memref_slice %arg9[%add3A_375, %dma_start3A_380] : memref<128x64xf32, #tpu.memory_space<vmem>> -> memref<1x64xf32, #tpu.memory_space<vmem>>
      %dma_start3A_382 = arith.constant 0 : i32
      %dma_start3A_383 = tpu.memref_slice %arg4[%squeeze3A_371, %dma_start3A_382] : memref<1000000x64xf32, #tpu.memory_space<hbm>> -> memref<1x64xf32, #tpu.memory_space<hbm>>
      tpu.enqueue_dma source(%dma_start3A_383 : memref<1x64xf32, #tpu.memory_space<hbm>>) target(%dma_start3A_381 : memref<1x64xf32, #tpu.memory_space<vmem>>) target_semaphore(%arg14 : memref<!tpu.dma_semaphore, #tpu.memory_space<semaphore_mem>>)
      %slice3A_384 = vector.extract_strided_slice %get3A_36 {offsets = [12], sizes = [1], strides = [1]} : vector<16xi32> to vector<1xi32>
      %squeeze3A_385 = vector.extract %slice3A_384[0] : i32 from vector<1xi32>
      %mul3A_386 = arith.constant 16 : i32
      %mul3A_387 = arith.muli %scan3A_25, %mul3A_386 : i32
      %add3A_388 = arith.constant 12 : i32
      %add3A_389 = arith.addi %mul3A_387, %add3A_388 : i32
      %dma_start3A_390 = arith.constant 0 : i32
      %dma_start3A_391 = tpu.memref_slice %arg11[%add3A_389, %dma_start3A_390] : memref<128x64xf32, #tpu.memory_space<vmem>> -> memref<1x64xf32, #tpu.memory_space<vmem>>
      %dma_start3A_392 = arith.constant 0 : i32
      %dma_start3A_393 = tpu.memref_slice %arg5[%squeeze3A_385, %dma_start3A_392] : memref<1000000x64xf32, #tpu.memory_space<hbm>> -> memref<1x64xf32, #tpu.memory_space<hbm>>
      %dma_start3A_394 = arith.constant 0 : i32
      %dma_start3A_395 = tpu.memref_slice %arg11[%add3A_389, %dma_start3A_394] : memref<128x64xf32, #tpu.memory_space<vmem>> -> memref<1x64xf32, #tpu.memory_space<vmem>>
      %dma_start3A_396 = arith.constant 0 : i32
      %dma_start3A_397 = tpu.memref_slice %arg5[%squeeze3A_385, %dma_start3A_396] : memref<1000000x64xf32, #tpu.memory_space<hbm>> -> memref<1x64xf32, #tpu.memory_space<hbm>>
      tpu.enqueue_dma source(%dma_start3A_397 : memref<1x64xf32, #tpu.memory_space<hbm>>) target(%dma_start3A_395 : memref<1x64xf32, #tpu.memory_space<vmem>>) target_semaphore(%arg14 : memref<!tpu.dma_semaphore, #tpu.memory_space<semaphore_mem>>)
      %slice3A_398 = vector.extract_strided_slice %get3A_32 {offsets = [13], sizes = [1], strides = [1]} : vector<16xi32> to vector<1xi32>
      %squeeze3A_399 = vector.extract %slice3A_398[0] : i32 from vector<1xi32>
      %mul3A_400 = arith.constant 16 : i32
      %mul3A_401 = arith.muli %scan3A_25, %mul3A_400 : i32
      %add3A_402 = arith.constant 13 : i32
      %add3A_403 = arith.addi %mul3A_401, %add3A_402 : i32
      %dma_start3A_404 = arith.constant 0 : i32
      %dma_start3A_405 = tpu.memref_slice %arg9[%add3A_403, %dma_start3A_404] : memref<128x64xf32, #tpu.memory_space<vmem>> -> memref<1x64xf32, #tpu.memory_space<vmem>>
      %dma_start3A_406 = arith.constant 0 : i32
      %dma_start3A_407 = tpu.memref_slice %arg4[%squeeze3A_399, %dma_start3A_406] : memref<1000000x64xf32, #tpu.memory_space<hbm>> -> memref<1x64xf32, #tpu.memory_space<hbm>>
      %dma_start3A_408 = arith.constant 0 : i32
      %dma_start3A_409 = tpu.memref_slice %arg9[%add3A_403, %dma_start3A_408] : memref<128x64xf32, #tpu.memory_space<vmem>> -> memref<1x64xf32, #tpu.memory_space<vmem>>
      %dma_start3A_410 = arith.constant 0 : i32
      %dma_start3A_411 = tpu.memref_slice %arg4[%squeeze3A_399, %dma_start3A_410] : memref<1000000x64xf32, #tpu.memory_space<hbm>> -> memref<1x64xf32, #tpu.memory_space<hbm>>
      tpu.enqueue_dma source(%dma_start3A_411 : memref<1x64xf32, #tpu.memory_space<hbm>>) target(%dma_start3A_409 : memref<1x64xf32, #tpu.memory_space<vmem>>) target_semaphore(%arg14 : memref<!tpu.dma_semaphore, #tpu.memory_space<semaphore_mem>>)
      %slice3A_412 = vector.extract_strided_slice %get3A_36 {offsets = [13], sizes = [1], strides = [1]} : vector<16xi32> to vector<1xi32>
      %squeeze3A_413 = vector.extract %slice3A_412[0] : i32 from vector<1xi32>
      %mul3A_414 = arith.constant 16 : i32
      %mul3A_415 = arith.muli %scan3A_25, %mul3A_414 : i32
      %add3A_416 = arith.constant 13 : i32
      %add3A_417 = arith.addi %mul3A_415, %add3A_416 : i32
      %dma_start3A_418 = arith.constant 0 : i32
      %dma_start3A_419 = tpu.memref_slice %arg11[%add3A_417, %dma_start3A_418] : memref<128x64xf32, #tpu.memory_space<vmem>> -> memref<1x64xf32, #tpu.memory_space<vmem>>
      %dma_start3A_420 = arith.constant 0 : i32
      %dma_start3A_421 = tpu.memref_slice %arg5[%squeeze3A_413, %dma_start3A_420] : memref<1000000x64xf32, #tpu.memory_space<hbm>> -> memref<1x64xf32, #tpu.memory_space<hbm>>
      %dma_start3A_422 = arith.constant 0 : i32
      %dma_start3A_423 = tpu.memref_slice %arg11[%add3A_417, %dma_start3A_422] : memref<128x64xf32, #tpu.memory_space<vmem>> -> memref<1x64xf32, #tpu.memory_space<vmem>>
      %dma_start3A_424 = arith.constant 0 : i32
      %dma_start3A_425 = tpu.memref_slice %arg5[%squeeze3A_413, %dma_start3A_424] : memref<1000000x64xf32, #tpu.memory_space<hbm>> -> memref<1x64xf32, #tpu.memory_space<hbm>>
      tpu.enqueue_dma source(%dma_start3A_425 : memref<1x64xf32, #tpu.memory_space<hbm>>) target(%dma_start3A_423 : memref<1x64xf32, #tpu.memory_space<vmem>>) target_semaphore(%arg14 : memref<!tpu.dma_semaphore, #tpu.memory_space<semaphore_mem>>)
      %slice3A_426 = vector.extract_strided_slice %get3A_32 {offsets = [14], sizes = [1], strides = [1]} : vector<16xi32> to vector<1xi32>
      %squeeze3A_427 = vector.extract %slice3A_426[0] : i32 from vector<1xi32>
      %mul3A_428 = arith.constant 16 : i32
      %mul3A_429 = arith.muli %scan3A_25, %mul3A_428 : i32
      %add3A_430 = arith.constant 14 : i32
      %add3A_431 = arith.addi %mul3A_429, %add3A_430 : i32
      %dma_start3A_432 = arith.constant 0 : i32
      %dma_start3A_433 = tpu.memref_slice %arg9[%add3A_431, %dma_start3A_432] : memref<128x64xf32, #tpu.memory_space<vmem>> -> memref<1x64xf32, #tpu.memory_space<vmem>>
      %dma_start3A_434 = arith.constant 0 : i32
      %dma_start3A_435 = tpu.memref_slice %arg4[%squeeze3A_427, %dma_start3A_434] : memref<1000000x64xf32, #tpu.memory_space<hbm>> -> memref<1x64xf32, #tpu.memory_space<hbm>>
      %dma_start3A_436 = arith.constant 0 : i32
      %dma_start3A_437 = tpu.memref_slice %arg9[%add3A_431, %dma_start3A_436] : memref<128x64xf32, #tpu.memory_space<vmem>> -> memref<1x64xf32, #tpu.memory_space<vmem>>
      %dma_start3A_438 = arith.constant 0 : i32
      %dma_start3A_439 = tpu.memref_slice %arg4[%squeeze3A_427, %dma_start3A_438] : memref<1000000x64xf32, #tpu.memory_space<hbm>> -> memref<1x64xf32, #tpu.memory_space<hbm>>
      tpu.enqueue_dma source(%dma_start3A_439 : memref<1x64xf32, #tpu.memory_space<hbm>>) target(%dma_start3A_437 : memref<1x64xf32, #tpu.memory_space<vmem>>) target_semaphore(%arg14 : memref<!tpu.dma_semaphore, #tpu.memory_space<semaphore_mem>>)
      %slice3A_440 = vector.extract_strided_slice %get3A_36 {offsets = [14], sizes = [1], strides = [1]} : vector<16xi32> to vector<1xi32>
      %squeeze3A_441 = vector.extract %slice3A_440[0] : i32 from vector<1xi32>
      %mul3A_442 = arith.constant 16 : i32
      %mul3A_443 = arith.muli %scan3A_25, %mul3A_442 : i32
      %add3A_444 = arith.constant 14 : i32
      %add3A_445 = arith.addi %mul3A_443, %add3A_444 : i32
      %dma_start3A_446 = arith.constant 0 : i32
      %dma_start3A_447 = tpu.memref_slice %arg11[%add3A_445, %dma_start3A_446] : memref<128x64xf32, #tpu.memory_space<vmem>> -> memref<1x64xf32, #tpu.memory_space<vmem>>
      %dma_start3A_448 = arith.constant 0 : i32
      %dma_start3A_449 = tpu.memref_slice %arg5[%squeeze3A_441, %dma_start3A_448] : memref<1000000x64xf32, #tpu.memory_space<hbm>> -> memref<1x64xf32, #tpu.memory_space<hbm>>
      %dma_start3A_450 = arith.constant 0 : i32
      %dma_start3A_451 = tpu.memref_slice %arg11[%add3A_445, %dma_start3A_450] : memref<128x64xf32, #tpu.memory_space<vmem>> -> memref<1x64xf32, #tpu.memory_space<vmem>>
      %dma_start3A_452 = arith.constant 0 : i32
      %dma_start3A_453 = tpu.memref_slice %arg5[%squeeze3A_441, %dma_start3A_452] : memref<1000000x64xf32, #tpu.memory_space<hbm>> -> memref<1x64xf32, #tpu.memory_space<hbm>>
      tpu.enqueue_dma source(%dma_start3A_453 : memref<1x64xf32, #tpu.memory_space<hbm>>) target(%dma_start3A_451 : memref<1x64xf32, #tpu.memory_space<vmem>>) target_semaphore(%arg14 : memref<!tpu.dma_semaphore, #tpu.memory_space<semaphore_mem>>)
      %slice3A_454 = vector.extract_strided_slice %get3A_32 {offsets = [15], sizes = [1], strides = [1]} : vector<16xi32> to vector<1xi32>
      %squeeze3A_455 = vector.extract %slice3A_454[0] : i32 from vector<1xi32>
      %mul3A_456 = arith.constant 16 : i32
      %mul3A_457 = arith.muli %scan3A_25, %mul3A_456 : i32
      %add3A_458 = arith.constant 15 : i32
      %add3A_459 = arith.addi %mul3A_457, %add3A_458 : i32
      %dma_start3A_460 = arith.constant 0 : i32
      %dma_start3A_461 = tpu.memref_slice %arg9[%add3A_459, %dma_start3A_460] : memref<128x64xf32, #tpu.memory_space<vmem>> -> memref<1x64xf32, #tpu.memory_space<vmem>>
      %dma_start3A_462 = arith.constant 0 : i32
      %dma_start3A_463 = tpu.memref_slice %arg4[%squeeze3A_455, %dma_start3A_462] : memref<1000000x64xf32, #tpu.memory_space<hbm>> -> memref<1x64xf32, #tpu.memory_space<hbm>>
      %dma_start3A_464 = arith.constant 0 : i32
      %dma_start3A_465 = tpu.memref_slice %arg9[%add3A_459, %dma_start3A_464] : memref<128x64xf32, #tpu.memory_space<vmem>> -> memref<1x64xf32, #tpu.memory_space<vmem>>
      %dma_start3A_466 = arith.constant 0 : i32
      %dma_start3A_467 = tpu.memref_slice %arg4[%squeeze3A_455, %dma_start3A_466] : memref<1000000x64xf32, #tpu.memory_space<hbm>> -> memref<1x64xf32, #tpu.memory_space<hbm>>
      tpu.enqueue_dma source(%dma_start3A_467 : memref<1x64xf32, #tpu.memory_space<hbm>>) target(%dma_start3A_465 : memref<1x64xf32, #tpu.memory_space<vmem>>) target_semaphore(%arg14 : memref<!tpu.dma_semaphore, #tpu.memory_space<semaphore_mem>>)
      %slice3A_468 = vector.extract_strided_slice %get3A_36 {offsets = [15], sizes = [1], strides = [1]} : vector<16xi32> to vector<1xi32>
      %squeeze3A_469 = vector.extract %slice3A_468[0] : i32 from vector<1xi32>
      %mul3A_470 = arith.constant 16 : i32
      %mul3A_471 = arith.muli %scan3A_25, %mul3A_470 : i32
      %add3A_472 = arith.constant 15 : i32
      %add3A_473 = arith.addi %mul3A_471, %add3A_472 : i32
      %dma_start3A_474 = arith.constant 0 : i32
      %dma_start3A_475 = tpu.memref_slice %arg11[%add3A_473, %dma_start3A_474] : memref<128x64xf32, #tpu.memory_space<vmem>> -> memref<1x64xf32, #tpu.memory_space<vmem>>
      %dma_start3A_476 = arith.constant 0 : i32
      %dma_start3A_477 = tpu.memref_slice %arg5[%squeeze3A_469, %dma_start3A_476] : memref<1000000x64xf32, #tpu.memory_space<hbm>> -> memref<1x64xf32, #tpu.memory_space<hbm>>
      %dma_start3A_478 = arith.constant 0 : i32
      %dma_start3A_479 = tpu.memref_slice %arg11[%add3A_473, %dma_start3A_478] : memref<128x64xf32, #tpu.memory_space<vmem>> -> memref<1x64xf32, #tpu.memory_space<vmem>>
      %dma_start3A_480 = arith.constant 0 : i32
      %dma_start3A_481 = tpu.memref_slice %arg5[%squeeze3A_469, %dma_start3A_480] : memref<1000000x64xf32, #tpu.memory_space<hbm>> -> memref<1x64xf32, #tpu.memory_space<hbm>>
      tpu.enqueue_dma source(%dma_start3A_481 : memref<1x64xf32, #tpu.memory_space<hbm>>) target(%dma_start3A_479 : memref<1x64xf32, #tpu.memory_space<vmem>>) target_semaphore(%arg14 : memref<!tpu.dma_semaphore, #tpu.memory_space<semaphore_mem>>)
      %scan3A_482 = arith.constant 0 : i32
      scf.yield %scan3A_482 : i32
    }
    %scan3A_8 = arith.constant 8 : i32
    %scan3A_9 = arith.constant 0 : i32
    %scan3A_10 = arith.constant 0 : i32
    %scan3A_11 = arith.constant 8 : i32
    %scan3A_12 = arith.addi %scan3A_10, %scan3A_11 : i32
    %scan3A_13 = arith.constant 1 : i32
    %scan3A_14 = scf.for %scan3A_25 = %scan3A_10 to %scan3A_12 step %scan3A_13 iter_args(%scan3A_26 = %scan3A_9) -> (i32)  : i32 {
      %mul3A_27 = arith.constant 16 : i32
      %mul3A_28 = arith.muli %scan3A_25, %mul3A_27 : i32
      %multiple_of3A_29 = tpu.assume_multiple %mul3A_28, 16 : i32
      %get3A = arith.constant 1 : i32
      %get3A_30 = arith.index_cast %get3A : i32 to index
      %get3A_31 = arith.index_cast %multiple_of3A_29 : i32 to index
      %get3A_32 = tpu.vector_load %arg7[%get3A_30, %get3A_31] {strides = array<i32>} : memref<32x128xi32, #tpu.memory_space<vmem>>, vector<16xi32>,
      %get3A_33 = arith.constant 1 : i32
      %get3A_34 = arith.index_cast %get3A_33 : i32 to index
      %get3A_35 = arith.index_cast %multiple_of3A_29 : i32 to index
      %get3A_36 = tpu.vector_load %arg8[%get3A_34, %get3A_35] {strides = array<i32>} : memref<32x128xi32, #tpu.memory_space<vmem>>, vector<16xi32>,
      %slice3A = vector.extract_strided_slice %get3A_32 {offsets = [0], sizes = [1], strides = [1]} : vector<16xi32> to vector<1xi32>
      %squeeze3A = vector.extract %slice3A[0] : i32 from vector<1xi32>
      %mul3A_37 = arith.constant 16 : i32
      %mul3A_38 = arith.muli %scan3A_25, %mul3A_37 : i32
      %add3A_39 = arith.constant 0 : i32
      %add3A_40 = arith.addi %mul3A_38, %add3A_39 : i32
      %dma_start3A = arith.constant 0 : i32
      %dma_start3A_41 = tpu.memref_slice %arg10[%add3A_40, %dma_start3A] : memref<128x64xf32, #tpu.memory_space<vmem>> -> memref<1x64xf32, #tpu.memory_space<vmem>>
      %dma_start3A_42 = arith.constant 0 : i32
      %dma_start3A_43 = tpu.memref_slice %arg4[%squeeze3A, %dma_start3A_42] : memref<1000000x64xf32, #tpu.memory_space<hbm>> -> memref<1x64xf32, #tpu.memory_space<hbm>>
      %dma_start3A_44 = arith.constant 0 : i32
      %dma_start3A_45 = tpu.memref_slice %arg10[%add3A_40, %dma_start3A_44] : memref<128x64xf32, #tpu.memory_space<vmem>> -> memref<1x64xf32, #tpu.memory_space<vmem>>
      %dma_start3A_46 = arith.constant 0 : i32
      %dma_start3A_47 = tpu.memref_slice %arg4[%squeeze3A, %dma_start3A_46] : memref<1000000x64xf32, #tpu.memory_space<hbm>> -> memref<1x64xf32, #tpu.memory_space<hbm>>
      tpu.enqueue_dma source(%dma_start3A_47 : memref<1x64xf32, #tpu.memory_space<hbm>>) target(%dma_start3A_45 : memref<1x64xf32, #tpu.memory_space<vmem>>) target_semaphore(%arg15 : memref<!tpu.dma_semaphore, #tpu.memory_space<semaphore_mem>>)
      %slice3A_48 = vector.extract_strided_slice %get3A_36 {offsets = [0], sizes = [1], strides = [1]} : vector<16xi32> to vector<1xi32>
      %squeeze3A_49 = vector.extract %slice3A_48[0] : i32 from vector<1xi32>
      %mul3A_50 = arith.constant 16 : i32
      %mul3A_51 = arith.muli %scan3A_25, %mul3A_50 : i32
      %add3A_52 = arith.constant 0 : i32
      %add3A_53 = arith.addi %mul3A_51, %add3A_52 : i32
      %dma_start3A_54 = arith.constant 0 : i32
      %dma_start3A_55 = tpu.memref_slice %arg12[%add3A_53, %dma_start3A_54] : memref<128x64xf32, #tpu.memory_space<vmem>> -> memref<1x64xf32, #tpu.memory_space<vmem>>
      %dma_start3A_56 = arith.constant 0 : i32
      %dma_start3A_57 = tpu.memref_slice %arg5[%squeeze3A_49, %dma_start3A_56] : memref<1000000x64xf32, #tpu.memory_space<hbm>> -> memref<1x64xf32, #tpu.memory_space<hbm>>
      %dma_start3A_58 = arith.constant 0 : i32
      %dma_start3A_59 = tpu.memref_slice %arg12[%add3A_53, %dma_start3A_58] : memref<128x64xf32, #tpu.memory_space<vmem>> -> memref<1x64xf32, #tpu.memory_space<vmem>>
      %dma_start3A_60 = arith.constant 0 : i32
      %dma_start3A_61 = tpu.memref_slice %arg5[%squeeze3A_49, %dma_start3A_60] : memref<1000000x64xf32, #tpu.memory_space<hbm>> -> memref<1x64xf32, #tpu.memory_space<hbm>>
      tpu.enqueue_dma source(%dma_start3A_61 : memref<1x64xf32, #tpu.memory_space<hbm>>) target(%dma_start3A_59 : memref<1x64xf32, #tpu.memory_space<vmem>>) target_semaphore(%arg15 : memref<!tpu.dma_semaphore, #tpu.memory_space<semaphore_mem>>)
      %slice3A_62 = vector.extract_strided_slice %get3A_32 {offsets = [1], sizes = [1], strides = [1]} : vector<16xi32> to vector<1xi32>
      %squeeze3A_63 = vector.extract %slice3A_62[0] : i32 from vector<1xi32>
      %mul3A_64 = arith.constant 16 : i32
      %mul3A_65 = arith.muli %scan3A_25, %mul3A_64 : i32
      %add3A_66 = arith.constant 1 : i32
      %add3A_67 = arith.addi %mul3A_65, %add3A_66 : i32
      %dma_start3A_68 = arith.constant 0 : i32
      %dma_start3A_69 = tpu.memref_slice %arg10[%add3A_67, %dma_start3A_68] : memref<128x64xf32, #tpu.memory_space<vmem>> -> memref<1x64xf32, #tpu.memory_space<vmem>>
      %dma_start3A_70 = arith.constant 0 : i32
      %dma_start3A_71 = tpu.memref_slice %arg4[%squeeze3A_63, %dma_start3A_70] : memref<1000000x64xf32, #tpu.memory_space<hbm>> -> memref<1x64xf32, #tpu.memory_space<hbm>>
      %dma_start3A_72 = arith.constant 0 : i32
      %dma_start3A_73 = tpu.memref_slice %arg10[%add3A_67, %dma_start3A_72] : memref<128x64xf32, #tpu.memory_space<vmem>> -> memref<1x64xf32, #tpu.memory_space<vmem>>
      %dma_start3A_74 = arith.constant 0 : i32
      %dma_start3A_75 = tpu.memref_slice %arg4[%squeeze3A_63, %dma_start3A_74] : memref<1000000x64xf32, #tpu.memory_space<hbm>> -> memref<1x64xf32, #tpu.memory_space<hbm>>
      tpu.enqueue_dma source(%dma_start3A_75 : memref<1x64xf32, #tpu.memory_space<hbm>>) target(%dma_start3A_73 : memref<1x64xf32, #tpu.memory_space<vmem>>) target_semaphore(%arg15 : memref<!tpu.dma_semaphore, #tpu.memory_space<semaphore_mem>>)
      %slice3A_76 = vector.extract_strided_slice %get3A_36 {offsets = [1], sizes = [1], strides = [1]} : vector<16xi32> to vector<1xi32>
      %squeeze3A_77 = vector.extract %slice3A_76[0] : i32 from vector<1xi32>
      %mul3A_78 = arith.constant 16 : i32
      %mul3A_79 = arith.muli %scan3A_25, %mul3A_78 : i32
      %add3A_80 = arith.constant 1 : i32
      %add3A_81 = arith.addi %mul3A_79, %add3A_80 : i32
      %dma_start3A_82 = arith.constant 0 : i32
      %dma_start3A_83 = tpu.memref_slice %arg12[%add3A_81, %dma_start3A_82] : memref<128x64xf32, #tpu.memory_space<vmem>> -> memref<1x64xf32, #tpu.memory_space<vmem>>
      %dma_start3A_84 = arith.constant 0 : i32
      %dma_start3A_85 = tpu.memref_slice %arg5[%squeeze3A_77, %dma_start3A_84] : memref<1000000x64xf32, #tpu.memory_space<hbm>> -> memref<1x64xf32, #tpu.memory_space<hbm>>
      %dma_start3A_86 = arith.constant 0 : i32
      %dma_start3A_87 = tpu.memref_slice %arg12[%add3A_81, %dma_start3A_86] : memref<128x64xf32, #tpu.memory_space<vmem>> -> memref<1x64xf32, #tpu.memory_space<vmem>>
      %dma_start3A_88 = arith.constant 0 : i32
      %dma_start3A_89 = tpu.memref_slice %arg5[%squeeze3A_77, %dma_start3A_88] : memref<1000000x64xf32, #tpu.memory_space<hbm>> -> memref<1x64xf32, #tpu.memory_space<hbm>>
      tpu.enqueue_dma source(%dma_start3A_89 : memref<1x64xf32, #tpu.memory_space<hbm>>) target(%dma_start3A_87 : memref<1x64xf32, #tpu.memory_space<vmem>>) target_semaphore(%arg15 : memref<!tpu.dma_semaphore, #tpu.memory_space<semaphore_mem>>)
      %slice3A_90 = vector.extract_strided_slice %get3A_32 {offsets = [2], sizes = [1], strides = [1]} : vector<16xi32> to vector<1xi32>
      %squeeze3A_91 = vector.extract %slice3A_90[0] : i32 from vector<1xi32>
      %mul3A_92 = arith.constant 16 : i32
      %mul3A_93 = arith.muli %scan3A_25, %mul3A_92 : i32
      %add3A_94 = arith.constant 2 : i32
      %add3A_95 = arith.addi %mul3A_93, %add3A_94 : i32
      %dma_start3A_96 = arith.constant 0 : i32
      %dma_start3A_97 = tpu.memref_slice %arg10[%add3A_95, %dma_start3A_96] : memref<128x64xf32, #tpu.memory_space<vmem>> -> memref<1x64xf32, #tpu.memory_space<vmem>>
      %dma_start3A_98 = arith.constant 0 : i32
      %dma_start3A_99 = tpu.memref_slice %arg4[%squeeze3A_91, %dma_start3A_98] : memref<1000000x64xf32, #tpu.memory_space<hbm>> -> memref<1x64xf32, #tpu.memory_space<hbm>>
      %dma_start3A_100 = arith.constant 0 : i32
      %dma_start3A_101 = tpu.memref_slice %arg10[%add3A_95, %dma_start3A_100] : memref<128x64xf32, #tpu.memory_space<vmem>> -> memref<1x64xf32, #tpu.memory_space<vmem>>
      %dma_start3A_102 = arith.constant 0 : i32
      %dma_start3A_103 = tpu.memref_slice %arg4[%squeeze3A_91, %dma_start3A_102] : memref<1000000x64xf32, #tpu.memory_space<hbm>> -> memref<1x64xf32, #tpu.memory_space<hbm>>
      tpu.enqueue_dma source(%dma_start3A_103 : memref<1x64xf32, #tpu.memory_space<hbm>>) target(%dma_start3A_101 : memref<1x64xf32, #tpu.memory_space<vmem>>) target_semaphore(%arg15 : memref<!tpu.dma_semaphore, #tpu.memory_space<semaphore_mem>>)
      %slice3A_104 = vector.extract_strided_slice %get3A_36 {offsets = [2], sizes = [1], strides = [1]} : vector<16xi32> to vector<1xi32>
      %squeeze3A_105 = vector.extract %slice3A_104[0] : i32 from vector<1xi32>
      %mul3A_106 = arith.constant 16 : i32
      %mul3A_107 = arith.muli %scan3A_25, %mul3A_106 : i32
      %add3A_108 = arith.constant 2 : i32
      %add3A_109 = arith.addi %mul3A_107, %add3A_108 : i32
      %dma_start3A_110 = arith.constant 0 : i32
      %dma_start3A_111 = tpu.memref_slice %arg12[%add3A_109, %dma_start3A_110] : memref<128x64xf32, #tpu.memory_space<vmem>> -> memref<1x64xf32, #tpu.memory_space<vmem>>
      %dma_start3A_112 = arith.constant 0 : i32
      %dma_start3A_113 = tpu.memref_slice %arg5[%squeeze3A_105, %dma_start3A_112] : memref<1000000x64xf32, #tpu.memory_space<hbm>> -> memref<1x64xf32, #tpu.memory_space<hbm>>
      %dma_start3A_114 = arith.constant 0 : i32
      %dma_start3A_115 = tpu.memref_slice %arg12[%add3A_109, %dma_start3A_114] : memref<128x64xf32, #tpu.memory_space<vmem>> -> memref<1x64xf32, #tpu.memory_space<vmem>>
      %dma_start3A_116 = arith.constant 0 : i32
      %dma_start3A_117 = tpu.memref_slice %arg5[%squeeze3A_105, %dma_start3A_116] : memref<1000000x64xf32, #tpu.memory_space<hbm>> -> memref<1x64xf32, #tpu.memory_space<hbm>>
      tpu.enqueue_dma source(%dma_start3A_117 : memref<1x64xf32, #tpu.memory_space<hbm>>) target(%dma_start3A_115 : memref<1x64xf32, #tpu.memory_space<vmem>>) target_semaphore(%arg15 : memref<!tpu.dma_semaphore, #tpu.memory_space<semaphore_mem>>)
      %slice3A_118 = vector.extract_strided_slice %get3A_32 {offsets = [3], sizes = [1], strides = [1]} : vector<16xi32> to vector<1xi32>
      %squeeze3A_119 = vector.extract %slice3A_118[0] : i32 from vector<1xi32>
      %mul3A_120 = arith.constant 16 : i32
      %mul3A_121 = arith.muli %scan3A_25, %mul3A_120 : i32
      %add3A_122 = arith.constant 3 : i32
      %add3A_123 = arith.addi %mul3A_121, %add3A_122 : i32
      %dma_start3A_124 = arith.constant 0 : i32
      %dma_start3A_125 = tpu.memref_slice %arg10[%add3A_123, %dma_start3A_124] : memref<128x64xf32, #tpu.memory_space<vmem>> -> memref<1x64xf32, #tpu.memory_space<vmem>>
      %dma_start3A_126 = arith.constant 0 : i32
      %dma_start3A_127 = tpu.memref_slice %arg4[%squeeze3A_119, %dma_start3A_126] : memref<1000000x64xf32, #tpu.memory_space<hbm>> -> memref<1x64xf32, #tpu.memory_space<hbm>>
      %dma_start3A_128 = arith.constant 0 : i32
      %dma_start3A_129 = tpu.memref_slice %arg10[%add3A_123, %dma_start3A_128] : memref<128x64xf32, #tpu.memory_space<vmem>> -> memref<1x64xf32, #tpu.memory_space<vmem>>
      %dma_start3A_130 = arith.constant 0 : i32
      %dma_start3A_131 = tpu.memref_slice %arg4[%squeeze3A_119, %dma_start3A_130] : memref<1000000x64xf32, #tpu.memory_space<hbm>> -> memref<1x64xf32, #tpu.memory_space<hbm>>
      tpu.enqueue_dma source(%dma_start3A_131 : memref<1x64xf32, #tpu.memory_space<hbm>>) target(%dma_start3A_129 : memref<1x64xf32, #tpu.memory_space<vmem>>) target_semaphore(%arg15 : memref<!tpu.dma_semaphore, #tpu.memory_space<semaphore_mem>>)
      %slice3A_132 = vector.extract_strided_slice %get3A_36 {offsets = [3], sizes = [1], strides = [1]} : vector<16xi32> to vector<1xi32>
      %squeeze3A_133 = vector.extract %slice3A_132[0] : i32 from vector<1xi32>
      %mul3A_134 = arith.constant 16 : i32
      %mul3A_135 = arith.muli %scan3A_25, %mul3A_134 : i32
      %add3A_136 = arith.constant 3 : i32
      %add3A_137 = arith.addi %mul3A_135, %add3A_136 : i32
      %dma_start3A_138 = arith.constant 0 : i32
      %dma_start3A_139 = tpu.memref_slice %arg12[%add3A_137, %dma_start3A_138] : memref<128x64xf32, #tpu.memory_space<vmem>> -> memref<1x64xf32, #tpu.memory_space<vmem>>
      %dma_start3A_140 = arith.constant 0 : i32
      %dma_start3A_141 = tpu.memref_slice %arg5[%squeeze3A_133, %dma_start3A_140] : memref<1000000x64xf32, #tpu.memory_space<hbm>> -> memref<1x64xf32, #tpu.memory_space<hbm>>
      %dma_start3A_142 = arith.constant 0 : i32
      %dma_start3A_143 = tpu.memref_slice %arg12[%add3A_137, %dma_start3A_142] : memref<128x64xf32, #tpu.memory_space<vmem>> -> memref<1x64xf32, #tpu.memory_space<vmem>>
      %dma_start3A_144 = arith.constant 0 : i32
      %dma_start3A_145 = tpu.memref_slice %arg5[%squeeze3A_133, %dma_start3A_144] : memref<1000000x64xf32, #tpu.memory_space<hbm>> -> memref<1x64xf32, #tpu.memory_space<hbm>>
      tpu.enqueue_dma source(%dma_start3A_145 : memref<1x64xf32, #tpu.memory_space<hbm>>) target(%dma_start3A_143 : memref<1x64xf32, #tpu.memory_space<vmem>>) target_semaphore(%arg15 : memref<!tpu.dma_semaphore, #tpu.memory_space<semaphore_mem>>)
      %slice3A_146 = vector.extract_strided_slice %get3A_32 {offsets = [4], sizes = [1], strides = [1]} : vector<16xi32> to vector<1xi32>
      %squeeze3A_147 = vector.extract %slice3A_146[0] : i32 from vector<1xi32>
      %mul3A_148 = arith.constant 16 : i32
      %mul3A_149 = arith.muli %scan3A_25, %mul3A_148 : i32
      %add3A_150 = arith.constant 4 : i32
      %add3A_151 = arith.addi %mul3A_149, %add3A_150 : i32
      %dma_start3A_152 = arith.constant 0 : i32
      %dma_start3A_153 = tpu.memref_slice %arg10[%add3A_151, %dma_start3A_152] : memref<128x64xf32, #tpu.memory_space<vmem>> -> memref<1x64xf32, #tpu.memory_space<vmem>>
      %dma_start3A_154 = arith.constant 0 : i32
      %dma_start3A_155 = tpu.memref_slice %arg4[%squeeze3A_147, %dma_start3A_154] : memref<1000000x64xf32, #tpu.memory_space<hbm>> -> memref<1x64xf32, #tpu.memory_space<hbm>>
      %dma_start3A_156 = arith.constant 0 : i32
      %dma_start3A_157 = tpu.memref_slice %arg10[%add3A_151, %dma_start3A_156] : memref<128x64xf32, #tpu.memory_space<vmem>> -> memref<1x64xf32, #tpu.memory_space<vmem>>
      %dma_start3A_158 = arith.constant 0 : i32
      %dma_start3A_159 = tpu.memref_slice %arg4[%squeeze3A_147, %dma_start3A_158] : memref<1000000x64xf32, #tpu.memory_space<hbm>> -> memref<1x64xf32, #tpu.memory_space<hbm>>
      tpu.enqueue_dma source(%dma_start3A_159 : memref<1x64xf32, #tpu.memory_space<hbm>>) target(%dma_start3A_157 : memref<1x64xf32, #tpu.memory_space<vmem>>) target_semaphore(%arg15 : memref<!tpu.dma_semaphore, #tpu.memory_space<semaphore_mem>>)
      %slice3A_160 = vector.extract_strided_slice %get3A_36 {offsets = [4], sizes = [1], strides = [1]} : vector<16xi32> to vector<1xi32>
      %squeeze3A_161 = vector.extract %slice3A_160[0] : i32 from vector<1xi32>
      %mul3A_162 = arith.constant 16 : i32
      %mul3A_163 = arith.muli %scan3A_25, %mul3A_162 : i32
      %add3A_164 = arith.constant 4 : i32
      %add3A_165 = arith.addi %mul3A_163, %add3A_164 : i32
      %dma_start3A_166 = arith.constant 0 : i32
      %dma_start3A_167 = tpu.memref_slice %arg12[%add3A_165, %dma_start3A_166] : memref<128x64xf32, #tpu.memory_space<vmem>> -> memref<1x64xf32, #tpu.memory_space<vmem>>
      %dma_start3A_168 = arith.constant 0 : i32
      %dma_start3A_169 = tpu.memref_slice %arg5[%squeeze3A_161, %dma_start3A_168] : memref<1000000x64xf32, #tpu.memory_space<hbm>> -> memref<1x64xf32, #tpu.memory_space<hbm>>
      %dma_start3A_170 = arith.constant 0 : i32
      %dma_start3A_171 = tpu.memref_slice %arg12[%add3A_165, %dma_start3A_170] : memref<128x64xf32, #tpu.memory_space<vmem>> -> memref<1x64xf32, #tpu.memory_space<vmem>>
      %dma_start3A_172 = arith.constant 0 : i32
      %dma_start3A_173 = tpu.memref_slice %arg5[%squeeze3A_161, %dma_start3A_172] : memref<1000000x64xf32, #tpu.memory_space<hbm>> -> memref<1x64xf32, #tpu.memory_space<hbm>>
      tpu.enqueue_dma source(%dma_start3A_173 : memref<1x64xf32, #tpu.memory_space<hbm>>) target(%dma_start3A_171 : memref<1x64xf32, #tpu.memory_space<vmem>>) target_semaphore(%arg15 : memref<!tpu.dma_semaphore, #tpu.memory_space<semaphore_mem>>)
      %slice3A_174 = vector.extract_strided_slice %get3A_32 {offsets = [5], sizes = [1], strides = [1]} : vector<16xi32> to vector<1xi32>
      %squeeze3A_175 = vector.extract %slice3A_174[0] : i32 from vector<1xi32>
      %mul3A_176 = arith.constant 16 : i32
      %mul3A_177 = arith.muli %scan3A_25, %mul3A_176 : i32
      %add3A_178 = arith.constant 5 : i32
      %add3A_179 = arith.addi %mul3A_177, %add3A_178 : i32
      %dma_start3A_180 = arith.constant 0 : i32
      %dma_start3A_181 = tpu.memref_slice %arg10[%add3A_179, %dma_start3A_180] : memref<128x64xf32, #tpu.memory_space<vmem>> -> memref<1x64xf32, #tpu.memory_space<vmem>>
      %dma_start3A_182 = arith.constant 0 : i32
      %dma_start3A_183 = tpu.memref_slice %arg4[%squeeze3A_175, %dma_start3A_182] : memref<1000000x64xf32, #tpu.memory_space<hbm>> -> memref<1x64xf32, #tpu.memory_space<hbm>>
      %dma_start3A_184 = arith.constant 0 : i32
      %dma_start3A_185 = tpu.memref_slice %arg10[%add3A_179, %dma_start3A_184] : memref<128x64xf32, #tpu.memory_space<vmem>> -> memref<1x64xf32, #tpu.memory_space<vmem>>
      %dma_start3A_186 = arith.constant 0 : i32
      %dma_start3A_187 = tpu.memref_slice %arg4[%squeeze3A_175, %dma_start3A_186] : memref<1000000x64xf32, #tpu.memory_space<hbm>> -> memref<1x64xf32, #tpu.memory_space<hbm>>
      tpu.enqueue_dma source(%dma_start3A_187 : memref<1x64xf32, #tpu.memory_space<hbm>>) target(%dma_start3A_185 : memref<1x64xf32, #tpu.memory_space<vmem>>) target_semaphore(%arg15 : memref<!tpu.dma_semaphore, #tpu.memory_space<semaphore_mem>>)
      %slice3A_188 = vector.extract_strided_slice %get3A_36 {offsets = [5], sizes = [1], strides = [1]} : vector<16xi32> to vector<1xi32>
      %squeeze3A_189 = vector.extract %slice3A_188[0] : i32 from vector<1xi32>
      %mul3A_190 = arith.constant 16 : i32
      %mul3A_191 = arith.muli %scan3A_25, %mul3A_190 : i32
      %add3A_192 = arith.constant 5 : i32
      %add3A_193 = arith.addi %mul3A_191, %add3A_192 : i32
      %dma_start3A_194 = arith.constant 0 : i32
      %dma_start3A_195 = tpu.memref_slice %arg12[%add3A_193, %dma_start3A_194] : memref<128x64xf32, #tpu.memory_space<vmem>> -> memref<1x64xf32, #tpu.memory_space<vmem>>
      %dma_start3A_196 = arith.constant 0 : i32
      %dma_start3A_197 = tpu.memref_slice %arg5[%squeeze3A_189, %dma_start3A_196] : memref<1000000x64xf32, #tpu.memory_space<hbm>> -> memref<1x64xf32, #tpu.memory_space<hbm>>
      %dma_start3A_198 = arith.constant 0 : i32
      %dma_start3A_199 = tpu.memref_slice %arg12[%add3A_193, %dma_start3A_198] : memref<128x64xf32, #tpu.memory_space<vmem>> -> memref<1x64xf32, #tpu.memory_space<vmem>>
      %dma_start3A_200 = arith.constant 0 : i32
      %dma_start3A_201 = tpu.memref_slice %arg5[%squeeze3A_189, %dma_start3A_200] : memref<1000000x64xf32, #tpu.memory_space<hbm>> -> memref<1x64xf32, #tpu.memory_space<hbm>>
      tpu.enqueue_dma source(%dma_start3A_201 : memref<1x64xf32, #tpu.memory_space<hbm>>) target(%dma_start3A_199 : memref<1x64xf32, #tpu.memory_space<vmem>>) target_semaphore(%arg15 : memref<!tpu.dma_semaphore, #tpu.memory_space<semaphore_mem>>)
      %slice3A_202 = vector.extract_strided_slice %get3A_32 {offsets = [6], sizes = [1], strides = [1]} : vector<16xi32> to vector<1xi32>
      %squeeze3A_203 = vector.extract %slice3A_202[0] : i32 from vector<1xi32>
      %mul3A_204 = arith.constant 16 : i32
      %mul3A_205 = arith.muli %scan3A_25, %mul3A_204 : i32
      %add3A_206 = arith.constant 6 : i32
      %add3A_207 = arith.addi %mul3A_205, %add3A_206 : i32
      %dma_start3A_208 = arith.constant 0 : i32
      %dma_start3A_209 = tpu.memref_slice %arg10[%add3A_207, %dma_start3A_208] : memref<128x64xf32, #tpu.memory_space<vmem>> -> memref<1x64xf32, #tpu.memory_space<vmem>>
      %dma_start3A_210 = arith.constant 0 : i32
      %dma_start3A_211 = tpu.memref_slice %arg4[%squeeze3A_203, %dma_start3A_210] : memref<1000000x64xf32, #tpu.memory_space<hbm>> -> memref<1x64xf32, #tpu.memory_space<hbm>>
      %dma_start3A_212 = arith.constant 0 : i32
      %dma_start3A_213 = tpu.memref_slice %arg10[%add3A_207, %dma_start3A_212] : memref<128x64xf32, #tpu.memory_space<vmem>> -> memref<1x64xf32, #tpu.memory_space<vmem>>
      %dma_start3A_214 = arith.constant 0 : i32
      %dma_start3A_215 = tpu.memref_slice %arg4[%squeeze3A_203, %dma_start3A_214] : memref<1000000x64xf32, #tpu.memory_space<hbm>> -> memref<1x64xf32, #tpu.memory_space<hbm>>
      tpu.enqueue_dma source(%dma_start3A_215 : memref<1x64xf32, #tpu.memory_space<hbm>>) target(%dma_start3A_213 : memref<1x64xf32, #tpu.memory_space<vmem>>) target_semaphore(%arg15 : memref<!tpu.dma_semaphore, #tpu.memory_space<semaphore_mem>>)
      %slice3A_216 = vector.extract_strided_slice %get3A_36 {offsets = [6], sizes = [1], strides = [1]} : vector<16xi32> to vector<1xi32>
      %squeeze3A_217 = vector.extract %slice3A_216[0] : i32 from vector<1xi32>
      %mul3A_218 = arith.constant 16 : i32
      %mul3A_219 = arith.muli %scan3A_25, %mul3A_218 : i32
      %add3A_220 = arith.constant 6 : i32
      %add3A_221 = arith.addi %mul3A_219, %add3A_220 : i32
      %dma_start3A_222 = arith.constant 0 : i32
      %dma_start3A_223 = tpu.memref_slice %arg12[%add3A_221, %dma_start3A_222] : memref<128x64xf32, #tpu.memory_space<vmem>> -> memref<1x64xf32, #tpu.memory_space<vmem>>
      %dma_start3A_224 = arith.constant 0 : i32
      %dma_start3A_225 = tpu.memref_slice %arg5[%squeeze3A_217, %dma_start3A_224] : memref<1000000x64xf32, #tpu.memory_space<hbm>> -> memref<1x64xf32, #tpu.memory_space<hbm>>
      %dma_start3A_226 = arith.constant 0 : i32
      %dma_start3A_227 = tpu.memref_slice %arg12[%add3A_221, %dma_start3A_226] : memref<128x64xf32, #tpu.memory_space<vmem>> -> memref<1x64xf32, #tpu.memory_space<vmem>>
      %dma_start3A_228 = arith.constant 0 : i32
      %dma_start3A_229 = tpu.memref_slice %arg5[%squeeze3A_217, %dma_start3A_228] : memref<1000000x64xf32, #tpu.memory_space<hbm>> -> memref<1x64xf32, #tpu.memory_space<hbm>>
      tpu.enqueue_dma source(%dma_start3A_229 : memref<1x64xf32, #tpu.memory_space<hbm>>) target(%dma_start3A_227 : memref<1x64xf32, #tpu.memory_space<vmem>>) target_semaphore(%arg15 : memref<!tpu.dma_semaphore, #tpu.memory_space<semaphore_mem>>)
      %slice3A_230 = vector.extract_strided_slice %get3A_32 {offsets = [7], sizes = [1], strides = [1]} : vector<16xi32> to vector<1xi32>
      %squeeze3A_231 = vector.extract %slice3A_230[0] : i32 from vector<1xi32>
      %mul3A_232 = arith.constant 16 : i32
      %mul3A_233 = arith.muli %scan3A_25, %mul3A_232 : i32
      %add3A_234 = arith.constant 7 : i32
      %add3A_235 = arith.addi %mul3A_233, %add3A_234 : i32
      %dma_start3A_236 = arith.constant 0 : i32
      %dma_start3A_237 = tpu.memref_slice %arg10[%add3A_235, %dma_start3A_236] : memref<128x64xf32, #tpu.memory_space<vmem>> -> memref<1x64xf32, #tpu.memory_space<vmem>>
      %dma_start3A_238 = arith.constant 0 : i32
      %dma_start3A_239 = tpu.memref_slice %arg4[%squeeze3A_231, %dma_start3A_238] : memref<1000000x64xf32, #tpu.memory_space<hbm>> -> memref<1x64xf32, #tpu.memory_space<hbm>>
      %dma_start3A_240 = arith.constant 0 : i32
      %dma_start3A_241 = tpu.memref_slice %arg10[%add3A_235, %dma_start3A_240] : memref<128x64xf32, #tpu.memory_space<vmem>> -> memref<1x64xf32, #tpu.memory_space<vmem>>
      %dma_start3A_242 = arith.constant 0 : i32
      %dma_start3A_243 = tpu.memref_slice %arg4[%squeeze3A_231, %dma_start3A_242] : memref<1000000x64xf32, #tpu.memory_space<hbm>> -> memref<1x64xf32, #tpu.memory_space<hbm>>
      tpu.enqueue_dma source(%dma_start3A_243 : memref<1x64xf32, #tpu.memory_space<hbm>>) target(%dma_start3A_241 : memref<1x64xf32, #tpu.memory_space<vmem>>) target_semaphore(%arg15 : memref<!tpu.dma_semaphore, #tpu.memory_space<semaphore_mem>>)
      %slice3A_244 = vector.extract_strided_slice %get3A_36 {offsets = [7], sizes = [1], strides = [1]} : vector<16xi32> to vector<1xi32>
      %squeeze3A_245 = vector.extract %slice3A_244[0] : i32 from vector<1xi32>
      %mul3A_246 = arith.constant 16 : i32
      %mul3A_247 = arith.muli %scan3A_25, %mul3A_246 : i32
      %add3A_248 = arith.constant 7 : i32
      %add3A_249 = arith.addi %mul3A_247, %add3A_248 : i32
      %dma_start3A_250 = arith.constant 0 : i32
      %dma_start3A_251 = tpu.memref_slice %arg12[%add3A_249, %dma_start3A_250] : memref<128x64xf32, #tpu.memory_space<vmem>> -> memref<1x64xf32, #tpu.memory_space<vmem>>
      %dma_start3A_252 = arith.constant 0 : i32
      %dma_start3A_253 = tpu.memref_slice %arg5[%squeeze3A_245, %dma_start3A_252] : memref<1000000x64xf32, #tpu.memory_space<hbm>> -> memref<1x64xf32, #tpu.memory_space<hbm>>
      %dma_start3A_254 = arith.constant 0 : i32
      %dma_start3A_255 = tpu.memref_slice %arg12[%add3A_249, %dma_start3A_254] : memref<128x64xf32, #tpu.memory_space<vmem>> -> memref<1x64xf32, #tpu.memory_space<vmem>>
      %dma_start3A_256 = arith.constant 0 : i32
      %dma_start3A_257 = tpu.memref_slice %arg5[%squeeze3A_245, %dma_start3A_256] : memref<1000000x64xf32, #tpu.memory_space<hbm>> -> memref<1x64xf32, #tpu.memory_space<hbm>>
      tpu.enqueue_dma source(%dma_start3A_257 : memref<1x64xf32, #tpu.memory_space<hbm>>) target(%dma_start3A_255 : memref<1x64xf32, #tpu.memory_space<vmem>>) target_semaphore(%arg15 : memref<!tpu.dma_semaphore, #tpu.memory_space<semaphore_mem>>)
      %slice3A_258 = vector.extract_strided_slice %get3A_32 {offsets = [8], sizes = [1], strides = [1]} : vector<16xi32> to vector<1xi32>
      %squeeze3A_259 = vector.extract %slice3A_258[0] : i32 from vector<1xi32>
      %mul3A_260 = arith.constant 16 : i32
      %mul3A_261 = arith.muli %scan3A_25, %mul3A_260 : i32
      %add3A_262 = arith.constant 8 : i32
      %add3A_263 = arith.addi %mul3A_261, %add3A_262 : i32
      %dma_start3A_264 = arith.constant 0 : i32
      %dma_start3A_265 = tpu.memref_slice %arg10[%add3A_263, %dma_start3A_264] : memref<128x64xf32, #tpu.memory_space<vmem>> -> memref<1x64xf32, #tpu.memory_space<vmem>>
      %dma_start3A_266 = arith.constant 0 : i32
      %dma_start3A_267 = tpu.memref_slice %arg4[%squeeze3A_259, %dma_start3A_266] : memref<1000000x64xf32, #tpu.memory_space<hbm>> -> memref<1x64xf32, #tpu.memory_space<hbm>>
      %dma_start3A_268 = arith.constant 0 : i32
      %dma_start3A_269 = tpu.memref_slice %arg10[%add3A_263, %dma_start3A_268] : memref<128x64xf32, #tpu.memory_space<vmem>> -> memref<1x64xf32, #tpu.memory_space<vmem>>
      %dma_start3A_270 = arith.constant 0 : i32
      %dma_start3A_271 = tpu.memref_slice %arg4[%squeeze3A_259, %dma_start3A_270] : memref<1000000x64xf32, #tpu.memory_space<hbm>> -> memref<1x64xf32, #tpu.memory_space<hbm>>
      tpu.enqueue_dma source(%dma_start3A_271 : memref<1x64xf32, #tpu.memory_space<hbm>>) target(%dma_start3A_269 : memref<1x64xf32, #tpu.memory_space<vmem>>) target_semaphore(%arg15 : memref<!tpu.dma_semaphore, #tpu.memory_space<semaphore_mem>>)
      %slice3A_272 = vector.extract_strided_slice %get3A_36 {offsets = [8], sizes = [1], strides = [1]} : vector<16xi32> to vector<1xi32>
      %squeeze3A_273 = vector.extract %slice3A_272[0] : i32 from vector<1xi32>
      %mul3A_274 = arith.constant 16 : i32
      %mul3A_275 = arith.muli %scan3A_25, %mul3A_274 : i32
      %add3A_276 = arith.constant 8 : i32
      %add3A_277 = arith.addi %mul3A_275, %add3A_276 : i32
      %dma_start3A_278 = arith.constant 0 : i32
      %dma_start3A_279 = tpu.memref_slice %arg12[%add3A_277, %dma_start3A_278] : memref<128x64xf32, #tpu.memory_space<vmem>> -> memref<1x64xf32, #tpu.memory_space<vmem>>
      %dma_start3A_280 = arith.constant 0 : i32
      %dma_start3A_281 = tpu.memref_slice %arg5[%squeeze3A_273, %dma_start3A_280] : memref<1000000x64xf32, #tpu.memory_space<hbm>> -> memref<1x64xf32, #tpu.memory_space<hbm>>
      %dma_start3A_282 = arith.constant 0 : i32
      %dma_start3A_283 = tpu.memref_slice %arg12[%add3A_277, %dma_start3A_282] : memref<128x64xf32, #tpu.memory_space<vmem>> -> memref<1x64xf32, #tpu.memory_space<vmem>>
      %dma_start3A_284 = arith.constant 0 : i32
      %dma_start3A_285 = tpu.memref_slice %arg5[%squeeze3A_273, %dma_start3A_284] : memref<1000000x64xf32, #tpu.memory_space<hbm>> -> memref<1x64xf32, #tpu.memory_space<hbm>>
      tpu.enqueue_dma source(%dma_start3A_285 : memref<1x64xf32, #tpu.memory_space<hbm>>) target(%dma_start3A_283 : memref<1x64xf32, #tpu.memory_space<vmem>>) target_semaphore(%arg15 : memref<!tpu.dma_semaphore, #tpu.memory_space<semaphore_mem>>)
      %slice3A_286 = vector.extract_strided_slice %get3A_32 {offsets = [9], sizes = [1], strides = [1]} : vector<16xi32> to vector<1xi32>
      %squeeze3A_287 = vector.extract %slice3A_286[0] : i32 from vector<1xi32>
      %mul3A_288 = arith.constant 16 : i32
      %mul3A_289 = arith.muli %scan3A_25, %mul3A_288 : i32
      %add3A_290 = arith.constant 9 : i32
      %add3A_291 = arith.addi %mul3A_289, %add3A_290 : i32
      %dma_start3A_292 = arith.constant 0 : i32
      %dma_start3A_293 = tpu.memref_slice %arg10[%add3A_291, %dma_start3A_292] : memref<128x64xf32, #tpu.memory_space<vmem>> -> memref<1x64xf32, #tpu.memory_space<vmem>>
      %dma_start3A_294 = arith.constant 0 : i32
      %dma_start3A_295 = tpu.memref_slice %arg4[%squeeze3A_287, %dma_start3A_294] : memref<1000000x64xf32, #tpu.memory_space<hbm>> -> memref<1x64xf32, #tpu.memory_space<hbm>>
      %dma_start3A_296 = arith.constant 0 : i32
      %dma_start3A_297 = tpu.memref_slice %arg10[%add3A_291, %dma_start3A_296] : memref<128x64xf32, #tpu.memory_space<vmem>> -> memref<1x64xf32, #tpu.memory_space<vmem>>
      %dma_start3A_298 = arith.constant 0 : i32
      %dma_start3A_299 = tpu.memref_slice %arg4[%squeeze3A_287, %dma_start3A_298] : memref<1000000x64xf32, #tpu.memory_space<hbm>> -> memref<1x64xf32, #tpu.memory_space<hbm>>
      tpu.enqueue_dma source(%dma_start3A_299 : memref<1x64xf32, #tpu.memory_space<hbm>>) target(%dma_start3A_297 : memref<1x64xf32, #tpu.memory_space<vmem>>) target_semaphore(%arg15 : memref<!tpu.dma_semaphore, #tpu.memory_space<semaphore_mem>>)
      %slice3A_300 = vector.extract_strided_slice %get3A_36 {offsets = [9], sizes = [1], strides = [1]} : vector<16xi32> to vector<1xi32>
      %squeeze3A_301 = vector.extract %slice3A_300[0] : i32 from vector<1xi32>
      %mul3A_302 = arith.constant 16 : i32
      %mul3A_303 = arith.muli %scan3A_25, %mul3A_302 : i32
      %add3A_304 = arith.constant 9 : i32
      %add3A_305 = arith.addi %mul3A_303, %add3A_304 : i32
      %dma_start3A_306 = arith.constant 0 : i32
      %dma_start3A_307 = tpu.memref_slice %arg12[%add3A_305, %dma_start3A_306] : memref<128x64xf32, #tpu.memory_space<vmem>> -> memref<1x64xf32, #tpu.memory_space<vmem>>
      %dma_start3A_308 = arith.constant 0 : i32
      %dma_start3A_309 = tpu.memref_slice %arg5[%squeeze3A_301, %dma_start3A_308] : memref<1000000x64xf32, #tpu.memory_space<hbm>> -> memref<1x64xf32, #tpu.memory_space<hbm>>
      %dma_start3A_310 = arith.constant 0 : i32
      %dma_start3A_311 = tpu.memref_slice %arg12[%add3A_305, %dma_start3A_310] : memref<128x64xf32, #tpu.memory_space<vmem>> -> memref<1x64xf32, #tpu.memory_space<vmem>>
      %dma_start3A_312 = arith.constant 0 : i32
      %dma_start3A_313 = tpu.memref_slice %arg5[%squeeze3A_301, %dma_start3A_312] : memref<1000000x64xf32, #tpu.memory_space<hbm>> -> memref<1x64xf32, #tpu.memory_space<hbm>>
      tpu.enqueue_dma source(%dma_start3A_313 : memref<1x64xf32, #tpu.memory_space<hbm>>) target(%dma_start3A_311 : memref<1x64xf32, #tpu.memory_space<vmem>>) target_semaphore(%arg15 : memref<!tpu.dma_semaphore, #tpu.memory_space<semaphore_mem>>)
      %slice3A_314 = vector.extract_strided_slice %get3A_32 {offsets = [10], sizes = [1], strides = [1]} : vector<16xi32> to vector<1xi32>
      %squeeze3A_315 = vector.extract %slice3A_314[0] : i32 from vector<1xi32>
      %mul3A_316 = arith.constant 16 : i32
      %mul3A_317 = arith.muli %scan3A_25, %mul3A_316 : i32
      %add3A_318 = arith.constant 10 : i32
      %add3A_319 = arith.addi %mul3A_317, %add3A_318 : i32
      %dma_start3A_320 = arith.constant 0 : i32
      %dma_start3A_321 = tpu.memref_slice %arg10[%add3A_319, %dma_start3A_320] : memref<128x64xf32, #tpu.memory_space<vmem>> -> memref<1x64xf32, #tpu.memory_space<vmem>>
      %dma_start3A_322 = arith.constant 0 : i32
      %dma_start3A_323 = tpu.memref_slice %arg4[%squeeze3A_315, %dma_start3A_322] : memref<1000000x64xf32, #tpu.memory_space<hbm>> -> memref<1x64xf32, #tpu.memory_space<hbm>>
      %dma_start3A_324 = arith.constant 0 : i32
      %dma_start3A_325 = tpu.memref_slice %arg10[%add3A_319, %dma_start3A_324] : memref<128x64xf32, #tpu.memory_space<vmem>> -> memref<1x64xf32, #tpu.memory_space<vmem>>
      %dma_start3A_326 = arith.constant 0 : i32
      %dma_start3A_327 = tpu.memref_slice %arg4[%squeeze3A_315, %dma_start3A_326] : memref<1000000x64xf32, #tpu.memory_space<hbm>> -> memref<1x64xf32, #tpu.memory_space<hbm>>
      tpu.enqueue_dma source(%dma_start3A_327 : memref<1x64xf32, #tpu.memory_space<hbm>>) target(%dma_start3A_325 : memref<1x64xf32, #tpu.memory_space<vmem>>) target_semaphore(%arg15 : memref<!tpu.dma_semaphore, #tpu.memory_space<semaphore_mem>>)
      %slice3A_328 = vector.extract_strided_slice %get3A_36 {offsets = [10], sizes = [1], strides = [1]} : vector<16xi32> to vector<1xi32>
      %squeeze3A_329 = vector.extract %slice3A_328[0] : i32 from vector<1xi32>
      %mul3A_330 = arith.constant 16 : i32
      %mul3A_331 = arith.muli %scan3A_25, %mul3A_330 : i32
      %add3A_332 = arith.constant 10 : i32
      %add3A_333 = arith.addi %mul3A_331, %add3A_332 : i32
      %dma_start3A_334 = arith.constant 0 : i32
      %dma_start3A_335 = tpu.memref_slice %arg12[%add3A_333, %dma_start3A_334] : memref<128x64xf32, #tpu.memory_space<vmem>> -> memref<1x64xf32, #tpu.memory_space<vmem>>
      %dma_start3A_336 = arith.constant 0 : i32
      %dma_start3A_337 = tpu.memref_slice %arg5[%squeeze3A_329, %dma_start3A_336] : memref<1000000x64xf32, #tpu.memory_space<hbm>> -> memref<1x64xf32, #tpu.memory_space<hbm>>
      %dma_start3A_338 = arith.constant 0 : i32
      %dma_start3A_339 = tpu.memref_slice %arg12[%add3A_333, %dma_start3A_338] : memref<128x64xf32, #tpu.memory_space<vmem>> -> memref<1x64xf32, #tpu.memory_space<vmem>>
      %dma_start3A_340 = arith.constant 0 : i32
      %dma_start3A_341 = tpu.memref_slice %arg5[%squeeze3A_329, %dma_start3A_340] : memref<1000000x64xf32, #tpu.memory_space<hbm>> -> memref<1x64xf32, #tpu.memory_space<hbm>>
      tpu.enqueue_dma source(%dma_start3A_341 : memref<1x64xf32, #tpu.memory_space<hbm>>) target(%dma_start3A_339 : memref<1x64xf32, #tpu.memory_space<vmem>>) target_semaphore(%arg15 : memref<!tpu.dma_semaphore, #tpu.memory_space<semaphore_mem>>)
      %slice3A_342 = vector.extract_strided_slice %get3A_32 {offsets = [11], sizes = [1], strides = [1]} : vector<16xi32> to vector<1xi32>
      %squeeze3A_343 = vector.extract %slice3A_342[0] : i32 from vector<1xi32>
      %mul3A_344 = arith.constant 16 : i32
      %mul3A_345 = arith.muli %scan3A_25, %mul3A_344 : i32
      %add3A_346 = arith.constant 11 : i32
      %add3A_347 = arith.addi %mul3A_345, %add3A_346 : i32
      %dma_start3A_348 = arith.constant 0 : i32
      %dma_start3A_349 = tpu.memref_slice %arg10[%add3A_347, %dma_start3A_348] : memref<128x64xf32, #tpu.memory_space<vmem>> -> memref<1x64xf32, #tpu.memory_space<vmem>>
      %dma_start3A_350 = arith.constant 0 : i32
      %dma_start3A_351 = tpu.memref_slice %arg4[%squeeze3A_343, %dma_start3A_350] : memref<1000000x64xf32, #tpu.memory_space<hbm>> -> memref<1x64xf32, #tpu.memory_space<hbm>>
      %dma_start3A_352 = arith.constant 0 : i32
      %dma_start3A_353 = tpu.memref_slice %arg10[%add3A_347, %dma_start3A_352] : memref<128x64xf32, #tpu.memory_space<vmem>> -> memref<1x64xf32, #tpu.memory_space<vmem>>
      %dma_start3A_354 = arith.constant 0 : i32
      %dma_start3A_355 = tpu.memref_slice %arg4[%squeeze3A_343, %dma_start3A_354] : memref<1000000x64xf32, #tpu.memory_space<hbm>> -> memref<1x64xf32, #tpu.memory_space<hbm>>
      tpu.enqueue_dma source(%dma_start3A_355 : memref<1x64xf32, #tpu.memory_space<hbm>>) target(%dma_start3A_353 : memref<1x64xf32, #tpu.memory_space<vmem>>) target_semaphore(%arg15 : memref<!tpu.dma_semaphore, #tpu.memory_space<semaphore_mem>>)
      %slice3A_356 = vector.extract_strided_slice %get3A_36 {offsets = [11], sizes = [1], strides = [1]} : vector<16xi32> to vector<1xi32>
      %squeeze3A_357 = vector.extract %slice3A_356[0] : i32 from vector<1xi32>
      %mul3A_358 = arith.constant 16 : i32
      %mul3A_359 = arith.muli %scan3A_25, %mul3A_358 : i32
      %add3A_360 = arith.constant 11 : i32
      %add3A_361 = arith.addi %mul3A_359, %add3A_360 : i32
      %dma_start3A_362 = arith.constant 0 : i32
      %dma_start3A_363 = tpu.memref_slice %arg12[%add3A_361, %dma_start3A_362] : memref<128x64xf32, #tpu.memory_space<vmem>> -> memref<1x64xf32, #tpu.memory_space<vmem>>
      %dma_start3A_364 = arith.constant 0 : i32
      %dma_start3A_365 = tpu.memref_slice %arg5[%squeeze3A_357, %dma_start3A_364] : memref<1000000x64xf32, #tpu.memory_space<hbm>> -> memref<1x64xf32, #tpu.memory_space<hbm>>
      %dma_start3A_366 = arith.constant 0 : i32
      %dma_start3A_367 = tpu.memref_slice %arg12[%add3A_361, %dma_start3A_366] : memref<128x64xf32, #tpu.memory_space<vmem>> -> memref<1x64xf32, #tpu.memory_space<vmem>>
      %dma_start3A_368 = arith.constant 0 : i32
      %dma_start3A_369 = tpu.memref_slice %arg5[%squeeze3A_357, %dma_start3A_368] : memref<1000000x64xf32, #tpu.memory_space<hbm>> -> memref<1x64xf32, #tpu.memory_space<hbm>>
      tpu.enqueue_dma source(%dma_start3A_369 : memref<1x64xf32, #tpu.memory_space<hbm>>) target(%dma_start3A_367 : memref<1x64xf32, #tpu.memory_space<vmem>>) target_semaphore(%arg15 : memref<!tpu.dma_semaphore, #tpu.memory_space<semaphore_mem>>)
      %slice3A_370 = vector.extract_strided_slice %get3A_32 {offsets = [12], sizes = [1], strides = [1]} : vector<16xi32> to vector<1xi32>
      %squeeze3A_371 = vector.extract %slice3A_370[0] : i32 from vector<1xi32>
      %mul3A_372 = arith.constant 16 : i32
      %mul3A_373 = arith.muli %scan3A_25, %mul3A_372 : i32
      %add3A_374 = arith.constant 12 : i32
      %add3A_375 = arith.addi %mul3A_373, %add3A_374 : i32
      %dma_start3A_376 = arith.constant 0 : i32
      %dma_start3A_377 = tpu.memref_slice %arg10[%add3A_375, %dma_start3A_376] : memref<128x64xf32, #tpu.memory_space<vmem>> -> memref<1x64xf32, #tpu.memory_space<vmem>>
      %dma_start3A_378 = arith.constant 0 : i32
      %dma_start3A_379 = tpu.memref_slice %arg4[%squeeze3A_371, %dma_start3A_378] : memref<1000000x64xf32, #tpu.memory_space<hbm>> -> memref<1x64xf32, #tpu.memory_space<hbm>>
      %dma_start3A_380 = arith.constant 0 : i32
      %dma_start3A_381 = tpu.memref_slice %arg10[%add3A_375, %dma_start3A_380] : memref<128x64xf32, #tpu.memory_space<vmem>> -> memref<1x64xf32, #tpu.memory_space<vmem>>
      %dma_start3A_382 = arith.constant 0 : i32
      %dma_start3A_383 = tpu.memref_slice %arg4[%squeeze3A_371, %dma_start3A_382] : memref<1000000x64xf32, #tpu.memory_space<hbm>> -> memref<1x64xf32, #tpu.memory_space<hbm>>
      tpu.enqueue_dma source(%dma_start3A_383 : memref<1x64xf32, #tpu.memory_space<hbm>>) target(%dma_start3A_381 : memref<1x64xf32, #tpu.memory_space<vmem>>) target_semaphore(%arg15 : memref<!tpu.dma_semaphore, #tpu.memory_space<semaphore_mem>>)
      %slice3A_384 = vector.extract_strided_slice %get3A_36 {offsets = [12], sizes = [1], strides = [1]} : vector<16xi32> to vector<1xi32>
      %squeeze3A_385 = vector.extract %slice3A_384[0] : i32 from vector<1xi32>
      %mul3A_386 = arith.constant 16 : i32
      %mul3A_387 = arith.muli %scan3A_25, %mul3A_386 : i32
      %add3A_388 = arith.constant 12 : i32
      %add3A_389 = arith.addi %mul3A_387, %add3A_388 : i32
      %dma_start3A_390 = arith.constant 0 : i32
      %dma_start3A_391 = tpu.memref_slice %arg12[%add3A_389, %dma_start3A_390] : memref<128x64xf32, #tpu.memory_space<vmem>> -> memref<1x64xf32, #tpu.memory_space<vmem>>
      %dma_start3A_392 = arith.constant 0 : i32
      %dma_start3A_393 = tpu.memref_slice %arg5[%squeeze3A_385, %dma_start3A_392] : memref<1000000x64xf32, #tpu.memory_space<hbm>> -> memref<1x64xf32, #tpu.memory_space<hbm>>
      %dma_start3A_394 = arith.constant 0 : i32
      %dma_start3A_395 = tpu.memref_slice %arg12[%add3A_389, %dma_start3A_394] : memref<128x64xf32, #tpu.memory_space<vmem>> -> memref<1x64xf32, #tpu.memory_space<vmem>>
      %dma_start3A_396 = arith.constant 0 : i32
      %dma_start3A_397 = tpu.memref_slice %arg5[%squeeze3A_385, %dma_start3A_396] : memref<1000000x64xf32, #tpu.memory_space<hbm>> -> memref<1x64xf32, #tpu.memory_space<hbm>>
      tpu.enqueue_dma source(%dma_start3A_397 : memref<1x64xf32, #tpu.memory_space<hbm>>) target(%dma_start3A_395 : memref<1x64xf32, #tpu.memory_space<vmem>>) target_semaphore(%arg15 : memref<!tpu.dma_semaphore, #tpu.memory_space<semaphore_mem>>)
      %slice3A_398 = vector.extract_strided_slice %get3A_32 {offsets = [13], sizes = [1], strides = [1]} : vector<16xi32> to vector<1xi32>
      %squeeze3A_399 = vector.extract %slice3A_398[0] : i32 from vector<1xi32>
      %mul3A_400 = arith.constant 16 : i32
      %mul3A_401 = arith.muli %scan3A_25, %mul3A_400 : i32
      %add3A_402 = arith.constant 13 : i32
      %add3A_403 = arith.addi %mul3A_401, %add3A_402 : i32
      %dma_start3A_404 = arith.constant 0 : i32
      %dma_start3A_405 = tpu.memref_slice %arg10[%add3A_403, %dma_start3A_404] : memref<128x64xf32, #tpu.memory_space<vmem>> -> memref<1x64xf32, #tpu.memory_space<vmem>>
      %dma_start3A_406 = arith.constant 0 : i32
      %dma_start3A_407 = tpu.memref_slice %arg4[%squeeze3A_399, %dma_start3A_406] : memref<1000000x64xf32, #tpu.memory_space<hbm>> -> memref<1x64xf32, #tpu.memory_space<hbm>>
      %dma_start3A_408 = arith.constant 0 : i32
      %dma_start3A_409 = tpu.memref_slice %arg10[%add3A_403, %dma_start3A_408] : memref<128x64xf32, #tpu.memory_space<vmem>> -> memref<1x64xf32, #tpu.memory_space<vmem>>
      %dma_start3A_410 = arith.constant 0 : i32
      %dma_start3A_411 = tpu.memref_slice %arg4[%squeeze3A_399, %dma_start3A_410] : memref<1000000x64xf32, #tpu.memory_space<hbm>> -> memref<1x64xf32, #tpu.memory_space<hbm>>
      tpu.enqueue_dma source(%dma_start3A_411 : memref<1x64xf32, #tpu.memory_space<hbm>>) target(%dma_start3A_409 : memref<1x64xf32, #tpu.memory_space<vmem>>) target_semaphore(%arg15 : memref<!tpu.dma_semaphore, #tpu.memory_space<semaphore_mem>>)
      %slice3A_412 = vector.extract_strided_slice %get3A_36 {offsets = [13], sizes = [1], strides = [1]} : vector<16xi32> to vector<1xi32>
      %squeeze3A_413 = vector.extract %slice3A_412[0] : i32 from vector<1xi32>
      %mul3A_414 = arith.constant 16 : i32
      %mul3A_415 = arith.muli %scan3A_25, %mul3A_414 : i32
      %add3A_416 = arith.constant 13 : i32
      %add3A_417 = arith.addi %mul3A_415, %add3A_416 : i32
      %dma_start3A_418 = arith.constant 0 : i32
      %dma_start3A_419 = tpu.memref_slice %arg12[%add3A_417, %dma_start3A_418] : memref<128x64xf32, #tpu.memory_space<vmem>> -> memref<1x64xf32, #tpu.memory_space<vmem>>
      %dma_start3A_420 = arith.constant 0 : i32
      %dma_start3A_421 = tpu.memref_slice %arg5[%squeeze3A_413, %dma_start3A_420] : memref<1000000x64xf32, #tpu.memory_space<hbm>> -> memref<1x64xf32, #tpu.memory_space<hbm>>
      %dma_start3A_422 = arith.constant 0 : i32
      %dma_start3A_423 = tpu.memref_slice %arg12[%add3A_417, %dma_start3A_422] : memref<128x64xf32, #tpu.memory_space<vmem>> -> memref<1x64xf32, #tpu.memory_space<vmem>>
      %dma_start3A_424 = arith.constant 0 : i32
      %dma_start3A_425 = tpu.memref_slice %arg5[%squeeze3A_413, %dma_start3A_424] : memref<1000000x64xf32, #tpu.memory_space<hbm>> -> memref<1x64xf32, #tpu.memory_space<hbm>>
      tpu.enqueue_dma source(%dma_start3A_425 : memref<1x64xf32, #tpu.memory_space<hbm>>) target(%dma_start3A_423 : memref<1x64xf32, #tpu.memory_space<vmem>>) target_semaphore(%arg15 : memref<!tpu.dma_semaphore, #tpu.memory_space<semaphore_mem>>)
      %slice3A_426 = vector.extract_strided_slice %get3A_32 {offsets = [14], sizes = [1], strides = [1]} : vector<16xi32> to vector<1xi32>
      %squeeze3A_427 = vector.extract %slice3A_426[0] : i32 from vector<1xi32>
      %mul3A_428 = arith.constant 16 : i32
      %mul3A_429 = arith.muli %scan3A_25, %mul3A_428 : i32
      %add3A_430 = arith.constant 14 : i32
      %add3A_431 = arith.addi %mul3A_429, %add3A_430 : i32
      %dma_start3A_432 = arith.constant 0 : i32
      %dma_start3A_433 = tpu.memref_slice %arg10[%add3A_431, %dma_start3A_432] : memref<128x64xf32, #tpu.memory_space<vmem>> -> memref<1x64xf32, #tpu.memory_space<vmem>>
      %dma_start3A_434 = arith.constant 0 : i32
      %dma_start3A_435 = tpu.memref_slice %arg4[%squeeze3A_427, %dma_start3A_434] : memref<1000000x64xf32, #tpu.memory_space<hbm>> -> memref<1x64xf32, #tpu.memory_space<hbm>>
      %dma_start3A_436 = arith.constant 0 : i32
      %dma_start3A_437 = tpu.memref_slice %arg10[%add3A_431, %dma_start3A_436] : memref<128x64xf32, #tpu.memory_space<vmem>> -> memref<1x64xf32, #tpu.memory_space<vmem>>
      %dma_start3A_438 = arith.constant 0 : i32
      %dma_start3A_439 = tpu.memref_slice %arg4[%squeeze3A_427, %dma_start3A_438] : memref<1000000x64xf32, #tpu.memory_space<hbm>> -> memref<1x64xf32, #tpu.memory_space<hbm>>
      tpu.enqueue_dma source(%dma_start3A_439 : memref<1x64xf32, #tpu.memory_space<hbm>>) target(%dma_start3A_437 : memref<1x64xf32, #tpu.memory_space<vmem>>) target_semaphore(%arg15 : memref<!tpu.dma_semaphore, #tpu.memory_space<semaphore_mem>>)
      %slice3A_440 = vector.extract_strided_slice %get3A_36 {offsets = [14], sizes = [1], strides = [1]} : vector<16xi32> to vector<1xi32>
      %squeeze3A_441 = vector.extract %slice3A_440[0] : i32 from vector<1xi32>
      %mul3A_442 = arith.constant 16 : i32
      %mul3A_443 = arith.muli %scan3A_25, %mul3A_442 : i32
      %add3A_444 = arith.constant 14 : i32
      %add3A_445 = arith.addi %mul3A_443, %add3A_444 : i32
      %dma_start3A_446 = arith.constant 0 : i32
      %dma_start3A_447 = tpu.memref_slice %arg12[%add3A_445, %dma_start3A_446] : memref<128x64xf32, #tpu.memory_space<vmem>> -> memref<1x64xf32, #tpu.memory_space<vmem>>
      %dma_start3A_448 = arith.constant 0 : i32
      %dma_start3A_449 = tpu.memref_slice %arg5[%squeeze3A_441, %dma_start3A_448] : memref<1000000x64xf32, #tpu.memory_space<hbm>> -> memref<1x64xf32, #tpu.memory_space<hbm>>
      %dma_start3A_450 = arith.constant 0 : i32
      %dma_start3A_451 = tpu.memref_slice %arg12[%add3A_445, %dma_start3A_450] : memref<128x64xf32, #tpu.memory_space<vmem>> -> memref<1x64xf32, #tpu.memory_space<vmem>>
      %dma_start3A_452 = arith.constant 0 : i32
      %dma_start3A_453 = tpu.memref_slice %arg5[%squeeze3A_441, %dma_start3A_452] : memref<1000000x64xf32, #tpu.memory_space<hbm>> -> memref<1x64xf32, #tpu.memory_space<hbm>>
      tpu.enqueue_dma source(%dma_start3A_453 : memref<1x64xf32, #tpu.memory_space<hbm>>) target(%dma_start3A_451 : memref<1x64xf32, #tpu.memory_space<vmem>>) target_semaphore(%arg15 : memref<!tpu.dma_semaphore, #tpu.memory_space<semaphore_mem>>)
      %slice3A_454 = vector.extract_strided_slice %get3A_32 {offsets = [15], sizes = [1], strides = [1]} : vector<16xi32> to vector<1xi32>
      %squeeze3A_455 = vector.extract %slice3A_454[0] : i32 from vector<1xi32>
      %mul3A_456 = arith.constant 16 : i32
      %mul3A_457 = arith.muli %scan3A_25, %mul3A_456 : i32
      %add3A_458 = arith.constant 15 : i32
      %add3A_459 = arith.addi %mul3A_457, %add3A_458 : i32
      %dma_start3A_460 = arith.constant 0 : i32
      %dma_start3A_461 = tpu.memref_slice %arg10[%add3A_459, %dma_start3A_460] : memref<128x64xf32, #tpu.memory_space<vmem>> -> memref<1x64xf32, #tpu.memory_space<vmem>>
      %dma_start3A_462 = arith.constant 0 : i32
      %dma_start3A_463 = tpu.memref_slice %arg4[%squeeze3A_455, %dma_start3A_462] : memref<1000000x64xf32, #tpu.memory_space<hbm>> -> memref<1x64xf32, #tpu.memory_space<hbm>>
      %dma_start3A_464 = arith.constant 0 : i32
      %dma_start3A_465 = tpu.memref_slice %arg10[%add3A_459, %dma_start3A_464] : memref<128x64xf32, #tpu.memory_space<vmem>> -> memref<1x64xf32, #tpu.memory_space<vmem>>
      %dma_start3A_466 = arith.constant 0 : i32
      %dma_start3A_467 = tpu.memref_slice %arg4[%squeeze3A_455, %dma_start3A_466] : memref<1000000x64xf32, #tpu.memory_space<hbm>> -> memref<1x64xf32, #tpu.memory_space<hbm>>
      tpu.enqueue_dma source(%dma_start3A_467 : memref<1x64xf32, #tpu.memory_space<hbm>>) target(%dma_start3A_465 : memref<1x64xf32, #tpu.memory_space<vmem>>) target_semaphore(%arg15 : memref<!tpu.dma_semaphore, #tpu.memory_space<semaphore_mem>>)
      %slice3A_468 = vector.extract_strided_slice %get3A_36 {offsets = [15], sizes = [1], strides = [1]} : vector<16xi32> to vector<1xi32>
      %squeeze3A_469 = vector.extract %slice3A_468[0] : i32 from vector<1xi32>
      %mul3A_470 = arith.constant 16 : i32
      %mul3A_471 = arith.muli %scan3A_25, %mul3A_470 : i32
      %add3A_472 = arith.constant 15 : i32
      %add3A_473 = arith.addi %mul3A_471, %add3A_472 : i32
      %dma_start3A_474 = arith.constant 0 : i32
      %dma_start3A_475 = tpu.memref_slice %arg12[%add3A_473, %dma_start3A_474] : memref<128x64xf32, #tpu.memory_space<vmem>> -> memref<1x64xf32, #tpu.memory_space<vmem>>
      %dma_start3A_476 = arith.constant 0 : i32
      %dma_start3A_477 = tpu.memref_slice %arg5[%squeeze3A_469, %dma_start3A_476] : memref<1000000x64xf32, #tpu.memory_space<hbm>> -> memref<1x64xf32, #tpu.memory_space<hbm>>
      %dma_start3A_478 = arith.constant 0 : i32
      %dma_start3A_479 = tpu.memref_slice %arg12[%add3A_473, %dma_start3A_478] : memref<128x64xf32, #tpu.memory_space<vmem>> -> memref<1x64xf32, #tpu.memory_space<vmem>>
      %dma_start3A_480 = arith.constant 0 : i32
      %dma_start3A_481 = tpu.memref_slice %arg5[%squeeze3A_469, %dma_start3A_480] : memref<1000000x64xf32, #tpu.memory_space<hbm>> -> memref<1x64xf32, #tpu.memory_space<hbm>>
      tpu.enqueue_dma source(%dma_start3A_481 : memref<1x64xf32, #tpu.memory_space<hbm>>) target(%dma_start3A_479 : memref<1x64xf32, #tpu.memory_space<vmem>>) target_semaphore(%arg15 : memref<!tpu.dma_semaphore, #tpu.memory_space<semaphore_mem>>)
      %scan3A_482 = arith.constant 0 : i32
      scf.yield %scan3A_482 : i32
    }
    %scan3A_15 = arith.constant 8 : i32
    %iota3A = tpu.iota {dimensions = array<i32: 0>} : vector<16xi32>
    %eq3A = arith.constant 15 : i32
    %eq3A_16 = vector.broadcast %eq3A : i32 to vector<16xi32>
    %eq3A_17 = arith.cmpi eq, %iota3A, %eq3A_16 : vector<16xi32>
    %scan3A_18 = arith.constant 0 : i32
    %scan3A_19 = arith.constant 0 : i32
    %scan3A_20 = arith.constant 16 : i32
    %scan3A_21 = arith.addi %scan3A_19, %scan3A_20 : i32
    %scan3A_22 = arith.constant 1 : i32
    %scan3A_23 = scf.for %scan3A_25 = %scan3A_19 to %scan3A_21 step %scan3A_22 iter_args(%scan3A_26 = %scan3A_18) -> (i32)  : i32 {
      %mul3A_27 = arith.constant 2 : i32
      %mul3A_28 = arith.muli %scan3A_25, %mul3A_27 : i32
      %add3A_29 = arith.constant 0 : i32
      %add3A_30 = arith.addi %mul3A_28, %add3A_29 : i32
      %dma_wait3A = arith.constant 0 : i32
      %dma_wait3A_31 = arith.constant 0 : i32
      %dma_wait3A_32 = tpu.memref_slice %arg4[%dma_wait3A, %dma_wait3A_31] : memref<1000000x64xf32, #tpu.memory_space<hbm>> -> memref<128x64xf32, #tpu.memory_space<hbm>>
      %dma_wait3A_33 = arith.constant 0 : i32
      %dma_wait3A_34 = arith.constant 0 : i32
      %dma_wait3A_35 = tpu.memref_slice %arg4[%dma_wait3A_33, %dma_wait3A_34] : memref<1000000x64xf32, #tpu.memory_space<hbm>> -> memref<128x64xf32, #tpu.memory_space<hbm>>
      tpu.wait_dma2 semaphore(%arg14 : memref<!tpu.dma_semaphore, #tpu.memory_space<semaphore_mem>>) src(%dma_wait3A_35 : memref<128x64xf32, #tpu.memory_space<hbm>>) dst(%arg9 : memref<128x64xf32, #tpu.memory_space<vmem>>)
      %dma_wait3A_36 = arith.constant 0 : i32
      %dma_wait3A_37 = arith.constant 0 : i32
      %dma_wait3A_38 = tpu.memref_slice %arg5[%dma_wait3A_36, %dma_wait3A_37] : memref<1000000x64xf32, #tpu.memory_space<hbm>> -> memref<128x64xf32, #tpu.memory_space<hbm>>
      %dma_wait3A_39 = arith.constant 0 : i32
      %dma_wait3A_40 = arith.constant 0 : i32
      %dma_wait3A_41 = tpu.memref_slice %arg5[%dma_wait3A_39, %dma_wait3A_40] : memref<1000000x64xf32, #tpu.memory_space<hbm>> -> memref<128x64xf32, #tpu.memory_space<hbm>>
      tpu.wait_dma2 semaphore(%arg14 : memref<!tpu.dma_semaphore, #tpu.memory_space<semaphore_mem>>) src(%dma_wait3A_41 : memref<128x64xf32, #tpu.memory_space<hbm>>) dst(%arg11 : memref<128x64xf32, #tpu.memory_space<vmem>>)
      %broadcast_in_dim3A = vector.broadcast %add3A_30 : i32 to vector<16xi32>
      %scan3A_42 = arith.constant 0 : i32
      %scan3A_43 = arith.constant 0 : i32
      %scan3A_44 = arith.constant 64 : i32
      %scan3A_45 = arith.addi %scan3A_43, %scan3A_44 : i32
      %scan3A_46 = arith.constant 1 : i32
      %scan3A_47 = scf.for %scan3A_81 = %scan3A_43 to %scan3A_45 step %scan3A_46 iter_args(%scan3A_82 = %scan3A_42) -> (i32)  : i32 {
        %mul3A_83 = arith.constant 2 : i32
        %mul3A_84 = arith.muli %scan3A_81, %mul3A_83 : i32
        %get3A = arith.index_cast %mul3A_84 : i32 to index
        %get3A_85 = arith.constant 0 : index
        %get3A_86 = tpu.vector_load %arg9[%get3A, %get3A_85] {strides = array<i32>} : memref<128x64xf32, #tpu.memory_space<vmem>>, vector<16xf32>,
        %get3A_87 = arith.index_cast %mul3A_84 : i32 to index
        %get3A_88 = arith.constant 0 : index
        %get3A_89 = tpu.vector_load %arg11[%get3A_87, %get3A_88] {strides = array<i32>} : memref<128x64xf32, #tpu.memory_space<vmem>>, vector<16xf32>,
        %mul3A_90 = arith.mulf %get3A_86, %get3A_89 : vector<16xf32>
        %get3A_91 = arith.index_cast %mul3A_84 : i32 to index
        %get3A_92 = arith.constant 16 : index
        %get3A_93 = tpu.vector_load %arg9[%get3A_91, %get3A_92] {strides = array<i32>} : memref<128x64xf32, #tpu.memory_space<vmem>>, vector<16xf32>,
        %get3A_94 = arith.index_cast %mul3A_84 : i32 to index
        %get3A_95 = arith.constant 16 : index
        %get3A_96 = tpu.vector_load %arg11[%get3A_94, %get3A_95] {strides = array<i32>} : memref<128x64xf32, #tpu.memory_space<vmem>>, vector<16xf32>,
        %mul3A_97 = arith.mulf %get3A_93, %get3A_96 : vector<16xf32>
        %get3A_98 = arith.index_cast %mul3A_84 : i32 to index
        %get3A_99 = arith.constant 32 : index
        %get3A_100 = tpu.vector_load %arg9[%get3A_98, %get3A_99] {strides = array<i32>} : memref<128x64xf32, #tpu.memory_space<vmem>>, vector<16xf32>,
        %get3A_101 = arith.index_cast %mul3A_84 : i32 to index
        %get3A_102 = arith.constant 32 : index
        %get3A_103 = tpu.vector_load %arg11[%get3A_101, %get3A_102] {strides = array<i32>} : memref<128x64xf32, #tpu.memory_space<vmem>>, vector<16xf32>,
        %mul3A_104 = arith.mulf %get3A_100, %get3A_103 : vector<16xf32>
        %get3A_105 = arith.index_cast %mul3A_84 : i32 to index
        %get3A_106 = arith.constant 48 : index
        %get3A_107 = tpu.vector_load %arg9[%get3A_105, %get3A_106] {strides = array<i32>} : memref<128x64xf32, #tpu.memory_space<vmem>>, vector<16xf32>,
        %get3A_108 = arith.index_cast %mul3A_84 : i32 to index
        %get3A_109 = arith.constant 48 : index
        %get3A_110 = tpu.vector_load %arg11[%get3A_108, %get3A_109] {strides = array<i32>} : memref<128x64xf32, #tpu.memory_space<vmem>>, vector<16xf32>,
        %mul3A_111 = arith.mulf %get3A_107, %get3A_110 : vector<16xf32>
        %add3A_112 = arith.addf %mul3A_90, %mul3A_97 : vector<16xf32>
        %add3A_113 = arith.addf %mul3A_104, %mul3A_111 : vector<16xf32>
        %add3A_114 = arith.addf %add3A_112, %add3A_113 : vector<16xf32>
        %broadcast_in_dim3A_115 = arith.constant true
        %broadcast_in_dim3A_116 = vector.broadcast %broadcast_in_dim3A_115 : i1 to vector<16xi1>
        %masked_cumsum3A = tpu.scan <sum>, %add3A_114 masked %broadcast_in_dim3A_116 : vector<16xf32>, vector<16xi1> -> vector<16xf32>
        %broadcast_in_dim3A_117 = vector.broadcast %mul3A_84 : i32 to vector<16xi32>
        tpu.vector_store_idx %arg13[%broadcast_in_dim3A, %broadcast_in_dim3A_117], %masked_cumsum3A masked %eq3A_17 : memref<32x128xf32, #tpu.memory_space<vmem>>[vector<16xi32>, vector<16xi32>], vector<16xf32>, vector<16xi1>
        %add3A_118 = arith.constant 1 : i32
        %add3A_119 = arith.addi %mul3A_84, %add3A_118 : i32
        %get3A_120 = arith.index_cast %add3A_119 : i32 to index
        %get3A_121 = arith.constant 0 : index
        %get3A_122 = tpu.vector_load %arg9[%get3A_120, %get3A_121] {strides = array<i32>} : memref<128x64xf32, #tpu.memory_space<vmem>>, vector<16xf32>,
        %get3A_123 = arith.index_cast %add3A_119 : i32 to index
        %get3A_124 = arith.constant 0 : index
        %get3A_125 = tpu.vector_load %arg11[%get3A_123, %get3A_124] {strides = array<i32>} : memref<128x64xf32, #tpu.memory_space<vmem>>, vector<16xf32>,
        %mul3A_126 = arith.mulf %get3A_122, %get3A_125 : vector<16xf32>
        %get3A_127 = arith.index_cast %add3A_119 : i32 to index
        %get3A_128 = arith.constant 16 : index
        %get3A_129 = tpu.vector_load %arg9[%get3A_127, %get3A_128] {strides = array<i32>} : memref<128x64xf32, #tpu.memory_space<vmem>>, vector<16xf32>,
        %get3A_130 = arith.index_cast %add3A_119 : i32 to index
        %get3A_131 = arith.constant 16 : index
        %get3A_132 = tpu.vector_load %arg11[%get3A_130, %get3A_131] {strides = array<i32>} : memref<128x64xf32, #tpu.memory_space<vmem>>, vector<16xf32>,
        %mul3A_133 = arith.mulf %get3A_129, %get3A_132 : vector<16xf32>
        %get3A_134 = arith.index_cast %add3A_119 : i32 to index
        %get3A_135 = arith.constant 32 : index
        %get3A_136 = tpu.vector_load %arg9[%get3A_134, %get3A_135] {strides = array<i32>} : memref<128x64xf32, #tpu.memory_space<vmem>>, vector<16xf32>,
        %get3A_137 = arith.index_cast %add3A_119 : i32 to index
        %get3A_138 = arith.constant 32 : index
        %get3A_139 = tpu.vector_load %arg11[%get3A_137, %get3A_138] {strides = array<i32>} : memref<128x64xf32, #tpu.memory_space<vmem>>, vector<16xf32>,
        %mul3A_140 = arith.mulf %get3A_136, %get3A_139 : vector<16xf32>
        %get3A_141 = arith.index_cast %add3A_119 : i32 to index
        %get3A_142 = arith.constant 48 : index
        %get3A_143 = tpu.vector_load %arg9[%get3A_141, %get3A_142] {strides = array<i32>} : memref<128x64xf32, #tpu.memory_space<vmem>>, vector<16xf32>,
        %get3A_144 = arith.index_cast %add3A_119 : i32 to index
        %get3A_145 = arith.constant 48 : index
        %get3A_146 = tpu.vector_load %arg11[%get3A_144, %get3A_145] {strides = array<i32>} : memref<128x64xf32, #tpu.memory_space<vmem>>, vector<16xf32>,
        %mul3A_147 = arith.mulf %get3A_143, %get3A_146 : vector<16xf32>
        %add3A_148 = arith.addf %mul3A_126, %mul3A_133 : vector<16xf32>
        %add3A_149 = arith.addf %mul3A_140, %mul3A_147 : vector<16xf32>
        %add3A_150 = arith.addf %add3A_148, %add3A_149 : vector<16xf32>
        %broadcast_in_dim3A_151 = arith.constant true
        %broadcast_in_dim3A_152 = vector.broadcast %broadcast_in_dim3A_151 : i1 to vector<16xi1>
        %masked_cumsum3A_153 = tpu.scan <sum>, %add3A_150 masked %broadcast_in_dim3A_152 : vector<16xf32>, vector<16xi1> -> vector<16xf32>
        %broadcast_in_dim3A_154 = vector.broadcast %add3A_119 : i32 to vector<16xi32>
        tpu.vector_store_idx %arg13[%broadcast_in_dim3A, %broadcast_in_dim3A_154], %masked_cumsum3A_153 masked %eq3A_17 : memref<32x128xf32, #tpu.memory_space<vmem>>[vector<16xi32>, vector<16xi32>], vector<16xf32>, vector<16xi1>
        %scan3A_155 = arith.constant 0 : i32
        scf.yield %scan3A_155 : i32
      }
      %scan3A_48 = arith.constant 64 : i32
      %lt3A = arith.constant 15 : i32
      %lt3A_49 = arith.cmpi slt, %scan3A_25, %lt3A : i32
      %convert_element_type3A = arith.extui %lt3A_49 : i1 to i32
      %cond3A = arith.constant 0 : i32
      %cond3A_50 = arith.cmpi ne, %convert_element_type3A, %cond3A : i32
      scf.if %cond3A_50 {
        %add3A_81 = arith.constant 2 : i32
        %add3A_82 = arith.addi %add3A_30, %add3A_81 : i32
        %scan3A_83 = arith.constant 0 : i32
        %scan3A_84 = arith.constant 0 : i32
        %scan3A_85 = arith.constant 8 : i32
        %scan3A_86 = arith.addi %scan3A_84, %scan3A_85 : i32
        %scan3A_87 = arith.constant 1 : i32
        %scan3A_88 = scf.for %scan3A_90 = %scan3A_84 to %scan3A_86 step %scan3A_87 iter_args(%scan3A_91 = %scan3A_83) -> (i32)  : i32 {
          %mul3A_92 = arith.constant 16 : i32
          %mul3A_93 = arith.muli %scan3A_90, %mul3A_92 : i32
          %multiple_of3A_94 = tpu.assume_multiple %mul3A_93, 16 : i32
          %get3A = arith.index_cast %add3A_82 : i32 to index
          %get3A_95 = arith.index_cast %multiple_of3A_94 : i32 to index
          %get3A_96 = tpu.vector_load %arg7[%get3A, %get3A_95] {strides = array<i32>} : memref<32x128xi32, #tpu.memory_space<vmem>>, vector<16xi32>,
          %get3A_97 = arith.index_cast %add3A_82 : i32 to index
          %get3A_98 = arith.index_cast %multiple_of3A_94 : i32 to index
          %get3A_99 = tpu.vector_load %arg8[%get3A_97, %get3A_98] {strides = array<i32>} : memref<32x128xi32, #tpu.memory_space<vmem>>, vector<16xi32>,
          %slice3A = vector.extract_strided_slice %get3A_96 {offsets = [0], sizes = [1], strides = [1]} : vector<16xi32> to vector<1xi32>
          %squeeze3A = vector.extract %slice3A[0] : i32 from vector<1xi32>
          %mul3A_100 = arith.constant 16 : i32
          %mul3A_101 = arith.muli %scan3A_90, %mul3A_100 : i32
          %add3A_102 = arith.constant 0 : i32
          %add3A_103 = arith.addi %mul3A_101, %add3A_102 : i32
          %dma_start3A = arith.constant 0 : i32
          %dma_start3A_104 = tpu.memref_slice %arg9[%add3A_103, %dma_start3A] : memref<128x64xf32, #tpu.memory_space<vmem>> -> memref<1x64xf32, #tpu.memory_space<vmem>>
          %dma_start3A_105 = arith.constant 0 : i32
          %dma_start3A_106 = tpu.memref_slice %arg4[%squeeze3A, %dma_start3A_105] : memref<1000000x64xf32, #tpu.memory_space<hbm>> -> memref<1x64xf32, #tpu.memory_space<hbm>>
          %dma_start3A_107 = arith.constant 0 : i32
          %dma_start3A_108 = tpu.memref_slice %arg9[%add3A_103, %dma_start3A_107] : memref<128x64xf32, #tpu.memory_space<vmem>> -> memref<1x64xf32, #tpu.memory_space<vmem>>
          %dma_start3A_109 = arith.constant 0 : i32
          %dma_start3A_110 = tpu.memref_slice %arg4[%squeeze3A, %dma_start3A_109] : memref<1000000x64xf32, #tpu.memory_space<hbm>> -> memref<1x64xf32, #tpu.memory_space<hbm>>
          tpu.enqueue_dma source(%dma_start3A_110 : memref<1x64xf32, #tpu.memory_space<hbm>>) target(%dma_start3A_108 : memref<1x64xf32, #tpu.memory_space<vmem>>) target_semaphore(%arg14 : memref<!tpu.dma_semaphore, #tpu.memory_space<semaphore_mem>>)
          %slice3A_111 = vector.extract_strided_slice %get3A_99 {offsets = [0], sizes = [1], strides = [1]} : vector<16xi32> to vector<1xi32>
          %squeeze3A_112 = vector.extract %slice3A_111[0] : i32 from vector<1xi32>
          %mul3A_113 = arith.constant 16 : i32
          %mul3A_114 = arith.muli %scan3A_90, %mul3A_113 : i32
          %add3A_115 = arith.constant 0 : i32
          %add3A_116 = arith.addi %mul3A_114, %add3A_115 : i32
          %dma_start3A_117 = arith.constant 0 : i32
          %dma_start3A_118 = tpu.memref_slice %arg11[%add3A_116, %dma_start3A_117] : memref<128x64xf32, #tpu.memory_space<vmem>> -> memref<1x64xf32, #tpu.memory_space<vmem>>
          %dma_start3A_119 = arith.constant 0 : i32
          %dma_start3A_120 = tpu.memref_slice %arg5[%squeeze3A_112, %dma_start3A_119] : memref<1000000x64xf32, #tpu.memory_space<hbm>> -> memref<1x64xf32, #tpu.memory_space<hbm>>
          %dma_start3A_121 = arith.constant 0 : i32
          %dma_start3A_122 = tpu.memref_slice %arg11[%add3A_116, %dma_start3A_121] : memref<128x64xf32, #tpu.memory_space<vmem>> -> memref<1x64xf32, #tpu.memory_space<vmem>>
          %dma_start3A_123 = arith.constant 0 : i32
          %dma_start3A_124 = tpu.memref_slice %arg5[%squeeze3A_112, %dma_start3A_123] : memref<1000000x64xf32, #tpu.memory_space<hbm>> -> memref<1x64xf32, #tpu.memory_space<hbm>>
          tpu.enqueue_dma source(%dma_start3A_124 : memref<1x64xf32, #tpu.memory_space<hbm>>) target(%dma_start3A_122 : memref<1x64xf32, #tpu.memory_space<vmem>>) target_semaphore(%arg14 : memref<!tpu.dma_semaphore, #tpu.memory_space<semaphore_mem>>)
          %slice3A_125 = vector.extract_strided_slice %get3A_96 {offsets = [1], sizes = [1], strides = [1]} : vector<16xi32> to vector<1xi32>
          %squeeze3A_126 = vector.extract %slice3A_125[0] : i32 from vector<1xi32>
          %mul3A_127 = arith.constant 16 : i32
          %mul3A_128 = arith.muli %scan3A_90, %mul3A_127 : i32
          %add3A_129 = arith.constant 1 : i32
          %add3A_130 = arith.addi %mul3A_128, %add3A_129 : i32
          %dma_start3A_131 = arith.constant 0 : i32
          %dma_start3A_132 = tpu.memref_slice %arg9[%add3A_130, %dma_start3A_131] : memref<128x64xf32, #tpu.memory_space<vmem>> -> memref<1x64xf32, #tpu.memory_space<vmem>>
          %dma_start3A_133 = arith.constant 0 : i32
          %dma_start3A_134 = tpu.memref_slice %arg4[%squeeze3A_126, %dma_start3A_133] : memref<1000000x64xf32, #tpu.memory_space<hbm>> -> memref<1x64xf32, #tpu.memory_space<hbm>>
          %dma_start3A_135 = arith.constant 0 : i32
          %dma_start3A_136 = tpu.memref_slice %arg9[%add3A_130, %dma_start3A_135] : memref<128x64xf32, #tpu.memory_space<vmem>> -> memref<1x64xf32, #tpu.memory_space<vmem>>
          %dma_start3A_137 = arith.constant 0 : i32
          %dma_start3A_138 = tpu.memref_slice %arg4[%squeeze3A_126, %dma_start3A_137] : memref<1000000x64xf32, #tpu.memory_space<hbm>> -> memref<1x64xf32, #tpu.memory_space<hbm>>
          tpu.enqueue_dma source(%dma_start3A_138 : memref<1x64xf32, #tpu.memory_space<hbm>>) target(%dma_start3A_136 : memref<1x64xf32, #tpu.memory_space<vmem>>) target_semaphore(%arg14 : memref<!tpu.dma_semaphore, #tpu.memory_space<semaphore_mem>>)
          %slice3A_139 = vector.extract_strided_slice %get3A_99 {offsets = [1], sizes = [1], strides = [1]} : vector<16xi32> to vector<1xi32>
          %squeeze3A_140 = vector.extract %slice3A_139[0] : i32 from vector<1xi32>
          %mul3A_141 = arith.constant 16 : i32
          %mul3A_142 = arith.muli %scan3A_90, %mul3A_141 : i32
          %add3A_143 = arith.constant 1 : i32
          %add3A_144 = arith.addi %mul3A_142, %add3A_143 : i32
          %dma_start3A_145 = arith.constant 0 : i32
          %dma_start3A_146 = tpu.memref_slice %arg11[%add3A_144, %dma_start3A_145] : memref<128x64xf32, #tpu.memory_space<vmem>> -> memref<1x64xf32, #tpu.memory_space<vmem>>
          %dma_start3A_147 = arith.constant 0 : i32
          %dma_start3A_148 = tpu.memref_slice %arg5[%squeeze3A_140, %dma_start3A_147] : memref<1000000x64xf32, #tpu.memory_space<hbm>> -> memref<1x64xf32, #tpu.memory_space<hbm>>
          %dma_start3A_149 = arith.constant 0 : i32
          %dma_start3A_150 = tpu.memref_slice %arg11[%add3A_144, %dma_start3A_149] : memref<128x64xf32, #tpu.memory_space<vmem>> -> memref<1x64xf32, #tpu.memory_space<vmem>>
          %dma_start3A_151 = arith.constant 0 : i32
          %dma_start3A_152 = tpu.memref_slice %arg5[%squeeze3A_140, %dma_start3A_151] : memref<1000000x64xf32, #tpu.memory_space<hbm>> -> memref<1x64xf32, #tpu.memory_space<hbm>>
          tpu.enqueue_dma source(%dma_start3A_152 : memref<1x64xf32, #tpu.memory_space<hbm>>) target(%dma_start3A_150 : memref<1x64xf32, #tpu.memory_space<vmem>>) target_semaphore(%arg14 : memref<!tpu.dma_semaphore, #tpu.memory_space<semaphore_mem>>)
          %slice3A_153 = vector.extract_strided_slice %get3A_96 {offsets = [2], sizes = [1], strides = [1]} : vector<16xi32> to vector<1xi32>
          %squeeze3A_154 = vector.extract %slice3A_153[0] : i32 from vector<1xi32>
          %mul3A_155 = arith.constant 16 : i32
          %mul3A_156 = arith.muli %scan3A_90, %mul3A_155 : i32
          %add3A_157 = arith.constant 2 : i32
          %add3A_158 = arith.addi %mul3A_156, %add3A_157 : i32
          %dma_start3A_159 = arith.constant 0 : i32
          %dma_start3A_160 = tpu.memref_slice %arg9[%add3A_158, %dma_start3A_159] : memref<128x64xf32, #tpu.memory_space<vmem>> -> memref<1x64xf32, #tpu.memory_space<vmem>>
          %dma_start3A_161 = arith.constant 0 : i32
          %dma_start3A_162 = tpu.memref_slice %arg4[%squeeze3A_154, %dma_start3A_161] : memref<1000000x64xf32, #tpu.memory_space<hbm>> -> memref<1x64xf32, #tpu.memory_space<hbm>>
          %dma_start3A_163 = arith.constant 0 : i32
          %dma_start3A_164 = tpu.memref_slice %arg9[%add3A_158, %dma_start3A_163] : memref<128x64xf32, #tpu.memory_space<vmem>> -> memref<1x64xf32, #tpu.memory_space<vmem>>
          %dma_start3A_165 = arith.constant 0 : i32
          %dma_start3A_166 = tpu.memref_slice %arg4[%squeeze3A_154, %dma_start3A_165] : memref<1000000x64xf32, #tpu.memory_space<hbm>> -> memref<1x64xf32, #tpu.memory_space<hbm>>
          tpu.enqueue_dma source(%dma_start3A_166 : memref<1x64xf32, #tpu.memory_space<hbm>>) target(%dma_start3A_164 : memref<1x64xf32, #tpu.memory_space<vmem>>) target_semaphore(%arg14 : memref<!tpu.dma_semaphore, #tpu.memory_space<semaphore_mem>>)
          %slice3A_167 = vector.extract_strided_slice %get3A_99 {offsets = [2], sizes = [1], strides = [1]} : vector<16xi32> to vector<1xi32>
          %squeeze3A_168 = vector.extract %slice3A_167[0] : i32 from vector<1xi32>
          %mul3A_169 = arith.constant 16 : i32
          %mul3A_170 = arith.muli %scan3A_90, %mul3A_169 : i32
          %add3A_171 = arith.constant 2 : i32
          %add3A_172 = arith.addi %mul3A_170, %add3A_171 : i32
          %dma_start3A_173 = arith.constant 0 : i32
          %dma_start3A_174 = tpu.memref_slice %arg11[%add3A_172, %dma_start3A_173] : memref<128x64xf32, #tpu.memory_space<vmem>> -> memref<1x64xf32, #tpu.memory_space<vmem>>
          %dma_start3A_175 = arith.constant 0 : i32
          %dma_start3A_176 = tpu.memref_slice %arg5[%squeeze3A_168, %dma_start3A_175] : memref<1000000x64xf32, #tpu.memory_space<hbm>> -> memref<1x64xf32, #tpu.memory_space<hbm>>
          %dma_start3A_177 = arith.constant 0 : i32
          %dma_start3A_178 = tpu.memref_slice %arg11[%add3A_172, %dma_start3A_177] : memref<128x64xf32, #tpu.memory_space<vmem>> -> memref<1x64xf32, #tpu.memory_space<vmem>>
          %dma_start3A_179 = arith.constant 0 : i32
          %dma_start3A_180 = tpu.memref_slice %arg5[%squeeze3A_168, %dma_start3A_179] : memref<1000000x64xf32, #tpu.memory_space<hbm>> -> memref<1x64xf32, #tpu.memory_space<hbm>>
          tpu.enqueue_dma source(%dma_start3A_180 : memref<1x64xf32, #tpu.memory_space<hbm>>) target(%dma_start3A_178 : memref<1x64xf32, #tpu.memory_space<vmem>>) target_semaphore(%arg14 : memref<!tpu.dma_semaphore, #tpu.memory_space<semaphore_mem>>)
          %slice3A_181 = vector.extract_strided_slice %get3A_96 {offsets = [3], sizes = [1], strides = [1]} : vector<16xi32> to vector<1xi32>
          %squeeze3A_182 = vector.extract %slice3A_181[0] : i32 from vector<1xi32>
          %mul3A_183 = arith.constant 16 : i32
          %mul3A_184 = arith.muli %scan3A_90, %mul3A_183 : i32
          %add3A_185 = arith.constant 3 : i32
          %add3A_186 = arith.addi %mul3A_184, %add3A_185 : i32
          %dma_start3A_187 = arith.constant 0 : i32
          %dma_start3A_188 = tpu.memref_slice %arg9[%add3A_186, %dma_start3A_187] : memref<128x64xf32, #tpu.memory_space<vmem>> -> memref<1x64xf32, #tpu.memory_space<vmem>>
          %dma_start3A_189 = arith.constant 0 : i32
          %dma_start3A_190 = tpu.memref_slice %arg4[%squeeze3A_182, %dma_start3A_189] : memref<1000000x64xf32, #tpu.memory_space<hbm>> -> memref<1x64xf32, #tpu.memory_space<hbm>>
          %dma_start3A_191 = arith.constant 0 : i32
          %dma_start3A_192 = tpu.memref_slice %arg9[%add3A_186, %dma_start3A_191] : memref<128x64xf32, #tpu.memory_space<vmem>> -> memref<1x64xf32, #tpu.memory_space<vmem>>
          %dma_start3A_193 = arith.constant 0 : i32
          %dma_start3A_194 = tpu.memref_slice %arg4[%squeeze3A_182, %dma_start3A_193] : memref<1000000x64xf32, #tpu.memory_space<hbm>> -> memref<1x64xf32, #tpu.memory_space<hbm>>
          tpu.enqueue_dma source(%dma_start3A_194 : memref<1x64xf32, #tpu.memory_space<hbm>>) target(%dma_start3A_192 : memref<1x64xf32, #tpu.memory_space<vmem>>) target_semaphore(%arg14 : memref<!tpu.dma_semaphore, #tpu.memory_space<semaphore_mem>>)
          %slice3A_195 = vector.extract_strided_slice %get3A_99 {offsets = [3], sizes = [1], strides = [1]} : vector<16xi32> to vector<1xi32>
          %squeeze3A_196 = vector.extract %slice3A_195[0] : i32 from vector<1xi32>
          %mul3A_197 = arith.constant 16 : i32
          %mul3A_198 = arith.muli %scan3A_90, %mul3A_197 : i32
          %add3A_199 = arith.constant 3 : i32
          %add3A_200 = arith.addi %mul3A_198, %add3A_199 : i32
          %dma_start3A_201 = arith.constant 0 : i32
          %dma_start3A_202 = tpu.memref_slice %arg11[%add3A_200, %dma_start3A_201] : memref<128x64xf32, #tpu.memory_space<vmem>> -> memref<1x64xf32, #tpu.memory_space<vmem>>
          %dma_start3A_203 = arith.constant 0 : i32
          %dma_start3A_204 = tpu.memref_slice %arg5[%squeeze3A_196, %dma_start3A_203] : memref<1000000x64xf32, #tpu.memory_space<hbm>> -> memref<1x64xf32, #tpu.memory_space<hbm>>
          %dma_start3A_205 = arith.constant 0 : i32
          %dma_start3A_206 = tpu.memref_slice %arg11[%add3A_200, %dma_start3A_205] : memref<128x64xf32, #tpu.memory_space<vmem>> -> memref<1x64xf32, #tpu.memory_space<vmem>>
          %dma_start3A_207 = arith.constant 0 : i32
          %dma_start3A_208 = tpu.memref_slice %arg5[%squeeze3A_196, %dma_start3A_207] : memref<1000000x64xf32, #tpu.memory_space<hbm>> -> memref<1x64xf32, #tpu.memory_space<hbm>>
          tpu.enqueue_dma source(%dma_start3A_208 : memref<1x64xf32, #tpu.memory_space<hbm>>) target(%dma_start3A_206 : memref<1x64xf32, #tpu.memory_space<vmem>>) target_semaphore(%arg14 : memref<!tpu.dma_semaphore, #tpu.memory_space<semaphore_mem>>)
          %slice3A_209 = vector.extract_strided_slice %get3A_96 {offsets = [4], sizes = [1], strides = [1]} : vector<16xi32> to vector<1xi32>
          %squeeze3A_210 = vector.extract %slice3A_209[0] : i32 from vector<1xi32>
          %mul3A_211 = arith.constant 16 : i32
          %mul3A_212 = arith.muli %scan3A_90, %mul3A_211 : i32
          %add3A_213 = arith.constant 4 : i32
          %add3A_214 = arith.addi %mul3A_212, %add3A_213 : i32
          %dma_start3A_215 = arith.constant 0 : i32
          %dma_start3A_216 = tpu.memref_slice %arg9[%add3A_214, %dma_start3A_215] : memref<128x64xf32, #tpu.memory_space<vmem>> -> memref<1x64xf32, #tpu.memory_space<vmem>>
          %dma_start3A_217 = arith.constant 0 : i32
          %dma_start3A_218 = tpu.memref_slice %arg4[%squeeze3A_210, %dma_start3A_217] : memref<1000000x64xf32, #tpu.memory_space<hbm>> -> memref<1x64xf32, #tpu.memory_space<hbm>>
          %dma_start3A_219 = arith.constant 0 : i32
          %dma_start3A_220 = tpu.memref_slice %arg9[%add3A_214, %dma_start3A_219] : memref<128x64xf32, #tpu.memory_space<vmem>> -> memref<1x64xf32, #tpu.memory_space<vmem>>
          %dma_start3A_221 = arith.constant 0 : i32
          %dma_start3A_222 = tpu.memref_slice %arg4[%squeeze3A_210, %dma_start3A_221] : memref<1000000x64xf32, #tpu.memory_space<hbm>> -> memref<1x64xf32, #tpu.memory_space<hbm>>
          tpu.enqueue_dma source(%dma_start3A_222 : memref<1x64xf32, #tpu.memory_space<hbm>>) target(%dma_start3A_220 : memref<1x64xf32, #tpu.memory_space<vmem>>) target_semaphore(%arg14 : memref<!tpu.dma_semaphore, #tpu.memory_space<semaphore_mem>>)
          %slice3A_223 = vector.extract_strided_slice %get3A_99 {offsets = [4], sizes = [1], strides = [1]} : vector<16xi32> to vector<1xi32>
          %squeeze3A_224 = vector.extract %slice3A_223[0] : i32 from vector<1xi32>
          %mul3A_225 = arith.constant 16 : i32
          %mul3A_226 = arith.muli %scan3A_90, %mul3A_225 : i32
          %add3A_227 = arith.constant 4 : i32
          %add3A_228 = arith.addi %mul3A_226, %add3A_227 : i32
          %dma_start3A_229 = arith.constant 0 : i32
          %dma_start3A_230 = tpu.memref_slice %arg11[%add3A_228, %dma_start3A_229] : memref<128x64xf32, #tpu.memory_space<vmem>> -> memref<1x64xf32, #tpu.memory_space<vmem>>
          %dma_start3A_231 = arith.constant 0 : i32
          %dma_start3A_232 = tpu.memref_slice %arg5[%squeeze3A_224, %dma_start3A_231] : memref<1000000x64xf32, #tpu.memory_space<hbm>> -> memref<1x64xf32, #tpu.memory_space<hbm>>
          %dma_start3A_233 = arith.constant 0 : i32
          %dma_start3A_234 = tpu.memref_slice %arg11[%add3A_228, %dma_start3A_233] : memref<128x64xf32, #tpu.memory_space<vmem>> -> memref<1x64xf32, #tpu.memory_space<vmem>>
          %dma_start3A_235 = arith.constant 0 : i32
          %dma_start3A_236 = tpu.memref_slice %arg5[%squeeze3A_224, %dma_start3A_235] : memref<1000000x64xf32, #tpu.memory_space<hbm>> -> memref<1x64xf32, #tpu.memory_space<hbm>>
          tpu.enqueue_dma source(%dma_start3A_236 : memref<1x64xf32, #tpu.memory_space<hbm>>) target(%dma_start3A_234 : memref<1x64xf32, #tpu.memory_space<vmem>>) target_semaphore(%arg14 : memref<!tpu.dma_semaphore, #tpu.memory_space<semaphore_mem>>)
          %slice3A_237 = vector.extract_strided_slice %get3A_96 {offsets = [5], sizes = [1], strides = [1]} : vector<16xi32> to vector<1xi32>
          %squeeze3A_238 = vector.extract %slice3A_237[0] : i32 from vector<1xi32>
          %mul3A_239 = arith.constant 16 : i32
          %mul3A_240 = arith.muli %scan3A_90, %mul3A_239 : i32
          %add3A_241 = arith.constant 5 : i32
          %add3A_242 = arith.addi %mul3A_240, %add3A_241 : i32
          %dma_start3A_243 = arith.constant 0 : i32
          %dma_start3A_244 = tpu.memref_slice %arg9[%add3A_242, %dma_start3A_243] : memref<128x64xf32, #tpu.memory_space<vmem>> -> memref<1x64xf32, #tpu.memory_space<vmem>>
          %dma_start3A_245 = arith.constant 0 : i32
          %dma_start3A_246 = tpu.memref_slice %arg4[%squeeze3A_238, %dma_start3A_245] : memref<1000000x64xf32, #tpu.memory_space<hbm>> -> memref<1x64xf32, #tpu.memory_space<hbm>>
          %dma_start3A_247 = arith.constant 0 : i32
          %dma_start3A_248 = tpu.memref_slice %arg9[%add3A_242, %dma_start3A_247] : memref<128x64xf32, #tpu.memory_space<vmem>> -> memref<1x64xf32, #tpu.memory_space<vmem>>
          %dma_start3A_249 = arith.constant 0 : i32
          %dma_start3A_250 = tpu.memref_slice %arg4[%squeeze3A_238, %dma_start3A_249] : memref<1000000x64xf32, #tpu.memory_space<hbm>> -> memref<1x64xf32, #tpu.memory_space<hbm>>
          tpu.enqueue_dma source(%dma_start3A_250 : memref<1x64xf32, #tpu.memory_space<hbm>>) target(%dma_start3A_248 : memref<1x64xf32, #tpu.memory_space<vmem>>) target_semaphore(%arg14 : memref<!tpu.dma_semaphore, #tpu.memory_space<semaphore_mem>>)
          %slice3A_251 = vector.extract_strided_slice %get3A_99 {offsets = [5], sizes = [1], strides = [1]} : vector<16xi32> to vector<1xi32>
          %squeeze3A_252 = vector.extract %slice3A_251[0] : i32 from vector<1xi32>
          %mul3A_253 = arith.constant 16 : i32
          %mul3A_254 = arith.muli %scan3A_90, %mul3A_253 : i32
          %add3A_255 = arith.constant 5 : i32
          %add3A_256 = arith.addi %mul3A_254, %add3A_255 : i32
          %dma_start3A_257 = arith.constant 0 : i32
          %dma_start3A_258 = tpu.memref_slice %arg11[%add3A_256, %dma_start3A_257] : memref<128x64xf32, #tpu.memory_space<vmem>> -> memref<1x64xf32, #tpu.memory_space<vmem>>
          %dma_start3A_259 = arith.constant 0 : i32
          %dma_start3A_260 = tpu.memref_slice %arg5[%squeeze3A_252, %dma_start3A_259] : memref<1000000x64xf32, #tpu.memory_space<hbm>> -> memref<1x64xf32, #tpu.memory_space<hbm>>
          %dma_start3A_261 = arith.constant 0 : i32
          %dma_start3A_262 = tpu.memref_slice %arg11[%add3A_256, %dma_start3A_261] : memref<128x64xf32, #tpu.memory_space<vmem>> -> memref<1x64xf32, #tpu.memory_space<vmem>>
          %dma_start3A_263 = arith.constant 0 : i32
          %dma_start3A_264 = tpu.memref_slice %arg5[%squeeze3A_252, %dma_start3A_263] : memref<1000000x64xf32, #tpu.memory_space<hbm>> -> memref<1x64xf32, #tpu.memory_space<hbm>>
          tpu.enqueue_dma source(%dma_start3A_264 : memref<1x64xf32, #tpu.memory_space<hbm>>) target(%dma_start3A_262 : memref<1x64xf32, #tpu.memory_space<vmem>>) target_semaphore(%arg14 : memref<!tpu.dma_semaphore, #tpu.memory_space<semaphore_mem>>)
          %slice3A_265 = vector.extract_strided_slice %get3A_96 {offsets = [6], sizes = [1], strides = [1]} : vector<16xi32> to vector<1xi32>
          %squeeze3A_266 = vector.extract %slice3A_265[0] : i32 from vector<1xi32>
          %mul3A_267 = arith.constant 16 : i32
          %mul3A_268 = arith.muli %scan3A_90, %mul3A_267 : i32
          %add3A_269 = arith.constant 6 : i32
          %add3A_270 = arith.addi %mul3A_268, %add3A_269 : i32
          %dma_start3A_271 = arith.constant 0 : i32
          %dma_start3A_272 = tpu.memref_slice %arg9[%add3A_270, %dma_start3A_271] : memref<128x64xf32, #tpu.memory_space<vmem>> -> memref<1x64xf32, #tpu.memory_space<vmem>>
          %dma_start3A_273 = arith.constant 0 : i32
          %dma_start3A_274 = tpu.memref_slice %arg4[%squeeze3A_266, %dma_start3A_273] : memref<1000000x64xf32, #tpu.memory_space<hbm>> -> memref<1x64xf32, #tpu.memory_space<hbm>>
          %dma_start3A_275 = arith.constant 0 : i32
          %dma_start3A_276 = tpu.memref_slice %arg9[%add3A_270, %dma_start3A_275] : memref<128x64xf32, #tpu.memory_space<vmem>> -> memref<1x64xf32, #tpu.memory_space<vmem>>
          %dma_start3A_277 = arith.constant 0 : i32
          %dma_start3A_278 = tpu.memref_slice %arg4[%squeeze3A_266, %dma_start3A_277] : memref<1000000x64xf32, #tpu.memory_space<hbm>> -> memref<1x64xf32, #tpu.memory_space<hbm>>
          tpu.enqueue_dma source(%dma_start3A_278 : memref<1x64xf32, #tpu.memory_space<hbm>>) target(%dma_start3A_276 : memref<1x64xf32, #tpu.memory_space<vmem>>) target_semaphore(%arg14 : memref<!tpu.dma_semaphore, #tpu.memory_space<semaphore_mem>>)
          %slice3A_279 = vector.extract_strided_slice %get3A_99 {offsets = [6], sizes = [1], strides = [1]} : vector<16xi32> to vector<1xi32>
          %squeeze3A_280 = vector.extract %slice3A_279[0] : i32 from vector<1xi32>
          %mul3A_281 = arith.constant 16 : i32
          %mul3A_282 = arith.muli %scan3A_90, %mul3A_281 : i32
          %add3A_283 = arith.constant 6 : i32
          %add3A_284 = arith.addi %mul3A_282, %add3A_283 : i32
          %dma_start3A_285 = arith.constant 0 : i32
          %dma_start3A_286 = tpu.memref_slice %arg11[%add3A_284, %dma_start3A_285] : memref<128x64xf32, #tpu.memory_space<vmem>> -> memref<1x64xf32, #tpu.memory_space<vmem>>
          %dma_start3A_287 = arith.constant 0 : i32
          %dma_start3A_288 = tpu.memref_slice %arg5[%squeeze3A_280, %dma_start3A_287] : memref<1000000x64xf32, #tpu.memory_space<hbm>> -> memref<1x64xf32, #tpu.memory_space<hbm>>
          %dma_start3A_289 = arith.constant 0 : i32
          %dma_start3A_290 = tpu.memref_slice %arg11[%add3A_284, %dma_start3A_289] : memref<128x64xf32, #tpu.memory_space<vmem>> -> memref<1x64xf32, #tpu.memory_space<vmem>>
          %dma_start3A_291 = arith.constant 0 : i32
          %dma_start3A_292 = tpu.memref_slice %arg5[%squeeze3A_280, %dma_start3A_291] : memref<1000000x64xf32, #tpu.memory_space<hbm>> -> memref<1x64xf32, #tpu.memory_space<hbm>>
          tpu.enqueue_dma source(%dma_start3A_292 : memref<1x64xf32, #tpu.memory_space<hbm>>) target(%dma_start3A_290 : memref<1x64xf32, #tpu.memory_space<vmem>>) target_semaphore(%arg14 : memref<!tpu.dma_semaphore, #tpu.memory_space<semaphore_mem>>)
          %slice3A_293 = vector.extract_strided_slice %get3A_96 {offsets = [7], sizes = [1], strides = [1]} : vector<16xi32> to vector<1xi32>
          %squeeze3A_294 = vector.extract %slice3A_293[0] : i32 from vector<1xi32>
          %mul3A_295 = arith.constant 16 : i32
          %mul3A_296 = arith.muli %scan3A_90, %mul3A_295 : i32
          %add3A_297 = arith.constant 7 : i32
          %add3A_298 = arith.addi %mul3A_296, %add3A_297 : i32
          %dma_start3A_299 = arith.constant 0 : i32
          %dma_start3A_300 = tpu.memref_slice %arg9[%add3A_298, %dma_start3A_299] : memref<128x64xf32, #tpu.memory_space<vmem>> -> memref<1x64xf32, #tpu.memory_space<vmem>>
          %dma_start3A_301 = arith.constant 0 : i32
          %dma_start3A_302 = tpu.memref_slice %arg4[%squeeze3A_294, %dma_start3A_301] : memref<1000000x64xf32, #tpu.memory_space<hbm>> -> memref<1x64xf32, #tpu.memory_space<hbm>>
          %dma_start3A_303 = arith.constant 0 : i32
          %dma_start3A_304 = tpu.memref_slice %arg9[%add3A_298, %dma_start3A_303] : memref<128x64xf32, #tpu.memory_space<vmem>> -> memref<1x64xf32, #tpu.memory_space<vmem>>
          %dma_start3A_305 = arith.constant 0 : i32
          %dma_start3A_306 = tpu.memref_slice %arg4[%squeeze3A_294, %dma_start3A_305] : memref<1000000x64xf32, #tpu.memory_space<hbm>> -> memref<1x64xf32, #tpu.memory_space<hbm>>
          tpu.enqueue_dma source(%dma_start3A_306 : memref<1x64xf32, #tpu.memory_space<hbm>>) target(%dma_start3A_304 : memref<1x64xf32, #tpu.memory_space<vmem>>) target_semaphore(%arg14 : memref<!tpu.dma_semaphore, #tpu.memory_space<semaphore_mem>>)
          %slice3A_307 = vector.extract_strided_slice %get3A_99 {offsets = [7], sizes = [1], strides = [1]} : vector<16xi32> to vector<1xi32>
          %squeeze3A_308 = vector.extract %slice3A_307[0] : i32 from vector<1xi32>
          %mul3A_309 = arith.constant 16 : i32
          %mul3A_310 = arith.muli %scan3A_90, %mul3A_309 : i32
          %add3A_311 = arith.constant 7 : i32
          %add3A_312 = arith.addi %mul3A_310, %add3A_311 : i32
          %dma_start3A_313 = arith.constant 0 : i32
          %dma_start3A_314 = tpu.memref_slice %arg11[%add3A_312, %dma_start3A_313] : memref<128x64xf32, #tpu.memory_space<vmem>> -> memref<1x64xf32, #tpu.memory_space<vmem>>
          %dma_start3A_315 = arith.constant 0 : i32
          %dma_start3A_316 = tpu.memref_slice %arg5[%squeeze3A_308, %dma_start3A_315] : memref<1000000x64xf32, #tpu.memory_space<hbm>> -> memref<1x64xf32, #tpu.memory_space<hbm>>
          %dma_start3A_317 = arith.constant 0 : i32
          %dma_start3A_318 = tpu.memref_slice %arg11[%add3A_312, %dma_start3A_317] : memref<128x64xf32, #tpu.memory_space<vmem>> -> memref<1x64xf32, #tpu.memory_space<vmem>>
          %dma_start3A_319 = arith.constant 0 : i32
          %dma_start3A_320 = tpu.memref_slice %arg5[%squeeze3A_308, %dma_start3A_319] : memref<1000000x64xf32, #tpu.memory_space<hbm>> -> memref<1x64xf32, #tpu.memory_space<hbm>>
          tpu.enqueue_dma source(%dma_start3A_320 : memref<1x64xf32, #tpu.memory_space<hbm>>) target(%dma_start3A_318 : memref<1x64xf32, #tpu.memory_space<vmem>>) target_semaphore(%arg14 : memref<!tpu.dma_semaphore, #tpu.memory_space<semaphore_mem>>)
          %slice3A_321 = vector.extract_strided_slice %get3A_96 {offsets = [8], sizes = [1], strides = [1]} : vector<16xi32> to vector<1xi32>
          %squeeze3A_322 = vector.extract %slice3A_321[0] : i32 from vector<1xi32>
          %mul3A_323 = arith.constant 16 : i32
          %mul3A_324 = arith.muli %scan3A_90, %mul3A_323 : i32
          %add3A_325 = arith.constant 8 : i32
          %add3A_326 = arith.addi %mul3A_324, %add3A_325 : i32
          %dma_start3A_327 = arith.constant 0 : i32
          %dma_start3A_328 = tpu.memref_slice %arg9[%add3A_326, %dma_start3A_327] : memref<128x64xf32, #tpu.memory_space<vmem>> -> memref<1x64xf32, #tpu.memory_space<vmem>>
          %dma_start3A_329 = arith.constant 0 : i32
          %dma_start3A_330 = tpu.memref_slice %arg4[%squeeze3A_322, %dma_start3A_329] : memref<1000000x64xf32, #tpu.memory_space<hbm>> -> memref<1x64xf32, #tpu.memory_space<hbm>>
          %dma_start3A_331 = arith.constant 0 : i32
          %dma_start3A_332 = tpu.memref_slice %arg9[%add3A_326, %dma_start3A_331] : memref<128x64xf32, #tpu.memory_space<vmem>> -> memref<1x64xf32, #tpu.memory_space<vmem>>
          %dma_start3A_333 = arith.constant 0 : i32
          %dma_start3A_334 = tpu.memref_slice %arg4[%squeeze3A_322, %dma_start3A_333] : memref<1000000x64xf32, #tpu.memory_space<hbm>> -> memref<1x64xf32, #tpu.memory_space<hbm>>
          tpu.enqueue_dma source(%dma_start3A_334 : memref<1x64xf32, #tpu.memory_space<hbm>>) target(%dma_start3A_332 : memref<1x64xf32, #tpu.memory_space<vmem>>) target_semaphore(%arg14 : memref<!tpu.dma_semaphore, #tpu.memory_space<semaphore_mem>>)
          %slice3A_335 = vector.extract_strided_slice %get3A_99 {offsets = [8], sizes = [1], strides = [1]} : vector<16xi32> to vector<1xi32>
          %squeeze3A_336 = vector.extract %slice3A_335[0] : i32 from vector<1xi32>
          %mul3A_337 = arith.constant 16 : i32
          %mul3A_338 = arith.muli %scan3A_90, %mul3A_337 : i32
          %add3A_339 = arith.constant 8 : i32
          %add3A_340 = arith.addi %mul3A_338, %add3A_339 : i32
          %dma_start3A_341 = arith.constant 0 : i32
          %dma_start3A_342 = tpu.memref_slice %arg11[%add3A_340, %dma_start3A_341] : memref<128x64xf32, #tpu.memory_space<vmem>> -> memref<1x64xf32, #tpu.memory_space<vmem>>
          %dma_start3A_343 = arith.constant 0 : i32
          %dma_start3A_344 = tpu.memref_slice %arg5[%squeeze3A_336, %dma_start3A_343] : memref<1000000x64xf32, #tpu.memory_space<hbm>> -> memref<1x64xf32, #tpu.memory_space<hbm>>
          %dma_start3A_345 = arith.constant 0 : i32
          %dma_start3A_346 = tpu.memref_slice %arg11[%add3A_340, %dma_start3A_345] : memref<128x64xf32, #tpu.memory_space<vmem>> -> memref<1x64xf32, #tpu.memory_space<vmem>>
          %dma_start3A_347 = arith.constant 0 : i32
          %dma_start3A_348 = tpu.memref_slice %arg5[%squeeze3A_336, %dma_start3A_347] : memref<1000000x64xf32, #tpu.memory_space<hbm>> -> memref<1x64xf32, #tpu.memory_space<hbm>>
          tpu.enqueue_dma source(%dma_start3A_348 : memref<1x64xf32, #tpu.memory_space<hbm>>) target(%dma_start3A_346 : memref<1x64xf32, #tpu.memory_space<vmem>>) target_semaphore(%arg14 : memref<!tpu.dma_semaphore, #tpu.memory_space<semaphore_mem>>)
          %slice3A_349 = vector.extract_strided_slice %get3A_96 {offsets = [9], sizes = [1], strides = [1]} : vector<16xi32> to vector<1xi32>
          %squeeze3A_350 = vector.extract %slice3A_349[0] : i32 from vector<1xi32>
          %mul3A_351 = arith.constant 16 : i32
          %mul3A_352 = arith.muli %scan3A_90, %mul3A_351 : i32
          %add3A_353 = arith.constant 9 : i32
          %add3A_354 = arith.addi %mul3A_352, %add3A_353 : i32
          %dma_start3A_355 = arith.constant 0 : i32
          %dma_start3A_356 = tpu.memref_slice %arg9[%add3A_354, %dma_start3A_355] : memref<128x64xf32, #tpu.memory_space<vmem>> -> memref<1x64xf32, #tpu.memory_space<vmem>>
          %dma_start3A_357 = arith.constant 0 : i32
          %dma_start3A_358 = tpu.memref_slice %arg4[%squeeze3A_350, %dma_start3A_357] : memref<1000000x64xf32, #tpu.memory_space<hbm>> -> memref<1x64xf32, #tpu.memory_space<hbm>>
          %dma_start3A_359 = arith.constant 0 : i32
          %dma_start3A_360 = tpu.memref_slice %arg9[%add3A_354, %dma_start3A_359] : memref<128x64xf32, #tpu.memory_space<vmem>> -> memref<1x64xf32, #tpu.memory_space<vmem>>
          %dma_start3A_361 = arith.constant 0 : i32
          %dma_start3A_362 = tpu.memref_slice %arg4[%squeeze3A_350, %dma_start3A_361] : memref<1000000x64xf32, #tpu.memory_space<hbm>> -> memref<1x64xf32, #tpu.memory_space<hbm>>
          tpu.enqueue_dma source(%dma_start3A_362 : memref<1x64xf32, #tpu.memory_space<hbm>>) target(%dma_start3A_360 : memref<1x64xf32, #tpu.memory_space<vmem>>) target_semaphore(%arg14 : memref<!tpu.dma_semaphore, #tpu.memory_space<semaphore_mem>>)
          %slice3A_363 = vector.extract_strided_slice %get3A_99 {offsets = [9], sizes = [1], strides = [1]} : vector<16xi32> to vector<1xi32>
          %squeeze3A_364 = vector.extract %slice3A_363[0] : i32 from vector<1xi32>
          %mul3A_365 = arith.constant 16 : i32
          %mul3A_366 = arith.muli %scan3A_90, %mul3A_365 : i32
          %add3A_367 = arith.constant 9 : i32
          %add3A_368 = arith.addi %mul3A_366, %add3A_367 : i32
          %dma_start3A_369 = arith.constant 0 : i32
          %dma_start3A_370 = tpu.memref_slice %arg11[%add3A_368, %dma_start3A_369] : memref<128x64xf32, #tpu.memory_space<vmem>> -> memref<1x64xf32, #tpu.memory_space<vmem>>
          %dma_start3A_371 = arith.constant 0 : i32
          %dma_start3A_372 = tpu.memref_slice %arg5[%squeeze3A_364, %dma_start3A_371] : memref<1000000x64xf32, #tpu.memory_space<hbm>> -> memref<1x64xf32, #tpu.memory_space<hbm>>
          %dma_start3A_373 = arith.constant 0 : i32
          %dma_start3A_374 = tpu.memref_slice %arg11[%add3A_368, %dma_start3A_373] : memref<128x64xf32, #tpu.memory_space<vmem>> -> memref<1x64xf32, #tpu.memory_space<vmem>>
          %dma_start3A_375 = arith.constant 0 : i32
          %dma_start3A_376 = tpu.memref_slice %arg5[%squeeze3A_364, %dma_start3A_375] : memref<1000000x64xf32, #tpu.memory_space<hbm>> -> memref<1x64xf32, #tpu.memory_space<hbm>>
          tpu.enqueue_dma source(%dma_start3A_376 : memref<1x64xf32, #tpu.memory_space<hbm>>) target(%dma_start3A_374 : memref<1x64xf32, #tpu.memory_space<vmem>>) target_semaphore(%arg14 : memref<!tpu.dma_semaphore, #tpu.memory_space<semaphore_mem>>)
          %slice3A_377 = vector.extract_strided_slice %get3A_96 {offsets = [10], sizes = [1], strides = [1]} : vector<16xi32> to vector<1xi32>
          %squeeze3A_378 = vector.extract %slice3A_377[0] : i32 from vector<1xi32>
          %mul3A_379 = arith.constant 16 : i32
          %mul3A_380 = arith.muli %scan3A_90, %mul3A_379 : i32
          %add3A_381 = arith.constant 10 : i32
          %add3A_382 = arith.addi %mul3A_380, %add3A_381 : i32
          %dma_start3A_383 = arith.constant 0 : i32
          %dma_start3A_384 = tpu.memref_slice %arg9[%add3A_382, %dma_start3A_383] : memref<128x64xf32, #tpu.memory_space<vmem>> -> memref<1x64xf32, #tpu.memory_space<vmem>>
          %dma_start3A_385 = arith.constant 0 : i32
          %dma_start3A_386 = tpu.memref_slice %arg4[%squeeze3A_378, %dma_start3A_385] : memref<1000000x64xf32, #tpu.memory_space<hbm>> -> memref<1x64xf32, #tpu.memory_space<hbm>>
          %dma_start3A_387 = arith.constant 0 : i32
          %dma_start3A_388 = tpu.memref_slice %arg9[%add3A_382, %dma_start3A_387] : memref<128x64xf32, #tpu.memory_space<vmem>> -> memref<1x64xf32, #tpu.memory_space<vmem>>
          %dma_start3A_389 = arith.constant 0 : i32
          %dma_start3A_390 = tpu.memref_slice %arg4[%squeeze3A_378, %dma_start3A_389] : memref<1000000x64xf32, #tpu.memory_space<hbm>> -> memref<1x64xf32, #tpu.memory_space<hbm>>
          tpu.enqueue_dma source(%dma_start3A_390 : memref<1x64xf32, #tpu.memory_space<hbm>>) target(%dma_start3A_388 : memref<1x64xf32, #tpu.memory_space<vmem>>) target_semaphore(%arg14 : memref<!tpu.dma_semaphore, #tpu.memory_space<semaphore_mem>>)
          %slice3A_391 = vector.extract_strided_slice %get3A_99 {offsets = [10], sizes = [1], strides = [1]} : vector<16xi32> to vector<1xi32>
          %squeeze3A_392 = vector.extract %slice3A_391[0] : i32 from vector<1xi32>
          %mul3A_393 = arith.constant 16 : i32
          %mul3A_394 = arith.muli %scan3A_90, %mul3A_393 : i32
          %add3A_395 = arith.constant 10 : i32
          %add3A_396 = arith.addi %mul3A_394, %add3A_395 : i32
          %dma_start3A_397 = arith.constant 0 : i32
          %dma_start3A_398 = tpu.memref_slice %arg11[%add3A_396, %dma_start3A_397] : memref<128x64xf32, #tpu.memory_space<vmem>> -> memref<1x64xf32, #tpu.memory_space<vmem>>
          %dma_start3A_399 = arith.constant 0 : i32
          %dma_start3A_400 = tpu.memref_slice %arg5[%squeeze3A_392, %dma_start3A_399] : memref<1000000x64xf32, #tpu.memory_space<hbm>> -> memref<1x64xf32, #tpu.memory_space<hbm>>
          %dma_start3A_401 = arith.constant 0 : i32
          %dma_start3A_402 = tpu.memref_slice %arg11[%add3A_396, %dma_start3A_401] : memref<128x64xf32, #tpu.memory_space<vmem>> -> memref<1x64xf32, #tpu.memory_space<vmem>>
          %dma_start3A_403 = arith.constant 0 : i32
          %dma_start3A_404 = tpu.memref_slice %arg5[%squeeze3A_392, %dma_start3A_403] : memref<1000000x64xf32, #tpu.memory_space<hbm>> -> memref<1x64xf32, #tpu.memory_space<hbm>>
          tpu.enqueue_dma source(%dma_start3A_404 : memref<1x64xf32, #tpu.memory_space<hbm>>) target(%dma_start3A_402 : memref<1x64xf32, #tpu.memory_space<vmem>>) target_semaphore(%arg14 : memref<!tpu.dma_semaphore, #tpu.memory_space<semaphore_mem>>)
          %slice3A_405 = vector.extract_strided_slice %get3A_96 {offsets = [11], sizes = [1], strides = [1]} : vector<16xi32> to vector<1xi32>
          %squeeze3A_406 = vector.extract %slice3A_405[0] : i32 from vector<1xi32>
          %mul3A_407 = arith.constant 16 : i32
          %mul3A_408 = arith.muli %scan3A_90, %mul3A_407 : i32
          %add3A_409 = arith.constant 11 : i32
          %add3A_410 = arith.addi %mul3A_408, %add3A_409 : i32
          %dma_start3A_411 = arith.constant 0 : i32
          %dma_start3A_412 = tpu.memref_slice %arg9[%add3A_410, %dma_start3A_411] : memref<128x64xf32, #tpu.memory_space<vmem>> -> memref<1x64xf32, #tpu.memory_space<vmem>>
          %dma_start3A_413 = arith.constant 0 : i32
          %dma_start3A_414 = tpu.memref_slice %arg4[%squeeze3A_406, %dma_start3A_413] : memref<1000000x64xf32, #tpu.memory_space<hbm>> -> memref<1x64xf32, #tpu.memory_space<hbm>>
          %dma_start3A_415 = arith.constant 0 : i32
          %dma_start3A_416 = tpu.memref_slice %arg9[%add3A_410, %dma_start3A_415] : memref<128x64xf32, #tpu.memory_space<vmem>> -> memref<1x64xf32, #tpu.memory_space<vmem>>
          %dma_start3A_417 = arith.constant 0 : i32
          %dma_start3A_418 = tpu.memref_slice %arg4[%squeeze3A_406, %dma_start3A_417] : memref<1000000x64xf32, #tpu.memory_space<hbm>> -> memref<1x64xf32, #tpu.memory_space<hbm>>
          tpu.enqueue_dma source(%dma_start3A_418 : memref<1x64xf32, #tpu.memory_space<hbm>>) target(%dma_start3A_416 : memref<1x64xf32, #tpu.memory_space<vmem>>) target_semaphore(%arg14 : memref<!tpu.dma_semaphore, #tpu.memory_space<semaphore_mem>>)
          %slice3A_419 = vector.extract_strided_slice %get3A_99 {offsets = [11], sizes = [1], strides = [1]} : vector<16xi32> to vector<1xi32>
          %squeeze3A_420 = vector.extract %slice3A_419[0] : i32 from vector<1xi32>
          %mul3A_421 = arith.constant 16 : i32
          %mul3A_422 = arith.muli %scan3A_90, %mul3A_421 : i32
          %add3A_423 = arith.constant 11 : i32
          %add3A_424 = arith.addi %mul3A_422, %add3A_423 : i32
          %dma_start3A_425 = arith.constant 0 : i32
          %dma_start3A_426 = tpu.memref_slice %arg11[%add3A_424, %dma_start3A_425] : memref<128x64xf32, #tpu.memory_space<vmem>> -> memref<1x64xf32, #tpu.memory_space<vmem>>
          %dma_start3A_427 = arith.constant 0 : i32
          %dma_start3A_428 = tpu.memref_slice %arg5[%squeeze3A_420, %dma_start3A_427] : memref<1000000x64xf32, #tpu.memory_space<hbm>> -> memref<1x64xf32, #tpu.memory_space<hbm>>
          %dma_start3A_429 = arith.constant 0 : i32
          %dma_start3A_430 = tpu.memref_slice %arg11[%add3A_424, %dma_start3A_429] : memref<128x64xf32, #tpu.memory_space<vmem>> -> memref<1x64xf32, #tpu.memory_space<vmem>>
          %dma_start3A_431 = arith.constant 0 : i32
          %dma_start3A_432 = tpu.memref_slice %arg5[%squeeze3A_420, %dma_start3A_431] : memref<1000000x64xf32, #tpu.memory_space<hbm>> -> memref<1x64xf32, #tpu.memory_space<hbm>>
          tpu.enqueue_dma source(%dma_start3A_432 : memref<1x64xf32, #tpu.memory_space<hbm>>) target(%dma_start3A_430 : memref<1x64xf32, #tpu.memory_space<vmem>>) target_semaphore(%arg14 : memref<!tpu.dma_semaphore, #tpu.memory_space<semaphore_mem>>)
          %slice3A_433 = vector.extract_strided_slice %get3A_96 {offsets = [12], sizes = [1], strides = [1]} : vector<16xi32> to vector<1xi32>
          %squeeze3A_434 = vector.extract %slice3A_433[0] : i32 from vector<1xi32>
          %mul3A_435 = arith.constant 16 : i32
          %mul3A_436 = arith.muli %scan3A_90, %mul3A_435 : i32
          %add3A_437 = arith.constant 12 : i32
          %add3A_438 = arith.addi %mul3A_436, %add3A_437 : i32
          %dma_start3A_439 = arith.constant 0 : i32
          %dma_start3A_440 = tpu.memref_slice %arg9[%add3A_438, %dma_start3A_439] : memref<128x64xf32, #tpu.memory_space<vmem>> -> memref<1x64xf32, #tpu.memory_space<vmem>>
          %dma_start3A_441 = arith.constant 0 : i32
          %dma_start3A_442 = tpu.memref_slice %arg4[%squeeze3A_434, %dma_start3A_441] : memref<1000000x64xf32, #tpu.memory_space<hbm>> -> memref<1x64xf32, #tpu.memory_space<hbm>>
          %dma_start3A_443 = arith.constant 0 : i32
          %dma_start3A_444 = tpu.memref_slice %arg9[%add3A_438, %dma_start3A_443] : memref<128x64xf32, #tpu.memory_space<vmem>> -> memref<1x64xf32, #tpu.memory_space<vmem>>
          %dma_start3A_445 = arith.constant 0 : i32
          %dma_start3A_446 = tpu.memref_slice %arg4[%squeeze3A_434, %dma_start3A_445] : memref<1000000x64xf32, #tpu.memory_space<hbm>> -> memref<1x64xf32, #tpu.memory_space<hbm>>
          tpu.enqueue_dma source(%dma_start3A_446 : memref<1x64xf32, #tpu.memory_space<hbm>>) target(%dma_start3A_444 : memref<1x64xf32, #tpu.memory_space<vmem>>) target_semaphore(%arg14 : memref<!tpu.dma_semaphore, #tpu.memory_space<semaphore_mem>>)
          %slice3A_447 = vector.extract_strided_slice %get3A_99 {offsets = [12], sizes = [1], strides = [1]} : vector<16xi32> to vector<1xi32>
          %squeeze3A_448 = vector.extract %slice3A_447[0] : i32 from vector<1xi32>
          %mul3A_449 = arith.constant 16 : i32
          %mul3A_450 = arith.muli %scan3A_90, %mul3A_449 : i32
          %add3A_451 = arith.constant 12 : i32
          %add3A_452 = arith.addi %mul3A_450, %add3A_451 : i32
          %dma_start3A_453 = arith.constant 0 : i32
          %dma_start3A_454 = tpu.memref_slice %arg11[%add3A_452, %dma_start3A_453] : memref<128x64xf32, #tpu.memory_space<vmem>> -> memref<1x64xf32, #tpu.memory_space<vmem>>
          %dma_start3A_455 = arith.constant 0 : i32
          %dma_start3A_456 = tpu.memref_slice %arg5[%squeeze3A_448, %dma_start3A_455] : memref<1000000x64xf32, #tpu.memory_space<hbm>> -> memref<1x64xf32, #tpu.memory_space<hbm>>
          %dma_start3A_457 = arith.constant 0 : i32
          %dma_start3A_458 = tpu.memref_slice %arg11[%add3A_452, %dma_start3A_457] : memref<128x64xf32, #tpu.memory_space<vmem>> -> memref<1x64xf32, #tpu.memory_space<vmem>>
          %dma_start3A_459 = arith.constant 0 : i32
          %dma_start3A_460 = tpu.memref_slice %arg5[%squeeze3A_448, %dma_start3A_459] : memref<1000000x64xf32, #tpu.memory_space<hbm>> -> memref<1x64xf32, #tpu.memory_space<hbm>>
          tpu.enqueue_dma source(%dma_start3A_460 : memref<1x64xf32, #tpu.memory_space<hbm>>) target(%dma_start3A_458 : memref<1x64xf32, #tpu.memory_space<vmem>>) target_semaphore(%arg14 : memref<!tpu.dma_semaphore, #tpu.memory_space<semaphore_mem>>)
          %slice3A_461 = vector.extract_strided_slice %get3A_96 {offsets = [13], sizes = [1], strides = [1]} : vector<16xi32> to vector<1xi32>
          %squeeze3A_462 = vector.extract %slice3A_461[0] : i32 from vector<1xi32>
          %mul3A_463 = arith.constant 16 : i32
          %mul3A_464 = arith.muli %scan3A_90, %mul3A_463 : i32
          %add3A_465 = arith.constant 13 : i32
          %add3A_466 = arith.addi %mul3A_464, %add3A_465 : i32
          %dma_start3A_467 = arith.constant 0 : i32
          %dma_start3A_468 = tpu.memref_slice %arg9[%add3A_466, %dma_start3A_467] : memref<128x64xf32, #tpu.memory_space<vmem>> -> memref<1x64xf32, #tpu.memory_space<vmem>>
          %dma_start3A_469 = arith.constant 0 : i32
          %dma_start3A_470 = tpu.memref_slice %arg4[%squeeze3A_462, %dma_start3A_469] : memref<1000000x64xf32, #tpu.memory_space<hbm>> -> memref<1x64xf32, #tpu.memory_space<hbm>>
          %dma_start3A_471 = arith.constant 0 : i32
          %dma_start3A_472 = tpu.memref_slice %arg9[%add3A_466, %dma_start3A_471] : memref<128x64xf32, #tpu.memory_space<vmem>> -> memref<1x64xf32, #tpu.memory_space<vmem>>
          %dma_start3A_473 = arith.constant 0 : i32
          %dma_start3A_474 = tpu.memref_slice %arg4[%squeeze3A_462, %dma_start3A_473] : memref<1000000x64xf32, #tpu.memory_space<hbm>> -> memref<1x64xf32, #tpu.memory_space<hbm>>
          tpu.enqueue_dma source(%dma_start3A_474 : memref<1x64xf32, #tpu.memory_space<hbm>>) target(%dma_start3A_472 : memref<1x64xf32, #tpu.memory_space<vmem>>) target_semaphore(%arg14 : memref<!tpu.dma_semaphore, #tpu.memory_space<semaphore_mem>>)
          %slice3A_475 = vector.extract_strided_slice %get3A_99 {offsets = [13], sizes = [1], strides = [1]} : vector<16xi32> to vector<1xi32>
          %squeeze3A_476 = vector.extract %slice3A_475[0] : i32 from vector<1xi32>
          %mul3A_477 = arith.constant 16 : i32
          %mul3A_478 = arith.muli %scan3A_90, %mul3A_477 : i32
          %add3A_479 = arith.constant 13 : i32
          %add3A_480 = arith.addi %mul3A_478, %add3A_479 : i32
          %dma_start3A_481 = arith.constant 0 : i32
          %dma_start3A_482 = tpu.memref_slice %arg11[%add3A_480, %dma_start3A_481] : memref<128x64xf32, #tpu.memory_space<vmem>> -> memref<1x64xf32, #tpu.memory_space<vmem>>
          %dma_start3A_483 = arith.constant 0 : i32
          %dma_start3A_484 = tpu.memref_slice %arg5[%squeeze3A_476, %dma_start3A_483] : memref<1000000x64xf32, #tpu.memory_space<hbm>> -> memref<1x64xf32, #tpu.memory_space<hbm>>
          %dma_start3A_485 = arith.constant 0 : i32
          %dma_start3A_486 = tpu.memref_slice %arg11[%add3A_480, %dma_start3A_485] : memref<128x64xf32, #tpu.memory_space<vmem>> -> memref<1x64xf32, #tpu.memory_space<vmem>>
          %dma_start3A_487 = arith.constant 0 : i32
          %dma_start3A_488 = tpu.memref_slice %arg5[%squeeze3A_476, %dma_start3A_487] : memref<1000000x64xf32, #tpu.memory_space<hbm>> -> memref<1x64xf32, #tpu.memory_space<hbm>>
          tpu.enqueue_dma source(%dma_start3A_488 : memref<1x64xf32, #tpu.memory_space<hbm>>) target(%dma_start3A_486 : memref<1x64xf32, #tpu.memory_space<vmem>>) target_semaphore(%arg14 : memref<!tpu.dma_semaphore, #tpu.memory_space<semaphore_mem>>)
          %slice3A_489 = vector.extract_strided_slice %get3A_96 {offsets = [14], sizes = [1], strides = [1]} : vector<16xi32> to vector<1xi32>
          %squeeze3A_490 = vector.extract %slice3A_489[0] : i32 from vector<1xi32>
          %mul3A_491 = arith.constant 16 : i32
          %mul3A_492 = arith.muli %scan3A_90, %mul3A_491 : i32
          %add3A_493 = arith.constant 14 : i32
          %add3A_494 = arith.addi %mul3A_492, %add3A_493 : i32
          %dma_start3A_495 = arith.constant 0 : i32
          %dma_start3A_496 = tpu.memref_slice %arg9[%add3A_494, %dma_start3A_495] : memref<128x64xf32, #tpu.memory_space<vmem>> -> memref<1x64xf32, #tpu.memory_space<vmem>>
          %dma_start3A_497 = arith.constant 0 : i32
          %dma_start3A_498 = tpu.memref_slice %arg4[%squeeze3A_490, %dma_start3A_497] : memref<1000000x64xf32, #tpu.memory_space<hbm>> -> memref<1x64xf32, #tpu.memory_space<hbm>>
          %dma_start3A_499 = arith.constant 0 : i32
          %dma_start3A_500 = tpu.memref_slice %arg9[%add3A_494, %dma_start3A_499] : memref<128x64xf32, #tpu.memory_space<vmem>> -> memref<1x64xf32, #tpu.memory_space<vmem>>
          %dma_start3A_501 = arith.constant 0 : i32
          %dma_start3A_502 = tpu.memref_slice %arg4[%squeeze3A_490, %dma_start3A_501] : memref<1000000x64xf32, #tpu.memory_space<hbm>> -> memref<1x64xf32, #tpu.memory_space<hbm>>
          tpu.enqueue_dma source(%dma_start3A_502 : memref<1x64xf32, #tpu.memory_space<hbm>>) target(%dma_start3A_500 : memref<1x64xf32, #tpu.memory_space<vmem>>) target_semaphore(%arg14 : memref<!tpu.dma_semaphore, #tpu.memory_space<semaphore_mem>>)
          %slice3A_503 = vector.extract_strided_slice %get3A_99 {offsets = [14], sizes = [1], strides = [1]} : vector<16xi32> to vector<1xi32>
          %squeeze3A_504 = vector.extract %slice3A_503[0] : i32 from vector<1xi32>
          %mul3A_505 = arith.constant 16 : i32
          %mul3A_506 = arith.muli %scan3A_90, %mul3A_505 : i32
          %add3A_507 = arith.constant 14 : i32
          %add3A_508 = arith.addi %mul3A_506, %add3A_507 : i32
          %dma_start3A_509 = arith.constant 0 : i32
          %dma_start3A_510 = tpu.memref_slice %arg11[%add3A_508, %dma_start3A_509] : memref<128x64xf32, #tpu.memory_space<vmem>> -> memref<1x64xf32, #tpu.memory_space<vmem>>
          %dma_start3A_511 = arith.constant 0 : i32
          %dma_start3A_512 = tpu.memref_slice %arg5[%squeeze3A_504, %dma_start3A_511] : memref<1000000x64xf32, #tpu.memory_space<hbm>> -> memref<1x64xf32, #tpu.memory_space<hbm>>
          %dma_start3A_513 = arith.constant 0 : i32
          %dma_start3A_514 = tpu.memref_slice %arg11[%add3A_508, %dma_start3A_513] : memref<128x64xf32, #tpu.memory_space<vmem>> -> memref<1x64xf32, #tpu.memory_space<vmem>>
          %dma_start3A_515 = arith.constant 0 : i32
          %dma_start3A_516 = tpu.memref_slice %arg5[%squeeze3A_504, %dma_start3A_515] : memref<1000000x64xf32, #tpu.memory_space<hbm>> -> memref<1x64xf32, #tpu.memory_space<hbm>>
          tpu.enqueue_dma source(%dma_start3A_516 : memref<1x64xf32, #tpu.memory_space<hbm>>) target(%dma_start3A_514 : memref<1x64xf32, #tpu.memory_space<vmem>>) target_semaphore(%arg14 : memref<!tpu.dma_semaphore, #tpu.memory_space<semaphore_mem>>)
          %slice3A_517 = vector.extract_strided_slice %get3A_96 {offsets = [15], sizes = [1], strides = [1]} : vector<16xi32> to vector<1xi32>
          %squeeze3A_518 = vector.extract %slice3A_517[0] : i32 from vector<1xi32>
          %mul3A_519 = arith.constant 16 : i32
          %mul3A_520 = arith.muli %scan3A_90, %mul3A_519 : i32
          %add3A_521 = arith.constant 15 : i32
          %add3A_522 = arith.addi %mul3A_520, %add3A_521 : i32
          %dma_start3A_523 = arith.constant 0 : i32
          %dma_start3A_524 = tpu.memref_slice %arg9[%add3A_522, %dma_start3A_523] : memref<128x64xf32, #tpu.memory_space<vmem>> -> memref<1x64xf32, #tpu.memory_space<vmem>>
          %dma_start3A_525 = arith.constant 0 : i32
          %dma_start3A_526 = tpu.memref_slice %arg4[%squeeze3A_518, %dma_start3A_525] : memref<1000000x64xf32, #tpu.memory_space<hbm>> -> memref<1x64xf32, #tpu.memory_space<hbm>>
          %dma_start3A_527 = arith.constant 0 : i32
          %dma_start3A_528 = tpu.memref_slice %arg9[%add3A_522, %dma_start3A_527] : memref<128x64xf32, #tpu.memory_space<vmem>> -> memref<1x64xf32, #tpu.memory_space<vmem>>
          %dma_start3A_529 = arith.constant 0 : i32
          %dma_start3A_530 = tpu.memref_slice %arg4[%squeeze3A_518, %dma_start3A_529] : memref<1000000x64xf32, #tpu.memory_space<hbm>> -> memref<1x64xf32, #tpu.memory_space<hbm>>
          tpu.enqueue_dma source(%dma_start3A_530 : memref<1x64xf32, #tpu.memory_space<hbm>>) target(%dma_start3A_528 : memref<1x64xf32, #tpu.memory_space<vmem>>) target_semaphore(%arg14 : memref<!tpu.dma_semaphore, #tpu.memory_space<semaphore_mem>>)
          %slice3A_531 = vector.extract_strided_slice %get3A_99 {offsets = [15], sizes = [1], strides = [1]} : vector<16xi32> to vector<1xi32>
          %squeeze3A_532 = vector.extract %slice3A_531[0] : i32 from vector<1xi32>
          %mul3A_533 = arith.constant 16 : i32
          %mul3A_534 = arith.muli %scan3A_90, %mul3A_533 : i32
          %add3A_535 = arith.constant 15 : i32
          %add3A_536 = arith.addi %mul3A_534, %add3A_535 : i32
          %dma_start3A_537 = arith.constant 0 : i32
          %dma_start3A_538 = tpu.memref_slice %arg11[%add3A_536, %dma_start3A_537] : memref<128x64xf32, #tpu.memory_space<vmem>> -> memref<1x64xf32, #tpu.memory_space<vmem>>
          %dma_start3A_539 = arith.constant 0 : i32
          %dma_start3A_540 = tpu.memref_slice %arg5[%squeeze3A_532, %dma_start3A_539] : memref<1000000x64xf32, #tpu.memory_space<hbm>> -> memref<1x64xf32, #tpu.memory_space<hbm>>
          %dma_start3A_541 = arith.constant 0 : i32
          %dma_start3A_542 = tpu.memref_slice %arg11[%add3A_536, %dma_start3A_541] : memref<128x64xf32, #tpu.memory_space<vmem>> -> memref<1x64xf32, #tpu.memory_space<vmem>>
          %dma_start3A_543 = arith.constant 0 : i32
          %dma_start3A_544 = tpu.memref_slice %arg5[%squeeze3A_532, %dma_start3A_543] : memref<1000000x64xf32, #tpu.memory_space<hbm>> -> memref<1x64xf32, #tpu.memory_space<hbm>>
          tpu.enqueue_dma source(%dma_start3A_544 : memref<1x64xf32, #tpu.memory_space<hbm>>) target(%dma_start3A_542 : memref<1x64xf32, #tpu.memory_space<vmem>>) target_semaphore(%arg14 : memref<!tpu.dma_semaphore, #tpu.memory_space<semaphore_mem>>)
          %scan3A_545 = arith.constant 0 : i32
          scf.yield %scan3A_545 : i32
        }
        %scan3A_89 = arith.constant 8 : i32
      } else {
      }
      %mul3A_51 = arith.constant 2 : i32
      %mul3A_52 = arith.muli %scan3A_25, %mul3A_51 : i32
      %add3A_53 = arith.constant 1 : i32
      %add3A_54 = arith.addi %mul3A_52, %add3A_53 : i32
      %dma_wait3A_55 = arith.constant 0 : i32
      %dma_wait3A_56 = arith.constant 0 : i32
      %dma_wait3A_57 = tpu.memref_slice %arg4[%dma_wait3A_55, %dma_wait3A_56] : memref<1000000x64xf32, #tpu.memory_space<hbm>> -> memref<128x64xf32, #tpu.memory_space<hbm>>
      %dma_wait3A_58 = arith.constant 0 : i32
      %dma_wait3A_59 = arith.constant 0 : i32
      %dma_wait3A_60 = tpu.memref_slice %arg4[%dma_wait3A_58, %dma_wait3A_59] : memref<1000000x64xf32, #tpu.memory_space<hbm>> -> memref<128x64xf32, #tpu.memory_space<hbm>>
      tpu.wait_dma2 semaphore(%arg15 : memref<!tpu.dma_semaphore, #tpu.memory_space<semaphore_mem>>) src(%dma_wait3A_60 : memref<128x64xf32, #tpu.memory_space<hbm>>) dst(%arg10 : memref<128x64xf32, #tpu.memory_space<vmem>>)
      %dma_wait3A_61 = arith.constant 0 : i32
      %dma_wait3A_62 = arith.constant 0 : i32
      %dma_wait3A_63 = tpu.memref_slice %arg5[%dma_wait3A_61, %dma_wait3A_62] : memref<1000000x64xf32, #tpu.memory_space<hbm>> -> memref<128x64xf32, #tpu.memory_space<hbm>>
      %dma_wait3A_64 = arith.constant 0 : i32
      %dma_wait3A_65 = arith.constant 0 : i32
      %dma_wait3A_66 = tpu.memref_slice %arg5[%dma_wait3A_64, %dma_wait3A_65] : memref<1000000x64xf32, #tpu.memory_space<hbm>> -> memref<128x64xf32, #tpu.memory_space<hbm>>
      tpu.wait_dma2 semaphore(%arg15 : memref<!tpu.dma_semaphore, #tpu.memory_space<semaphore_mem>>) src(%dma_wait3A_66 : memref<128x64xf32, #tpu.memory_space<hbm>>) dst(%arg12 : memref<128x64xf32, #tpu.memory_space<vmem>>)
      %broadcast_in_dim3A_67 = vector.broadcast %add3A_54 : i32 to vector<16xi32>
      %scan3A_68 = arith.constant 0 : i32
      %scan3A_69 = arith.constant 0 : i32
      %scan3A_70 = arith.constant 64 : i32
      %scan3A_71 = arith.addi %scan3A_69, %scan3A_70 : i32
      %scan3A_72 = arith.constant 1 : i32
      %scan3A_73 = scf.for %scan3A_81 = %scan3A_69 to %scan3A_71 step %scan3A_72 iter_args(%scan3A_82 = %scan3A_68) -> (i32)  : i32 {
        %mul3A_83 = arith.constant 2 : i32
        %mul3A_84 = arith.muli %scan3A_81, %mul3A_83 : i32
        %get3A = arith.index_cast %mul3A_84 : i32 to index
        %get3A_85 = arith.constant 0 : index
        %get3A_86 = tpu.vector_load %arg10[%get3A, %get3A_85] {strides = array<i32>} : memref<128x64xf32, #tpu.memory_space<vmem>>, vector<16xf32>,
        %get3A_87 = arith.index_cast %mul3A_84 : i32 to index
        %get3A_88 = arith.constant 0 : index
        %get3A_89 = tpu.vector_load %arg12[%get3A_87, %get3A_88] {strides = array<i32>} : memref<128x64xf32, #tpu.memory_space<vmem>>, vector<16xf32>,
        %mul3A_90 = arith.mulf %get3A_86, %get3A_89 : vector<16xf32>
        %get3A_91 = arith.index_cast %mul3A_84 : i32 to index
        %get3A_92 = arith.constant 16 : index
        %get3A_93 = tpu.vector_load %arg10[%get3A_91, %get3A_92] {strides = array<i32>} : memref<128x64xf32, #tpu.memory_space<vmem>>, vector<16xf32>,
        %get3A_94 = arith.index_cast %mul3A_84 : i32 to index
        %get3A_95 = arith.constant 16 : index
        %get3A_96 = tpu.vector_load %arg12[%get3A_94, %get3A_95] {strides = array<i32>} : memref<128x64xf32, #tpu.memory_space<vmem>>, vector<16xf32>,
        %mul3A_97 = arith.mulf %get3A_93, %get3A_96 : vector<16xf32>
        %get3A_98 = arith.index_cast %mul3A_84 : i32 to index
        %get3A_99 = arith.constant 32 : index
        %get3A_100 = tpu.vector_load %arg10[%get3A_98, %get3A_99] {strides = array<i32>} : memref<128x64xf32, #tpu.memory_space<vmem>>, vector<16xf32>,
        %get3A_101 = arith.index_cast %mul3A_84 : i32 to index
        %get3A_102 = arith.constant 32 : index
        %get3A_103 = tpu.vector_load %arg12[%get3A_101, %get3A_102] {strides = array<i32>} : memref<128x64xf32, #tpu.memory_space<vmem>>, vector<16xf32>,
        %mul3A_104 = arith.mulf %get3A_100, %get3A_103 : vector<16xf32>
        %get3A_105 = arith.index_cast %mul3A_84 : i32 to index
        %get3A_106 = arith.constant 48 : index
        %get3A_107 = tpu.vector_load %arg10[%get3A_105, %get3A_106] {strides = array<i32>} : memref<128x64xf32, #tpu.memory_space<vmem>>, vector<16xf32>,
        %get3A_108 = arith.index_cast %mul3A_84 : i32 to index
        %get3A_109 = arith.constant 48 : index
        %get3A_110 = tpu.vector_load %arg12[%get3A_108, %get3A_109] {strides = array<i32>} : memref<128x64xf32, #tpu.memory_space<vmem>>, vector<16xf32>,
        %mul3A_111 = arith.mulf %get3A_107, %get3A_110 : vector<16xf32>
        %add3A_112 = arith.addf %mul3A_90, %mul3A_97 : vector<16xf32>
        %add3A_113 = arith.addf %mul3A_104, %mul3A_111 : vector<16xf32>
        %add3A_114 = arith.addf %add3A_112, %add3A_113 : vector<16xf32>
        %broadcast_in_dim3A_115 = arith.constant true
        %broadcast_in_dim3A_116 = vector.broadcast %broadcast_in_dim3A_115 : i1 to vector<16xi1>
        %masked_cumsum3A = tpu.scan <sum>, %add3A_114 masked %broadcast_in_dim3A_116 : vector<16xf32>, vector<16xi1> -> vector<16xf32>
        %broadcast_in_dim3A_117 = vector.broadcast %mul3A_84 : i32 to vector<16xi32>
        tpu.vector_store_idx %arg13[%broadcast_in_dim3A_67, %broadcast_in_dim3A_117], %masked_cumsum3A masked %eq3A_17 : memref<32x128xf32, #tpu.memory_space<vmem>>[vector<16xi32>, vector<16xi32>], vector<16xf32>, vector<16xi1>
        %add3A_118 = arith.constant 1 : i32
        %add3A_119 = arith.addi %mul3A_84, %add3A_118 : i32
        %get3A_120 = arith.index_cast %add3A_119 : i32 to index
        %get3A_121 = arith.constant 0 : index
        %get3A_122 = tpu.vector_load %arg10[%get3A_120, %get3A_121] {strides = array<i32>} : memref<128x64xf32, #tpu.memory_space<vmem>>, vector<16xf32>,
        %get3A_123 = arith.index_cast %add3A_119 : i32 to index
        %get3A_124 = arith.constant 0 : index
        %get3A_125 = tpu.vector_load %arg12[%get3A_123, %get3A_124] {strides = array<i32>} : memref<128x64xf32, #tpu.memory_space<vmem>>, vector<16xf32>,
        %mul3A_126 = arith.mulf %get3A_122, %get3A_125 : vector<16xf32>
        %get3A_127 = arith.index_cast %add3A_119 : i32 to index
        %get3A_128 = arith.constant 16 : index
        %get3A_129 = tpu.vector_load %arg10[%get3A_127, %get3A_128] {strides = array<i32>} : memref<128x64xf32, #tpu.memory_space<vmem>>, vector<16xf32>,
        %get3A_130 = arith.index_cast %add3A_119 : i32 to index
        %get3A_131 = arith.constant 16 : index
        %get3A_132 = tpu.vector_load %arg12[%get3A_130, %get3A_131] {strides = array<i32>} : memref<128x64xf32, #tpu.memory_space<vmem>>, vector<16xf32>,
        %mul3A_133 = arith.mulf %get3A_129, %get3A_132 : vector<16xf32>
        %get3A_134 = arith.index_cast %add3A_119 : i32 to index
        %get3A_135 = arith.constant 32 : index
        %get3A_136 = tpu.vector_load %arg10[%get3A_134, %get3A_135] {strides = array<i32>} : memref<128x64xf32, #tpu.memory_space<vmem>>, vector<16xf32>,
        %get3A_137 = arith.index_cast %add3A_119 : i32 to index
        %get3A_138 = arith.constant 32 : index
        %get3A_139 = tpu.vector_load %arg12[%get3A_137, %get3A_138] {strides = array<i32>} : memref<128x64xf32, #tpu.memory_space<vmem>>, vector<16xf32>,
        %mul3A_140 = arith.mulf %get3A_136, %get3A_139 : vector<16xf32>
        %get3A_141 = arith.index_cast %add3A_119 : i32 to index
        %get3A_142 = arith.constant 48 : index
        %get3A_143 = tpu.vector_load %arg10[%get3A_141, %get3A_142] {strides = array<i32>} : memref<128x64xf32, #tpu.memory_space<vmem>>, vector<16xf32>,
        %get3A_144 = arith.index_cast %add3A_119 : i32 to index
        %get3A_145 = arith.constant 48 : index
        %get3A_146 = tpu.vector_load %arg12[%get3A_144, %get3A_145] {strides = array<i32>} : memref<128x64xf32, #tpu.memory_space<vmem>>, vector<16xf32>,
        %mul3A_147 = arith.mulf %get3A_143, %get3A_146 : vector<16xf32>
        %add3A_148 = arith.addf %mul3A_126, %mul3A_133 : vector<16xf32>
        %add3A_149 = arith.addf %mul3A_140, %mul3A_147 : vector<16xf32>
        %add3A_150 = arith.addf %add3A_148, %add3A_149 : vector<16xf32>
        %broadcast_in_dim3A_151 = arith.constant true
        %broadcast_in_dim3A_152 = vector.broadcast %broadcast_in_dim3A_151 : i1 to vector<16xi1>
        %masked_cumsum3A_153 = tpu.scan <sum>, %add3A_150 masked %broadcast_in_dim3A_152 : vector<16xf32>, vector<16xi1> -> vector<16xf32>
        %broadcast_in_dim3A_154 = vector.broadcast %add3A_119 : i32 to vector<16xi32>
        tpu.vector_store_idx %arg13[%broadcast_in_dim3A_67, %broadcast_in_dim3A_154], %masked_cumsum3A_153 masked %eq3A_17 : memref<32x128xf32, #tpu.memory_space<vmem>>[vector<16xi32>, vector<16xi32>], vector<16xf32>, vector<16xi1>
        %scan3A_155 = arith.constant 0 : i32
        scf.yield %scan3A_155 : i32
      }
      %scan3A_74 = arith.constant 64 : i32
      %lt3A_75 = arith.constant 15 : i32
      %lt3A_76 = arith.cmpi slt, %scan3A_25, %lt3A_75 : i32
      %convert_element_type3A_77 = arith.extui %lt3A_76 : i1 to i32
      %cond3A_78 = arith.constant 0 : i32
      %cond3A_79 = arith.cmpi ne, %convert_element_type3A_77, %cond3A_78 : i32
      scf.if %cond3A_79 {
        %add3A_81 = arith.constant 2 : i32
        %add3A_82 = arith.addi %add3A_54, %add3A_81 : i32
        %scan3A_83 = arith.constant 0 : i32
        %scan3A_84 = arith.constant 0 : i32
        %scan3A_85 = arith.constant 8 : i32
        %scan3A_86 = arith.addi %scan3A_84, %scan3A_85 : i32
        %scan3A_87 = arith.constant 1 : i32
        %scan3A_88 = scf.for %scan3A_90 = %scan3A_84 to %scan3A_86 step %scan3A_87 iter_args(%scan3A_91 = %scan3A_83) -> (i32)  : i32 {
          %mul3A_92 = arith.constant 16 : i32
          %mul3A_93 = arith.muli %scan3A_90, %mul3A_92 : i32
          %multiple_of3A_94 = tpu.assume_multiple %mul3A_93, 16 : i32
          %get3A = arith.index_cast %add3A_82 : i32 to index
          %get3A_95 = arith.index_cast %multiple_of3A_94 : i32 to index
          %get3A_96 = tpu.vector_load %arg7[%get3A, %get3A_95] {strides = array<i32>} : memref<32x128xi32, #tpu.memory_space<vmem>>, vector<16xi32>,
          %get3A_97 = arith.index_cast %add3A_82 : i32 to index
          %get3A_98 = arith.index_cast %multiple_of3A_94 : i32 to index
          %get3A_99 = tpu.vector_load %arg8[%get3A_97, %get3A_98] {strides = array<i32>} : memref<32x128xi32, #tpu.memory_space<vmem>>, vector<16xi32>,
          %slice3A = vector.extract_strided_slice %get3A_96 {offsets = [0], sizes = [1], strides = [1]} : vector<16xi32> to vector<1xi32>
          %squeeze3A = vector.extract %slice3A[0] : i32 from vector<1xi32>
          %mul3A_100 = arith.constant 16 : i32
          %mul3A_101 = arith.muli %scan3A_90, %mul3A_100 : i32
          %add3A_102 = arith.constant 0 : i32
          %add3A_103 = arith.addi %mul3A_101, %add3A_102 : i32
          %dma_start3A = arith.constant 0 : i32
          %dma_start3A_104 = tpu.memref_slice %arg10[%add3A_103, %dma_start3A] : memref<128x64xf32, #tpu.memory_space<vmem>> -> memref<1x64xf32, #tpu.memory_space<vmem>>
          %dma_start3A_105 = arith.constant 0 : i32
          %dma_start3A_106 = tpu.memref_slice %arg4[%squeeze3A, %dma_start3A_105] : memref<1000000x64xf32, #tpu.memory_space<hbm>> -> memref<1x64xf32, #tpu.memory_space<hbm>>
          %dma_start3A_107 = arith.constant 0 : i32
          %dma_start3A_108 = tpu.memref_slice %arg10[%add3A_103, %dma_start3A_107] : memref<128x64xf32, #tpu.memory_space<vmem>> -> memref<1x64xf32, #tpu.memory_space<vmem>>
          %dma_start3A_109 = arith.constant 0 : i32
          %dma_start3A_110 = tpu.memref_slice %arg4[%squeeze3A, %dma_start3A_109] : memref<1000000x64xf32, #tpu.memory_space<hbm>> -> memref<1x64xf32, #tpu.memory_space<hbm>>
          tpu.enqueue_dma source(%dma_start3A_110 : memref<1x64xf32, #tpu.memory_space<hbm>>) target(%dma_start3A_108 : memref<1x64xf32, #tpu.memory_space<vmem>>) target_semaphore(%arg15 : memref<!tpu.dma_semaphore, #tpu.memory_space<semaphore_mem>>)
          %slice3A_111 = vector.extract_strided_slice %get3A_99 {offsets = [0], sizes = [1], strides = [1]} : vector<16xi32> to vector<1xi32>
          %squeeze3A_112 = vector.extract %slice3A_111[0] : i32 from vector<1xi32>
          %mul3A_113 = arith.constant 16 : i32
          %mul3A_114 = arith.muli %scan3A_90, %mul3A_113 : i32
          %add3A_115 = arith.constant 0 : i32
          %add3A_116 = arith.addi %mul3A_114, %add3A_115 : i32
          %dma_start3A_117 = arith.constant 0 : i32
          %dma_start3A_118 = tpu.memref_slice %arg12[%add3A_116, %dma_start3A_117] : memref<128x64xf32, #tpu.memory_space<vmem>> -> memref<1x64xf32, #tpu.memory_space<vmem>>
          %dma_start3A_119 = arith.constant 0 : i32
          %dma_start3A_120 = tpu.memref_slice %arg5[%squeeze3A_112, %dma_start3A_119] : memref<1000000x64xf32, #tpu.memory_space<hbm>> -> memref<1x64xf32, #tpu.memory_space<hbm>>
          %dma_start3A_121 = arith.constant 0 : i32
          %dma_start3A_122 = tpu.memref_slice %arg12[%add3A_116, %dma_start3A_121] : memref<128x64xf32, #tpu.memory_space<vmem>> -> memref<1x64xf32, #tpu.memory_space<vmem>>
          %dma_start3A_123 = arith.constant 0 : i32
          %dma_start3A_124 = tpu.memref_slice %arg5[%squeeze3A_112, %dma_start3A_123] : memref<1000000x64xf32, #tpu.memory_space<hbm>> -> memref<1x64xf32, #tpu.memory_space<hbm>>
          tpu.enqueue_dma source(%dma_start3A_124 : memref<1x64xf32, #tpu.memory_space<hbm>>) target(%dma_start3A_122 : memref<1x64xf32, #tpu.memory_space<vmem>>) target_semaphore(%arg15 : memref<!tpu.dma_semaphore, #tpu.memory_space<semaphore_mem>>)
          %slice3A_125 = vector.extract_strided_slice %get3A_96 {offsets = [1], sizes = [1], strides = [1]} : vector<16xi32> to vector<1xi32>
          %squeeze3A_126 = vector.extract %slice3A_125[0] : i32 from vector<1xi32>
          %mul3A_127 = arith.constant 16 : i32
          %mul3A_128 = arith.muli %scan3A_90, %mul3A_127 : i32
          %add3A_129 = arith.constant 1 : i32
          %add3A_130 = arith.addi %mul3A_128, %add3A_129 : i32
          %dma_start3A_131 = arith.constant 0 : i32
          %dma_start3A_132 = tpu.memref_slice %arg10[%add3A_130, %dma_start3A_131] : memref<128x64xf32, #tpu.memory_space<vmem>> -> memref<1x64xf32, #tpu.memory_space<vmem>>
          %dma_start3A_133 = arith.constant 0 : i32
          %dma_start3A_134 = tpu.memref_slice %arg4[%squeeze3A_126, %dma_start3A_133] : memref<1000000x64xf32, #tpu.memory_space<hbm>> -> memref<1x64xf32, #tpu.memory_space<hbm>>
          %dma_start3A_135 = arith.constant 0 : i32
          %dma_start3A_136 = tpu.memref_slice %arg10[%add3A_130, %dma_start3A_135] : memref<128x64xf32, #tpu.memory_space<vmem>> -> memref<1x64xf32, #tpu.memory_space<vmem>>
          %dma_start3A_137 = arith.constant 0 : i32
          %dma_start3A_138 = tpu.memref_slice %arg4[%squeeze3A_126, %dma_start3A_137] : memref<1000000x64xf32, #tpu.memory_space<hbm>> -> memref<1x64xf32, #tpu.memory_space<hbm>>
          tpu.enqueue_dma source(%dma_start3A_138 : memref<1x64xf32, #tpu.memory_space<hbm>>) target(%dma_start3A_136 : memref<1x64xf32, #tpu.memory_space<vmem>>) target_semaphore(%arg15 : memref<!tpu.dma_semaphore, #tpu.memory_space<semaphore_mem>>)
          %slice3A_139 = vector.extract_strided_slice %get3A_99 {offsets = [1], sizes = [1], strides = [1]} : vector<16xi32> to vector<1xi32>
          %squeeze3A_140 = vector.extract %slice3A_139[0] : i32 from vector<1xi32>
          %mul3A_141 = arith.constant 16 : i32
          %mul3A_142 = arith.muli %scan3A_90, %mul3A_141 : i32
          %add3A_143 = arith.constant 1 : i32
          %add3A_144 = arith.addi %mul3A_142, %add3A_143 : i32
          %dma_start3A_145 = arith.constant 0 : i32
          %dma_start3A_146 = tpu.memref_slice %arg12[%add3A_144, %dma_start3A_145] : memref<128x64xf32, #tpu.memory_space<vmem>> -> memref<1x64xf32, #tpu.memory_space<vmem>>
          %dma_start3A_147 = arith.constant 0 : i32
          %dma_start3A_148 = tpu.memref_slice %arg5[%squeeze3A_140, %dma_start3A_147] : memref<1000000x64xf32, #tpu.memory_space<hbm>> -> memref<1x64xf32, #tpu.memory_space<hbm>>
          %dma_start3A_149 = arith.constant 0 : i32
          %dma_start3A_150 = tpu.memref_slice %arg12[%add3A_144, %dma_start3A_149] : memref<128x64xf32, #tpu.memory_space<vmem>> -> memref<1x64xf32, #tpu.memory_space<vmem>>
          %dma_start3A_151 = arith.constant 0 : i32
          %dma_start3A_152 = tpu.memref_slice %arg5[%squeeze3A_140, %dma_start3A_151] : memref<1000000x64xf32, #tpu.memory_space<hbm>> -> memref<1x64xf32, #tpu.memory_space<hbm>>
          tpu.enqueue_dma source(%dma_start3A_152 : memref<1x64xf32, #tpu.memory_space<hbm>>) target(%dma_start3A_150 : memref<1x64xf32, #tpu.memory_space<vmem>>) target_semaphore(%arg15 : memref<!tpu.dma_semaphore, #tpu.memory_space<semaphore_mem>>)
          %slice3A_153 = vector.extract_strided_slice %get3A_96 {offsets = [2], sizes = [1], strides = [1]} : vector<16xi32> to vector<1xi32>
          %squeeze3A_154 = vector.extract %slice3A_153[0] : i32 from vector<1xi32>
          %mul3A_155 = arith.constant 16 : i32
          %mul3A_156 = arith.muli %scan3A_90, %mul3A_155 : i32
          %add3A_157 = arith.constant 2 : i32
          %add3A_158 = arith.addi %mul3A_156, %add3A_157 : i32
          %dma_start3A_159 = arith.constant 0 : i32
          %dma_start3A_160 = tpu.memref_slice %arg10[%add3A_158, %dma_start3A_159] : memref<128x64xf32, #tpu.memory_space<vmem>> -> memref<1x64xf32, #tpu.memory_space<vmem>>
          %dma_start3A_161 = arith.constant 0 : i32
          %dma_start3A_162 = tpu.memref_slice %arg4[%squeeze3A_154, %dma_start3A_161] : memref<1000000x64xf32, #tpu.memory_space<hbm>> -> memref<1x64xf32, #tpu.memory_space<hbm>>
          %dma_start3A_163 = arith.constant 0 : i32
          %dma_start3A_164 = tpu.memref_slice %arg10[%add3A_158, %dma_start3A_163] : memref<128x64xf32, #tpu.memory_space<vmem>> -> memref<1x64xf32, #tpu.memory_space<vmem>>
          %dma_start3A_165 = arith.constant 0 : i32
          %dma_start3A_166 = tpu.memref_slice %arg4[%squeeze3A_154, %dma_start3A_165] : memref<1000000x64xf32, #tpu.memory_space<hbm>> -> memref<1x64xf32, #tpu.memory_space<hbm>>
          tpu.enqueue_dma source(%dma_start3A_166 : memref<1x64xf32, #tpu.memory_space<hbm>>) target(%dma_start3A_164 : memref<1x64xf32, #tpu.memory_space<vmem>>) target_semaphore(%arg15 : memref<!tpu.dma_semaphore, #tpu.memory_space<semaphore_mem>>)
          %slice3A_167 = vector.extract_strided_slice %get3A_99 {offsets = [2], sizes = [1], strides = [1]} : vector<16xi32> to vector<1xi32>
          %squeeze3A_168 = vector.extract %slice3A_167[0] : i32 from vector<1xi32>
          %mul3A_169 = arith.constant 16 : i32
          %mul3A_170 = arith.muli %scan3A_90, %mul3A_169 : i32
          %add3A_171 = arith.constant 2 : i32
          %add3A_172 = arith.addi %mul3A_170, %add3A_171 : i32
          %dma_start3A_173 = arith.constant 0 : i32
          %dma_start3A_174 = tpu.memref_slice %arg12[%add3A_172, %dma_start3A_173] : memref<128x64xf32, #tpu.memory_space<vmem>> -> memref<1x64xf32, #tpu.memory_space<vmem>>
          %dma_start3A_175 = arith.constant 0 : i32
          %dma_start3A_176 = tpu.memref_slice %arg5[%squeeze3A_168, %dma_start3A_175] : memref<1000000x64xf32, #tpu.memory_space<hbm>> -> memref<1x64xf32, #tpu.memory_space<hbm>>
          %dma_start3A_177 = arith.constant 0 : i32
          %dma_start3A_178 = tpu.memref_slice %arg12[%add3A_172, %dma_start3A_177] : memref<128x64xf32, #tpu.memory_space<vmem>> -> memref<1x64xf32, #tpu.memory_space<vmem>>
          %dma_start3A_179 = arith.constant 0 : i32
          %dma_start3A_180 = tpu.memref_slice %arg5[%squeeze3A_168, %dma_start3A_179] : memref<1000000x64xf32, #tpu.memory_space<hbm>> -> memref<1x64xf32, #tpu.memory_space<hbm>>
          tpu.enqueue_dma source(%dma_start3A_180 : memref<1x64xf32, #tpu.memory_space<hbm>>) target(%dma_start3A_178 : memref<1x64xf32, #tpu.memory_space<vmem>>) target_semaphore(%arg15 : memref<!tpu.dma_semaphore, #tpu.memory_space<semaphore_mem>>)
          %slice3A_181 = vector.extract_strided_slice %get3A_96 {offsets = [3], sizes = [1], strides = [1]} : vector<16xi32> to vector<1xi32>
          %squeeze3A_182 = vector.extract %slice3A_181[0] : i32 from vector<1xi32>
          %mul3A_183 = arith.constant 16 : i32
          %mul3A_184 = arith.muli %scan3A_90, %mul3A_183 : i32
          %add3A_185 = arith.constant 3 : i32
          %add3A_186 = arith.addi %mul3A_184, %add3A_185 : i32
          %dma_start3A_187 = arith.constant 0 : i32
          %dma_start3A_188 = tpu.memref_slice %arg10[%add3A_186, %dma_start3A_187] : memref<128x64xf32, #tpu.memory_space<vmem>> -> memref<1x64xf32, #tpu.memory_space<vmem>>
          %dma_start3A_189 = arith.constant 0 : i32
          %dma_start3A_190 = tpu.memref_slice %arg4[%squeeze3A_182, %dma_start3A_189] : memref<1000000x64xf32, #tpu.memory_space<hbm>> -> memref<1x64xf32, #tpu.memory_space<hbm>>
          %dma_start3A_191 = arith.constant 0 : i32
          %dma_start3A_192 = tpu.memref_slice %arg10[%add3A_186, %dma_start3A_191] : memref<128x64xf32, #tpu.memory_space<vmem>> -> memref<1x64xf32, #tpu.memory_space<vmem>>
          %dma_start3A_193 = arith.constant 0 : i32
          %dma_start3A_194 = tpu.memref_slice %arg4[%squeeze3A_182, %dma_start3A_193] : memref<1000000x64xf32, #tpu.memory_space<hbm>> -> memref<1x64xf32, #tpu.memory_space<hbm>>
          tpu.enqueue_dma source(%dma_start3A_194 : memref<1x64xf32, #tpu.memory_space<hbm>>) target(%dma_start3A_192 : memref<1x64xf32, #tpu.memory_space<vmem>>) target_semaphore(%arg15 : memref<!tpu.dma_semaphore, #tpu.memory_space<semaphore_mem>>)
          %slice3A_195 = vector.extract_strided_slice %get3A_99 {offsets = [3], sizes = [1], strides = [1]} : vector<16xi32> to vector<1xi32>
          %squeeze3A_196 = vector.extract %slice3A_195[0] : i32 from vector<1xi32>
          %mul3A_197 = arith.constant 16 : i32
          %mul3A_198 = arith.muli %scan3A_90, %mul3A_197 : i32
          %add3A_199 = arith.constant 3 : i32
          %add3A_200 = arith.addi %mul3A_198, %add3A_199 : i32
          %dma_start3A_201 = arith.constant 0 : i32
          %dma_start3A_202 = tpu.memref_slice %arg12[%add3A_200, %dma_start3A_201] : memref<128x64xf32, #tpu.memory_space<vmem>> -> memref<1x64xf32, #tpu.memory_space<vmem>>
          %dma_start3A_203 = arith.constant 0 : i32
          %dma_start3A_204 = tpu.memref_slice %arg5[%squeeze3A_196, %dma_start3A_203] : memref<1000000x64xf32, #tpu.memory_space<hbm>> -> memref<1x64xf32, #tpu.memory_space<hbm>>
          %dma_start3A_205 = arith.constant 0 : i32
          %dma_start3A_206 = tpu.memref_slice %arg12[%add3A_200, %dma_start3A_205] : memref<128x64xf32, #tpu.memory_space<vmem>> -> memref<1x64xf32, #tpu.memory_space<vmem>>
          %dma_start3A_207 = arith.constant 0 : i32
          %dma_start3A_208 = tpu.memref_slice %arg5[%squeeze3A_196, %dma_start3A_207] : memref<1000000x64xf32, #tpu.memory_space<hbm>> -> memref<1x64xf32, #tpu.memory_space<hbm>>
          tpu.enqueue_dma source(%dma_start3A_208 : memref<1x64xf32, #tpu.memory_space<hbm>>) target(%dma_start3A_206 : memref<1x64xf32, #tpu.memory_space<vmem>>) target_semaphore(%arg15 : memref<!tpu.dma_semaphore, #tpu.memory_space<semaphore_mem>>)
          %slice3A_209 = vector.extract_strided_slice %get3A_96 {offsets = [4], sizes = [1], strides = [1]} : vector<16xi32> to vector<1xi32>
          %squeeze3A_210 = vector.extract %slice3A_209[0] : i32 from vector<1xi32>
          %mul3A_211 = arith.constant 16 : i32
          %mul3A_212 = arith.muli %scan3A_90, %mul3A_211 : i32
          %add3A_213 = arith.constant 4 : i32
          %add3A_214 = arith.addi %mul3A_212, %add3A_213 : i32
          %dma_start3A_215 = arith.constant 0 : i32
          %dma_start3A_216 = tpu.memref_slice %arg10[%add3A_214, %dma_start3A_215] : memref<128x64xf32, #tpu.memory_space<vmem>> -> memref<1x64xf32, #tpu.memory_space<vmem>>
          %dma_start3A_217 = arith.constant 0 : i32
          %dma_start3A_218 = tpu.memref_slice %arg4[%squeeze3A_210, %dma_start3A_217] : memref<1000000x64xf32, #tpu.memory_space<hbm>> -> memref<1x64xf32, #tpu.memory_space<hbm>>
          %dma_start3A_219 = arith.constant 0 : i32
          %dma_start3A_220 = tpu.memref_slice %arg10[%add3A_214, %dma_start3A_219] : memref<128x64xf32, #tpu.memory_space<vmem>> -> memref<1x64xf32, #tpu.memory_space<vmem>>
          %dma_start3A_221 = arith.constant 0 : i32
          %dma_start3A_222 = tpu.memref_slice %arg4[%squeeze3A_210, %dma_start3A_221] : memref<1000000x64xf32, #tpu.memory_space<hbm>> -> memref<1x64xf32, #tpu.memory_space<hbm>>
          tpu.enqueue_dma source(%dma_start3A_222 : memref<1x64xf32, #tpu.memory_space<hbm>>) target(%dma_start3A_220 : memref<1x64xf32, #tpu.memory_space<vmem>>) target_semaphore(%arg15 : memref<!tpu.dma_semaphore, #tpu.memory_space<semaphore_mem>>)
          %slice3A_223 = vector.extract_strided_slice %get3A_99 {offsets = [4], sizes = [1], strides = [1]} : vector<16xi32> to vector<1xi32>
          %squeeze3A_224 = vector.extract %slice3A_223[0] : i32 from vector<1xi32>
          %mul3A_225 = arith.constant 16 : i32
          %mul3A_226 = arith.muli %scan3A_90, %mul3A_225 : i32
          %add3A_227 = arith.constant 4 : i32
          %add3A_228 = arith.addi %mul3A_226, %add3A_227 : i32
          %dma_start3A_229 = arith.constant 0 : i32
          %dma_start3A_230 = tpu.memref_slice %arg12[%add3A_228, %dma_start3A_229] : memref<128x64xf32, #tpu.memory_space<vmem>> -> memref<1x64xf32, #tpu.memory_space<vmem>>
          %dma_start3A_231 = arith.constant 0 : i32
          %dma_start3A_232 = tpu.memref_slice %arg5[%squeeze3A_224, %dma_start3A_231] : memref<1000000x64xf32, #tpu.memory_space<hbm>> -> memref<1x64xf32, #tpu.memory_space<hbm>>
          %dma_start3A_233 = arith.constant 0 : i32
          %dma_start3A_234 = tpu.memref_slice %arg12[%add3A_228, %dma_start3A_233] : memref<128x64xf32, #tpu.memory_space<vmem>> -> memref<1x64xf32, #tpu.memory_space<vmem>>
          %dma_start3A_235 = arith.constant 0 : i32
          %dma_start3A_236 = tpu.memref_slice %arg5[%squeeze3A_224, %dma_start3A_235] : memref<1000000x64xf32, #tpu.memory_space<hbm>> -> memref<1x64xf32, #tpu.memory_space<hbm>>
          tpu.enqueue_dma source(%dma_start3A_236 : memref<1x64xf32, #tpu.memory_space<hbm>>) target(%dma_start3A_234 : memref<1x64xf32, #tpu.memory_space<vmem>>) target_semaphore(%arg15 : memref<!tpu.dma_semaphore, #tpu.memory_space<semaphore_mem>>)
          %slice3A_237 = vector.extract_strided_slice %get3A_96 {offsets = [5], sizes = [1], strides = [1]} : vector<16xi32> to vector<1xi32>
          %squeeze3A_238 = vector.extract %slice3A_237[0] : i32 from vector<1xi32>
          %mul3A_239 = arith.constant 16 : i32
          %mul3A_240 = arith.muli %scan3A_90, %mul3A_239 : i32
          %add3A_241 = arith.constant 5 : i32
          %add3A_242 = arith.addi %mul3A_240, %add3A_241 : i32
          %dma_start3A_243 = arith.constant 0 : i32
          %dma_start3A_244 = tpu.memref_slice %arg10[%add3A_242, %dma_start3A_243] : memref<128x64xf32, #tpu.memory_space<vmem>> -> memref<1x64xf32, #tpu.memory_space<vmem>>
          %dma_start3A_245 = arith.constant 0 : i32
          %dma_start3A_246 = tpu.memref_slice %arg4[%squeeze3A_238, %dma_start3A_245] : memref<1000000x64xf32, #tpu.memory_space<hbm>> -> memref<1x64xf32, #tpu.memory_space<hbm>>
          %dma_start3A_247 = arith.constant 0 : i32
          %dma_start3A_248 = tpu.memref_slice %arg10[%add3A_242, %dma_start3A_247] : memref<128x64xf32, #tpu.memory_space<vmem>> -> memref<1x64xf32, #tpu.memory_space<vmem>>
          %dma_start3A_249 = arith.constant 0 : i32
          %dma_start3A_250 = tpu.memref_slice %arg4[%squeeze3A_238, %dma_start3A_249] : memref<1000000x64xf32, #tpu.memory_space<hbm>> -> memref<1x64xf32, #tpu.memory_space<hbm>>
          tpu.enqueue_dma source(%dma_start3A_250 : memref<1x64xf32, #tpu.memory_space<hbm>>) target(%dma_start3A_248 : memref<1x64xf32, #tpu.memory_space<vmem>>) target_semaphore(%arg15 : memref<!tpu.dma_semaphore, #tpu.memory_space<semaphore_mem>>)
          %slice3A_251 = vector.extract_strided_slice %get3A_99 {offsets = [5], sizes = [1], strides = [1]} : vector<16xi32> to vector<1xi32>
          %squeeze3A_252 = vector.extract %slice3A_251[0] : i32 from vector<1xi32>
          %mul3A_253 = arith.constant 16 : i32
          %mul3A_254 = arith.muli %scan3A_90, %mul3A_253 : i32
          %add3A_255 = arith.constant 5 : i32
          %add3A_256 = arith.addi %mul3A_254, %add3A_255 : i32
          %dma_start3A_257 = arith.constant 0 : i32
          %dma_start3A_258 = tpu.memref_slice %arg12[%add3A_256, %dma_start3A_257] : memref<128x64xf32, #tpu.memory_space<vmem>> -> memref<1x64xf32, #tpu.memory_space<vmem>>
          %dma_start3A_259 = arith.constant 0 : i32
          %dma_start3A_260 = tpu.memref_slice %arg5[%squeeze3A_252, %dma_start3A_259] : memref<1000000x64xf32, #tpu.memory_space<hbm>> -> memref<1x64xf32, #tpu.memory_space<hbm>>
          %dma_start3A_261 = arith.constant 0 : i32
          %dma_start3A_262 = tpu.memref_slice %arg12[%add3A_256, %dma_start3A_261] : memref<128x64xf32, #tpu.memory_space<vmem>> -> memref<1x64xf32, #tpu.memory_space<vmem>>
          %dma_start3A_263 = arith.constant 0 : i32
          %dma_start3A_264 = tpu.memref_slice %arg5[%squeeze3A_252, %dma_start3A_263] : memref<1000000x64xf32, #tpu.memory_space<hbm>> -> memref<1x64xf32, #tpu.memory_space<hbm>>
          tpu.enqueue_dma source(%dma_start3A_264 : memref<1x64xf32, #tpu.memory_space<hbm>>) target(%dma_start3A_262 : memref<1x64xf32, #tpu.memory_space<vmem>>) target_semaphore(%arg15 : memref<!tpu.dma_semaphore, #tpu.memory_space<semaphore_mem>>)
          %slice3A_265 = vector.extract_strided_slice %get3A_96 {offsets = [6], sizes = [1], strides = [1]} : vector<16xi32> to vector<1xi32>
          %squeeze3A_266 = vector.extract %slice3A_265[0] : i32 from vector<1xi32>
          %mul3A_267 = arith.constant 16 : i32
          %mul3A_268 = arith.muli %scan3A_90, %mul3A_267 : i32
          %add3A_269 = arith.constant 6 : i32
          %add3A_270 = arith.addi %mul3A_268, %add3A_269 : i32
          %dma_start3A_271 = arith.constant 0 : i32
          %dma_start3A_272 = tpu.memref_slice %arg10[%add3A_270, %dma_start3A_271] : memref<128x64xf32, #tpu.memory_space<vmem>> -> memref<1x64xf32, #tpu.memory_space<vmem>>
          %dma_start3A_273 = arith.constant 0 : i32
          %dma_start3A_274 = tpu.memref_slice %arg4[%squeeze3A_266, %dma_start3A_273] : memref<1000000x64xf32, #tpu.memory_space<hbm>> -> memref<1x64xf32, #tpu.memory_space<hbm>>
          %dma_start3A_275 = arith.constant 0 : i32
          %dma_start3A_276 = tpu.memref_slice %arg10[%add3A_270, %dma_start3A_275] : memref<128x64xf32, #tpu.memory_space<vmem>> -> memref<1x64xf32, #tpu.memory_space<vmem>>
          %dma_start3A_277 = arith.constant 0 : i32
          %dma_start3A_278 = tpu.memref_slice %arg4[%squeeze3A_266, %dma_start3A_277] : memref<1000000x64xf32, #tpu.memory_space<hbm>> -> memref<1x64xf32, #tpu.memory_space<hbm>>
          tpu.enqueue_dma source(%dma_start3A_278 : memref<1x64xf32, #tpu.memory_space<hbm>>) target(%dma_start3A_276 : memref<1x64xf32, #tpu.memory_space<vmem>>) target_semaphore(%arg15 : memref<!tpu.dma_semaphore, #tpu.memory_space<semaphore_mem>>)
          %slice3A_279 = vector.extract_strided_slice %get3A_99 {offsets = [6], sizes = [1], strides = [1]} : vector<16xi32> to vector<1xi32>
          %squeeze3A_280 = vector.extract %slice3A_279[0] : i32 from vector<1xi32>
          %mul3A_281 = arith.constant 16 : i32
          %mul3A_282 = arith.muli %scan3A_90, %mul3A_281 : i32
          %add3A_283 = arith.constant 6 : i32
          %add3A_284 = arith.addi %mul3A_282, %add3A_283 : i32
          %dma_start3A_285 = arith.constant 0 : i32
          %dma_start3A_286 = tpu.memref_slice %arg12[%add3A_284, %dma_start3A_285] : memref<128x64xf32, #tpu.memory_space<vmem>> -> memref<1x64xf32, #tpu.memory_space<vmem>>
          %dma_start3A_287 = arith.constant 0 : i32
          %dma_start3A_288 = tpu.memref_slice %arg5[%squeeze3A_280, %dma_start3A_287] : memref<1000000x64xf32, #tpu.memory_space<hbm>> -> memref<1x64xf32, #tpu.memory_space<hbm>>
          %dma_start3A_289 = arith.constant 0 : i32
          %dma_start3A_290 = tpu.memref_slice %arg12[%add3A_284, %dma_start3A_289] : memref<128x64xf32, #tpu.memory_space<vmem>> -> memref<1x64xf32, #tpu.memory_space<vmem>>
          %dma_start3A_291 = arith.constant 0 : i32
          %dma_start3A_292 = tpu.memref_slice %arg5[%squeeze3A_280, %dma_start3A_291] : memref<1000000x64xf32, #tpu.memory_space<hbm>> -> memref<1x64xf32, #tpu.memory_space<hbm>>
          tpu.enqueue_dma source(%dma_start3A_292 : memref<1x64xf32, #tpu.memory_space<hbm>>) target(%dma_start3A_290 : memref<1x64xf32, #tpu.memory_space<vmem>>) target_semaphore(%arg15 : memref<!tpu.dma_semaphore, #tpu.memory_space<semaphore_mem>>)
          %slice3A_293 = vector.extract_strided_slice %get3A_96 {offsets = [7], sizes = [1], strides = [1]} : vector<16xi32> to vector<1xi32>
          %squeeze3A_294 = vector.extract %slice3A_293[0] : i32 from vector<1xi32>
          %mul3A_295 = arith.constant 16 : i32
          %mul3A_296 = arith.muli %scan3A_90, %mul3A_295 : i32
          %add3A_297 = arith.constant 7 : i32
          %add3A_298 = arith.addi %mul3A_296, %add3A_297 : i32
          %dma_start3A_299 = arith.constant 0 : i32
          %dma_start3A_300 = tpu.memref_slice %arg10[%add3A_298, %dma_start3A_299] : memref<128x64xf32, #tpu.memory_space<vmem>> -> memref<1x64xf32, #tpu.memory_space<vmem>>
          %dma_start3A_301 = arith.constant 0 : i32
          %dma_start3A_302 = tpu.memref_slice %arg4[%squeeze3A_294, %dma_start3A_301] : memref<1000000x64xf32, #tpu.memory_space<hbm>> -> memref<1x64xf32, #tpu.memory_space<hbm>>
          %dma_start3A_303 = arith.constant 0 : i32
          %dma_start3A_304 = tpu.memref_slice %arg10[%add3A_298, %dma_start3A_303] : memref<128x64xf32, #tpu.memory_space<vmem>> -> memref<1x64xf32, #tpu.memory_space<vmem>>
          %dma_start3A_305 = arith.constant 0 : i32
          %dma_start3A_306 = tpu.memref_slice %arg4[%squeeze3A_294, %dma_start3A_305] : memref<1000000x64xf32, #tpu.memory_space<hbm>> -> memref<1x64xf32, #tpu.memory_space<hbm>>
          tpu.enqueue_dma source(%dma_start3A_306 : memref<1x64xf32, #tpu.memory_space<hbm>>) target(%dma_start3A_304 : memref<1x64xf32, #tpu.memory_space<vmem>>) target_semaphore(%arg15 : memref<!tpu.dma_semaphore, #tpu.memory_space<semaphore_mem>>)
          %slice3A_307 = vector.extract_strided_slice %get3A_99 {offsets = [7], sizes = [1], strides = [1]} : vector<16xi32> to vector<1xi32>
          %squeeze3A_308 = vector.extract %slice3A_307[0] : i32 from vector<1xi32>
          %mul3A_309 = arith.constant 16 : i32
          %mul3A_310 = arith.muli %scan3A_90, %mul3A_309 : i32
          %add3A_311 = arith.constant 7 : i32
          %add3A_312 = arith.addi %mul3A_310, %add3A_311 : i32
          %dma_start3A_313 = arith.constant 0 : i32
          %dma_start3A_314 = tpu.memref_slice %arg12[%add3A_312, %dma_start3A_313] : memref<128x64xf32, #tpu.memory_space<vmem>> -> memref<1x64xf32, #tpu.memory_space<vmem>>
          %dma_start3A_315 = arith.constant 0 : i32
          %dma_start3A_316 = tpu.memref_slice %arg5[%squeeze3A_308, %dma_start3A_315] : memref<1000000x64xf32, #tpu.memory_space<hbm>> -> memref<1x64xf32, #tpu.memory_space<hbm>>
          %dma_start3A_317 = arith.constant 0 : i32
          %dma_start3A_318 = tpu.memref_slice %arg12[%add3A_312, %dma_start3A_317] : memref<128x64xf32, #tpu.memory_space<vmem>> -> memref<1x64xf32, #tpu.memory_space<vmem>>
          %dma_start3A_319 = arith.constant 0 : i32
          %dma_start3A_320 = tpu.memref_slice %arg5[%squeeze3A_308, %dma_start3A_319] : memref<1000000x64xf32, #tpu.memory_space<hbm>> -> memref<1x64xf32, #tpu.memory_space<hbm>>
          tpu.enqueue_dma source(%dma_start3A_320 : memref<1x64xf32, #tpu.memory_space<hbm>>) target(%dma_start3A_318 : memref<1x64xf32, #tpu.memory_space<vmem>>) target_semaphore(%arg15 : memref<!tpu.dma_semaphore, #tpu.memory_space<semaphore_mem>>)
          %slice3A_321 = vector.extract_strided_slice %get3A_96 {offsets = [8], sizes = [1], strides = [1]} : vector<16xi32> to vector<1xi32>
          %squeeze3A_322 = vector.extract %slice3A_321[0] : i32 from vector<1xi32>
          %mul3A_323 = arith.constant 16 : i32
          %mul3A_324 = arith.muli %scan3A_90, %mul3A_323 : i32
          %add3A_325 = arith.constant 8 : i32
          %add3A_326 = arith.addi %mul3A_324, %add3A_325 : i32
          %dma_start3A_327 = arith.constant 0 : i32
          %dma_start3A_328 = tpu.memref_slice %arg10[%add3A_326, %dma_start3A_327] : memref<128x64xf32, #tpu.memory_space<vmem>> -> memref<1x64xf32, #tpu.memory_space<vmem>>
          %dma_start3A_329 = arith.constant 0 : i32
          %dma_start3A_330 = tpu.memref_slice %arg4[%squeeze3A_322, %dma_start3A_329] : memref<1000000x64xf32, #tpu.memory_space<hbm>> -> memref<1x64xf32, #tpu.memory_space<hbm>>
          %dma_start3A_331 = arith.constant 0 : i32
          %dma_start3A_332 = tpu.memref_slice %arg10[%add3A_326, %dma_start3A_331] : memref<128x64xf32, #tpu.memory_space<vmem>> -> memref<1x64xf32, #tpu.memory_space<vmem>>
          %dma_start3A_333 = arith.constant 0 : i32
          %dma_start3A_334 = tpu.memref_slice %arg4[%squeeze3A_322, %dma_start3A_333] : memref<1000000x64xf32, #tpu.memory_space<hbm>> -> memref<1x64xf32, #tpu.memory_space<hbm>>
          tpu.enqueue_dma source(%dma_start3A_334 : memref<1x64xf32, #tpu.memory_space<hbm>>) target(%dma_start3A_332 : memref<1x64xf32, #tpu.memory_space<vmem>>) target_semaphore(%arg15 : memref<!tpu.dma_semaphore, #tpu.memory_space<semaphore_mem>>)
          %slice3A_335 = vector.extract_strided_slice %get3A_99 {offsets = [8], sizes = [1], strides = [1]} : vector<16xi32> to vector<1xi32>
          %squeeze3A_336 = vector.extract %slice3A_335[0] : i32 from vector<1xi32>
          %mul3A_337 = arith.constant 16 : i32
          %mul3A_338 = arith.muli %scan3A_90, %mul3A_337 : i32
          %add3A_339 = arith.constant 8 : i32
          %add3A_340 = arith.addi %mul3A_338, %add3A_339 : i32
          %dma_start3A_341 = arith.constant 0 : i32
          %dma_start3A_342 = tpu.memref_slice %arg12[%add3A_340, %dma_start3A_341] : memref<128x64xf32, #tpu.memory_space<vmem>> -> memref<1x64xf32, #tpu.memory_space<vmem>>
          %dma_start3A_343 = arith.constant 0 : i32
          %dma_start3A_344 = tpu.memref_slice %arg5[%squeeze3A_336, %dma_start3A_343] : memref<1000000x64xf32, #tpu.memory_space<hbm>> -> memref<1x64xf32, #tpu.memory_space<hbm>>
          %dma_start3A_345 = arith.constant 0 : i32
          %dma_start3A_346 = tpu.memref_slice %arg12[%add3A_340, %dma_start3A_345] : memref<128x64xf32, #tpu.memory_space<vmem>> -> memref<1x64xf32, #tpu.memory_space<vmem>>
          %dma_start3A_347 = arith.constant 0 : i32
          %dma_start3A_348 = tpu.memref_slice %arg5[%squeeze3A_336, %dma_start3A_347] : memref<1000000x64xf32, #tpu.memory_space<hbm>> -> memref<1x64xf32, #tpu.memory_space<hbm>>
          tpu.enqueue_dma source(%dma_start3A_348 : memref<1x64xf32, #tpu.memory_space<hbm>>) target(%dma_start3A_346 : memref<1x64xf32, #tpu.memory_space<vmem>>) target_semaphore(%arg15 : memref<!tpu.dma_semaphore, #tpu.memory_space<semaphore_mem>>)
          %slice3A_349 = vector.extract_strided_slice %get3A_96 {offsets = [9], sizes = [1], strides = [1]} : vector<16xi32> to vector<1xi32>
          %squeeze3A_350 = vector.extract %slice3A_349[0] : i32 from vector<1xi32>
          %mul3A_351 = arith.constant 16 : i32
          %mul3A_352 = arith.muli %scan3A_90, %mul3A_351 : i32
          %add3A_353 = arith.constant 9 : i32
          %add3A_354 = arith.addi %mul3A_352, %add3A_353 : i32
          %dma_start3A_355 = arith.constant 0 : i32
          %dma_start3A_356 = tpu.memref_slice %arg10[%add3A_354, %dma_start3A_355] : memref<128x64xf32, #tpu.memory_space<vmem>> -> memref<1x64xf32, #tpu.memory_space<vmem>>
          %dma_start3A_357 = arith.constant 0 : i32
          %dma_start3A_358 = tpu.memref_slice %arg4[%squeeze3A_350, %dma_start3A_357] : memref<1000000x64xf32, #tpu.memory_space<hbm>> -> memref<1x64xf32, #tpu.memory_space<hbm>>
          %dma_start3A_359 = arith.constant 0 : i32
          %dma_start3A_360 = tpu.memref_slice %arg10[%add3A_354, %dma_start3A_359] : memref<128x64xf32, #tpu.memory_space<vmem>> -> memref<1x64xf32, #tpu.memory_space<vmem>>
          %dma_start3A_361 = arith.constant 0 : i32
          %dma_start3A_362 = tpu.memref_slice %arg4[%squeeze3A_350, %dma_start3A_361] : memref<1000000x64xf32, #tpu.memory_space<hbm>> -> memref<1x64xf32, #tpu.memory_space<hbm>>
          tpu.enqueue_dma source(%dma_start3A_362 : memref<1x64xf32, #tpu.memory_space<hbm>>) target(%dma_start3A_360 : memref<1x64xf32, #tpu.memory_space<vmem>>) target_semaphore(%arg15 : memref<!tpu.dma_semaphore, #tpu.memory_space<semaphore_mem>>)
          %slice3A_363 = vector.extract_strided_slice %get3A_99 {offsets = [9], sizes = [1], strides = [1]} : vector<16xi32> to vector<1xi32>
          %squeeze3A_364 = vector.extract %slice3A_363[0] : i32 from vector<1xi32>
          %mul3A_365 = arith.constant 16 : i32
          %mul3A_366 = arith.muli %scan3A_90, %mul3A_365 : i32
          %add3A_367 = arith.constant 9 : i32
          %add3A_368 = arith.addi %mul3A_366, %add3A_367 : i32
          %dma_start3A_369 = arith.constant 0 : i32
          %dma_start3A_370 = tpu.memref_slice %arg12[%add3A_368, %dma_start3A_369] : memref<128x64xf32, #tpu.memory_space<vmem>> -> memref<1x64xf32, #tpu.memory_space<vmem>>
          %dma_start3A_371 = arith.constant 0 : i32
          %dma_start3A_372 = tpu.memref_slice %arg5[%squeeze3A_364, %dma_start3A_371] : memref<1000000x64xf32, #tpu.memory_space<hbm>> -> memref<1x64xf32, #tpu.memory_space<hbm>>
          %dma_start3A_373 = arith.constant 0 : i32
          %dma_start3A_374 = tpu.memref_slice %arg12[%add3A_368, %dma_start3A_373] : memref<128x64xf32, #tpu.memory_space<vmem>> -> memref<1x64xf32, #tpu.memory_space<vmem>>
          %dma_start3A_375 = arith.constant 0 : i32
          %dma_start3A_376 = tpu.memref_slice %arg5[%squeeze3A_364, %dma_start3A_375] : memref<1000000x64xf32, #tpu.memory_space<hbm>> -> memref<1x64xf32, #tpu.memory_space<hbm>>
          tpu.enqueue_dma source(%dma_start3A_376 : memref<1x64xf32, #tpu.memory_space<hbm>>) target(%dma_start3A_374 : memref<1x64xf32, #tpu.memory_space<vmem>>) target_semaphore(%arg15 : memref<!tpu.dma_semaphore, #tpu.memory_space<semaphore_mem>>)
          %slice3A_377 = vector.extract_strided_slice %get3A_96 {offsets = [10], sizes = [1], strides = [1]} : vector<16xi32> to vector<1xi32>
          %squeeze3A_378 = vector.extract %slice3A_377[0] : i32 from vector<1xi32>
          %mul3A_379 = arith.constant 16 : i32
          %mul3A_380 = arith.muli %scan3A_90, %mul3A_379 : i32
          %add3A_381 = arith.constant 10 : i32
          %add3A_382 = arith.addi %mul3A_380, %add3A_381 : i32
          %dma_start3A_383 = arith.constant 0 : i32
          %dma_start3A_384 = tpu.memref_slice %arg10[%add3A_382, %dma_start3A_383] : memref<128x64xf32, #tpu.memory_space<vmem>> -> memref<1x64xf32, #tpu.memory_space<vmem>>
          %dma_start3A_385 = arith.constant 0 : i32
          %dma_start3A_386 = tpu.memref_slice %arg4[%squeeze3A_378, %dma_start3A_385] : memref<1000000x64xf32, #tpu.memory_space<hbm>> -> memref<1x64xf32, #tpu.memory_space<hbm>>
          %dma_start3A_387 = arith.constant 0 : i32
          %dma_start3A_388 = tpu.memref_slice %arg10[%add3A_382, %dma_start3A_387] : memref<128x64xf32, #tpu.memory_space<vmem>> -> memref<1x64xf32, #tpu.memory_space<vmem>>
          %dma_start3A_389 = arith.constant 0 : i32
          %dma_start3A_390 = tpu.memref_slice %arg4[%squeeze3A_378, %dma_start3A_389] : memref<1000000x64xf32, #tpu.memory_space<hbm>> -> memref<1x64xf32, #tpu.memory_space<hbm>>
          tpu.enqueue_dma source(%dma_start3A_390 : memref<1x64xf32, #tpu.memory_space<hbm>>) target(%dma_start3A_388 : memref<1x64xf32, #tpu.memory_space<vmem>>) target_semaphore(%arg15 : memref<!tpu.dma_semaphore, #tpu.memory_space<semaphore_mem>>)
          %slice3A_391 = vector.extract_strided_slice %get3A_99 {offsets = [10], sizes = [1], strides = [1]} : vector<16xi32> to vector<1xi32>
          %squeeze3A_392 = vector.extract %slice3A_391[0] : i32 from vector<1xi32>
          %mul3A_393 = arith.constant 16 : i32
          %mul3A_394 = arith.muli %scan3A_90, %mul3A_393 : i32
          %add3A_395 = arith.constant 10 : i32
          %add3A_396 = arith.addi %mul3A_394, %add3A_395 : i32
          %dma_start3A_397 = arith.constant 0 : i32
          %dma_start3A_398 = tpu.memref_slice %arg12[%add3A_396, %dma_start3A_397] : memref<128x64xf32, #tpu.memory_space<vmem>> -> memref<1x64xf32, #tpu.memory_space<vmem>>
          %dma_start3A_399 = arith.constant 0 : i32
          %dma_start3A_400 = tpu.memref_slice %arg5[%squeeze3A_392, %dma_start3A_399] : memref<1000000x64xf32, #tpu.memory_space<hbm>> -> memref<1x64xf32, #tpu.memory_space<hbm>>
          %dma_start3A_401 = arith.constant 0 : i32
          %dma_start3A_402 = tpu.memref_slice %arg12[%add3A_396, %dma_start3A_401] : memref<128x64xf32, #tpu.memory_space<vmem>> -> memref<1x64xf32, #tpu.memory_space<vmem>>
          %dma_start3A_403 = arith.constant 0 : i32
          %dma_start3A_404 = tpu.memref_slice %arg5[%squeeze3A_392, %dma_start3A_403] : memref<1000000x64xf32, #tpu.memory_space<hbm>> -> memref<1x64xf32, #tpu.memory_space<hbm>>
          tpu.enqueue_dma source(%dma_start3A_404 : memref<1x64xf32, #tpu.memory_space<hbm>>) target(%dma_start3A_402 : memref<1x64xf32, #tpu.memory_space<vmem>>) target_semaphore(%arg15 : memref<!tpu.dma_semaphore, #tpu.memory_space<semaphore_mem>>)
          %slice3A_405 = vector.extract_strided_slice %get3A_96 {offsets = [11], sizes = [1], strides = [1]} : vector<16xi32> to vector<1xi32>
          %squeeze3A_406 = vector.extract %slice3A_405[0] : i32 from vector<1xi32>
          %mul3A_407 = arith.constant 16 : i32
          %mul3A_408 = arith.muli %scan3A_90, %mul3A_407 : i32
          %add3A_409 = arith.constant 11 : i32
          %add3A_410 = arith.addi %mul3A_408, %add3A_409 : i32
          %dma_start3A_411 = arith.constant 0 : i32
          %dma_start3A_412 = tpu.memref_slice %arg10[%add3A_410, %dma_start3A_411] : memref<128x64xf32, #tpu.memory_space<vmem>> -> memref<1x64xf32, #tpu.memory_space<vmem>>
          %dma_start3A_413 = arith.constant 0 : i32
          %dma_start3A_414 = tpu.memref_slice %arg4[%squeeze3A_406, %dma_start3A_413] : memref<1000000x64xf32, #tpu.memory_space<hbm>> -> memref<1x64xf32, #tpu.memory_space<hbm>>
          %dma_start3A_415 = arith.constant 0 : i32
          %dma_start3A_416 = tpu.memref_slice %arg10[%add3A_410, %dma_start3A_415] : memref<128x64xf32, #tpu.memory_space<vmem>> -> memref<1x64xf32, #tpu.memory_space<vmem>>
          %dma_start3A_417 = arith.constant 0 : i32
          %dma_start3A_418 = tpu.memref_slice %arg4[%squeeze3A_406, %dma_start3A_417] : memref<1000000x64xf32, #tpu.memory_space<hbm>> -> memref<1x64xf32, #tpu.memory_space<hbm>>
          tpu.enqueue_dma source(%dma_start3A_418 : memref<1x64xf32, #tpu.memory_space<hbm>>) target(%dma_start3A_416 : memref<1x64xf32, #tpu.memory_space<vmem>>) target_semaphore(%arg15 : memref<!tpu.dma_semaphore, #tpu.memory_space<semaphore_mem>>)
          %slice3A_419 = vector.extract_strided_slice %get3A_99 {offsets = [11], sizes = [1], strides = [1]} : vector<16xi32> to vector<1xi32>
          %squeeze3A_420 = vector.extract %slice3A_419[0] : i32 from vector<1xi32>
          %mul3A_421 = arith.constant 16 : i32
          %mul3A_422 = arith.muli %scan3A_90, %mul3A_421 : i32
          %add3A_423 = arith.constant 11 : i32
          %add3A_424 = arith.addi %mul3A_422, %add3A_423 : i32
          %dma_start3A_425 = arith.constant 0 : i32
          %dma_start3A_426 = tpu.memref_slice %arg12[%add3A_424, %dma_start3A_425] : memref<128x64xf32, #tpu.memory_space<vmem>> -> memref<1x64xf32, #tpu.memory_space<vmem>>
          %dma_start3A_427 = arith.constant 0 : i32
          %dma_start3A_428 = tpu.memref_slice %arg5[%squeeze3A_420, %dma_start3A_427] : memref<1000000x64xf32, #tpu.memory_space<hbm>> -> memref<1x64xf32, #tpu.memory_space<hbm>>
          %dma_start3A_429 = arith.constant 0 : i32
          %dma_start3A_430 = tpu.memref_slice %arg12[%add3A_424, %dma_start3A_429] : memref<128x64xf32, #tpu.memory_space<vmem>> -> memref<1x64xf32, #tpu.memory_space<vmem>>
          %dma_start3A_431 = arith.constant 0 : i32
          %dma_start3A_432 = tpu.memref_slice %arg5[%squeeze3A_420, %dma_start3A_431] : memref<1000000x64xf32, #tpu.memory_space<hbm>> -> memref<1x64xf32, #tpu.memory_space<hbm>>
          tpu.enqueue_dma source(%dma_start3A_432 : memref<1x64xf32, #tpu.memory_space<hbm>>) target(%dma_start3A_430 : memref<1x64xf32, #tpu.memory_space<vmem>>) target_semaphore(%arg15 : memref<!tpu.dma_semaphore, #tpu.memory_space<semaphore_mem>>)
          %slice3A_433 = vector.extract_strided_slice %get3A_96 {offsets = [12], sizes = [1], strides = [1]} : vector<16xi32> to vector<1xi32>
          %squeeze3A_434 = vector.extract %slice3A_433[0] : i32 from vector<1xi32>
          %mul3A_435 = arith.constant 16 : i32
          %mul3A_436 = arith.muli %scan3A_90, %mul3A_435 : i32
          %add3A_437 = arith.constant 12 : i32
          %add3A_438 = arith.addi %mul3A_436, %add3A_437 : i32
          %dma_start3A_439 = arith.constant 0 : i32
          %dma_start3A_440 = tpu.memref_slice %arg10[%add3A_438, %dma_start3A_439] : memref<128x64xf32, #tpu.memory_space<vmem>> -> memref<1x64xf32, #tpu.memory_space<vmem>>
          %dma_start3A_441 = arith.constant 0 : i32
          %dma_start3A_442 = tpu.memref_slice %arg4[%squeeze3A_434, %dma_start3A_441] : memref<1000000x64xf32, #tpu.memory_space<hbm>> -> memref<1x64xf32, #tpu.memory_space<hbm>>
          %dma_start3A_443 = arith.constant 0 : i32
          %dma_start3A_444 = tpu.memref_slice %arg10[%add3A_438, %dma_start3A_443] : memref<128x64xf32, #tpu.memory_space<vmem>> -> memref<1x64xf32, #tpu.memory_space<vmem>>
          %dma_start3A_445 = arith.constant 0 : i32
          %dma_start3A_446 = tpu.memref_slice %arg4[%squeeze3A_434, %dma_start3A_445] : memref<1000000x64xf32, #tpu.memory_space<hbm>> -> memref<1x64xf32, #tpu.memory_space<hbm>>
          tpu.enqueue_dma source(%dma_start3A_446 : memref<1x64xf32, #tpu.memory_space<hbm>>) target(%dma_start3A_444 : memref<1x64xf32, #tpu.memory_space<vmem>>) target_semaphore(%arg15 : memref<!tpu.dma_semaphore, #tpu.memory_space<semaphore_mem>>)
          %slice3A_447 = vector.extract_strided_slice %get3A_99 {offsets = [12], sizes = [1], strides = [1]} : vector<16xi32> to vector<1xi32>
          %squeeze3A_448 = vector.extract %slice3A_447[0] : i32 from vector<1xi32>
          %mul3A_449 = arith.constant 16 : i32
          %mul3A_450 = arith.muli %scan3A_90, %mul3A_449 : i32
          %add3A_451 = arith.constant 12 : i32
          %add3A_452 = arith.addi %mul3A_450, %add3A_451 : i32
          %dma_start3A_453 = arith.constant 0 : i32
          %dma_start3A_454 = tpu.memref_slice %arg12[%add3A_452, %dma_start3A_453] : memref<128x64xf32, #tpu.memory_space<vmem>> -> memref<1x64xf32, #tpu.memory_space<vmem>>
          %dma_start3A_455 = arith.constant 0 : i32
          %dma_start3A_456 = tpu.memref_slice %arg5[%squeeze3A_448, %dma_start3A_455] : memref<1000000x64xf32, #tpu.memory_space<hbm>> -> memref<1x64xf32, #tpu.memory_space<hbm>>
          %dma_start3A_457 = arith.constant 0 : i32
          %dma_start3A_458 = tpu.memref_slice %arg12[%add3A_452, %dma_start3A_457] : memref<128x64xf32, #tpu.memory_space<vmem>> -> memref<1x64xf32, #tpu.memory_space<vmem>>
          %dma_start3A_459 = arith.constant 0 : i32
          %dma_start3A_460 = tpu.memref_slice %arg5[%squeeze3A_448, %dma_start3A_459] : memref<1000000x64xf32, #tpu.memory_space<hbm>> -> memref<1x64xf32, #tpu.memory_space<hbm>>
          tpu.enqueue_dma source(%dma_start3A_460 : memref<1x64xf32, #tpu.memory_space<hbm>>) target(%dma_start3A_458 : memref<1x64xf32, #tpu.memory_space<vmem>>) target_semaphore(%arg15 : memref<!tpu.dma_semaphore, #tpu.memory_space<semaphore_mem>>)
          %slice3A_461 = vector.extract_strided_slice %get3A_96 {offsets = [13], sizes = [1], strides = [1]} : vector<16xi32> to vector<1xi32>
          %squeeze3A_462 = vector.extract %slice3A_461[0] : i32 from vector<1xi32>
          %mul3A_463 = arith.constant 16 : i32
          %mul3A_464 = arith.muli %scan3A_90, %mul3A_463 : i32
          %add3A_465 = arith.constant 13 : i32
          %add3A_466 = arith.addi %mul3A_464, %add3A_465 : i32
          %dma_start3A_467 = arith.constant 0 : i32
          %dma_start3A_468 = tpu.memref_slice %arg10[%add3A_466, %dma_start3A_467] : memref<128x64xf32, #tpu.memory_space<vmem>> -> memref<1x64xf32, #tpu.memory_space<vmem>>
          %dma_start3A_469 = arith.constant 0 : i32
          %dma_start3A_470 = tpu.memref_slice %arg4[%squeeze3A_462, %dma_start3A_469] : memref<1000000x64xf32, #tpu.memory_space<hbm>> -> memref<1x64xf32, #tpu.memory_space<hbm>>
          %dma_start3A_471 = arith.constant 0 : i32
          %dma_start3A_472 = tpu.memref_slice %arg10[%add3A_466, %dma_start3A_471] : memref<128x64xf32, #tpu.memory_space<vmem>> -> memref<1x64xf32, #tpu.memory_space<vmem>>
          %dma_start3A_473 = arith.constant 0 : i32
          %dma_start3A_474 = tpu.memref_slice %arg4[%squeeze3A_462, %dma_start3A_473] : memref<1000000x64xf32, #tpu.memory_space<hbm>> -> memref<1x64xf32, #tpu.memory_space<hbm>>
          tpu.enqueue_dma source(%dma_start3A_474 : memref<1x64xf32, #tpu.memory_space<hbm>>) target(%dma_start3A_472 : memref<1x64xf32, #tpu.memory_space<vmem>>) target_semaphore(%arg15 : memref<!tpu.dma_semaphore, #tpu.memory_space<semaphore_mem>>)
          %slice3A_475 = vector.extract_strided_slice %get3A_99 {offsets = [13], sizes = [1], strides = [1]} : vector<16xi32> to vector<1xi32>
          %squeeze3A_476 = vector.extract %slice3A_475[0] : i32 from vector<1xi32>
          %mul3A_477 = arith.constant 16 : i32
          %mul3A_478 = arith.muli %scan3A_90, %mul3A_477 : i32
          %add3A_479 = arith.constant 13 : i32
          %add3A_480 = arith.addi %mul3A_478, %add3A_479 : i32
          %dma_start3A_481 = arith.constant 0 : i32
          %dma_start3A_482 = tpu.memref_slice %arg12[%add3A_480, %dma_start3A_481] : memref<128x64xf32, #tpu.memory_space<vmem>> -> memref<1x64xf32, #tpu.memory_space<vmem>>
          %dma_start3A_483 = arith.constant 0 : i32
          %dma_start3A_484 = tpu.memref_slice %arg5[%squeeze3A_476, %dma_start3A_483] : memref<1000000x64xf32, #tpu.memory_space<hbm>> -> memref<1x64xf32, #tpu.memory_space<hbm>>
          %dma_start3A_485 = arith.constant 0 : i32
          %dma_start3A_486 = tpu.memref_slice %arg12[%add3A_480, %dma_start3A_485] : memref<128x64xf32, #tpu.memory_space<vmem>> -> memref<1x64xf32, #tpu.memory_space<vmem>>
          %dma_start3A_487 = arith.constant 0 : i32
          %dma_start3A_488 = tpu.memref_slice %arg5[%squeeze3A_476, %dma_start3A_487] : memref<1000000x64xf32, #tpu.memory_space<hbm>> -> memref<1x64xf32, #tpu.memory_space<hbm>>
          tpu.enqueue_dma source(%dma_start3A_488 : memref<1x64xf32, #tpu.memory_space<hbm>>) target(%dma_start3A_486 : memref<1x64xf32, #tpu.memory_space<vmem>>) target_semaphore(%arg15 : memref<!tpu.dma_semaphore, #tpu.memory_space<semaphore_mem>>)
          %slice3A_489 = vector.extract_strided_slice %get3A_96 {offsets = [14], sizes = [1], strides = [1]} : vector<16xi32> to vector<1xi32>
          %squeeze3A_490 = vector.extract %slice3A_489[0] : i32 from vector<1xi32>
          %mul3A_491 = arith.constant 16 : i32
          %mul3A_492 = arith.muli %scan3A_90, %mul3A_491 : i32
          %add3A_493 = arith.constant 14 : i32
          %add3A_494 = arith.addi %mul3A_492, %add3A_493 : i32
          %dma_start3A_495 = arith.constant 0 : i32
          %dma_start3A_496 = tpu.memref_slice %arg10[%add3A_494, %dma_start3A_495] : memref<128x64xf32, #tpu.memory_space<vmem>> -> memref<1x64xf32, #tpu.memory_space<vmem>>
          %dma_start3A_497 = arith.constant 0 : i32
          %dma_start3A_498 = tpu.memref_slice %arg4[%squeeze3A_490, %dma_start3A_497] : memref<1000000x64xf32, #tpu.memory_space<hbm>> -> memref<1x64xf32, #tpu.memory_space<hbm>>
          %dma_start3A_499 = arith.constant 0 : i32
          %dma_start3A_500 = tpu.memref_slice %arg10[%add3A_494, %dma_start3A_499] : memref<128x64xf32, #tpu.memory_space<vmem>> -> memref<1x64xf32, #tpu.memory_space<vmem>>
          %dma_start3A_501 = arith.constant 0 : i32
          %dma_start3A_502 = tpu.memref_slice %arg4[%squeeze3A_490, %dma_start3A_501] : memref<1000000x64xf32, #tpu.memory_space<hbm>> -> memref<1x64xf32, #tpu.memory_space<hbm>>
          tpu.enqueue_dma source(%dma_start3A_502 : memref<1x64xf32, #tpu.memory_space<hbm>>) target(%dma_start3A_500 : memref<1x64xf32, #tpu.memory_space<vmem>>) target_semaphore(%arg15 : memref<!tpu.dma_semaphore, #tpu.memory_space<semaphore_mem>>)
          %slice3A_503 = vector.extract_strided_slice %get3A_99 {offsets = [14], sizes = [1], strides = [1]} : vector<16xi32> to vector<1xi32>
          %squeeze3A_504 = vector.extract %slice3A_503[0] : i32 from vector<1xi32>
          %mul3A_505 = arith.constant 16 : i32
          %mul3A_506 = arith.muli %scan3A_90, %mul3A_505 : i32
          %add3A_507 = arith.constant 14 : i32
          %add3A_508 = arith.addi %mul3A_506, %add3A_507 : i32
          %dma_start3A_509 = arith.constant 0 : i32
          %dma_start3A_510 = tpu.memref_slice %arg12[%add3A_508, %dma_start3A_509] : memref<128x64xf32, #tpu.memory_space<vmem>> -> memref<1x64xf32, #tpu.memory_space<vmem>>
          %dma_start3A_511 = arith.constant 0 : i32
          %dma_start3A_512 = tpu.memref_slice %arg5[%squeeze3A_504, %dma_start3A_511] : memref<1000000x64xf32, #tpu.memory_space<hbm>> -> memref<1x64xf32, #tpu.memory_space<hbm>>
          %dma_start3A_513 = arith.constant 0 : i32
          %dma_start3A_514 = tpu.memref_slice %arg12[%add3A_508, %dma_start3A_513] : memref<128x64xf32, #tpu.memory_space<vmem>> -> memref<1x64xf32, #tpu.memory_space<vmem>>
          %dma_start3A_515 = arith.constant 0 : i32
          %dma_start3A_516 = tpu.memref_slice %arg5[%squeeze3A_504, %dma_start3A_515] : memref<1000000x64xf32, #tpu.memory_space<hbm>> -> memref<1x64xf32, #tpu.memory_space<hbm>>
          tpu.enqueue_dma source(%dma_start3A_516 : memref<1x64xf32, #tpu.memory_space<hbm>>) target(%dma_start3A_514 : memref<1x64xf32, #tpu.memory_space<vmem>>) target_semaphore(%arg15 : memref<!tpu.dma_semaphore, #tpu.memory_space<semaphore_mem>>)
          %slice3A_517 = vector.extract_strided_slice %get3A_96 {offsets = [15], sizes = [1], strides = [1]} : vector<16xi32> to vector<1xi32>
          %squeeze3A_518 = vector.extract %slice3A_517[0] : i32 from vector<1xi32>
          %mul3A_519 = arith.constant 16 : i32
          %mul3A_520 = arith.muli %scan3A_90, %mul3A_519 : i32
          %add3A_521 = arith.constant 15 : i32
          %add3A_522 = arith.addi %mul3A_520, %add3A_521 : i32
          %dma_start3A_523 = arith.constant 0 : i32
          %dma_start3A_524 = tpu.memref_slice %arg10[%add3A_522, %dma_start3A_523] : memref<128x64xf32, #tpu.memory_space<vmem>> -> memref<1x64xf32, #tpu.memory_space<vmem>>
          %dma_start3A_525 = arith.constant 0 : i32
          %dma_start3A_526 = tpu.memref_slice %arg4[%squeeze3A_518, %dma_start3A_525] : memref<1000000x64xf32, #tpu.memory_space<hbm>> -> memref<1x64xf32, #tpu.memory_space<hbm>>
          %dma_start3A_527 = arith.constant 0 : i32
          %dma_start3A_528 = tpu.memref_slice %arg10[%add3A_522, %dma_start3A_527] : memref<128x64xf32, #tpu.memory_space<vmem>> -> memref<1x64xf32, #tpu.memory_space<vmem>>
          %dma_start3A_529 = arith.constant 0 : i32
          %dma_start3A_530 = tpu.memref_slice %arg4[%squeeze3A_518, %dma_start3A_529] : memref<1000000x64xf32, #tpu.memory_space<hbm>> -> memref<1x64xf32, #tpu.memory_space<hbm>>
          tpu.enqueue_dma source(%dma_start3A_530 : memref<1x64xf32, #tpu.memory_space<hbm>>) target(%dma_start3A_528 : memref<1x64xf32, #tpu.memory_space<vmem>>) target_semaphore(%arg15 : memref<!tpu.dma_semaphore, #tpu.memory_space<semaphore_mem>>)
          %slice3A_531 = vector.extract_strided_slice %get3A_99 {offsets = [15], sizes = [1], strides = [1]} : vector<16xi32> to vector<1xi32>
          %squeeze3A_532 = vector.extract %slice3A_531[0] : i32 from vector<1xi32>
          %mul3A_533 = arith.constant 16 : i32
          %mul3A_534 = arith.muli %scan3A_90, %mul3A_533 : i32
          %add3A_535 = arith.constant 15 : i32
          %add3A_536 = arith.addi %mul3A_534, %add3A_535 : i32
          %dma_start3A_537 = arith.constant 0 : i32
          %dma_start3A_538 = tpu.memref_slice %arg12[%add3A_536, %dma_start3A_537] : memref<128x64xf32, #tpu.memory_space<vmem>> -> memref<1x64xf32, #tpu.memory_space<vmem>>
          %dma_start3A_539 = arith.constant 0 : i32
          %dma_start3A_540 = tpu.memref_slice %arg5[%squeeze3A_532, %dma_start3A_539] : memref<1000000x64xf32, #tpu.memory_space<hbm>> -> memref<1x64xf32, #tpu.memory_space<hbm>>
          %dma_start3A_541 = arith.constant 0 : i32
          %dma_start3A_542 = tpu.memref_slice %arg12[%add3A_536, %dma_start3A_541] : memref<128x64xf32, #tpu.memory_space<vmem>> -> memref<1x64xf32, #tpu.memory_space<vmem>>
          %dma_start3A_543 = arith.constant 0 : i32
          %dma_start3A_544 = tpu.memref_slice %arg5[%squeeze3A_532, %dma_start3A_543] : memref<1000000x64xf32, #tpu.memory_space<hbm>> -> memref<1x64xf32, #tpu.memory_space<hbm>>
          tpu.enqueue_dma source(%dma_start3A_544 : memref<1x64xf32, #tpu.memory_space<hbm>>) target(%dma_start3A_542 : memref<1x64xf32, #tpu.memory_space<vmem>>) target_semaphore(%arg15 : memref<!tpu.dma_semaphore, #tpu.memory_space<semaphore_mem>>)
          %scan3A_545 = arith.constant 0 : i32
          scf.yield %scan3A_545 : i32
        }
        %scan3A_89 = arith.constant 8 : i32
      } else {
      }
      %scan3A_80 = arith.constant 0 : i32
      scf.yield %scan3A_80 : i32
    }
    %scan3A_24 = arith.constant 16 : i32
    "tpu.region"() ({
      %run_scoped3A = tpu.sem_alloc : memref<!tpu.dma_semaphore, #tpu.memory_space<semaphore_mem>>
      %dma_start3A = arith.constant 0 : i32
      %dma_start3A_25 = tpu.memref_slice %arg6[%multiple_of3A, %dma_start3A] : memref<1024x128xf32, #tpu.memory_space<hbm>> -> memref<32x128xf32, #tpu.memory_space<hbm>>
      %dma_start3A_26 = arith.constant 0 : i32
      %dma_start3A_27 = tpu.memref_slice %arg6[%multiple_of3A, %dma_start3A_26] : memref<1024x128xf32, #tpu.memory_space<hbm>> -> memref<32x128xf32, #tpu.memory_space<hbm>>
      tpu.enqueue_dma source(%arg13 : memref<32x128xf32, #tpu.memory_space<vmem>>) target(%dma_start3A_27 : memref<32x128xf32, #tpu.memory_space<hbm>>) target_semaphore(%run_scoped3A : memref<!tpu.dma_semaphore, #tpu.memory_space<semaphore_mem>>)
      %dma_wait3A = arith.constant 0 : i32
      %dma_wait3A_28 = tpu.memref_slice %arg6[%multiple_of3A, %dma_wait3A] : memref<1024x128xf32, #tpu.memory_space<hbm>> -> memref<32x128xf32, #tpu.memory_space<hbm>>
      %dma_wait3A_29 = arith.constant 0 : i32
      %dma_wait3A_30 = tpu.memref_slice %arg6[%multiple_of3A, %dma_wait3A_29] : memref<1024x128xf32, #tpu.memory_space<hbm>> -> memref<32x128xf32, #tpu.memory_space<hbm>>
      tpu.wait_dma2 semaphore(%run_scoped3A : memref<!tpu.dma_semaphore, #tpu.memory_space<semaphore_mem>>) src(%arg13 : memref<32x128xf32, #tpu.memory_space<vmem>>) dst(%dma_wait3A_30 : memref<32x128xf32, #tpu.memory_space<hbm>>)
      tpu.yield
    }) : () -> ()
    return
  }
}

module attributes {stable_mosaic.version = 14 : i64} {
  func.func @body(%arg0: memref<1024x128xf32, #tpu.memory_space<vmem>>, %arg1: memref<1024x128xf32, #tpu.memory_space<vmem>>, %arg2: memref<1x1xf32, #tpu.memory_space<smem>>) attributes {dimension_semantics = [], scalar_prefetch = 0 : i64, scratch_operands = 0 : i64, tpu.core_type = #tpu.core_type<tc>} {
    %get3A = arith.constant 0 : index
    %get3A_0 = arith.constant 0 : index
    %get3A_1 = vector.load %arg0[%get3A, %get3A_0] : memref<1024x128xf32, #tpu.memory_space<vmem>>, vector<1024x128xf32>
    %get3A_2 = arith.constant 0 : index
    %get3A_3 = arith.constant 0 : index
    %get3A_4 = vector.load %arg1[%get3A_2, %get3A_3] : memref<1024x128xf32, #tpu.memory_space<vmem>>, vector<1024x128xf32>
    %mul3A = arith.mulf %get3A_1, %get3A_4 : vector<1024x128xf32>
    %iota3A = tpu.iota {dimensions = array<i32: 0>} : vector<1024x128xi32>
    %iota3A_5 = tpu.iota {dimensions = array<i32: 1>} : vector<1024x128xi32>
    %mul3A_6 = arith.constant 128 : i32
    %mul3A_7 = vector.broadcast %mul3A_6 : i32 to vector<1024x128xi32>
    %mul3A_8 = arith.muli %iota3A, %mul3A_7 : vector<1024x128xi32>
    %add3A = arith.addi %mul3A_8, %iota3A_5 : vector<1024x128xi32>
    %lt3A = arith.constant 130000 : i32
    %lt3A_9 = vector.broadcast %lt3A : i32 to vector<1024x128xi32>
    %lt3A_10 = arith.cmpi slt, %add3A, %lt3A_9 : vector<1024x128xi32>
    %neg3A = arith.constant 0.000000e+00 : f32
    %neg3A_11 = vector.broadcast %neg3A : f32 to vector<1024x128xf32>
    %neg3A_12 = arith.subf %neg3A_11, %mul3A : vector<1024x128xf32>
    %custom_jvp_call3A = arith.constant 0.000000e+00 : f32
    %max3A = vector.broadcast %custom_jvp_call3A : f32 to vector<1024x128xf32>
    %max3A_13 = arith.maximumf %neg3A_12, %max3A : vector<1024x128xf32>
    %sub3A = vector.broadcast %custom_jvp_call3A : f32 to vector<1024x128xf32>
    %sub3A_14 = arith.subf %neg3A_12, %sub3A : vector<1024x128xf32>
    %ne3A = arith.cmpf one, %sub3A_14, %sub3A_14 : vector<1024x128xf32>
    %add3A_15 = vector.broadcast %custom_jvp_call3A : f32 to vector<1024x128xf32>
    %add3A_16 = arith.addf %neg3A_12, %add3A_15 : vector<1024x128xf32>
    %abs3A = math.absf %sub3A_14 : vector<1024x128xf32>
    %neg3A_17 = arith.constant 0.000000e+00 : f32
    %neg3A_18 = vector.broadcast %neg3A_17 : f32 to vector<1024x128xf32>
    %neg3A_19 = arith.subf %neg3A_18, %abs3A : vector<1024x128xf32>
    %exp3A = math.exp %neg3A_19 : vector<1024x128xf32>
    %log1p3A = math.log1p %exp3A : vector<1024x128xf32>
    %add3A_20 = arith.addf %max3A_13, %log1p3A : vector<1024x128xf32>
    %select_n3A = arith.select %ne3A, %add3A_16, %add3A_20 : vector<1024x128xi1>, vector<1024x128xf32>
    %neg3A_21 = arith.constant 0.000000e+00 : f32
    %neg3A_22 = vector.broadcast %neg3A_21 : f32 to vector<1024x128xf32>
    %neg3A_23 = arith.subf %neg3A_22, %select_n3A : vector<1024x128xf32>
    %jit3A = arith.constant 0.000000e+00 : f32
    %broadcast_in_dim3A = vector.broadcast %jit3A : f32 to vector<1024x128xf32>
    %select_n3A_24 = arith.select %lt3A_10, %neg3A_23, %broadcast_in_dim3A : vector<1024x128xi1>, vector<1024x128xf32>
    %reduce_sum3A = vector.shape_cast %select_n3A_24 : vector<1024x128xf32> to vector<1x1024x128xf32>
    %reduce_sum3A_25 = arith.constant dense<0.000000e+00> : vector<1xf32>
    %reduce_sum3A_26 = vector.multi_reduction <add>, %reduce_sum3A, %reduce_sum3A_25 [1, 2] : vector<1x1024x128xf32> to vector<1xf32>
    %reduce_sum3A_27 = vector.shape_cast %reduce_sum3A_26 : vector<1xf32> to vector<1x1x1xf32>
    %reduce_sum3A_28 = vector.extract %reduce_sum3A_27[0, 0, 0] : f32 from vector<1x1x1xf32>
    %mul3A_29 = arith.constant -7.69230792E-6 : f32
    %mul3A_30 = arith.mulf %reduce_sum3A_28, %mul3A_29 : f32
    %swap3A = arith.constant 0 : index
    %swap3A_31 = arith.constant 0 : index
    %swap3A_32 = memref.load %arg2[%swap3A, %swap3A_31] : memref<1x1xf32, #tpu.memory_space<smem>>
    memref.store %mul3A_30, %arg2[%swap3A, %swap3A_31] : memref<1x1xf32, #tpu.memory_space<smem>>
    return
  }
}

</mosaic_0001>

<sc_bundles>
// kernel: kernel.4.cloned.1.call-start
scs
__scs_entry_jumppad:
0x0: {  	(pc) =	sbr.rel $0x88, $3  }
0x1: {  	(tag) =	ssettag $0x0;
	lr =	simm.s32 $0x1  }
0x2: {  	[smem:$0x3F9C] =	sst lr;
	_ =	strace $0xD0000000  }
0x3: {  	_ = 	snop  }
0x4: {  	_ = 	snop  }
0x5: {  	_ = 	snop  }
0x6: {  	_ = 	snop  }
0x7: {  	_ = 	snop  }
__scs_overlays_trampoline_lowered:
0x8: {  	[smem:$0x3FAB] =	sst s0  }
0x9: {  	[smem:$0x3FAC] =	sst s1  }
0xa: {  	[smem:$0x3FAD] =	sst s2  }
0xb: {  	[smem:$0x3FAE] =	sst s3  }
0xc: {  	[smem:$0x3FAF] =	sst s4  }
0xd: {  	[smem:$0x3FB0] =	sst s5  }
0xe: {  	[smem:$0x3FB1] =	sst s6  }
0xf: {  	[smem:$0x3FB2] =	sst s7  }
0x10: {  	[smem:$0x3FB3] =	sst s8  }
0x11: {  	[smem:$0x3FB4] =	sst s9;
	s0 =	simm.s32 @!p0 $0x0  }
0x12: {  	s1 =	sld [smem:$0x3F9A];
	s0 =	simm.s32 @p0 $0x1  }
0x13: {  	[smem:$0x3FB5] =	sst s0;
	s0 =	simm.s32 @!p1 $0x0  }
0x14: {  	s2 =	sld [smem:$0x3F99];
	s0 =	simm.s32 @p1 $0x1  }
0x15: {  	[smem:$0x3FB6] =	sst s0;
	s0 =	simm.s32 @!p2 $0x0  }
0x16: {  	s3 =	sld [smem:$0x3FDB];
	s0 =	simm.s32 @p2 $0x1  }
0x17: {  	s4 =	simm.s32 $0x1BF5;
	[smem:$0x3FB8] =	sst s0  }
0x18: {  	s0 =	sld [smem:$0x3F9B];
	_ =	swait.ge [sflag:s4], $0x0  }
0x19: {  	s7 =	sld [smem:$0x3F9C]  }
0x1a: {  	s8 =	sadd.s32 $0xFFFFE003, lr  }
0x1b: {  	s9 =	sadd.s32 $0xFFFFFEF7, lr;
	s5 =	simm.s32 $0xFFFFFFFF;
	p2 =	slt.u32 s8, $0xFFFFF086  }
0x1c: {  	p1 =	slt.u32 s9, $0xF7A;
	s5 =	simm.s32 @!p2 $0x0  }
0x1d: {  	s5 =	simm.s32 @p1 $0x1;
	p0 =	seq.s32 s7, s2  }
0x1e: {  	s7 =	smul.u32 @!p0 $0xF7A, s2;
	p2 =	seq.s32 @!p0 s5, $0x0  }
0x1f: {  	s9 =	smul.u32 $0xF7A, s1;
	s8 =	simm.s32 @!p0 $0x1BF5;
	p2 =	por !p2, p0  }
0x20: {  	[sflag:s8] =	ssyncset.s32 @!p0 $0xFFFFF086;
	s6 =	sadd.s32 @!p0 s3, s7;
	s7 =	simm.s32 @!p0 $0x108  }
0x21: {  	s3 =	sadd.s32 s3, s9;
	s6 =	sadd.s32 @!p0 $0x88, s6;
	s7 =	simm.s32 @p2 $0x1082  }
0x22: {  	[simem:s7], [sflag:s8] =	dma.local @!p0 [hbm:s6], $0xF7A  }
0x23: {  	s9 =	sor.u32 $0xD0000000, s2;
	s6 =	simm.s32 $0x108;
	_ =	swait.ge @!p0 [sflag:s8], $0x0  }
0x24: {  	s3 =	sadd.s32 $0x88, s3;
	s6 =	simm.s32 @!p1 $0x1082;
	[sflag:s4] =	ssyncset.s32 $0xFFFFF086  }
0x25: {  	[simem:s6], [sflag:s4] =	dma.local [hbm:s3], $0xF7A  }
0x26: {  	[smem:$0x3F9C] =	sst s1;
	(tag) =	ssettag s2;
	_ =	strace s9  }
0x27: {  	s1 =	sld [smem:$0x3FAC]  }
0x28: {  	s2 =	sld [smem:$0x3FAD]  }
0x29: {  	s4 =	sld [smem:$0x3FAF]  }
0x2a: {  	p0 =	seq.s32 s5, $0x0;
	s5 =	sld [smem:$0x3FB0]  }
0x2b: {  	s6 =	sld [smem:$0x3FB1]  }
0x2c: {  	s7 =	sld [smem:$0x3FB2]  }
0x2d: {  	s3 =	simm.s32 $0x108;
	s8 =	sld [smem:$0x3FB3]  }
0x2e: {  	s3 =	simm.s32 @!p0 $0x1082;
	s9 =	sld [smem:$0x3FB4]  }
0x2f: {  	lr =	sadd.s32 s0, s3;
	s0 =	sld [smem:$0x3FAB]  }
0x30: {  	s3 =	sld [smem:$0x3FAE]  }
0x31: {  	[smem:$0x3FB7] =	sst s10  }
0x32: {  	s10 =	sld [smem:$0x3FB5];
	_ =	sdelay $0x3  }
0x33: {  	p0 =	seq.s32 s10, $0x1;
	s10 =	sld [smem:$0x3FB7];
	_ =	sdelay $0x3  }
0x34: {  	[smem:$0x3FB7] =	sst s10  }
0x35: {  	s10 =	sld [smem:$0x3FB6];
	_ =	sdelay $0x3  }
0x36: {  	p1 =	seq.s32 s10, $0x1;
	s10 =	sld [smem:$0x3FB7];
	_ =	sdelay $0x3  }
0x37: {  	[smem:$0x3FB7] =	sst s10  }
0x38: {  	s10 =	sld [smem:$0x3FB8]  }
0x39: {  	_ = 	snop;
	(pc) =	sbr.ind lr, $3  }
0x3a: {  	_ = 	snop  }
0x3b: {  	_ = 	snop  }
0x3c: {  	p2 =	seq.s32 s10, $0x1;
	s10 =	sld [smem:$0x3FB7]  }
0x3d: {  	_ =	shalt  }
0x3e: {  	_ =	shalt  }
0x3f: {  	_ =	shalt  }
0x40: {  	_ =	shalt  }
0x41: {  	_ =	shalt  }
0x42: {  	_ =	shalt  }
0x43: {  	_ =	shalt  }
0x44: {  	_ =	shalt  }
0x45: {  	_ =	shalt  }
0x46: {  	_ =	shalt  }
0x47: {  	_ =	shalt  }
0x48: {  	_ =	shalt  }
0x49: {  	_ =	shalt  }
0x4a: {  	_ =	shalt  }
0x4b: {  	_ =	shalt  }
0x4c: {  	_ =	shalt  }
0x4d: {  	_ =	shalt  }
0x4e: {  	_ =	shalt  }
0x4f: {  	_ =	shalt  }
0x50: {  	_ =	shalt  }
0x51: {  	_ =	shalt  }
0x52: {  	_ =	shalt  }
0x53: {  	_ =	shalt  }
0x54: {  	_ =	shalt  }
0x55: {  	_ =	shalt  }
0x56: {  	_ =	shalt  }
0x57: {  	_ =	shalt  }
0x58: {  	_ =	shalt  }
0x59: {  	_ =	shalt  }
0x5a: {  	_ =	shalt  }
0x5b: {  	_ =	shalt  }
0x5c: {  	_ =	shalt  }
0x5d: {  	_ =	shalt  }
0x5e: {  	_ =	shalt  }
0x5f: {  	_ =	shalt  }
0x60: {  	_ =	shalt  }
0x61: {  	_ =	shalt  }
0x62: {  	_ =	shalt  }
0x63: {  	_ =	shalt  }
0x64: {  	_ =	shalt  }
0x65: {  	_ =	shalt  }
0x66: {  	_ =	shalt  }
0x67: {  	_ =	shalt  }
0x68: {  	_ =	shalt  }
0x69: {  	_ =	shalt  }
0x6a: {  	_ =	shalt  }
0x6b: {  	_ =	shalt  }
0x6c: {  	_ =	shalt  }
0x6d: {  	_ =	shalt  }
0x6e: {  	_ =	shalt  }
0x6f: {  	_ =	shalt  }
0x70: {  	_ =	shalt  }
0x71: {  	_ =	shalt  }
0x72: {  	_ =	shalt  }
0x73: {  	_ =	shalt  }
0x74: {  	_ =	shalt  }
0x75: {  	_ =	shalt  }
0x76: {  	_ =	shalt  }
0x77: {  	_ =	shalt  }
0x78: {  	_ =	shalt  }
0x79: {  	_ =	shalt  }
0x7a: {  	_ =	shalt  }
0x7b: {  	_ =	shalt  }
0x7c: {  	_ =	shalt  }
0x7d: {  	_ =	shalt  }
0x7e: {  	_ =	shalt  }
0x7f: {  	_ =	shalt  }
0x80: {  	_ =	shalt  }
0x81: {  	_ =	shalt  }
0x82: {  	_ =	shalt  }
0x83: {  	_ =	shalt  }
0x84: {  	_ =	shalt  }
0x85: {  	_ =	shalt  }
0x86: {  	_ =	shalt  }
0x87: {  	_ =	shalt  }
.Lfunc_end0:
.L_simem_size_0:
called_computation_lowered:
.L_overlay_start_0:
0x88: {  	s2 =	sld [smem:$0x3FD9]  }
0x89: {  	s3 =	sld [smem:$0x3FFE];
	_ =	sdelay $0x1  }
0x8a: {  	s1 =	srdreg.scid  }
0x8b: {  	s0 =	sand.u32 $0x1, s1  }
0x8c: {  	s16 =	sshll.u32 s0, $0xA;
	s2 =	sadd.s32 s3, s2  }
0x8d: {  	s2 =	sadd.s32 s2, s16  }
0x8e: {  	[smem:$0x3FC3] =	sst s2  }
0x8f: {  	_ = 	snop  }
0x90: {  	(tm) =	ssettm $0x1  }
0x91: {  	s17 =	sld [smem:$0x3FFB];
	_ =	sdelay $0x3  }
0x92: {  	_ =	strace s17  }
0x93: {  	s2 =	sld [smem:$0x3FFC];
	_ =	sdelay $0x3  }
0x94: {  	_ =	strace s2  }
0x95: {  	s2 =	sld [smem:$0x3FFD];
	_ =	sdelay $0x3  }
0x96: {  	_ =	strace s2  }
0x97: {  	_ =	strace $0x8FFFFFFF  }
0x98: {  	s18 =	sld [smem:$0x3FDB];
	_ =	sdelay $0x1  }
0x99: {  	s19 =	simm.s32 $_scs_section_size  }
0x9a: {  	s4 =	simm.s32 $_size__tile_overlayer_lowered;
	s5 =	simm.s32 $_tile_overlayer_lowered  }
0x9b: {  	s22 =	simm.s32 $0x1BFF;
	s21 =	sshll.u32 s5, $0x1;
	s2 =	sadd.s32 s19, s18  }
0x9c: {  	s6 =	simm.s32 $0x0;
	s20 =	sshll.u32 s4, $0x1;
	s4 =	sadd.s32 s21, s2  }
0x9d: {  	[timem:s6], [sflag:s22] =	dma.local [hbm:s4], s20  }
0x9e: {  	_ =	swait.ge [sflag:s22], s20  }
0x9f: {  	s3 =	ssub.s32 $0x0, s20;
	[sflag:s22] =	ssyncset.done $0x0  }
0xa0: {  	[sflag:s22] =	ssyncadd.s32 s3;
	_ =	sdelay $0x1  }
0xa1: {  	s23 =	simm.s32 $0x1B8B  }
0xa2: {  	_ =	swait.ge [sflag:s23], $0x1  }
0xa3: {  	[sflag:s23] =	ssyncset.done $0x0  }
0xa4: {  	s25 =	simm.s32 $0x1B8E;
	s24 =	sld [smem:$0x3FFE];
	[sflag:s23] =	ssyncadd.s32 $0xFFFFFFFF  }
0xa5: {  	s26 =	simm.s32 $execute0_lowered;
	[smem:$0x3FD2] =	sst s25  }
0xa6: {  	s4 =	sshll.u32 s26, $0x1;
	_ =	strace $0x80000046;
	[dreg:$0x1] =	wrdreg $0xFFFFFFFF  }
0xa7: {  	s28 =	simm.s32 $_size_execute0_lowered;
	s2 =	sadd.s32 s2, s4;
	[dreg:$0x0] =	wrdreg $0x0  }
0xa8: {  	s4 =	sshll.u32 s28, $0x1;
	[dreg:$0x2] =	wrdreg s2  }
0xa9: {  	[dreg:$0x3] =	wrdreg s4  }
0xaa: {  	[dreg:$0x4] =	wrdreg $0xC0  }
0xab: {  	_ =	task [dreg:s6], $0x5FFFF  }
0xac: {  	[dreg:$0x1] =	wrdreg $0xFFFFFFFF  }
0xad: {  	[dreg:$0x0] =	wrdreg $0x60  }
0xae: {  	[dreg:$0x2] =	wrdreg s24  }
0xaf: {  	[dreg:$0x3] =	wrdreg $0x9  }
0xb0: {  	_ =	task.clear_ibuf [dreg:s6], $0x4FFFF;
	_ =	strace $0x90000046  }
0xb1: {  	s29 =	simm.s32 $0x9;
	_ =	strace $0x80000048  }
0xb2: {  	_ =	swait.ge [sflag:s29], $0x1  }
0xb3: {  	[sflag:s29] =	ssyncadd.s32 $0xFFFFFFFF  }
0xb4: {  	_ =	strace $0x90000048  }
0xb5: {  	_ =	sfence  }
0xb6: {  	s30 =	sld [smem:$0x0];
	_ =	sdelay $0x2  }
0xb7: {  	s31 =	sshll.u32 s1, $0xD;
	s1 =	sshrl.u32 s1, $0x2  }
0xb8: {  	s3 =	sand.u32 $0x4000, s31;
	s1 =	sadd.s32 s1, s30  }
0xb9: {  	s0 =	sor.u32 s3, s0;
	s1 =	sshll.u32 s1, $0x11  }
0xba: {  	s0 =	sor.u32 s1, s0  }
0xbb: {  	s0 =	sadd.s32 $0x8F2B, s0  }
0xbc: {  	[sflag:s0] =	ssyncadd.remote.s32 $0x1  }
0xbd: {  	_ =	sfence.sel $0xFFFF  }
0xbe: {  	[dreg:$0x0] =	wrdreg $0xFFFFFFFF;
	(pc) =	sbr.abs _section_cstart, $3  }
0xbf: {  	[dreg:$0x1] =	wrdreg $0xFFFFFFFF  }
0xc0: {  	_ =	task.clear_ibuf [dreg:s6], $0x2FFFF;
	_ =	strace $0x9FFFFFFF  }
0xc1: {  	(tm) =	ssettm $0x7FFFFFFF  }
tec
execute0_lowered:
.L_overlay_start_1:
0x0: {  	(tag) =	ssettag $0x1  }
0x1: {  	s0 =	rddreg [dreg:$0x0];
	s1 =	srdreg.scid;
	s4 =	simm.s32 $0x0  }
0x2: {  	s2 =	stileid.u32;
	s1 =	sand.u32 $0x1, s1;
	[smem:$0x7FF] =	sst s4  }
0x3: {  	s2 =	sshll.u32 s2, $0xA;
	s13 =	sadd.s32 $0xE00, s0;
	s3 =	sshll.u32 s1, $0x9  }
0x4: {  	s14 =	sadd.s32 $0xF43200, s0;
	_ =	strace $0x80000047;
	s2 =	sor.u32 s3, s2  }
0x5: {  	s1 =	ssub.s32 $0x2, s1;
	[dreg:$0x2] =	wrdreg s13;
	s2 =	sadd.s32 s2, s0  }
.Ltmp0:
0x6: {  	[dreg:$0x3] =	wrdreg s14;
	s29 =	sadd.s32 $0x1E89600, s2;
	(pc) =	sbr.rel .LBB2_1-.Ltmp0, $4  }
0x7: {  	s28 =	sshrl.u32 s1, $0x1;
	s30 =	sadd.s32 $0x1E85600, s2;
	[smem:$0x7FA] =	sst s29  }
0x8: {  	s0 =	ssub.s32 s1, s28;
	s31 =	sadd.s32 $0x1E8D600, s2;
	[smem:$0x7FB] =	sst s30  }
0x9: {  	s0 =	smax.u32 s0, $0x1;
	[smem:$0x7FC] =	sst s31  }
0xa: {  	vm0 =	vcmask $0x3F3C;
	s1 =	simm.s32 $0x0;
	s2 =	simm.s32 $0x3;
	[smem:$0x7FD] =	sst s0  }
.LBB2_18:
0xb: {  	s0 =	sld [smem:$0x7FC];
	_ =	sdelay $0x1  }
0xc: {  	s2 =	simm.s32 $0x3  }
0xd: {  	[hbm4b:s0+s4] =	stream.linear.scatter [tilespmem:s3], [sflag:$0x3], $0x1000, $0x38;
	[tilespmem:$0x13000] =	vst v63  }
0xe: {  	_ =	swait.ge [sflag:s2], $0x1000  }
0xf: {  	s1 =	sld [smem:$0x7F9]  }
0x10: {  	s31 =	sld [smem:$0x7FD];
	_ =	sdelay $0x1  }
0x11: {  	s1 =	sadd.s32 $0x1, s1  }
0x12: {  	p0 =	sne.s32 s1, s31  }
.Ltmp1:
0x13: {  	_ = 	snop;
	(pc) =	sbr.rel @!p0 .LBB2_19-.Ltmp1, $3  }
0x14: {  	_ =	sdelay $0x1  }
0x15: {  	[sflag:s2] =	ssyncset.done $0x0  }
0x16: {  	[sflag:s2] =	ssyncadd.s32 $0xFFFFF000  }
.LBB2_1:
0x17: {  	s0 =	sld [smem:$0x7FA];
	_ =	sdelay $0x1  }
0x18: {  	[smem:$0x7F9] =	sst s1  }
0x19: {  	[tilespmem:s4], [sflag:$0x3] =	stream.linear.gather [hbm4b:s0+s4], $0x1000, $0x38;
	[tilespmem:$0x13000] =	vst v63  }
0x1a: {  	_ =	swait.ge [sflag:s2], $0x1000  }
0x1b: {  	s21 =	sld [smem:$0x7FB]  }
0x1c: {  	[sflag:s2] =	ssyncset.done $0x0  }
0x1d: {  	s20 =	simm.s32 $0x1000;
	[sflag:s2] =	ssyncadd.s32 $0xFFFFF000  }
0x1e: {  	[tilespmem:s20], [sflag:$0x3] =	stream.linear.gather [hbm4b:s21+s4], $0x1000, $0x38;
	[tilespmem:$0x13000] =	vst v63  }
0x1f: {  	_ =	swait.ge [sflag:s2], $0x1000  }
0x20: {  	[sflag:s2] =	ssyncset.done $0x0  }
0x21: {  	[sflag:s2] =	ssyncadd.s32 $0xFFFFF000  }
0x22: {  	v0 =	vld [tilespmem:s4+$0x0]  }
0x23: {  	v1 =	vld [tilespmem:s20+$0x0];
	_ =	sdelay $0x3  }
0x24: {  	v0 =	vshll.u32 v0, $0x4  }
0x25: {  	v1 =	vshll.u32 v1, $0x4;
	(v2sf) =	vpush v0, $0x0  }
0x26: {  	(v2sf) =	vpush v1, $0x0  }
0x27: {  	(v2sf) =	vpush v0, $0x1;
	_ =	sdelay $0x1  }
0x28: {  	(v2sf) =	vpush v1, $0x1;
	_ =	sdelay $0x2  }
0x29: {  	(v2sf) =	vpush v0, $0x2;
	_ =	sdelay $0x1  }
0x2a: {  	(v2sf) =	vpush v1, $0x2;
	_ =	sdelay $0x1  }
0x2b: {  	s16 =	simm.s32 $0x2000;
	s15 =	simm.s32 $0x0;
	(v2sf) =	vpush v0, $0x3  }
0x2c: {  	s5 =	simm.s32 $0xA000;
	s3 =	simm.s32 $0x2480;
	s22 =	simm.s32 $0x2000  }
0x2d: {  	s12 =	simm.s32 $0x2200;
	s8 =	simm.s32 $0x2180;
	s9 =	simm.s32 $0xA180  }
0x2e: {  	s25 =	simm.s32 $0x2080;
	s29 =	simm.s32 $0xA080;
	s31 =	simm.s32 $0x2100  }
0x2f: {  	s18 =	simm.s32 $0xA200;
	s0 =	simm.s32 $0xA500;
	s7 =	spop (v2sf);
	(v2sf) =	vpush v1, $0x3  }
0x30: {  	s2 =	simm.s32 $0x2280;
	s7 =	sand.u32 $0x1FFFFFF0, s7;
	s10 =	spop (v2sf)  }
0x31: {  	(v2sf) =	vpush v0, $0x4;
	s7 =	sadd.s32 s13, s7;
	s23 =	sand.u32 $0x1FFFFFF0, s10;
	s24 =	spop (v2sf)  }
0x32: {  	[tilespmem:s22], [sflag:$0x1] =	stream.linear.gather [hbm4b:s7+s4], $0x80, $0x38;
	[tilespmem:$0x13000] =	vst v63  }
0x33: {  	s22 =	simm.s32 $0xA600;
	s7 =	sadd.s32 s14, s23;
	s11 =	spop (v2sf)  }
0x34: {  	(v2sf) =	vpush v1, $0x4;
	s10 =	sand.u32 $0x1FFFFFF0, s24;
	s23 =	simm.s32 $0xA280;
	s28 =	sand.u32 $0x1FFFFFF0, s11  }
0x35: {  	(v2sf) =	vpush v0, $0x5;
	[tilespmem:s5], [sflag:$0x1] =	stream.linear.gather [hbm4b:s7+s4], $0x80, $0x38;
	[tilespmem:$0x13000] =	vst v63  }
0x36: {  	s26 =	sadd.s32 s13, s10;
	s30 =	spop (v2sf);
	s10 =	sadd.s32 s14, s28  }
0x37: {  	(v2sf) =	vpush v1, $0x5;
	[tilespmem:s25], [sflag:$0x1] =	stream.linear.gather [hbm4b:s26+s4], $0x80, $0x38;
	[tilespmem:$0x13000] =	vst v63  }
0x38: {  	s7 =	sand.u32 $0x1FFFFFF0, s30;
	s1 =	spop (v2sf);
	s5 =	simm.s32 $0xA480  }
0x39: {  	(v2sf) =	vpush v0, $0x6;
	[tilespmem:s29], [sflag:$0x1] =	stream.linear.gather [hbm4b:s10+s4], $0x80, $0x38;
	[tilespmem:$0x13000] =	vst v63  }
0x3a: {  	s7 =	sadd.s32 s13, s7;
	s6 =	spop (v2sf);
	s10 =	sand.u32 $0x1FFFFFF0, s1  }
0x3b: {  	(v2sf) =	vpush v1, $0x6;
	[tilespmem:s31], [sflag:$0x1] =	stream.linear.gather [hbm4b:s7+s4], $0x80, $0x38;
	[tilespmem:$0x13000] =	vst v63  }
0x3c: {  	s17 =	sand.u32 $0x1FFFFFF0, s6;
	s10 =	sadd.s32 s14, s10;
	s7 =	simm.s32 $0xA100  }
0x3d: {  	[tilespmem:s7], [sflag:$0x1] =	stream.linear.gather [hbm4b:s10+s4], $0x80, $0x38;
	[tilespmem:$0x13000] =	vst v63  }
0x3e: {  	s25 =	simm.s32 $0x2300;
	s10 =	sadd.s32 s13, s17;
	s19 =	spop (v2sf)  }
0x3f: {  	(v2sf) =	vpush v0, $0x7;
	[tilespmem:s8], [sflag:$0x1] =	stream.linear.gather [hbm4b:s10+s4], $0x80, $0x38;
	[tilespmem:$0x13000] =	vst v63  }
0x40: {  	s6 =	simm.s32 $0xA300;
	s7 =	sand.u32 $0x1FFFFFF0, s19;
	s20 =	spop (v2sf)  }
0x41: {  	s1 =	simm.s32 $0xA580;
	(v2sf) =	vpush v1, $0x7;
	s7 =	sadd.s32 s14, s7;
	s8 =	sand.u32 $0x1FFFFFF0, s20  }
0x42: {  	[tilespmem:s9], [sflag:$0x1] =	stream.linear.gather [hbm4b:s7+s4], $0x80, $0x38;
	[tilespmem:$0x13000] =	vst v63  }
0x43: {  	s17 =	simm.s32 $0x2680;
	s21 =	spop (v2sf);
	s8 =	sadd.s32 s13, s8  }
0x44: {  	(v2sf) =	vpush v0, $0x8;
	s24 =	sand.u32 $0x1FFFFFF0, s21;
	s26 =	spop (v2sf);
	s21 =	simm.s32 $0xA380  }
0x45: {  	(v2sf) =	vpush v1, $0x8;
	[tilespmem:s12], [sflag:$0x1] =	stream.linear.gather [hbm4b:s8+s4], $0x80, $0x38;
	[tilespmem:$0x13000] =	vst v63  }
0x46: {  	s9 =	sadd.s32 s14, s24;
	s28 =	spop (v2sf);
	s8 =	sand.u32 $0x1FFFFFF0, s26  }
0x47: {  	(v2sf) =	vpush v0, $0x9;
	[tilespmem:s18], [sflag:$0x1] =	stream.linear.gather [hbm4b:s9+s4], $0x80, $0x38;
	[tilespmem:$0x13000] =	vst v63  }
0x48: {  	s29 =	spop (v2sf);
	(v2sf) =	vpush v1, $0x9;
	s8 =	sadd.s32 s13, s8;
	s9 =	sand.u32 $0x1FFFFFF0, s28  }
0x49: {  	[tilespmem:s2], [sflag:$0x1] =	stream.linear.gather [hbm4b:s8+s4], $0x80, $0x38;
	[tilespmem:$0x13000] =	vst v63  }
0x4a: {  	s31 =	sand.u32 $0x1FFFFFF0, s29;
	(v2sf) =	vpush v0, $0xA;
	s30 =	sadd.s32 s14, s9;
	s9 =	spop (v2sf)  }
0x4b: {  	[tilespmem:s23], [sflag:$0x1] =	stream.linear.gather [hbm4b:s30+s4], $0x80, $0x38;
	[tilespmem:$0x13000] =	vst v63  }
0x4c: {  	s24 =	simm.s32 $0x2400;
	(v2sf) =	vpush v1, $0xA;
	s8 =	sadd.s32 s13, s31;
	s7 =	sand.u32 $0x1FFFFFF0, s9  }
0x4d: {  	[tilespmem:s25], [sflag:$0x1] =	stream.linear.gather [hbm4b:s8+s4], $0x80, $0x38;
	[tilespmem:$0x13000] =	vst v63  }
0x4e: {  	s12 =	simm.s32 $0xA680;
	s7 =	sadd.s32 s14, s7;
	s10 =	spop (v2sf)  }
0x4f: {  	[tilespmem:s6], [sflag:$0x1] =	stream.linear.gather [hbm4b:s7+s4], $0x80, $0x38;
	[tilespmem:$0x13000] =	vst v63  }
0x50: {  	s18 =	simm.s32 $0x2380;
	(v2sf) =	vpush v0, $0xB;
	s8 =	sand.u32 $0x1FFFFFF0, s10;
	s11 =	spop (v2sf)  }
0x51: {  	s28 =	simm.s32 $0xA400;
	s19 =	sadd.s32 s13, s8;
	s20 =	sand.u32 $0x1FFFFFF0, s11  }
0x52: {  	(v2sf) =	vpush v1, $0xB;
	[tilespmem:s18], [sflag:$0x1] =	stream.linear.gather [hbm4b:s19+s4], $0x80, $0x38;
	[tilespmem:$0x13000] =	vst v63  }
0x53: {  	s31 =	simm.s32 $0x2500;
	s23 =	spop (v2sf);
	s8 =	sadd.s32 s14, s20  }
0x54: {  	s7 =	sand.u32 $0x1FFFFFF0, s23;
	s25 =	spop (v2sf);
	s23 =	simm.s32 $0x2600  }
0x55: {  	(v2sf) =	vpush v0, $0xC;
	[tilespmem:s21], [sflag:$0x1] =	stream.linear.gather [hbm4b:s8+s4], $0x80, $0x38;
	[tilespmem:$0x13000] =	vst v63  }
0x56: {  	s7 =	sadd.s32 s13, s7;
	s26 =	spop (v2sf);
	s8 =	sand.u32 $0x1FFFFFF0, s25  }
0x57: {  	(v2sf) =	vpush v1, $0xC;
	s30 =	sand.u32 $0x1FFFFFF0, s26;
	s6 =	spop (v2sf);
	s26 =	simm.s32 $0x2580  }
0x58: {  	[tilespmem:s24], [sflag:$0x1] =	stream.linear.gather [hbm4b:s7+s4], $0x80, $0x38;
	[tilespmem:$0x13000] =	vst v63  }
0x59: {  	s29 =	sadd.s32 s14, s8;
	s8 =	sadd.s32 s13, s30;
	s10 =	spop (v2sf)  }
0x5a: {  	[tilespmem:s28], [sflag:$0x1] =	stream.linear.gather [hbm4b:s29+s4], $0x80, $0x38;
	[tilespmem:$0x13000] =	vst v63  }
0x5b: {  	s9 =	sand.u32 $0x1FFFFFF0, s6;
	s7 =	sand.u32 $0x1FFFFFF0, s10;
	s11 =	spop (v2sf)  }
0x5c: {  	[tilespmem:s3], [sflag:$0x1] =	stream.linear.gather [hbm4b:s8+s4], $0x80, $0x38;
	[tilespmem:$0x13000] =	vst v63  }
0x5d: {  	s18 =	sadd.s32 s13, s7;
	s19 =	sand.u32 $0x1FFFFFF0, s11;
	s3 =	sadd.s32 s14, s9  }
0x5e: {  	[tilespmem:s5], [sflag:$0x1] =	stream.linear.gather [hbm4b:s3+s4], $0x80, $0x38;
	[tilespmem:$0x13000] =	vst v63  }
0x5f: {  	s11 =	simm.s32 $0x0;
	s21 =	sadd.s32 s14, s19;
	s20 =	spop (v2sf)  }
0x60: {  	[tilespmem:s31], [sflag:$0x1] =	stream.linear.gather [hbm4b:s18+s4], $0x80, $0x38;
	[tilespmem:$0x13000] =	vst v63  }
0x61: {  	s9 =	simm.s32 $0xA700;
	s24 =	sand.u32 $0x1FFFFFF0, s20;
	s25 =	spop (v2sf)  }
0x62: {  	(v2sf) =	vpush v0, $0xD;
	[tilespmem:s0], [sflag:$0x1] =	stream.linear.gather [hbm4b:s21+s4], $0x80, $0x38;
	[tilespmem:$0x13000] =	vst v63  }
0x63: {  	(v2sf) =	vpush v1, $0xD;
	s20 =	simm.s32 $0x10;
	s28 =	sadd.s32 s13, s24;
	s29 =	sand.u32 $0x1FFFFFF0, s25  }
0x64: {  	s21 =	simm.s32 $0x1010;
	(v2sf) =	vpush v0, $0xE;
	s24 =	simm.s32 $0x2700;
	s31 =	spop (v2sf)  }
0x65: {  	(v2sf) =	vpush v1, $0xE;
	[tilespmem:s26], [sflag:$0x1] =	stream.linear.gather [hbm4b:s28+s4], $0x80, $0x38;
	[tilespmem:$0x13000] =	vst v63  }
0x66: {  	s30 =	sadd.s32 s14, s29;
	(v2sf) =	vpush v0, $0xF;
	s0 =	sand.u32 $0x1FFFFFF0, s31;
	s2 =	spop (v2sf)  }
0x67: {  	(v2sf) =	vpush v1, $0xF;
	[tilespmem:s1], [sflag:$0x1] =	stream.linear.gather [hbm4b:s30+s4], $0x80, $0x38;
	[tilespmem:$0x13000] =	vst v63  }
.LBB2_2:
0x68: {  	_ =	sdelay $0x4  }
0x69: {  	s0 =	sadd.s32 s13, s0;
	s2 =	sand.u32 $0x1FFFFFF0, s2  }
0x6a: {  	[tilespmem:s23], [sflag:$0x1] =	stream.linear.gather [hbm4b:s0+s11], $0x80, $0x38;
	[tilespmem:$0x13000] =	vst v63  }
0x6b: {  	s10 =	sadd.s32 s14, s2  }
0x6c: {  	[tilespmem:s22], [sflag:$0x1] =	stream.linear.gather [hbm4b:s10+s11], $0x80, $0x38;
	[tilespmem:$0x13000] =	vst v63  }
0x6d: {  	s3 =	spop (v2sf)  }
0x6e: {  	s18 =	sand.u32 $0x1FFFFFF0, s3;
	s19 =	spop (v2sf)  }
0x6f: {  	s22 =	sadd.s32 s13, s18;
	s1 =	sand.u32 $0x1FFFFFF0, s19;
	s23 =	spop (v2sf)  }
0x70: {  	[tilespmem:s17], [sflag:$0x1] =	stream.linear.gather [hbm4b:s22+s11], $0x80, $0x38;
	[tilespmem:$0x13000] =	vst v63  }
0x71: {  	s25 =	sadd.s32 s14, s1;
	s26 =	sand.u32 $0x1FFFFFF0, s23;
	s28 =	spop (v2sf)  }
0x72: {  	[tilespmem:s12], [sflag:$0x1] =	stream.linear.gather [hbm4b:s25+s11], $0x80, $0x38;
	[tilespmem:$0x13000] =	vst v63  }
0x73: {  	s29 =	sadd.s32 s13, s26;
	s30 =	sand.u32 $0x1FFFFFF0, s28;
	s31 =	spop (v2sf)  }
0x74: {  	[tilespmem:s24], [sflag:$0x1] =	stream.linear.gather [hbm4b:s29+s11], $0x80, $0x38;
	[tilespmem:$0x13000] =	vst v63  }
0x75: {  	s3 =	sadd.s32 s14, s30;
	s5 =	sand.u32 $0x1FFFFFF0, s31;
	s6 =	spop (v2sf)  }
0x76: {  	[tilespmem:s9], [sflag:$0x1] =	stream.linear.gather [hbm4b:s3+s11], $0x80, $0x38;
	[tilespmem:$0x13000] =	vst v63  }
0x77: {  	s7 =	sadd.s32 $0x2780, s15;
	s1 =	sadd.s32 s13, s5;
	s2 =	sand.u32 $0x1FFFFFF0, s6  }
0x78: {  	[tilespmem:s7], [sflag:$0x1] =	stream.linear.gather [hbm4b:s1+s11], $0x80, $0x38;
	[tilespmem:$0x13000] =	vst v63  }
0x79: {  	s8 =	sadd.s32 $0xA780, s15;
	s9 =	sadd.s32 s14, s2  }
0x7a: {  	[tilespmem:s8], [sflag:$0x1] =	stream.linear.gather [hbm4b:s9+s11], $0x80, $0x38;
	[tilespmem:$0x13000] =	vst v63  }
0x7b: {  	v0 =	vld [tilespmem:s20+$0x0];
	_ =	sdelay $0x1  }
0x7c: {  	v2 =	vld [tilespmem:s21+$0x0];
	_ =	sdelay $0x2  }
0x7d: {  	v1 =	vshll.u32 v0, $0x4  }
0x7e: {  	(v2sf) =	vpush v1, $0x0  }
0x7f: {  	v63 =	vshll.u32 v2, $0x4  }
0x80: {  	s10 =	smov.u32 s16;
	(v2sf) =	vpush v63, $0x0  }
0x81: {  	p0 =	sne.s32 s16, $0xE000;
	s15 =	sshra.s32 s10, $0x2  }
0x82: {  	s16 =	sadd.s32 $0x2000, s16;
	s0 =	sadd.s32 $0x2480, s15;
	s10 =	sadd.s32 $0xA380, s15  }
0x83: {  	[dreg:$0xc] =	wrdreg s0;
	s0 =	sadd.s32 $0xA180, s15;
	s19 =	simm.s32 $0x0;
	(v2sf) =	vpush v1, $0x1  }
0x84: {  	s18 =	sadd.s32 $0xA680, s15;
	s22 =	sadd.s32 $0xA600, s15;
	s17 =	sadd.s32 $0x2680, s15  }
0x85: {  	[dreg:$0x1f] =	wrdreg s18;
	s23 =	sadd.s32 $0xA480, s15;
	s28 =	sadd.s32 $0x2300, s15  }
0x86: {  	s26 =	sadd.s32 $0xA300, s15;
	[dreg:$0x14] =	wrdreg s23;
	s23 =	sadd.s32 $0x2600, s15;
	(v2sf) =	vpush v63, $0x1  }
0x87: {  	s30 =	sadd.s32 $0x2200, s15;
	s31 =	sadd.s32 $0xA200, s15;
	s12 =	sadd.s32 $0xA580, s15  }
0x88: {  	s25 =	sadd.s32 $0xA080, s15;
	[dreg:$0x8] =	wrdreg s12;
	s5 =	sadd.s32 $0x2400, s15;
	(v2sf) =	vpush v1, $0x2  }
0x89: {  	s13 =	sadd.s32 $0x2280, s15;
	s24 =	sadd.s32 $0x2500, s15;
	[smem:$0x7F8] =	sst s5;
	(v2sf) =	vpush v63, $0x2  }
0x8a: {  	s12 =	sadd.s32 $0x2380, s15;
	s29 =	sadd.s32 $0xA280, s15;
	[dreg:$0x10] =	wrdreg s24  }
0x8b: {  	s24 =	sadd.s32 $0x2700, s15;
	s2 =	sadd.s32 $0xA000, s15;
	s3 =	sadd.s32 $0xA400, s15;
	(v2sf) =	vpush v1, $0x3  }
0x8c: {  	s14 =	sadd.s32 $0xA100, s15;
	[dreg:$0x19] =	wrdreg s3;
	s3 =	sadd.s32 $0x2580, s15  }
0x8d: {  	s7 =	sadd.s32 $0x2000, s15;
	s1 =	sadd.s32 $0x2080, s15;
	s6 =	spop (v2sf)  }
0x8e: {  	s11 =	sadd.s32 $0xA500, s15;
	(v2sf) =	vpush v63, $0x3;
	s18 =	sand.u32 $0x1FFFFFF0, s6;
	s6 =	rddreg [dreg:$0x2]  }
0x8f: {  	s8 =	sadd.s32 $0x2100, s15;
	s5 =	spop (v2sf);
	s18 =	sadd.s32 s6, s18  }
0x90: {  	(v2sf) =	vpush v1, $0x4;
	[tilespmem:s7], [sflag:$0x1] =	stream.linear.gather [hbm4b:s18+s19], $0x80, $0x38;
	[tilespmem:$0x13000] =	vst v63  }
0x91: {  	s9 =	sadd.s32 $0xA700, s15;
	s5 =	sand.u32 $0x1FFFFFF0, s5;
	s18 =	rddreg [dreg:$0x3]  }
0x92: {  	[dreg:$0x4] =	wrdreg s11;
	s6 =	spop (v2sf);
	s5 =	sadd.s32 s18, s5  }
0x93: {  	(v2sf) =	vpush v63, $0x4;
	[tilespmem:s2], [sflag:$0x1] =	stream.linear.gather [hbm4b:s5+s19], $0x80, $0x38;
	[tilespmem:$0x13000] =	vst v63  }
0x94: {  	s11 =	sadd.s32 $0x2180, s15;
	s6 =	sand.u32 $0x1FFFFFF0, s6;
	s5 =	rddreg [dreg:$0x2]  }
0x95: {  	(v2sf) =	vpush v1, $0x5;
	s18 =	spop (v2sf);
	s2 =	sadd.s32 s5, s6;
	s6 =	rddreg [dreg:$0x2]  }
0x96: {  	[tilespmem:s1], [sflag:$0x1] =	stream.linear.gather [hbm4b:s2+s19], $0x80, $0x38;
	[tilespmem:$0x13000] =	vst v63  }
0x97: {  	(v2sf) =	vpush v63, $0x5;
	s7 =	sand.u32 $0x1FFFFFF0, s18;
	s18 =	spop (v2sf);
	s2 =	rddreg [dreg:$0x3]  }
0x98: {  	s1 =	sadd.s32 s2, s7;
	s7 =	sand.u32 $0x1FFFFFF0, s18;
	s18 =	spop (v2sf)  }
0x99: {  	[tilespmem:s25], [sflag:$0x1] =	stream.linear.gather [hbm4b:s1+s19], $0x80, $0x38;
	[tilespmem:$0x13000] =	vst v63  }
0x9a: {  	(v2sf) =	vpush v1, $0x6;
	s1 =	sadd.s32 s6, s7;
	s7 =	sand.u32 $0x1FFFFFF0, s18;
	s18 =	spop (v2sf)  }
0x9b: {  	s20 =	sadd.s32 $0x10, s20;
	s25 =	rddreg [dreg:$0x3];
	s6 =	sand.u32 $0x1FFFFFF0, s18  }
0x9c: {  	(v2sf) =	vpush v63, $0x6;
	[tilespmem:s8], [sflag:$0x1] =	stream.linear.gather [hbm4b:s1+s19], $0x80, $0x38;
	[tilespmem:$0x13000] =	vst v63  }
0x9d: {  	s1 =	sadd.s32 s25, s7;
	s7 =	spop (v2sf);
	s8 =	rddreg [dreg:$0x2]  }
0x9e: {  	(v2sf) =	vpush v1, $0x7;
	[tilespmem:s14], [sflag:$0x1] =	stream.linear.gather [hbm4b:s1+s19], $0x80, $0x38;
	[tilespmem:$0x13000] =	vst v63  }
0x9f: {  	(v2sf) =	vpush v63, $0x7;
	s18 =	sand.u32 $0x1FFFFFF0, s7;
	s25 =	spop (v2sf);
	s14 =	rddreg [dreg:$0x3]  }
0xa0: {  	s1 =	sadd.s32 s8, s6;
	s7 =	sand.u32 $0x1FFFFFF0, s25;
	s6 =	sadd.s32 s14, s18  }
0xa1: {  	(v2sf) =	vpush v1, $0x8;
	[tilespmem:s11], [sflag:$0x1] =	stream.linear.gather [hbm4b:s1+s19], $0x80, $0x38;
	[tilespmem:$0x13000] =	vst v63  }
0xa2: {  	s18 =	rddreg [dreg:$0x2];
	s11 =	simm.s32 $0x0;
	s8 =	spop (v2sf)  }
0xa3: {  	[tilespmem:s0], [sflag:$0x1] =	stream.linear.gather [hbm4b:s6+s11], $0x80, $0x38;
	[tilespmem:$0x13000] =	vst v63  }
0xa4: {  	s21 =	sadd.s32 $0x10, s21;
	s0 =	sadd.s32 s18, s7;
	s25 =	spop (v2sf)  }
0xa5: {  	(v2sf) =	vpush v63, $0x8;
	[tilespmem:s30], [sflag:$0x1] =	stream.linear.gather [hbm4b:s0+s11], $0x80, $0x38;
	[tilespmem:$0x13000] =	vst v63  }
0xa6: {  	s19 =	sand.u32 $0x1FFFFFF0, s8;
	(v2sf) =	vpush v1, $0x9;
	s6 =	rddreg [dreg:$0x2];
	s5 =	spop (v2sf)  }
0xa7: {  	s1 =	sadd.s32 s14, s19;
	s2 =	sand.u32 $0x1FFFFFF0, s25;
	s7 =	sand.u32 $0x1FFFFFF0, s5  }
0xa8: {  	(v2sf) =	vpush v63, $0x9;
	[tilespmem:s31], [sflag:$0x1] =	stream.linear.gather [hbm4b:s1+s11], $0x80, $0x38;
	[tilespmem:$0x13000] =	vst v63  }
0xa9: {  	s0 =	sadd.s32 s6, s2;
	s8 =	spop (v2sf);
	s18 =	sadd.s32 s14, s7  }
0xaa: {  	(v2sf) =	vpush v1, $0xA;
	[tilespmem:s13], [sflag:$0x1] =	stream.linear.gather [hbm4b:s0+s11], $0x80, $0x38;
	[tilespmem:$0x13000] =	vst v63  }
0xab: {  	s19 =	sand.u32 $0x1FFFFFF0, s8;
	s13 =	rddreg [dreg:$0x2];
	s25 =	spop (v2sf)  }
0xac: {  	[tilespmem:s29], [sflag:$0x1] =	stream.linear.gather [hbm4b:s18+s11], $0x80, $0x38;
	[tilespmem:$0x13000] =	vst v63  }
0xad: {  	s30 =	sand.u32 $0x1FFFFFF0, s25;
	s31 =	spop (v2sf);
	s29 =	sadd.s32 s13, s19  }
0xae: {  	(v2sf) =	vpush v63, $0xA;
	s1 =	sadd.s32 s14, s30;
	s5 =	sand.u32 $0x1FFFFFF0, s31;
	s6 =	spop (v2sf)  }
0xaf: {  	[tilespmem:s28], [sflag:$0x1] =	stream.linear.gather [hbm4b:s29+s11], $0x80, $0x38;
	[tilespmem:$0x13000] =	vst v63  }
0xb0: {  	(v2sf) =	vpush v1, $0xB;
	s31 =	sld [smem:$0x7F8];
	s8 =	sand.u32 $0x1FFFFFF0, s6;
	s18 =	spop (v2sf)  }
0xb1: {  	[tilespmem:s26], [sflag:$0x1] =	stream.linear.gather [hbm4b:s1+s11], $0x80, $0x38;
	[tilespmem:$0x13000] =	vst v63  }
0xb2: {  	s7 =	sadd.s32 s13, s5;
	s19 =	sadd.s32 s14, s8;
	s25 =	sand.u32 $0x1FFFFFF0, s18  }
0xb3: {  	[tilespmem:s12], [sflag:$0x1] =	stream.linear.gather [hbm4b:s7+s11], $0x80, $0x38;
	[tilespmem:$0x13000] =	vst v63  }
0xb4: {  	(v2sf) =	vpush v63, $0xB;
	s28 =	sadd.s32 s13, s25;
	s12 =	rddreg [dreg:$0x1f];
	s26 =	spop (v2sf)  }
0xb5: {  	(v2sf) =	vpush v1, $0xC;
	s29 =	sand.u32 $0x1FFFFFF0, s26;
	s30 =	spop (v2sf);
	s26 =	rddreg [dreg:$0xc]  }
0xb6: {  	[tilespmem:s10], [sflag:$0x1] =	stream.linear.gather [hbm4b:s19+s11], $0x80, $0x38;
	[tilespmem:$0x13000] =	vst v63  }
0xb7: {  	(v2sf) =	vpush v63, $0xC;
	s6 =	sadd.s32 s14, s29;
	s7 =	sand.u32 $0x1FFFFFF0, s30;
	s8 =	spop (v2sf)  }
0xb8: {  	[tilespmem:s31], [sflag:$0x1] =	stream.linear.gather [hbm4b:s28+s11], $0x80, $0x38;
	[tilespmem:$0x13000] =	vst v63  }
0xb9: {  	s10 =	rddreg [dreg:$0x19];
	s18 =	sadd.s32 s13, s7;
	s25 =	spop (v2sf)  }
0xba: {  	[tilespmem:s10], [sflag:$0x1] =	stream.linear.gather [hbm4b:s6+s11], $0x80, $0x38;
	[tilespmem:$0x13000] =	vst v63  }
0xbb: {  	s19 =	sand.u32 $0x1FFFFFF0, s8;
	s31 =	rddreg [dreg:$0x14];
	s29 =	sand.u32 $0x1FFFFFF0, s25  }
0xbc: {  	[tilespmem:s26], [sflag:$0x1] =	stream.linear.gather [hbm4b:s18+s11], $0x80, $0x38;
	[tilespmem:$0x13000] =	vst v63  }
0xbd: {  	s28 =	sadd.s32 s14, s19;
	s6 =	sadd.s32 s13, s29;
	s30 =	spop (v2sf)  }
0xbe: {  	[tilespmem:s31], [sflag:$0x1] =	stream.linear.gather [hbm4b:s28+s11], $0x80, $0x38;
	[tilespmem:$0x13000] =	vst v63  }
0xbf: {  	s10 =	rddreg [dreg:$0x10];
	s7 =	sand.u32 $0x1FFFFFF0, s30;
	s8 =	spop (v2sf)  }
0xc0: {  	[tilespmem:s10], [sflag:$0x1] =	stream.linear.gather [hbm4b:s6+s11], $0x80, $0x38;
	[tilespmem:$0x13000] =	vst v63  }
0xc1: {  	s26 =	rddreg [dreg:$0x4];
	s18 =	sadd.s32 s14, s7;
	s19 =	sand.u32 $0x1FFFFFF0, s8  }
0xc2: {  	(v2sf) =	vpush v1, $0xD;
	[tilespmem:s26], [sflag:$0x1] =	stream.linear.gather [hbm4b:s18+s11], $0x80, $0x38;
	[tilespmem:$0x13000] =	vst v63  }
.Ltmp2:
0xc3: {  	(v2sf) =	vpush v63, $0xD;
	s25 =	spop (v2sf);
	s28 =	sadd.s32 s13, s19;
	(pc) =	sbr.rel @p0 .LBB2_2-.Ltmp2, $4  }
0xc4: {  	(v2sf) =	vpush v1, $0xE;
	s31 =	rddreg [dreg:$0x8];
	s29 =	sand.u32 $0x1FFFFFF0, s25;
	s30 =	spop (v2sf)  }
0xc5: {  	(v2sf) =	vpush v63, $0xE;
	[tilespmem:s3], [sflag:$0x1] =	stream.linear.gather [hbm4b:s28+s11], $0x80, $0x38;
	[tilespmem:$0x13000] =	vst v63  }
0xc6: {  	(v2sf) =	vpush v1, $0xF;
	s1 =	sadd.s32 s14, s29;
	s0 =	sand.u32 $0x1FFFFFF0, s30;
	s2 =	spop (v2sf)  }
0xc7: {  	(v2sf) =	vpush v63, $0xF;
	[tilespmem:s31], [sflag:$0x1] =	stream.linear.gather [hbm4b:s1+s11], $0x80, $0x38;
	[tilespmem:$0x13000] =	vst v63  }
0xc8: {  	_ =	sdelay $0x4  }
0xc9: {  	s0 =	sadd.s32 s13, s0;
	s1 =	sand.u32 $0x1FFFFFF0, s2  }
0xca: {  	[tilespmem:s23], [sflag:$0x1] =	stream.linear.gather [hbm4b:s0+s11], $0x80, $0x38;
	[tilespmem:$0x13000] =	vst v63  }
0xcb: {  	s20 =	sadd.s32 s14, s1  }
0xcc: {  	[tilespmem:s22], [sflag:$0x1] =	stream.linear.gather [hbm4b:s20+s11], $0x80, $0x38;
	[tilespmem:$0x13000] =	vst v63  }
0xcd: {  	s19 =	spop (v2sf)  }
0xce: {  	s21 =	sand.u32 $0x1FFFFFF0, s19;
	s23 =	spop (v2sf)  }
0xcf: {  	s25 =	sadd.s32 s13, s21;
	s26 =	sand.u32 $0x1FFFFFF0, s23;
	s28 =	spop (v2sf)  }
0xd0: {  	[tilespmem:s17], [sflag:$0x1] =	stream.linear.gather [hbm4b:s25+s11], $0x80, $0x38;
	[tilespmem:$0x13000] =	vst v63  }
0xd1: {  	s29 =	sadd.s32 s14, s26;
	s30 =	sand.u32 $0x1FFFFFF0, s28;
	s31 =	spop (v2sf)  }
0xd2: {  	[tilespmem:s12], [sflag:$0x1] =	stream.linear.gather [hbm4b:s29+s11], $0x80, $0x38;
	[tilespmem:$0x13000] =	vst v63  }
0xd3: {  	s3 =	sadd.s32 s13, s30;
	s5 =	sand.u32 $0x1FFFFFF0, s31;
	s6 =	spop (v2sf)  }
0xd4: {  	[tilespmem:s24], [sflag:$0x1] =	stream.linear.gather [hbm4b:s3+s11], $0x80, $0x38;
	[tilespmem:$0x13000] =	vst v63  }
0xd5: {  	s7 =	sadd.s32 s14, s5;
	s8 =	sand.u32 $0x1FFFFFF0, s6;
	s10 =	spop (v2sf)  }
0xd6: {  	[tilespmem:s9], [sflag:$0x1] =	stream.linear.gather [hbm4b:s7+s11], $0x80, $0x38;
	[tilespmem:$0x13000] =	vst v63  }
0xd7: {  	s12 =	sadd.s32 $0x2780, s15;
	s1 =	sadd.s32 s13, s8;
	s2 =	sand.u32 $0x1FFFFFF0, s10  }
0xd8: {  	[tilespmem:s12], [sflag:$0x1] =	stream.linear.gather [hbm4b:s1+s11], $0x80, $0x38;
	[tilespmem:$0x13000] =	vst v63  }
0xd9: {  	s17 =	simm.s32 $0x80;
	s15 =	sadd.s32 $0xA780, s15;
	s16 =	sadd.s32 s14, s2  }
0xda: {  	[tilespmem:s15], [sflag:$0x1] =	stream.linear.gather [hbm4b:s16+s11], $0x80, $0x38;
	[tilespmem:$0x13000] =	vst v63  }
0xdb: {  	s18 =	simm.s32 $0x1080;
	v0 =	vld [tilespmem:s17+$0x0]  }
0xdc: {  	v2 =	vld [tilespmem:s18+$0x0];
	_ =	sdelay $0x3  }
0xdd: {  	v1 =	vshll.u32 v0, $0x4  }
0xde: {  	v63 =	vshll.u32 v2, $0x4;
	(v2sf) =	vpush v1, $0x0  }
0xdf: {  	(v2sf) =	vpush v63, $0x0  }
0xe0: {  	(v2sf) =	vpush v1, $0x1;
	_ =	sdelay $0x1  }
0xe1: {  	(v2sf) =	vpush v63, $0x1  }
0xe2: {  	(v2sf) =	vpush v1, $0x2;
	_ =	sdelay $0x1  }
0xe3: {  	(v2sf) =	vpush v63, $0x2;
	_ =	sdelay $0x1  }
0xe4: {  	(v2sf) =	vpush v1, $0x3;
	_ =	sdelay $0x1  }
0xe5: {  	s0 =	simm.s32 $0xE500;
	(v2sf) =	vpush v63, $0x3  }
0xe6: {  	s19 =	simm.s32 $0xE000;
	s23 =	simm.s32 $0x6080;
	s26 =	simm.s32 $0xE080  }
0xe7: {  	s5 =	simm.s32 $0x6000;
	s29 =	simm.s32 $0x6100;
	s8 =	simm.s32 $0x6180  }
0xe8: {  	s2 =	simm.s32 $0x6280;
	s3 =	simm.s32 $0x6480;
	s7 =	simm.s32 $0x6200  }
0xe9: {  	s12 =	simm.s32 $0xE600;
	s1 =	simm.s32 $0xE480;
	s6 =	spop (v2sf)  }
0xea: {  	s16 =	simm.s32 $0x2000;
	s6 =	sand.u32 $0x1FFFFFF0, s6;
	s20 =	spop (v2sf)  }
0xeb: {  	s15 =	simm.s32 $0x0;
	(v2sf) =	vpush v1, $0x4;
	s6 =	sadd.s32 s13, s6;
	s22 =	spop (v2sf)  }
0xec: {  	[tilespmem:s5], [sflag:$0x2] =	stream.linear.gather [hbm4b:s6+s11], $0x80, $0x38;
	[tilespmem:$0x13000] =	vst v63  }
0xed: {  	s18 =	simm.s32 $0xE200;
	s21 =	sand.u32 $0x1FFFFFF0, s20;
	s10 =	spop (v2sf)  }
0xee: {  	(v2sf) =	vpush v63, $0x4;
	s6 =	sadd.s32 s14, s21;
	s9 =	sand.u32 $0x1FFFFFF0, s22;
	s28 =	spop (v2sf)  }
0xef: {  	(v2sf) =	vpush v1, $0x5;
	[tilespmem:s19], [sflag:$0x2] =	stream.linear.gather [hbm4b:s6+s11], $0x80, $0x38;
	[tilespmem:$0x13000] =	vst v63  }
0xf0: {  	s24 =	sadd.s32 s13, s9;
	s25 =	sand.u32 $0x1FFFFFF0, s10;
	s30 =	spop (v2sf)  }
0xf1: {  	(v2sf) =	vpush v63, $0x5;
	[tilespmem:s23], [sflag:$0x2] =	stream.linear.gather [hbm4b:s24+s11], $0x80, $0x38;
	[tilespmem:$0x13000] =	vst v63  }
0xf2: {  	s9 =	sadd.s32 s14, s25;
	(v2sf) =	vpush v1, $0x6;
	s6 =	sand.u32 $0x1FFFFFF0, s28;
	s31 =	spop (v2sf)  }
0xf3: {  	[tilespmem:s26], [sflag:$0x2] =	stream.linear.gather [hbm4b:s9+s11], $0x80, $0x38;
	[tilespmem:$0x13000] =	vst v63  }
0xf4: {  	s6 =	sadd.s32 s13, s6;
	(v2sf) =	vpush v63, $0x6;
	s17 =	spop (v2sf);
	s9 =	sand.u32 $0x1FFFFFF0, s30  }
0xf5: {  	(v2sf) =	vpush v1, $0x7;
	[tilespmem:s29], [sflag:$0x2] =	stream.linear.gather [hbm4b:s6+s11], $0x80, $0x38;
	[tilespmem:$0x13000] =	vst v63  }
0xf6: {  	s10 =	sand.u32 $0x1FFFFFF0, s31;
	s9 =	sadd.s32 s14, s9;
	s6 =	simm.s32 $0xE100  }
0xf7: {  	(v2sf) =	vpush v63, $0x7;
	[tilespmem:s6], [sflag:$0x2] =	stream.linear.gather [hbm4b:s9+s11], $0x80, $0x38;
	[tilespmem:$0x13000] =	vst v63  }
0xf8: {  	s5 =	simm.s32 $0xE180;
	s25 =	simm.s32 $0x6300;
	s9 =	sadd.s32 s13, s10  }
0xf9: {  	[tilespmem:s8], [sflag:$0x2] =	stream.linear.gather [hbm4b:s9+s11], $0x80, $0x38;
	[tilespmem:$0x13000] =	vst v63  }
0xfa: {  	s23 =	simm.s32 $0xE280;
	s6 =	sand.u32 $0x1FFFFFF0, s17;
	s19 =	spop (v2sf)  }
0xfb: {  	s17 =	simm.s32 $0x6680;
	s6 =	sadd.s32 s14, s6;
	s9 =	sand.u32 $0x1FFFFFF0, s19  }
0xfc: {  	[tilespmem:s5], [sflag:$0x2] =	stream.linear.gather [hbm4b:s6+s11], $0x80, $0x38;
	[tilespmem:$0x13000] =	vst v63  }
0xfd: {  	s10 =	simm.s32 $0xE300;
	(v2sf) =	vpush v1, $0x8;
	s20 =	spop (v2sf);
	s21 =	sadd.s32 s13, s9  }
0xfe: {  	s22 =	sand.u32 $0x1FFFFFF0, s20;
	s20 =	simm.s32 $0x6380;
	s24 =	spop (v2sf)  }
0xff: {  	(v2sf) =	vpush v63, $0x8;
	[tilespmem:s7], [sflag:$0x2] =	stream.linear.gather [hbm4b:s21+s11], $0x80, $0x38;
	[tilespmem:$0x13000] =	vst v63  }
0x100: {  	s6 =	sadd.s32 s14, s22;
	s7 =	sand.u32 $0x1FFFFFF0, s24;
	s26 =	spop (v2sf)  }
0x101: {  	(v2sf) =	vpush v1, $0x9;
	s7 =	sadd.s32 s13, s7;
	s8 =	sand.u32 $0x1FFFFFF0, s26;
	s28 =	spop (v2sf)  }
0x102: {  	(v2sf) =	vpush v63, $0x9;
	[tilespmem:s18], [sflag:$0x2] =	stream.linear.gather [hbm4b:s6+s11], $0x80, $0x38;
	[tilespmem:$0x13000] =	vst v63  }
0x103: {  	s29 =	sadd.s32 s14, s8;
	s30 =	sand.u32 $0x1FFFFFF0, s28;
	s31 =	spop (v2sf)  }
0x104: {  	(v2sf) =	vpush v1, $0xA;
	s8 =	simm.s32 $0xE680;
	s9 =	sadd.s32 s13, s30;
	s18 =	spop (v2sf)  }
0x105: {  	[tilespmem:s2], [sflag:$0x2] =	stream.linear.gather [hbm4b:s7+s11], $0x80, $0x38;
	[tilespmem:$0x13000] =	vst v63  }
0x106: {  	(v2sf) =	vpush v63, $0xA;
	s5 =	sand.u32 $0x1FFFFFF0, s31;
	s2 =	simm.s32 $0xE580;
	s19 =	spop (v2sf)  }
0x107: {  	[tilespmem:s23], [sflag:$0x2] =	stream.linear.gather [hbm4b:s29+s11], $0x80, $0x38;
	[tilespmem:$0x13000] =	vst v63  }
0x108: {  	s5 =	sadd.s32 s14, s5;
	s7 =	sand.u32 $0x1FFFFFF0, s18;
	s22 =	sand.u32 $0x1FFFFFF0, s19  }
0x109: {  	[tilespmem:s25], [sflag:$0x2] =	stream.linear.gather [hbm4b:s9+s11], $0x80, $0x38;
	[tilespmem:$0x13000] =	vst v63  }
0x10a: {  	(v2sf) =	vpush v1, $0xB;
	s21 =	sadd.s32 s13, s7;
	s23 =	simm.s32 $0xE380;
	s7 =	sadd.s32 s14, s22  }
0x10b: {  	[tilespmem:s10], [sflag:$0x2] =	stream.linear.gather [hbm4b:s5+s11], $0x80, $0x38;
	[tilespmem:$0x13000] =	vst v63  }
0x10c: {  	(v2sf) =	vpush v63, $0xB;
	s29 =	simm.s32 $0xE400;
	s25 =	simm.s32 $0x6400;
	s24 =	spop (v2sf)  }
0x10d: {  	[tilespmem:s20], [sflag:$0x2] =	stream.linear.gather [hbm4b:s21+s11], $0x80, $0x38;
	[tilespmem:$0x13000] =	vst v63  }
0x10e: {  	s10 =	simm.s32 $0x6500;
	s6 =	sand.u32 $0x1FFFFFF0, s24;
	s26 =	spop (v2sf)  }
0x10f: {  	[tilespmem:s23], [sflag:$0x2] =	stream.linear.gather [hbm4b:s7+s11], $0x80, $0x38;
	[tilespmem:$0x13000] =	vst v63  }
0x110: {  	(v2sf) =	vpush v1, $0xC;
	s6 =	sadd.s32 s13, s6;
	s7 =	sand.u32 $0x1FFFFFF0, s26;
	s28 =	spop (v2sf)  }
0x111: {  	s26 =	simm.s32 $0x6580;
	s31 =	sand.u32 $0x1FFFFFF0, s28;
	s9 =	spop (v2sf)  }
0x112: {  	(v2sf) =	vpush v63, $0xC;
	[tilespmem:s25], [sflag:$0x2] =	stream.linear.gather [hbm4b:s6+s11], $0x80, $0x38;
	[tilespmem:$0x13000] =	vst v63  }
0x113: {  	s30 =	sadd.s32 s14, s7;
	s7 =	sadd.s32 s13, s31;
	s18 =	spop (v2sf)  }
0x114: {  	[tilespmem:s29], [sflag:$0x2] =	stream.linear.gather [hbm4b:s30+s11], $0x80, $0x38;
	[tilespmem:$0x13000] =	vst v63  }
0x115: {  	s6 =	sand.u32 $0x1FFFFFF0, s9;
	s9 =	simm.s32 $0xE700;
	s19 =	spop (v2sf)  }
0x116: {  	[tilespmem:s3], [sflag:$0x2] =	stream.linear.gather [hbm4b:s7+s11], $0x80, $0x38;
	[tilespmem:$0x13000] =	vst v63  }
0x117: {  	s6 =	sadd.s32 s14, s6;
	s21 =	sand.u32 $0x1FFFFFF0, s19;
	s7 =	sand.u32 $0x1FFFFFF0, s18  }
0x118: {  	[tilespmem:s1], [sflag:$0x2] =	stream.linear.gather [hbm4b:s6+s11], $0x80, $0x38;
	[tilespmem:$0x13000] =	vst v63  }
0x119: {  	s22 =	spop (v2sf);
	s23 =	sadd.s32 s14, s21;
	s20 =	sadd.s32 s13, s7  }
0x11a: {  	[tilespmem:s10], [sflag:$0x2] =	stream.linear.gather [hbm4b:s20+s11], $0x80, $0x38;
	[tilespmem:$0x13000] =	vst v63  }
0x11b: {  	s24 =	sand.u32 $0x1FFFFFF0, s22;
	s25 =	spop (v2sf);
	s21 =	simm.s32 $0x90  }
0x11c: {  	(v2sf) =	vpush v1, $0xD;
	[tilespmem:s0], [sflag:$0x2] =	stream.linear.gather [hbm4b:s23+s11], $0x80, $0x38;
	[tilespmem:$0x13000] =	vst v63  }
0x11d: {  	(v2sf) =	vpush v63, $0xD;
	s28 =	sadd.s32 s13, s24;
	s29 =	sand.u32 $0x1FFFFFF0, s25;
	s24 =	simm.s32 $0x6600  }
0x11e: {  	(v2sf) =	vpush v1, $0xE;
	[tilespmem:s26], [sflag:$0x2] =	stream.linear.gather [hbm4b:s28+s11], $0x80, $0x38;
	[tilespmem:$0x13000] =	vst v63  }
0x11f: {  	s30 =	sadd.s32 s14, s29;
	(v2sf) =	vpush v63, $0xE;
	s20 =	simm.s32 $0x1090;
	s31 =	spop (v2sf)  }
0x120: {  	(v2sf) =	vpush v1, $0xF;
	[tilespmem:s2], [sflag:$0x2] =	stream.linear.gather [hbm4b:s30+s11], $0x80, $0x38;
	[tilespmem:$0x13000] =	vst v63  }
0x121: {  	(v2sf) =	vpush v63, $0xF;
	s23 =	simm.s32 $0x6700;
	s0 =	sand.u32 $0x1FFFFFF0, s31;
	s2 =	spop (v2sf)  }
.LBB2_4:
0x122: {  	_ =	sdelay $0x4  }
0x123: {  	s0 =	sadd.s32 s13, s0;
	s2 =	sand.u32 $0x1FFFFFF0, s2  }
0x124: {  	[tilespmem:s24], [sflag:$0x2] =	stream.linear.gather [hbm4b:s0+s11], $0x80, $0x38;
	[tilespmem:$0x13000] =	vst v63  }
0x125: {  	s6 =	sadd.s32 s14, s2  }
0x126: {  	[tilespmem:s12], [sflag:$0x2] =	stream.linear.gather [hbm4b:s6+s11], $0x80, $0x38;
	[tilespmem:$0x13000] =	vst v63  }
0x127: {  	s3 =	spop (v2sf)  }
0x128: {  	s7 =	sand.u32 $0x1FFFFFF0, s3;
	s10 =	spop (v2sf)  }
0x129: {  	s12 =	sadd.s32 s13, s7;
	s1 =	sand.u32 $0x1FFFFFF0, s10;
	s18 =	spop (v2sf)  }
0x12a: {  	[tilespmem:s17], [sflag:$0x2] =	stream.linear.gather [hbm4b:s12+s11], $0x80, $0x38;
	[tilespmem:$0x13000] =	vst v63  }
0x12b: {  	s19 =	sadd.s32 s14, s1;
	s22 =	sand.u32 $0x1FFFFFF0, s18;
	s24 =	spop (v2sf)  }
0x12c: {  	[tilespmem:s8], [sflag:$0x2] =	stream.linear.gather [hbm4b:s19+s11], $0x80, $0x38;
	[tilespmem:$0x13000] =	vst v63  }
0x12d: {  	s25 =	sadd.s32 s13, s22;
	s26 =	sand.u32 $0x1FFFFFF0, s24;
	s28 =	spop (v2sf)  }
0x12e: {  	[tilespmem:s23], [sflag:$0x2] =	stream.linear.gather [hbm4b:s25+s11], $0x80, $0x38;
	[tilespmem:$0x13000] =	vst v63  }
0x12f: {  	s29 =	sadd.s32 s14, s26;
	s30 =	sand.u32 $0x1FFFFFF0, s28;
	s31 =	spop (v2sf)  }
0x130: {  	[tilespmem:s9], [sflag:$0x2] =	stream.linear.gather [hbm4b:s29+s11], $0x80, $0x38;
	[tilespmem:$0x13000] =	vst v63  }
0x131: {  	s3 =	sadd.s32 $0x6780, s15;
	s1 =	sadd.s32 s13, s30;
	s2 =	sand.u32 $0x1FFFFFF0, s31  }
0x132: {  	[tilespmem:s3], [sflag:$0x2] =	stream.linear.gather [hbm4b:s1+s11], $0x80, $0x38;
	[tilespmem:$0x13000] =	vst v63  }
0x133: {  	s5 =	sadd.s32 $0xE780, s15;
	s6 =	sadd.s32 s14, s2  }
0x134: {  	[tilespmem:s5], [sflag:$0x2] =	stream.linear.gather [hbm4b:s6+s11], $0x80, $0x38;
	[tilespmem:$0x13000] =	vst v63  }
0x135: {  	v0 =	vld [tilespmem:s21+$0x0];
	_ =	sdelay $0x1  }
0x136: {  	v2 =	vld [tilespmem:s20+$0x0];
	_ =	sdelay $0x2  }
0x137: {  	v1 =	vshll.u32 v0, $0x4  }
0x138: {  	(v2sf) =	vpush v1, $0x0  }
0x139: {  	v63 =	vshll.u32 v2, $0x4  }
0x13a: {  	s7 =	smov.u32 s16;
	(v2sf) =	vpush v63, $0x0  }
0x13b: {  	p0 =	sne.s32 s16, $0xE000;
	s16 =	sadd.s32 $0x2000, s16;
	s15 =	sshra.s32 s7, $0x2  }
0x13c: {  	s0 =	sadd.s32 $0x6480, s15;
	s7 =	sadd.s32 $0x6000, s15;
	s22 =	simm.s32 $0x0  }
0x13d: {  	s17 =	sadd.s32 $0x6680, s15;
	s10 =	sadd.s32 $0xE580, s15;
	s12 =	sadd.s32 $0xE480, s15;
	(v2sf) =	vpush v1, $0x1  }
0x13e: {  	s18 =	sadd.s32 $0x6500, s15;
	s24 =	sadd.s32 $0x6600, s15;
	[dreg:$0xd] =	wrdreg s0  }
0x13f: {  	s8 =	sadd.s32 $0xE500, s15;
	s0 =	sadd.s32 $0xE180, s15;
	[dreg:$0x9] =	wrdreg s10;
	(v2sf) =	vpush v63, $0x1  }
0x140: {  	s28 =	sadd.s32 $0x6300, s15;
	s26 =	sadd.s32 $0xE300, s15;
	[dreg:$0x15] =	wrdreg s12;
	(v2sf) =	vpush v1, $0x2  }
0x141: {  	[dreg:$0x11] =	wrdreg s18;
	s12 =	sadd.s32 $0x6380, s15;
	s19 =	sadd.s32 $0xE400, s15  }
0x142: {  	s10 =	sadd.s32 $0xE380, s15;
	s13 =	sadd.s32 $0x6280, s15;
	[dreg:$0x5] =	wrdreg s8  }
0x143: {  	s30 =	sadd.s32 $0x6200, s15;
	s31 =	sadd.s32 $0xE200, s15;
	[dreg:$0x1a] =	wrdreg s19  }
0x144: {  	s2 =	sadd.s32 $0xE000, s15;
	s25 =	sadd.s32 $0xE080, s15;
	s23 =	sadd.s32 $0x6400, s15  }
0x145: {  	s14 =	sadd.s32 $0xE100, s15;
	[smem:$0x7F7] =	sst s23;
	s9 =	sadd.s32 $0xE600, s15;
	(v2sf) =	vpush v63, $0x2  }
0x146: {  	s23 =	sadd.s32 $0x6700, s15;
	s29 =	sadd.s32 $0xE280, s15;
	[dreg:$0x18] =	wrdreg s9  }
0x147: {  	s9 =	sadd.s32 $0xE700, s15;
	s1 =	sadd.s32 $0x6080, s15;
	(v2sf) =	vpush v1, $0x3;
	s8 =	spop (v2sf)  }
0x148: {  	s3 =	sadd.s32 $0x6580, s15;
	(v2sf) =	vpush v63, $0x3;
	s18 =	sand.u32 $0x1FFFFFF0, s8;
	s8 =	rddreg [dreg:$0x2]  }
0x149: {  	s11 =	sadd.s32 $0x6180, s15;
	s19 =	spop (v2sf);
	s18 =	sadd.s32 s8, s18  }
0x14a: {  	(v2sf) =	vpush v1, $0x4;
	[tilespmem:s7], [sflag:$0x2] =	stream.linear.gather [hbm4b:s18+s22], $0x80, $0x38;
	[tilespmem:$0x13000] =	vst v63  }
0x14b: {  	s6 =	sadd.s32 $0x6100, s15;
	s19 =	sand.u32 $0x1FFFFFF0, s19;
	s18 =	rddreg [dreg:$0x3]  }
0x14c: {  	s5 =	sadd.s32 $0xE680, s15;
	s8 =	spop (v2sf);
	s7 =	sadd.s32 s18, s19  }
0x14d: {  	(v2sf) =	vpush v63, $0x4;
	[tilespmem:s2], [sflag:$0x2] =	stream.linear.gather [hbm4b:s7+s22], $0x80, $0x38;
	[tilespmem:$0x13000] =	vst v63  }
0x14e: {  	s8 =	sand.u32 $0x1FFFFFF0, s8;
	s19 =	spop (v2sf);
	s7 =	rddreg [dreg:$0x2]  }
0x14f: {  	(v2sf) =	vpush v1, $0x5;
	s18 =	sand.u32 $0x1FFFFFF0, s19;
	s19 =	spop (v2sf);
	s2 =	sadd.s32 s7, s8  }
0x150: {  	[tilespmem:s1], [sflag:$0x2] =	stream.linear.gather [hbm4b:s2+s22], $0x80, $0x38;
	[tilespmem:$0x13000] =	vst v63  }
0x151: {  	s20 =	sadd.s32 $0x10, s20;
	(v2sf) =	vpush v63, $0x5;
	s7 =	sand.u32 $0x1FFFFFF0, s19;
	s2 =	rddreg [dreg:$0x3]  }
0x152: {  	s8 =	smov.u32 s5;
	s19 =	rddreg [dreg:$0x2];
	s1 =	sadd.s32 s2, s18  }
0x153: {  	[tilespmem:s25], [sflag:$0x2] =	stream.linear.gather [hbm4b:s1+s22], $0x80, $0x38;
	[tilespmem:$0x13000] =	vst v63  }
0x154: {  	(v2sf) =	vpush v1, $0x6;
	s18 =	spop (v2sf);
	s1 =	sadd.s32 s19, s7;
	s19 =	rddreg [dreg:$0x2]  }
0x155: {  	[tilespmem:s6], [sflag:$0x2] =	stream.linear.gather [hbm4b:s1+s22], $0x80, $0x38;
	[tilespmem:$0x13000] =	vst v63  }
0x156: {  	(v2sf) =	vpush v63, $0x6;
	s25 =	sand.u32 $0x1FFFFFF0, s18;
	s5 =	spop (v2sf);
	s6 =	rddreg [dreg:$0x3]  }
0x157: {  	s7 =	sand.u32 $0x1FFFFFF0, s5;
	s18 =	spop (v2sf);
	s1 =	sadd.s32 s6, s25  }
0x158: {  	(v2sf) =	vpush v1, $0x7;
	[tilespmem:s14], [sflag:$0x2] =	stream.linear.gather [hbm4b:s1+s22], $0x80, $0x38;
	[tilespmem:$0x13000] =	vst v63  }
0x159: {  	(v2sf) =	vpush v63, $0x7;
	s5 =	spop (v2sf);
	s25 =	sand.u32 $0x1FFFFFF0, s18;
	s14 =	rddreg [dreg:$0x3]  }
0x15a: {  	s1 =	sadd.s32 s19, s7;
	s7 =	sand.u32 $0x1FFFFFF0, s5;
	s19 =	rddreg [dreg:$0x2]  }
0x15b: {  	(v2sf) =	vpush v1, $0x8;
	[tilespmem:s11], [sflag:$0x2] =	stream.linear.gather [hbm4b:s1+s22], $0x80, $0x38;
	[tilespmem:$0x13000] =	vst v63  }
0x15c: {  	s6 =	sadd.s32 s14, s25;
	s11 =	simm.s32 $0x0;
	s18 =	spop (v2sf)  }
0x15d: {  	[tilespmem:s0], [sflag:$0x2] =	stream.linear.gather [hbm4b:s6+s11], $0x80, $0x38;
	[tilespmem:$0x13000] =	vst v63  }
0x15e: {  	s21 =	sadd.s32 $0x10, s21;
	s0 =	sadd.s32 s19, s7;
	s25 =	spop (v2sf)  }
0x15f: {  	(v2sf) =	vpush v63, $0x8;
	[tilespmem:s30], [sflag:$0x2] =	stream.linear.gather [hbm4b:s0+s11], $0x80, $0x38;
	[tilespmem:$0x13000] =	vst v63  }
0x160: {  	s22 =	sand.u32 $0x1FFFFFF0, s18;
	(v2sf) =	vpush v1, $0x9;
	s6 =	rddreg [dreg:$0x2];
	s5 =	spop (v2sf)  }
0x161: {  	s1 =	sadd.s32 s14, s22;
	s2 =	sand.u32 $0x1FFFFFF0, s25;
	s7 =	sand.u32 $0x1FFFFFF0, s5  }
0x162: {  	(v2sf) =	vpush v63, $0x9;
	[tilespmem:s31], [sflag:$0x2] =	stream.linear.gather [hbm4b:s1+s11], $0x80, $0x38;
	[tilespmem:$0x13000] =	vst v63  }
0x163: {  	s0 =	sadd.s32 s6, s2;
	s18 =	spop (v2sf);
	s19 =	sadd.s32 s14, s7  }
0x164: {  	(v2sf) =	vpush v1, $0xA;
	[tilespmem:s13], [sflag:$0x2] =	stream.linear.gather [hbm4b:s0+s11], $0x80, $0x38;
	[tilespmem:$0x13000] =	vst v63  }
0x165: {  	s22 =	sand.u32 $0x1FFFFFF0, s18;
	s13 =	rddreg [dreg:$0x2];
	s25 =	spop (v2sf)  }
0x166: {  	[tilespmem:s29], [sflag:$0x2] =	stream.linear.gather [hbm4b:s19+s11], $0x80, $0x38;
	[tilespmem:$0x13000] =	vst v63  }
0x167: {  	s30 =	sand.u32 $0x1FFFFFF0, s25;
	s31 =	spop (v2sf);
	s29 =	sadd.s32 s13, s22  }
0x168: {  	(v2sf) =	vpush v63, $0xA;
	s1 =	sadd.s32 s14, s30;
	s5 =	sand.u32 $0x1FFFFFF0, s31;
	s6 =	spop (v2sf)  }
0x169: {  	[tilespmem:s28], [sflag:$0x2] =	stream.linear.gather [hbm4b:s29+s11], $0x80, $0x38;
	[tilespmem:$0x13000] =	vst v63  }
0x16a: {  	(v2sf) =	vpush v1, $0xB;
	s31 =	sld [smem:$0x7F7];
	s18 =	sand.u32 $0x1FFFFFF0, s6;
	s19 =	spop (v2sf)  }
0x16b: {  	[tilespmem:s26], [sflag:$0x2] =	stream.linear.gather [hbm4b:s1+s11], $0x80, $0x38;
	[tilespmem:$0x13000] =	vst v63  }
0x16c: {  	s7 =	sadd.s32 s13, s5;
	s22 =	sadd.s32 s14, s18;
	s25 =	sand.u32 $0x1FFFFFF0, s19  }
0x16d: {  	[tilespmem:s12], [sflag:$0x2] =	stream.linear.gather [hbm4b:s7+s11], $0x80, $0x38;
	[tilespmem:$0x13000] =	vst v63  }
0x16e: {  	(v2sf) =	vpush v63, $0xB;
	s18 =	rddreg [dreg:$0x1a];
	s28 =	sadd.s32 s13, s25;
	s26 =	spop (v2sf)  }
0x16f: {  	(v2sf) =	vpush v1, $0xC;
	s12 =	rddreg [dreg:$0x18];
	s29 =	sand.u32 $0x1FFFFFF0, s26;
	s30 =	spop (v2sf)  }
0x170: {  	[tilespmem:s10], [sflag:$0x2] =	stream.linear.gather [hbm4b:s22+s11], $0x80, $0x38;
	[tilespmem:$0x13000] =	vst v63  }
0x171: {  	(v2sf) =	vpush v63, $0xC;
	s26 =	rddreg [dreg:$0xd];
	s7 =	sand.u32 $0x1FFFFFF0, s30;
	s10 =	spop (v2sf)  }
0x172: {  	[tilespmem:s31], [sflag:$0x2] =	stream.linear.gather [hbm4b:s28+s11], $0x80, $0x38;
	[tilespmem:$0x13000] =	vst v63  }
0x173: {  	s6 =	sadd.s32 s14, s29;
	s19 =	sadd.s32 s13, s7;
	s25 =	spop (v2sf)  }
0x174: {  	[tilespmem:s18], [sflag:$0x2] =	stream.linear.gather [hbm4b:s6+s11], $0x80, $0x38;
	[tilespmem:$0x13000] =	vst v63  }
0x175: {  	s22 =	sand.u32 $0x1FFFFFF0, s10;
	s31 =	rddreg [dreg:$0x15];
	s29 =	sand.u32 $0x1FFFFFF0, s25  }
0x176: {  	[tilespmem:s26], [sflag:$0x2] =	stream.linear.gather [hbm4b:s19+s11], $0x80, $0x38;
	[tilespmem:$0x13000] =	vst v63  }
0x177: {  	s28 =	sadd.s32 s14, s22;
	s6 =	sadd.s32 s13, s29;
	s30 =	spop (v2sf)  }
0x178: {  	[tilespmem:s31], [sflag:$0x2] =	stream.linear.gather [hbm4b:s28+s11], $0x80, $0x38;
	[tilespmem:$0x13000] =	vst v63  }
0x179: {  	s18 =	rddreg [dreg:$0x11];
	s7 =	sand.u32 $0x1FFFFFF0, s30;
	s10 =	spop (v2sf)  }
0x17a: {  	[tilespmem:s18], [sflag:$0x2] =	stream.linear.gather [hbm4b:s6+s11], $0x80, $0x38;
	[tilespmem:$0x13000] =	vst v63  }
0x17b: {  	s26 =	rddreg [dreg:$0x5];
	s19 =	sadd.s32 s14, s7;
	s22 =	sand.u32 $0x1FFFFFF0, s10  }
0x17c: {  	(v2sf) =	vpush v1, $0xD;
	[tilespmem:s26], [sflag:$0x2] =	stream.linear.gather [hbm4b:s19+s11], $0x80, $0x38;
	[tilespmem:$0x13000] =	vst v63  }
.Ltmp3:
0x17d: {  	(v2sf) =	vpush v63, $0xD;
	s25 =	spop (v2sf);
	s28 =	sadd.s32 s13, s22;
	(pc) =	sbr.rel @p0 .LBB2_4-.Ltmp3, $4  }
0x17e: {  	(v2sf) =	vpush v1, $0xE;
	s29 =	sand.u32 $0x1FFFFFF0, s25;
	s30 =	spop (v2sf);
	s31 =	rddreg [dreg:$0x9]  }
0x17f: {  	(v2sf) =	vpush v63, $0xE;
	[tilespmem:s3], [sflag:$0x2] =	stream.linear.gather [hbm4b:s28+s11], $0x80, $0x38;
	[tilespmem:$0x13000] =	vst v63  }
0x180: {  	(v2sf) =	vpush v1, $0xF;
	s1 =	sadd.s32 s14, s29;
	s0 =	sand.u32 $0x1FFFFFF0, s30;
	s2 =	spop (v2sf)  }
0x181: {  	(v2sf) =	vpush v63, $0xF;
	[tilespmem:s31], [sflag:$0x2] =	stream.linear.gather [hbm4b:s1+s11], $0x80, $0x38;
	[tilespmem:$0x13000] =	vst v63  }
0x182: {  	_ =	sdelay $0x3  }
0x183: {  	s0 =	sadd.s32 s13, s0  }
0x184: {  	s1 =	sand.u32 $0x1FFFFFF0, s2;
	s28 =	simm.s32 $0x1100;
	s29 =	simm.s32 $0x100  }
0x185: {  	[tilespmem:s24], [sflag:$0x2] =	stream.linear.gather [hbm4b:s0+s11], $0x80, $0x38;
	[tilespmem:$0x13000] =	vst v63  }
0x186: {  	s30 =	simm.s32 $0x1180;
	s1 =	sadd.s32 s14, s1;
	[smem:$0x7F3] =	sst s28  }
0x187: {  	[tilespmem:s12], [sflag:$0x2] =	stream.linear.gather [hbm4b:s1+s11], $0x80, $0x38;
	[tilespmem:$0x13000] =	vst v63  }
0x188: {  	s24 =	sadd.s32 $0x6780, s15;
	[smem:$0x7F4] =	sst s29;
	s31 =	spop (v2sf)  }
0x189: {  	[smem:$0x7F5] =	sst s30;
	s3 =	sand.u32 $0x1FFFFFF0, s31;
	s5 =	spop (v2sf)  }
0x18a: {  	s6 =	sadd.s32 s13, s3;
	s7 =	sand.u32 $0x1FFFFFF0, s5;
	s10 =	spop (v2sf)  }
0x18b: {  	[tilespmem:s17], [sflag:$0x2] =	stream.linear.gather [hbm4b:s6+s11], $0x80, $0x38;
	[tilespmem:$0x13000] =	vst v63  }
0x18c: {  	s12 =	sadd.s32 s14, s7;
	s16 =	sand.u32 $0x1FFFFFF0, s10;
	s17 =	spop (v2sf)  }
0x18d: {  	[tilespmem:s8], [sflag:$0x2] =	stream.linear.gather [hbm4b:s12+s11], $0x80, $0x38;
	[tilespmem:$0x13000] =	vst v63  }
0x18e: {  	s18 =	sadd.s32 s13, s16;
	s19 =	sand.u32 $0x1FFFFFF0, s17;
	s20 =	spop (v2sf)  }
0x18f: {  	[tilespmem:s23], [sflag:$0x2] =	stream.linear.gather [hbm4b:s18+s11], $0x80, $0x38;
	[tilespmem:$0x13000] =	vst v63  }
0x190: {  	s21 =	sadd.s32 s14, s19;
	s22 =	sand.u32 $0x1FFFFFF0, s20;
	s23 =	spop (v2sf)  }
0x191: {  	[tilespmem:s9], [sflag:$0x2] =	stream.linear.gather [hbm4b:s21+s11], $0x80, $0x38;
	[tilespmem:$0x13000] =	vst v63  }
0x192: {  	s31 =	simm.s32 $0x180;
	s1 =	sadd.s32 s13, s22;
	s2 =	sand.u32 $0x1FFFFFF0, s23  }
0x193: {  	[tilespmem:s24], [sflag:$0x2] =	stream.linear.gather [hbm4b:s1+s11], $0x80, $0x38;
	[tilespmem:$0x13000] =	vst v63  }
0x194: {  	s25 =	sadd.s32 $0xE780, s15;
	[smem:$0x7F6] =	sst s31;
	s26 =	sadd.s32 s14, s2  }
0x195: {  	[tilespmem:s25], [sflag:$0x2] =	stream.linear.gather [hbm4b:s26+s11], $0x80, $0x38;
	[tilespmem:$0x13000] =	vst v63  }
.LBB2_6:
0x196: {  	s0 =	simm.s32 $0x1  }
0x197: {  	_ =	swait.ge [sflag:s0], $0x4000  }
0x198: {  	[sflag:s0] =	ssyncset.done $0x0  }
0x199: {  	[sflag:s0] =	ssyncadd.s32 $0xFFFFC000  }
0x19a: {  	_ =	swait.ge [sflag:s0], $0x4000  }
0x19b: {  	[sflag:s0] =	ssyncset.done $0x0  }
0x19c: {  	[sflag:s0] =	ssyncadd.s32 $0xFFFFC000;
	s0 =	simm.s32 $0x2080  }
0x19d: {  	s1 =	simm.s32 $0xA080;
	v0 =	vld [tilespmem:s0+$0xFFFFFF80]  }
0x19e: {  	v1 =	vld [tilespmem:s1+$0xFFFFFFB0]  }
0x19f: {  	v2 =	vld [tilespmem:s0+$0xFFFFFFB0]  }
0x1a0: {  	v3 =	vld [tilespmem:s1+$0xFFFFFFA0]  }
0x1a1: {  	v4 =	vld [tilespmem:s0+$0xFFFFFFA0]  }
0x1a2: {  	v5 =	vld [tilespmem:s1+$0xFFFFFF90]  }
0x1a3: {  	v6 =	vld [tilespmem:s0+$0xFFFFFF90]  }
0x1a4: {  	v7 =	vld [tilespmem:s1+$0xFFFFFF80];
	_ =	sdelay $0x3  }
0x1a5: {  	v1 =	vmul.f32 v1, v2;
	v2 =	vmul.f32 v3, v4  }
0x1a6: {  	v3 =	vmul.f32 v5, v6;
	v0 =	vmul.f32 v7, v0;
	_ =	sdelay $0x1  }
0x1a7: {  	v0 =	vadd.f32 v3, v0;
	v1 =	vadd.f32 v1, v2;
	_ =	sdelay $0x1  }
0x1a8: {  	v0 =	vadd.f32 v1, v0;
	_ =	sdelay $0x1  }
0x1a9: {  	(xrf2) =	vadd.scan.msk.f32 $0xffff, v0  }
0x1aa: {  	s2 =	simm.s32 $0x0  }
0x1ab: {  	s3 =	sshll.u32 s11, $0x8;
	v1 =	vmov s2  }
0x1ac: {  	v1 =	vand.u32 $0x7E, v1;
	v0 =	vmov s3  }
0x1ad: {  	v1 =	vor.u32 v0, v1  }
0x1ae: {  	v1 =	vbroadcast v1, $0x0;
	_ =	sdelay $0x4  }
0x1af: {  	s3 =	simm.s32 $0x12000;
	v2, _, _ =	vpop (xrf2)  }
0x1b0: {  	[tilespmem:v1+s3+$0x0] =	vst.idx.msk vm0, v2  }
0x1b1: {  	v1 =	vld [tilespmem:s1+$0x20]  }
0x1b2: {  	v2 =	vld [tilespmem:s1+$0x10]  }
0x1b3: {  	v3 =	vld [tilespmem:s1+$0x30]  }
0x1b4: {  	v60 =	vld [tilespmem:s1+$0x0]  }
0x1b5: {  	v61 =	vld [tilespmem:s0+$0x30]  }
0x1b6: {  	v62 =	vld [tilespmem:s0+$0x20]  }
0x1b7: {  	v63 =	vld [tilespmem:s0+$0x10]  }
0x1b8: {  	v8 =	vld [tilespmem:s0+$0x0];
	_ =	sdelay $0x3  }
0x1b9: {  	v3 =	vmul.f32 v3, v61;
	v1 =	vmul.f32 v1, v62  }
0x1ba: {  	v2 =	vmul.f32 v2, v63;
	v4 =	vmul.f32 v60, v8;
	_ =	sdelay $0x1  }
0x1bb: {  	v1 =	vadd.f32 v3, v1;
	v2 =	vadd.f32 v2, v4;
	_ =	sdelay $0x1  }
0x1bc: {  	v1 =	vadd.f32 v1, v2;
	_ =	sdelay $0x1  }
0x1bd: {  	s31 =	simm.s32 $0x1;
	(xrf2) =	vadd.scan.msk.f32 $0xffff, v1  }
0x1be: {  	v2 =	vmov s31  }
0x1bf: {  	v2 =	vand.u32 $0x7F, v2  }
0x1c0: {  	s7 =	sshll.u32 s11, $0x1;
	s5 =	simm.s32 $0x2;
	v1 =	vor.u32 v0, v2  }
.LBB2_7:
0x1c1: {  	p0 =	sne.s32 s5, $0x7E;
	v1 =	vbroadcast v1, $0x0;
	s0 =	sadd.s32 $0x100, s0;
	s1 =	sadd.s32 $0x100, s1  }
0x1c2: {  	s6 =	smov.u32 s5;
	s5 =	sadd.s32 $0x2, s5;
	_ =	sdelay $0x4  }
0x1c3: {  	v2, _, _ =	vpop (xrf2)  }
0x1c4: {  	[tilespmem:v1+s3+$0x0] =	vst.idx.msk vm0, v2  }
0x1c5: {  	v1 =	vld [tilespmem:s0+$0xFFFFFF80]  }
0x1c6: {  	v2 =	vld [tilespmem:s1+$0xFFFFFFB0]  }
0x1c7: {  	v3 =	vld [tilespmem:s0+$0xFFFFFFB0]  }
0x1c8: {  	v4 =	vld [tilespmem:s1+$0xFFFFFFA0]  }
0x1c9: {  	v5 =	vld [tilespmem:s0+$0xFFFFFFA0]  }
0x1ca: {  	v6 =	vld [tilespmem:s1+$0xFFFFFF90]  }
0x1cb: {  	v7 =	vld [tilespmem:s0+$0xFFFFFF90]  }
0x1cc: {  	v8 =	vld [tilespmem:s1+$0xFFFFFF80];
	v2 =	vmul.f32 v2, v3;
	_ =	sdelay $0x1  }
0x1cd: {  	v3 =	vmul.f32 v4, v5;
	_ =	sdelay $0x1  }
0x1ce: {  	v4 =	vmul.f32 v6, v7  }
0x1cf: {  	v1 =	vmul.f32 v8, v1;
	_ =	sdelay $0x1  }
0x1d0: {  	v2 =	vadd.f32 v2, v3;
	v1 =	vadd.f32 v4, v1;
	_ =	sdelay $0x1  }
0x1d1: {  	v1 =	vadd.f32 v2, v1;
	_ =	sdelay $0x1  }
0x1d2: {  	(xrf2) =	vadd.scan.msk.f32 $0xffff, v1;
	_ =	sdelay $0x1  }
0x1d3: {  	v1 =	vmov s6  }
0x1d4: {  	v1 =	vand.u32 $0x7E, v1  }
0x1d5: {  	v1 =	vor.u32 v0, v1  }
0x1d6: {  	v1 =	vbroadcast v1, $0x0;
	_ =	sdelay $0x4  }
0x1d7: {  	v2, _, _ =	vpop (xrf2)  }
0x1d8: {  	[tilespmem:v1+s3+$0x0] =	vst.idx.msk vm0, v2  }
0x1d9: {  	v1 =	vld [tilespmem:s1+$0x20]  }
0x1da: {  	v2 =	vld [tilespmem:s1+$0x10]  }
0x1db: {  	v3 =	vld [tilespmem:s1+$0x30]  }
0x1dc: {  	v4 =	vld [tilespmem:s1+$0x0]  }
0x1dd: {  	v5 =	vld [tilespmem:s0+$0x30]  }
0x1de: {  	v6 =	vld [tilespmem:s0+$0x20]  }
0x1df: {  	v7 =	vld [tilespmem:s0+$0x10]  }
0x1e0: {  	v8 =	vld [tilespmem:s0+$0x0];
	_ =	sdelay $0x1  }
0x1e1: {  	v3 =	vmul.f32 v3, v5  }
0x1e2: {  	v1 =	vmul.f32 v1, v6  }
0x1e3: {  	v2 =	vmul.f32 v2, v7  }
0x1e4: {  	v4 =	vmul.f32 v4, v8;
	v1 =	vadd.f32 v3, v1;
	_ =	sdelay $0x1  }
0x1e5: {  	v2 =	vadd.f32 v2, v4;
	_ =	sdelay $0x1  }
0x1e6: {  	v1 =	vadd.f32 v1, v2  }
.Ltmp4:
0x1e7: {  	(pc) =	sbr.rel @p0 .LBB2_7-.Ltmp4, $4  }
0x1e8: {  	s2 =	sadd.s32 $0x1, s6;
	(xrf2) =	vadd.scan.msk.f32 $0xffff, v1  }
0x1e9: {  	v1 =	vmov s2  }
0x1ea: {  	v1 =	vand.u32 $0x7F, v1  }
0x1eb: {  	v1 =	vor.u32 v0, v1  }
0x1ec: {  	_ = 	snop  }
0x1ed: {  	v0 =	vbroadcast v1, $0x0  }
0x1ee: {  	p0 =	seq.s32 s11, $0xF  }
.Ltmp5:
0x1ef: {  	_ = 	snop;
	(pc) =	sbr.rel @p0 .LBB2_12-.Ltmp5, $3  }
0x1f0: {  	_ =	sdelay $0x1  }
0x1f1: {  	v63, _, _ =	vpop (xrf2)  }
0x1f2: {  	s5 =	simm.s32 $0x0;
	[smem:$0x7F2] =	sst s11;
	[tilespmem:v0+s3+$0x0] =	vst.idx.msk vm0, v63  }
0x1f3: {  	s12 =	sld [smem:$0x7F4]  }
0x1f4: {  	s8 =	sld [smem:$0x7F3];
	_ =	sdelay $0x1  }
0x1f5: {  	v0 =	vld [tilespmem:s12+$0x0]  }
0x1f6: {  	v2 =	vld [tilespmem:s8+$0x0];
	_ =	sdelay $0x3  }
0x1f7: {  	v1 =	vshll.u32 v0, $0x4  }
0x1f8: {  	v63 =	vshll.u32 v2, $0x4;
	(v2sf) =	vpush v1, $0x0  }
0x1f9: {  	(v2sf) =	vpush v63, $0x0  }
0x1fa: {  	(v2sf) =	vpush v1, $0x1;
	_ =	sdelay $0x1  }
0x1fb: {  	(v2sf) =	vpush v63, $0x1;
	_ =	sdelay $0x1  }
0x1fc: {  	(v2sf) =	vpush v1, $0x2;
	_ =	sdelay $0x1  }
0x1fd: {  	(v2sf) =	vpush v63, $0x2;
	_ =	sdelay $0x1  }
0x1fe: {  	[smem:$0x7F1] =	sst s7;
	s22 =	simm.s32 $0x2000;
	(v2sf) =	vpush v1, $0x3  }
0x1ff: {  	s21 =	simm.s32 $0x0;
	s3 =	simm.s32 $0xA000;
	s2 =	simm.s32 $0x2280  }
0x200: {  	s1 =	simm.s32 $0x2480;
	s5 =	simm.s32 $0x2000;
	s7 =	simm.s32 $0x2200  }
0x201: {  	s0 =	simm.s32 $0xA500;
	s11 =	simm.s32 $0x2180;
	s24 =	simm.s32 $0x2080  }
0x202: {  	s15 =	simm.s32 $0x2100;
	s18 =	simm.s32 $0xA100;
	s31 =	simm.s32 $0x2600  }
0x203: {  	s30 =	simm.s32 $0x2700;
	s29 =	simm.s32 $0xA700;
	s6 =	spop (v2sf);
	(v2sf) =	vpush v63, $0x3  }
0x204: {  	s28 =	sadd.s32 $0x10, s12;
	s6 =	sand.u32 $0x1FFFFFF0, s6;
	s9 =	spop (v2sf)  }
0x205: {  	(v2sf) =	vpush v1, $0x4;
	s6 =	sadd.s32 s13, s6;
	s20 =	sand.u32 $0x1FFFFFF0, s9;
	s23 =	spop (v2sf)  }
0x206: {  	(v2sf) =	vpush v63, $0x4;
	[tilespmem:s5], [sflag:$0x1] =	stream.linear.gather [hbm4b:s6+s4], $0x80, $0x38;
	[tilespmem:$0x13000] =	vst v63  }
0x207: {  	s5 =	sadd.s32 s14, s20;
	s9 =	sand.u32 $0x1FFFFFF0, s23;
	s10 =	spop (v2sf)  }
0x208: {  	[tilespmem:s3], [sflag:$0x1] =	stream.linear.gather [hbm4b:s5+s4], $0x80, $0x38;
	[tilespmem:$0x13000] =	vst v63  }
0x209: {  	(v2sf) =	vpush v1, $0x5;
	s25 =	sadd.s32 s13, s9;
	s26 =	sand.u32 $0x1FFFFFF0, s10;
	s10 =	spop (v2sf)  }
0x20a: {  	[tilespmem:s24], [sflag:$0x1] =	stream.linear.gather [hbm4b:s25+s4], $0x80, $0x38;
	[tilespmem:$0x13000] =	vst v63  }
0x20b: {  	(v2sf) =	vpush v63, $0x5;
	s5 =	simm.s32 $0xA080;
	s9 =	sadd.s32 s14, s26;
	s16 =	spop (v2sf)  }
0x20c: {  	[tilespmem:s5], [sflag:$0x1] =	stream.linear.gather [hbm4b:s9+s4], $0x80, $0x38;
	[tilespmem:$0x13000] =	vst v63  }
0x20d: {  	s6 =	simm.s32 $0xA180;
	(v2sf) =	vpush v1, $0x6;
	s17 =	spop (v2sf);
	s5 =	sand.u32 $0x1FFFFFF0, s10  }
0x20e: {  	s20 =	sand.u32 $0x1FFFFFF0, s17;
	s9 =	sand.u32 $0x1FFFFFF0, s16;
	s5 =	sadd.s32 s13, s5  }
0x20f: {  	(v2sf) =	vpush v63, $0x6;
	[tilespmem:s15], [sflag:$0x1] =	stream.linear.gather [hbm4b:s5+s4], $0x80, $0x38;
	[tilespmem:$0x13000] =	vst v63  }
0x210: {  	s24 =	simm.s32 $0xA200;
	s19 =	sadd.s32 s14, s9;
	s9 =	sadd.s32 s13, s20  }
0x211: {  	[tilespmem:s18], [sflag:$0x1] =	stream.linear.gather [hbm4b:s19+s4], $0x80, $0x38;
	[tilespmem:$0x13000] =	vst v63  }
0x212: {  	s20 =	simm.s32 $0x2300;
	s15 =	simm.s32 $0xA600;
	s23 =	spop (v2sf)  }
0x213: {  	(v2sf) =	vpush v1, $0x7;
	[tilespmem:s11], [sflag:$0x1] =	stream.linear.gather [hbm4b:s9+s4], $0x80, $0x38;
	[tilespmem:$0x13000] =	vst v63  }
0x214: {  	s18 =	simm.s32 $0xA280;
	s3 =	sand.u32 $0x1FFFFFF0, s23;
	s25 =	spop (v2sf)  }
0x215: {  	(v2sf) =	vpush v63, $0x7;
	s3 =	sadd.s32 s14, s3;
	s9 =	sand.u32 $0x1FFFFFF0, s25;
	s26 =	spop (v2sf)  }
0x216: {  	[tilespmem:s6], [sflag:$0x1] =	stream.linear.gather [hbm4b:s3+s4], $0x80, $0x38;
	[tilespmem:$0x13000] =	vst v63  }
0x217: {  	s11 =	simm.s32 $0x2680;
	s16 =	sadd.s32 s13, s9;
	s17 =	sand.u32 $0x1FFFFFF0, s26  }
0x218: {  	(v2sf) =	vpush v1, $0x8;
	s19 =	spop (v2sf);
	s9 =	simm.s32 $0xA680;
	s6 =	sadd.s32 s14, s17  }
0x219: {  	(v2sf) =	vpush v63, $0x8;
	[tilespmem:s7], [sflag:$0x1] =	stream.linear.gather [hbm4b:s16+s4], $0x80, $0x38;
	[tilespmem:$0x13000] =	vst v63  }
0x21a: {  	s23 =	spop (v2sf);
	s17 =	simm.s32 $0xA300;
	s7 =	sand.u32 $0x1FFFFFF0, s19  }
0x21b: {  	(v2sf) =	vpush v1, $0x9;
	[tilespmem:s24], [sflag:$0x1] =	stream.linear.gather [hbm4b:s6+s4], $0x80, $0x38;
	[tilespmem:$0x13000] =	vst v63  }
0x21c: {  	s5 =	sand.u32 $0x1FFFFFF0, s23;
	s7 =	sadd.s32 s13, s7;
	s24 =	spop (v2sf)  }
0x21d: {  	(v2sf) =	vpush v63, $0x9;
	[tilespmem:s2], [sflag:$0x1] =	stream.linear.gather [hbm4b:s7+s4], $0x80, $0x38;
	[tilespmem:$0x13000] =	vst v63  }
0x21e: {  	s25 =	sadd.s32 s14, s5;
	s26 =	sand.u32 $0x1FFFFFF0, s24;
	s10 =	spop (v2sf)  }
0x21f: {  	(v2sf) =	vpush v1, $0xA;
	[tilespmem:s18], [sflag:$0x1] =	stream.linear.gather [hbm4b:s25+s4], $0x80, $0x38;
	[tilespmem:$0x13000] =	vst v63  }
0x220: {  	s5 =	simm.s32 $0x2400;
	s16 =	sadd.s32 s13, s26;
	s3 =	sand.u32 $0x1FFFFFF0, s10  }
0x221: {  	[tilespmem:s20], [sflag:$0x1] =	stream.linear.gather [hbm4b:s16+s4], $0x80, $0x38;
	[tilespmem:$0x13000] =	vst v63  }
0x222: {  	s2 =	simm.s32 $0xA580;
	s3 =	sadd.s32 s14, s3;
	s18 =	spop (v2sf)  }
0x223: {  	(v2sf) =	vpush v63, $0xA;
	[tilespmem:s17], [sflag:$0x1] =	stream.linear.gather [hbm4b:s3+s4], $0x80, $0x38;
	[tilespmem:$0x13000] =	vst v63  }
0x224: {  	s25 =	simm.s32 $0xA380;
	(v2sf) =	vpush v1, $0xB;
	s7 =	sand.u32 $0x1FFFFFF0, s18;
	s19 =	spop (v2sf)  }
0x225: {  	s20 =	simm.s32 $0x2380;
	s23 =	sadd.s32 s13, s7;
	s24 =	sand.u32 $0x1FFFFFF0, s19  }
0x226: {  	(v2sf) =	vpush v63, $0xB;
	[tilespmem:s20], [sflag:$0x1] =	stream.linear.gather [hbm4b:s23+s4], $0x80, $0x38;
	[tilespmem:$0x13000] =	vst v63  }
0x227: {  	s17 =	simm.s32 $0xA400;
	s26 =	spop (v2sf);
	s7 =	sadd.s32 s14, s24  }
0x228: {  	s6 =	sand.u32 $0x1FFFFFF0, s26;
	s10 =	spop (v2sf);
	(v2sf) =	vpush v1, $0xC;
	s20 =	simm.s32 $0xA480  }
0x229: {  	[tilespmem:s25], [sflag:$0x1] =	stream.linear.gather [hbm4b:s7+s4], $0x80, $0x38;
	[tilespmem:$0x13000] =	vst v63  }
0x22a: {  	s6 =	sadd.s32 s13, s6;
	s16 =	spop (v2sf);
	(v2sf) =	vpush v63, $0xC;
	s7 =	sand.u32 $0x1FFFFFF0, s10  }
0x22b: {  	[tilespmem:s5], [sflag:$0x1] =	stream.linear.gather [hbm4b:s6+s4], $0x80, $0x38;
	[tilespmem:$0x13000] =	vst v63  }
0x22c: {  	s19 =	sand.u32 $0x1FFFFFF0, s16;
	s23 =	spop (v2sf);
	s18 =	sadd.s32 s14, s7  }
0x22d: {  	[tilespmem:s17], [sflag:$0x1] =	stream.linear.gather [hbm4b:s18+s4], $0x80, $0x38;
	[tilespmem:$0x13000] =	vst v63  }
0x22e: {  	s7 =	sadd.s32 s13, s19;
	s6 =	sand.u32 $0x1FFFFFF0, s23;
	s25 =	spop (v2sf)  }
0x22f: {  	[tilespmem:s1], [sflag:$0x1] =	stream.linear.gather [hbm4b:s7+s4], $0x80, $0x38;
	[tilespmem:$0x13000] =	vst v63  }
0x230: {  	s24 =	simm.s32 $0x2500;
	s6 =	sadd.s32 s14, s6;
	s7 =	sand.u32 $0x1FFFFFF0, s25  }
0x231: {  	[tilespmem:s20], [sflag:$0x1] =	stream.linear.gather [hbm4b:s6+s4], $0x80, $0x38;
	[tilespmem:$0x13000] =	vst v63  }
0x232: {  	s19 =	simm.s32 $0x2580;
	s26 =	spop (v2sf);
	s6 =	sadd.s32 s13, s7  }
0x233: {  	s7 =	sand.u32 $0x1FFFFFF0, s26;
	s26 =	sadd.s32 $0x10, s8;
	s10 =	spop (v2sf)  }
0x234: {  	[tilespmem:s24], [sflag:$0x1] =	stream.linear.gather [hbm4b:s6+s4], $0x80, $0x38;
	[tilespmem:$0x13000] =	vst v63  }
0x235: {  	s16 =	sadd.s32 s14, s7;
	(v2sf) =	vpush v1, $0xD;
	s17 =	sand.u32 $0x1FFFFFF0, s10;
	s18 =	spop (v2sf)  }
0x236: {  	(v2sf) =	vpush v63, $0xD;
	[tilespmem:s0], [sflag:$0x1] =	stream.linear.gather [hbm4b:s16+s4], $0x80, $0x38;
	[tilespmem:$0x13000] =	vst v63  }
0x237: {  	s20 =	sadd.s32 s13, s17;
	s23 =	sand.u32 $0x1FFFFFF0, s18;
	(v2sf) =	vpush v1, $0xE;
	s25 =	spop (v2sf)  }
0x238: {  	(v2sf) =	vpush v63, $0xE;
	[tilespmem:s19], [sflag:$0x1] =	stream.linear.gather [hbm4b:s20+s4], $0x80, $0x38;
	[tilespmem:$0x13000] =	vst v63  }
0x239: {  	s24 =	sadd.s32 s14, s23;
	(v2sf) =	vpush v1, $0xF;
	s0 =	sand.u32 $0x1FFFFFF0, s25;
	s1 =	spop (v2sf)  }
0x23a: {  	(v2sf) =	vpush v63, $0xF;
	[tilespmem:s2], [sflag:$0x1] =	stream.linear.gather [hbm4b:s24+s4], $0x80, $0x38;
	[tilespmem:$0x13000] =	vst v63  }
.LBB2_10:
0x23b: {  	_ =	sdelay $0x4  }
0x23c: {  	s0 =	sadd.s32 s13, s0;
	s1 =	sand.u32 $0x1FFFFFF0, s1  }
0x23d: {  	[tilespmem:s31], [sflag:$0x1] =	stream.linear.gather [hbm4b:s0+s4], $0x80, $0x38;
	[tilespmem:$0x13000] =	vst v63  }
0x23e: {  	s8 =	sadd.s32 s14, s1  }
0x23f: {  	[tilespmem:s15], [sflag:$0x1] =	stream.linear.gather [hbm4b:s8+s4], $0x80, $0x38;
	[tilespmem:$0x13000] =	vst v63  }
0x240: {  	s2 =	spop (v2sf)  }
0x241: {  	s10 =	sand.u32 $0x1FFFFFF0, s2;
	s12 =	spop (v2sf)  }
0x242: {  	s15 =	sadd.s32 s13, s10;
	s16 =	sand.u32 $0x1FFFFFF0, s12;
	s17 =	spop (v2sf)  }
0x243: {  	[tilespmem:s11], [sflag:$0x1] =	stream.linear.gather [hbm4b:s15+s4], $0x80, $0x38;
	[tilespmem:$0x13000] =	vst v63  }
0x244: {  	s18 =	sadd.s32 s14, s16;
	s19 =	sand.u32 $0x1FFFFFF0, s17;
	s20 =	spop (v2sf)  }
0x245: {  	[tilespmem:s9], [sflag:$0x1] =	stream.linear.gather [hbm4b:s18+s4], $0x80, $0x38;
	[tilespmem:$0x13000] =	vst v63  }
0x246: {  	s23 =	sadd.s32 s13, s19;
	s24 =	sand.u32 $0x1FFFFFF0, s20;
	s25 =	spop (v2sf)  }
0x247: {  	[tilespmem:s30], [sflag:$0x1] =	stream.linear.gather [hbm4b:s23+s4], $0x80, $0x38;
	[tilespmem:$0x13000] =	vst v63  }
0x248: {  	s3 =	sadd.s32 s14, s24;
	s5 =	sand.u32 $0x1FFFFFF0, s25;
	s6 =	spop (v2sf)  }
0x249: {  	[tilespmem:s29], [sflag:$0x1] =	stream.linear.gather [hbm4b:s3+s4], $0x80, $0x38;
	[tilespmem:$0x13000] =	vst v63  }
0x24a: {  	s7 =	sadd.s32 $0x2780, s21;
	s1 =	sadd.s32 s13, s5;
	s2 =	sand.u32 $0x1FFFFFF0, s6  }
0x24b: {  	[tilespmem:s7], [sflag:$0x1] =	stream.linear.gather [hbm4b:s1+s4], $0x80, $0x38;
	[tilespmem:$0x13000] =	vst v63  }
0x24c: {  	s8 =	sadd.s32 $0xA780, s21;
	s9 =	sadd.s32 s14, s2  }
0x24d: {  	[tilespmem:s8], [sflag:$0x1] =	stream.linear.gather [hbm4b:s9+s4], $0x80, $0x38;
	[tilespmem:$0x13000] =	vst v63  }
0x24e: {  	v0 =	vld [tilespmem:s28+$0x0];
	_ =	sdelay $0x1  }
0x24f: {  	v2 =	vld [tilespmem:s26+$0x0];
	_ =	sdelay $0x2  }
0x250: {  	v1 =	vshll.u32 v0, $0x4  }
0x251: {  	(v2sf) =	vpush v1, $0x0  }
0x252: {  	v63 =	vshll.u32 v2, $0x4  }
0x253: {  	(v2sf) =	vpush v63, $0x0  }
0x254: {  	s10 =	smov.u32 s22  }
0x255: {  	s21 =	sshra.s32 s10, $0x2  }
0x256: {  	p1 =	sne.s32 s22, $0xE000;
	s22 =	sadd.s32 $0x2000, s22;
	s10 =	sadd.s32 $0x2280, s21;
	(v2sf) =	vpush v1, $0x1  }
0x257: {  	s0 =	sadd.s32 $0x2480, s21;
	s11 =	sadd.s32 $0xA500, s21;
	s12 =	sadd.s32 $0xA600, s21  }
0x258: {  	s19 =	sadd.s32 $0xA200, s21;
	s17 =	sadd.s32 $0xA280, s21;
	s16 =	sadd.s32 $0x2300, s21  }
0x259: {  	s15 =	sadd.s32 $0xA300, s21;
	s20 =	sadd.s32 $0x2500, s21;
	[dreg:$0xe] =	wrdreg s0;
	(v2sf) =	vpush v63, $0x1  }
0x25a: {  	s31 =	sadd.s32 $0x2600, s21;
	s18 =	sadd.s32 $0x2200, s21;
	[dreg:$0x6] =	wrdreg s11  }
0x25b: {  	[dreg:$0x1d] =	wrdreg s12;
	s11 =	sadd.s32 $0x2680, s21;
	s0 =	sadd.s32 $0xA100, s21  }
0x25c: {  	[dreg:$0x12] =	wrdreg s20;
	s20 =	sadd.s32 $0x2380, s21;
	s24 =	sadd.s32 $0xA400, s21;
	(v2sf) =	vpush v1, $0x2  }
0x25d: {  	s12 =	sadd.s32 $0xA380, s21;
	s6 =	sadd.s32 $0xA180, s21;
	s13 =	sadd.s32 $0xA480, s21  }
0x25e: {  	[dreg:$0x1b] =	wrdreg s24;
	s5 =	sadd.s32 $0x2080, s21;
	s2 =	sadd.s32 $0xA000, s21;
	(v2sf) =	vpush v63, $0x2  }
0x25f: {  	s14 =	sadd.s32 $0x2180, s21;
	s23 =	sadd.s32 $0x2100, s21;
	[dreg:$0x16] =	wrdreg s13  }
0x260: {  	s13 =	sadd.s32 $0x2400, s21;
	s30 =	sadd.s32 $0x2700, s21;
	s25 =	spop (v2sf)  }
0x261: {  	s3 =	sadd.s32 $0xA580, s21;
	(v2sf) =	vpush v1, $0x3;
	s8 =	sand.u32 $0x1FFFFFF0, s25;
	s25 =	rddreg [dreg:$0x2]  }
0x262: {  	s7 =	sadd.s32 $0x2000, s21;
	(v2sf) =	vpush v63, $0x3;
	s24 =	spop (v2sf);
	s8 =	sadd.s32 s25, s8  }
0x263: {  	[tilespmem:s7], [sflag:$0x1] =	stream.linear.gather [hbm4b:s8+s4], $0x80, $0x38;
	[tilespmem:$0x13000] =	vst v63  }
0x264: {  	s29 =	sadd.s32 $0xA700, s21;
	(v2sf) =	vpush v1, $0x4;
	s24 =	sand.u32 $0x1FFFFFF0, s24;
	s8 =	rddreg [dreg:$0x3]  }
0x265: {  	[dreg:$0xa] =	wrdreg s3;
	s25 =	spop (v2sf);
	s7 =	sadd.s32 s8, s24  }
0x266: {  	[tilespmem:s2], [sflag:$0x1] =	stream.linear.gather [hbm4b:s7+s4], $0x80, $0x38;
	[tilespmem:$0x13000] =	vst v63  }
0x267: {  	s3 =	sadd.s32 $0x2580, s21;
	(v2sf) =	vpush v63, $0x4;
	s24 =	sand.u32 $0x1FFFFFF0, s25;
	s7 =	rddreg [dreg:$0x2]  }
0x268: {  	s1 =	sadd.s32 $0xA080, s21;
	s25 =	spop (v2sf);
	s2 =	sadd.s32 s7, s24  }
0x269: {  	(v2sf) =	vpush v1, $0x5;
	[tilespmem:s5], [sflag:$0x1] =	stream.linear.gather [hbm4b:s2+s4], $0x80, $0x38;
	[tilespmem:$0x13000] =	vst v63  }
0x26a: {  	s9 =	sadd.s32 $0xA680, s21;
	s24 =	sand.u32 $0x1FFFFFF0, s25;
	s5 =	rddreg [dreg:$0x3]  }
0x26b: {  	s26 =	sadd.s32 $0x10, s26;
	(v2sf) =	vpush v63, $0x5;
	s25 =	spop (v2sf);
	s2 =	sadd.s32 s5, s24  }
0x26c: {  	[tilespmem:s1], [sflag:$0x1] =	stream.linear.gather [hbm4b:s2+s4], $0x80, $0x38;
	[tilespmem:$0x13000] =	vst v63  }
0x26d: {  	(v2sf) =	vpush v1, $0x6;
	s24 =	sand.u32 $0x1FFFFFF0, s25;
	s25 =	spop (v2sf);
	s2 =	rddreg [dreg:$0x2]  }
0x26e: {  	s8 =	sand.u32 $0x1FFFFFF0, s25;
	s25 =	rddreg [dreg:$0x3];
	s1 =	sadd.s32 s2, s24  }
0x26f: {  	(v2sf) =	vpush v63, $0x6;
	[tilespmem:s23], [sflag:$0x1] =	stream.linear.gather [hbm4b:s1+s4], $0x80, $0x38;
	[tilespmem:$0x13000] =	vst v63  }
0x270: {  	s28 =	sadd.s32 $0x10, s28;
	s24 =	spop (v2sf);
	s1 =	sadd.s32 s25, s8  }
0x271: {  	s7 =	sand.u32 $0x1FFFFFF0, s24;
	s8 =	spop (v2sf);
	s23 =	rddreg [dreg:$0x2]  }
0x272: {  	(v2sf) =	vpush v1, $0x7;
	[tilespmem:s0], [sflag:$0x1] =	stream.linear.gather [hbm4b:s1+s4], $0x80, $0x38;
	[tilespmem:$0x13000] =	vst v63  }
0x273: {  	s25 =	spop (v2sf);
	s0 =	sadd.s32 s23, s7;
	s23 =	rddreg [dreg:$0x2]  }
0x274: {  	(v2sf) =	vpush v63, $0x7;
	[tilespmem:s14], [sflag:$0x1] =	stream.linear.gather [hbm4b:s0+s4], $0x80, $0x38;
	[tilespmem:$0x13000] =	vst v63  }
0x275: {  	s24 =	sand.u32 $0x1FFFFFF0, s8;
	s7 =	sand.u32 $0x1FFFFFF0, s25;
	s14 =	rddreg [dreg:$0x3]  }
0x276: {  	(v2sf) =	vpush v1, $0x8;
	s0 =	sadd.s32 s23, s7;
	s5 =	sadd.s32 s14, s24;
	s8 =	spop (v2sf)  }
0x277: {  	[tilespmem:s6], [sflag:$0x1] =	stream.linear.gather [hbm4b:s5+s4], $0x80, $0x38;
	[tilespmem:$0x13000] =	vst v63  }
0x278: {  	s24 =	sand.u32 $0x1FFFFFF0, s8;
	s25 =	spop (v2sf);
	s8 =	rddreg [dreg:$0x2]  }
0x279: {  	(v2sf) =	vpush v63, $0x8;
	[tilespmem:s18], [sflag:$0x1] =	stream.linear.gather [hbm4b:s0+s4], $0x80, $0x38;
	[tilespmem:$0x13000] =	vst v63  }
0x27a: {  	(v2sf) =	vpush v1, $0x9;
	s5 =	sadd.s32 s14, s24;
	s6 =	sand.u32 $0x1FFFFFF0, s25;
	s7 =	spop (v2sf)  }
0x27b: {  	[tilespmem:s19], [sflag:$0x1] =	stream.linear.gather [hbm4b:s5+s4], $0x80, $0x38;
	[tilespmem:$0x13000] =	vst v63  }
0x27c: {  	(v2sf) =	vpush v63, $0x9;
	s0 =	sadd.s32 s8, s6;
	s18 =	sand.u32 $0x1FFFFFF0, s7;
	s19 =	spop (v2sf)  }
0x27d: {  	[tilespmem:s10], [sflag:$0x1] =	stream.linear.gather [hbm4b:s0+s4], $0x80, $0x38;
	[tilespmem:$0x13000] =	vst v63  }
0x27e: {  	s5 =	rddreg [dreg:$0x2];
	s24 =	sand.u32 $0x1FFFFFF0, s19;
	s25 =	spop (v2sf)  }
0x27f: {  	s23 =	sadd.s32 s14, s18;
	s0 =	sadd.s32 s5, s24;
	s6 =	sand.u32 $0x1FFFFFF0, s25  }
0x280: {  	(v2sf) =	vpush v1, $0xA;
	[tilespmem:s17], [sflag:$0x1] =	stream.linear.gather [hbm4b:s23+s4], $0x80, $0x38;
	[tilespmem:$0x13000] =	vst v63  }
0x281: {  	s25 =	rddreg [dreg:$0x2];
	s7 =	spop (v2sf);
	s8 =	sadd.s32 s14, s6  }
0x282: {  	(v2sf) =	vpush v63, $0xA;
	[tilespmem:s16], [sflag:$0x1] =	stream.linear.gather [hbm4b:s0+s4], $0x80, $0x38;
	[tilespmem:$0x13000] =	vst v63  }
0x283: {  	s17 =	rddreg [dreg:$0x2];
	s10 =	sand.u32 $0x1FFFFFF0, s7;
	s16 =	spop (v2sf)  }
0x284: {  	[tilespmem:s15], [sflag:$0x1] =	stream.linear.gather [hbm4b:s8+s4], $0x80, $0x38;
	[tilespmem:$0x13000] =	vst v63  }
0x285: {  	s0 =	sadd.s32 s17, s10;
	s19 =	spop (v2sf);
	s15 =	rddreg [dreg:$0x1d]  }
0x286: {  	(v2sf) =	vpush v1, $0xB;
	s18 =	sand.u32 $0x1FFFFFF0, s16;
	s23 =	sand.u32 $0x1FFFFFF0, s19;
	s19 =	rddreg [dreg:$0xe]  }
0x287: {  	[tilespmem:s20], [sflag:$0x1] =	stream.linear.gather [hbm4b:s0+s4], $0x80, $0x38;
	[tilespmem:$0x13000] =	vst v63  }
0x288: {  	(v2sf) =	vpush v63, $0xB;
	s20 =	sadd.s32 s14, s18;
	s24 =	spop (v2sf);
	s0 =	sadd.s32 s25, s23  }
0x289: {  	(v2sf) =	vpush v1, $0xC;
	s25 =	rddreg [dreg:$0x16];
	s5 =	sand.u32 $0x1FFFFFF0, s24;
	s6 =	spop (v2sf)  }
0x28a: {  	[tilespmem:s12], [sflag:$0x1] =	stream.linear.gather [hbm4b:s20+s4], $0x80, $0x38;
	[tilespmem:$0x13000] =	vst v63  }
0x28b: {  	(v2sf) =	vpush v63, $0xC;
	s7 =	sadd.s32 s14, s5;
	s12 =	rddreg [dreg:$0x1b];
	s10 =	spop (v2sf)  }
0x28c: {  	[tilespmem:s13], [sflag:$0x1] =	stream.linear.gather [hbm4b:s0+s4], $0x80, $0x38;
	[tilespmem:$0x13000] =	vst v63  }
0x28d: {  	s8 =	sand.u32 $0x1FFFFFF0, s6;
	s13 =	rddreg [dreg:$0x2];
	s17 =	sand.u32 $0x1FFFFFF0, s10  }
0x28e: {  	[tilespmem:s12], [sflag:$0x1] =	stream.linear.gather [hbm4b:s7+s4], $0x80, $0x38;
	[tilespmem:$0x13000] =	vst v63  }
0x28f: {  	s10 =	rddreg [dreg:$0x12];
	s16 =	sadd.s32 s13, s8;
	s18 =	spop (v2sf)  }
0x290: {  	[tilespmem:s19], [sflag:$0x1] =	stream.linear.gather [hbm4b:s16+s4], $0x80, $0x38;
	[tilespmem:$0x13000] =	vst v63  }
0x291: {  	s20 =	sadd.s32 s14, s17;
	s23 =	sand.u32 $0x1FFFFFF0, s18;
	s24 =	spop (v2sf)  }
0x292: {  	[tilespmem:s25], [sflag:$0x1] =	stream.linear.gather [hbm4b:s20+s4], $0x80, $0x38;
	[tilespmem:$0x13000] =	vst v63  }
0x293: {  	s18 =	rddreg [dreg:$0x6];
	s6 =	sadd.s32 s13, s23;
	s7 =	sand.u32 $0x1FFFFFF0, s24  }
0x294: {  	[tilespmem:s10], [sflag:$0x1] =	stream.linear.gather [hbm4b:s6+s4], $0x80, $0x38;
	[tilespmem:$0x13000] =	vst v63  }
0x295: {  	s8 =	spop (v2sf);
	s12 =	sadd.s32 s14, s7;
	s25 =	rddreg [dreg:$0xa]  }
0x296: {  	(v2sf) =	vpush v1, $0xD;
	[tilespmem:s18], [sflag:$0x1] =	stream.linear.gather [hbm4b:s12+s4], $0x80, $0x38;
	[tilespmem:$0x13000] =	vst v63  }
.Ltmp6:
0x297: {  	(v2sf) =	vpush v63, $0xD;
	s16 =	sand.u32 $0x1FFFFFF0, s8;
	s17 =	spop (v2sf);
	(pc) =	sbr.rel @p1 .LBB2_10-.Ltmp6, $4  }
0x298: {  	(v2sf) =	vpush v1, $0xE;
	s19 =	sadd.s32 s13, s16;
	s20 =	sand.u32 $0x1FFFFFF0, s17;
	s23 =	spop (v2sf)  }
0x299: {  	(v2sf) =	vpush v63, $0xE;
	[tilespmem:s3], [sflag:$0x1] =	stream.linear.gather [hbm4b:s19+s4], $0x80, $0x38;
	[tilespmem:$0x13000] =	vst v63  }
0x29a: {  	(v2sf) =	vpush v1, $0xF;
	s24 =	sadd.s32 s14, s20;
	s0 =	sand.u32 $0x1FFFFFF0, s23;
	s1 =	spop (v2sf)  }
0x29b: {  	(v2sf) =	vpush v63, $0xF;
	[tilespmem:s25], [sflag:$0x1] =	stream.linear.gather [hbm4b:s24+s4], $0x80, $0x38;
	[tilespmem:$0x13000] =	vst v63  }
0x29c: {  	_ =	sdelay $0x4  }
0x29d: {  	s0 =	sadd.s32 s13, s0;
	s1 =	sand.u32 $0x1FFFFFF0, s1  }
0x29e: {  	[tilespmem:s31], [sflag:$0x1] =	stream.linear.gather [hbm4b:s0+s4], $0x80, $0x38;
	[tilespmem:$0x13000] =	vst v63  }
0x29f: {  	s8 =	sadd.s32 s14, s1  }
0x2a0: {  	[tilespmem:s15], [sflag:$0x1] =	stream.linear.gather [hbm4b:s8+s4], $0x80, $0x38;
	[tilespmem:$0x13000] =	vst v63  }
0x2a1: {  	s3 =	simm.s32 $0x12000;
	s2 =	spop (v2sf)  }
0x2a2: {  	s7 =	sld [smem:$0x7F1];
	s10 =	sand.u32 $0x1FFFFFF0, s2;
	s12 =	spop (v2sf)  }
0x2a3: {  	s15 =	sadd.s32 s13, s10;
	s16 =	sand.u32 $0x1FFFFFF0, s12;
	s17 =	spop (v2sf)  }
0x2a4: {  	[tilespmem:s11], [sflag:$0x1] =	stream.linear.gather [hbm4b:s15+s4], $0x80, $0x38;
	[tilespmem:$0x13000] =	vst v63  }
0x2a5: {  	s18 =	sadd.s32 s14, s16;
	s19 =	sand.u32 $0x1FFFFFF0, s17;
	s20 =	spop (v2sf)  }
0x2a6: {  	[tilespmem:s9], [sflag:$0x1] =	stream.linear.gather [hbm4b:s18+s4], $0x80, $0x38;
	[tilespmem:$0x13000] =	vst v63  }
0x2a7: {  	s22 =	sadd.s32 s13, s19;
	s23 =	sand.u32 $0x1FFFFFF0, s20;
	s24 =	spop (v2sf)  }
0x2a8: {  	[tilespmem:s30], [sflag:$0x1] =	stream.linear.gather [hbm4b:s22+s4], $0x80, $0x38;
	[tilespmem:$0x13000] =	vst v63  }
0x2a9: {  	s25 =	sadd.s32 s14, s23;
	s26 =	sand.u32 $0x1FFFFFF0, s24;
	s28 =	spop (v2sf)  }
0x2aa: {  	[tilespmem:s29], [sflag:$0x1] =	stream.linear.gather [hbm4b:s25+s4], $0x80, $0x38;
	[tilespmem:$0x13000] =	vst v63  }
0x2ab: {  	s1 =	sadd.s32 s13, s26;
	s2 =	sand.u32 $0x1FFFFFF0, s28;
	s29 =	sadd.s32 $0x2780, s21  }
0x2ac: {  	[tilespmem:s29], [sflag:$0x1] =	stream.linear.gather [hbm4b:s1+s4], $0x80, $0x38;
	[tilespmem:$0x13000] =	vst v63  }
0x2ad: {  	s5 =	simm.s32 $0x0;
	s30 =	sadd.s32 $0xA780, s21;
	s31 =	sadd.s32 s14, s2  }
0x2ae: {  	[tilespmem:s30], [sflag:$0x1] =	stream.linear.gather [hbm4b:s31+s4], $0x80, $0x38;
	[tilespmem:$0x13000] =	vst v63  }
.LBB2_12:
0x2af: {  	s0 =	simm.s32 $0x2  }
0x2b0: {  	_ =	swait.ge [sflag:s0], $0x4000  }
0x2b1: {  	[sflag:s0] =	ssyncset.done $0x0  }
0x2b2: {  	[sflag:s0] =	ssyncadd.s32 $0xFFFFC000  }
0x2b3: {  	_ =	swait.ge [sflag:s0], $0x4000  }
0x2b4: {  	[sflag:s0] =	ssyncset.done $0x0  }
0x2b5: {  	[sflag:s0] =	ssyncadd.s32 $0xFFFFC000;
	s0 =	simm.s32 $0x6080  }
0x2b6: {  	s1 =	simm.s32 $0xE080;
	v0 =	vld [tilespmem:s0+$0xFFFFFF80]  }
0x2b7: {  	v1 =	vld [tilespmem:s1+$0xFFFFFFB0]  }
0x2b8: {  	v2 =	vld [tilespmem:s0+$0xFFFFFFB0]  }
0x2b9: {  	v3 =	vld [tilespmem:s1+$0xFFFFFFA0]  }
0x2ba: {  	v4 =	vld [tilespmem:s0+$0xFFFFFFA0]  }
0x2bb: {  	v5 =	vld [tilespmem:s1+$0xFFFFFF90]  }
0x2bc: {  	v6 =	vld [tilespmem:s0+$0xFFFFFF90]  }
0x2bd: {  	v7 =	vld [tilespmem:s1+$0xFFFFFF80];
	_ =	sdelay $0x3  }
0x2be: {  	v1 =	vmul.f32 v1, v2;
	v2 =	vmul.f32 v3, v4  }
0x2bf: {  	v3 =	vmul.f32 v5, v6;
	v0 =	vmul.f32 v7, v0;
	_ =	sdelay $0x1  }
0x2c0: {  	v0 =	vadd.f32 v3, v0;
	v1 =	vadd.f32 v1, v2;
	_ =	sdelay $0x1  }
0x2c1: {  	v0 =	vadd.f32 v1, v0;
	_ =	sdelay $0x1  }
0x2c2: {  	(xrf2) =	vadd.scan.msk.f32 $0xffff, v0  }
0x2c3: {  	s2 =	sshll.u32 s7, $0x7  }
0x2c4: {  	s2 =	sor.u32 $0x80, s2;
	v1 =	vmov s5  }
0x2c5: {  	v1 =	vand.u32 $0x7E, v1;
	v0 =	vmov s2  }
0x2c6: {  	v1 =	vor.u32 v0, v1  }
0x2c7: {  	v1 =	vbroadcast v1, $0x0;
	_ =	sdelay $0x4  }
0x2c8: {  	v2, _, _ =	vpop (xrf2)  }
0x2c9: {  	[tilespmem:v1+s3+$0x0] =	vst.idx.msk vm0, v2  }
0x2ca: {  	v1 =	vld [tilespmem:s1+$0x20]  }
0x2cb: {  	v2 =	vld [tilespmem:s1+$0x10]  }
0x2cc: {  	v3 =	vld [tilespmem:s1+$0x30]  }
0x2cd: {  	v60 =	vld [tilespmem:s1+$0x0]  }
0x2ce: {  	v61 =	vld [tilespmem:s0+$0x30]  }
0x2cf: {  	v62 =	vld [tilespmem:s0+$0x20]  }
0x2d0: {  	v63 =	vld [tilespmem:s0+$0x10]  }
0x2d1: {  	v8 =	vld [tilespmem:s0+$0x0];
	_ =	sdelay $0x3  }
0x2d2: {  	v3 =	vmul.f32 v3, v61;
	v1 =	vmul.f32 v1, v62  }
0x2d3: {  	v2 =	vmul.f32 v2, v63;
	v4 =	vmul.f32 v60, v8;
	_ =	sdelay $0x1  }
0x2d4: {  	v1 =	vadd.f32 v3, v1;
	v2 =	vadd.f32 v2, v4;
	_ =	sdelay $0x1  }
0x2d5: {  	v1 =	vadd.f32 v1, v2;
	_ =	sdelay $0x1  }
0x2d6: {  	s31 =	simm.s32 $0x1;
	(xrf2) =	vadd.scan.msk.f32 $0xffff, v1  }
0x2d7: {  	v2 =	vmov s31  }
0x2d8: {  	v2 =	vand.u32 $0x7F, v2  }
0x2d9: {  	s5 =	simm.s32 $0x2;
	v1 =	vor.u32 v0, v2  }
.LBB2_13:
0x2da: {  	p1 =	sne.s32 s5, $0x7E;
	v1 =	vbroadcast v1, $0x0;
	s0 =	sadd.s32 $0x100, s0;
	s1 =	sadd.s32 $0x100, s1  }
0x2db: {  	s6 =	smov.u32 s5;
	s5 =	sadd.s32 $0x2, s5;
	_ =	sdelay $0x4  }
0x2dc: {  	v2, _, _ =	vpop (xrf2)  }
0x2dd: {  	[tilespmem:v1+s3+$0x0] =	vst.idx.msk vm0, v2  }
0x2de: {  	v1 =	vld [tilespmem:s0+$0xFFFFFF80]  }
0x2df: {  	v2 =	vld [tilespmem:s1+$0xFFFFFFB0]  }
0x2e0: {  	v3 =	vld [tilespmem:s0+$0xFFFFFFB0]  }
0x2e1: {  	v4 =	vld [tilespmem:s1+$0xFFFFFFA0]  }
0x2e2: {  	v5 =	vld [tilespmem:s0+$0xFFFFFFA0]  }
0x2e3: {  	v6 =	vld [tilespmem:s1+$0xFFFFFF90]  }
0x2e4: {  	v7 =	vld [tilespmem:s0+$0xFFFFFF90]  }
0x2e5: {  	v8 =	vld [tilespmem:s1+$0xFFFFFF80];
	v2 =	vmul.f32 v2, v3;
	_ =	sdelay $0x1  }
0x2e6: {  	v3 =	vmul.f32 v4, v5;
	_ =	sdelay $0x1  }
0x2e7: {  	v4 =	vmul.f32 v6, v7  }
0x2e8: {  	v1 =	vmul.f32 v8, v1;
	_ =	sdelay $0x1  }
0x2e9: {  	v2 =	vadd.f32 v2, v3;
	v1 =	vadd.f32 v4, v1;
	_ =	sdelay $0x1  }
0x2ea: {  	v1 =	vadd.f32 v2, v1;
	_ =	sdelay $0x1  }
0x2eb: {  	(xrf2) =	vadd.scan.msk.f32 $0xffff, v1;
	_ =	sdelay $0x1  }
0x2ec: {  	v1 =	vmov s6  }
0x2ed: {  	v1 =	vand.u32 $0x7E, v1  }
0x2ee: {  	v1 =	vor.u32 v0, v1  }
0x2ef: {  	v1 =	vbroadcast v1, $0x0;
	_ =	sdelay $0x4  }
0x2f0: {  	v2, _, _ =	vpop (xrf2)  }
0x2f1: {  	[tilespmem:v1+s3+$0x0] =	vst.idx.msk vm0, v2  }
0x2f2: {  	v1 =	vld [tilespmem:s1+$0x20]  }
0x2f3: {  	v2 =	vld [tilespmem:s1+$0x10]  }
0x2f4: {  	v3 =	vld [tilespmem:s1+$0x30]  }
0x2f5: {  	v4 =	vld [tilespmem:s1+$0x0]  }
0x2f6: {  	v5 =	vld [tilespmem:s0+$0x30]  }
0x2f7: {  	v6 =	vld [tilespmem:s0+$0x20]  }
0x2f8: {  	v7 =	vld [tilespmem:s0+$0x10]  }
0x2f9: {  	v8 =	vld [tilespmem:s0+$0x0];
	_ =	sdelay $0x1  }
0x2fa: {  	v3 =	vmul.f32 v3, v5  }
0x2fb: {  	v1 =	vmul.f32 v1, v6  }
0x2fc: {  	v2 =	vmul.f32 v2, v7  }
0x2fd: {  	v4 =	vmul.f32 v4, v8;
	v1 =	vadd.f32 v3, v1;
	_ =	sdelay $0x1  }
0x2fe: {  	v2 =	vadd.f32 v2, v4;
	_ =	sdelay $0x1  }
0x2ff: {  	v1 =	vadd.f32 v1, v2  }
.Ltmp7:
0x300: {  	(pc) =	sbr.rel @p1 .LBB2_13-.Ltmp7, $4  }
0x301: {  	s2 =	sadd.s32 $0x1, s6;
	(xrf2) =	vadd.scan.msk.f32 $0xffff, v1  }
0x302: {  	v1 =	vmov s2  }
0x303: {  	v1 =	vand.u32 $0x7F, v1  }
0x304: {  	v1 =	vor.u32 v0, v1  }
0x305: {  	_ = 	snop  }
0x306: {  	v0 =	vbroadcast v1, $0x0;
	_ =	sdelay $0x1  }
.Ltmp8:
0x307: {  	_ = 	snop;
	(pc) =	sbr.rel @p0 .LBB2_18-.Ltmp8, $3  }
0x308: {  	_ =	sdelay $0x1  }
0x309: {  	v63, _, _ =	vpop (xrf2)  }
0x30a: {  	[tilespmem:v0+s3+$0x0] =	vst.idx.msk vm0, v63  }
0x30b: {  	s12 =	sld [smem:$0x7F6]  }
0x30c: {  	s11 =	sld [smem:$0x7F5];
	_ =	sdelay $0x1  }
0x30d: {  	v0 =	vld [tilespmem:s12+$0x0]  }
0x30e: {  	v2 =	vld [tilespmem:s11+$0x0];
	_ =	sdelay $0x3  }
0x30f: {  	v1 =	vshll.u32 v0, $0x4  }
0x310: {  	v63 =	vshll.u32 v2, $0x4;
	(v2sf) =	vpush v1, $0x0  }
0x311: {  	(v2sf) =	vpush v63, $0x0  }
0x312: {  	(v2sf) =	vpush v1, $0x1;
	_ =	sdelay $0x1  }
0x313: {  	(v2sf) =	vpush v63, $0x1  }
0x314: {  	(v2sf) =	vpush v1, $0x2;
	_ =	sdelay $0x1  }
0x315: {  	(v2sf) =	vpush v63, $0x2;
	_ =	sdelay $0x1  }
0x316: {  	(v2sf) =	vpush v1, $0x3;
	_ =	sdelay $0x1  }
0x317: {  	s20 =	simm.s32 $0x2000;
	s19 =	simm.s32 $0x0;
	s3 =	simm.s32 $0xE000  }
0x318: {  	s2 =	simm.s32 $0x6280;
	s1 =	simm.s32 $0x6480;
	s5 =	simm.s32 $0x6000  }
0x319: {  	s7 =	simm.s32 $0x6200;
	s0 =	simm.s32 $0xE500;
	s8 =	simm.s32 $0x0  }
0x31a: {  	s4 =	simm.s32 $0x6180;
	s23 =	simm.s32 $0x6080;
	s26 =	simm.s32 $0xE080  }
0x31b: {  	s31 =	simm.s32 $0x6100;
	s16 =	simm.s32 $0xE100;
	s6 =	spop (v2sf);
	(v2sf) =	vpush v63, $0x3  }
0x31c: {  	s29 =	simm.s32 $0x6600;
	s6 =	sand.u32 $0x1FFFFFF0, s6;
	s9 =	spop (v2sf)  }
0x31d: {  	s28 =	simm.s32 $0x6700;
	(v2sf) =	vpush v1, $0x4;
	s6 =	sadd.s32 s13, s6;
	s22 =	spop (v2sf)  }
0x31e: {  	(v2sf) =	vpush v63, $0x4;
	[tilespmem:s5], [sflag:$0x2] =	stream.linear.gather [hbm4b:s6+s8], $0x80, $0x38;
	[tilespmem:$0x13000] =	vst v63  }
0x31f: {  	s21 =	sand.u32 $0x1FFFFFF0, s9;
	s5 =	simm.s32 $0xE180;
	s10 =	spop (v2sf)  }
0x320: {  	s6 =	sadd.s32 s14, s21;
	s9 =	sand.u32 $0x1FFFFFF0, s22;
	s30 =	spop (v2sf)  }
0x321: {  	(v2sf) =	vpush v1, $0x5;
	[tilespmem:s3], [sflag:$0x2] =	stream.linear.gather [hbm4b:s6+s8], $0x80, $0x38;
	[tilespmem:$0x13000] =	vst v63  }
0x322: {  	s24 =	sadd.s32 s13, s9;
	s25 =	sand.u32 $0x1FFFFFF0, s10;
	(v2sf) =	vpush v63, $0x5;
	s10 =	spop (v2sf)  }
0x323: {  	[tilespmem:s23], [sflag:$0x2] =	stream.linear.gather [hbm4b:s24+s8], $0x80, $0x38;
	[tilespmem:$0x13000] =	vst v63  }
0x324: {  	s9 =	sadd.s32 s14, s25;
	(v2sf) =	vpush v1, $0x6;
	s6 =	sand.u32 $0x1FFFFFF0, s30;
	s15 =	spop (v2sf)  }
0x325: {  	[tilespmem:s26], [sflag:$0x2] =	stream.linear.gather [hbm4b:s9+s8], $0x80, $0x38;
	[tilespmem:$0x13000] =	vst v63  }
0x326: {  	s6 =	sadd.s32 s13, s6;
	s18 =	sand.u32 $0x1FFFFFF0, s15;
	s9 =	sand.u32 $0x1FFFFFF0, s10  }
0x327: {  	[tilespmem:s31], [sflag:$0x2] =	stream.linear.gather [hbm4b:s6+s8], $0x80, $0x38;
	[tilespmem:$0x13000] =	vst v63  }
0x328: {  	(v2sf) =	vpush v63, $0x6;
	s23 =	simm.s32 $0xE200;
	s15 =	simm.s32 $0x6680;
	s17 =	sadd.s32 s14, s9  }
0x329: {  	[tilespmem:s16], [sflag:$0x2] =	stream.linear.gather [hbm4b:s17+s8], $0x80, $0x38;
	[tilespmem:$0x13000] =	vst v63  }
0x32a: {  	s22 =	sadd.s32 s13, s18;
	s10 =	simm.s32 $0xE600;
	s21 =	spop (v2sf)  }
0x32b: {  	[tilespmem:s4], [sflag:$0x2] =	stream.linear.gather [hbm4b:s22+s8], $0x80, $0x38;
	[tilespmem:$0x13000] =	vst v63  }
0x32c: {  	s9 =	simm.s32 $0x6300;
	(v2sf) =	vpush v1, $0x7;
	s3 =	sand.u32 $0x1FFFFFF0, s21;
	s24 =	spop (v2sf)  }
0x32d: {  	s3 =	sadd.s32 s14, s3;
	s4 =	sand.u32 $0x1FFFFFF0, s24;
	s25 =	spop (v2sf)  }
0x32e: {  	(v2sf) =	vpush v63, $0x7;
	[tilespmem:s5], [sflag:$0x2] =	stream.linear.gather [hbm4b:s3+s8], $0x80, $0x38;
	[tilespmem:$0x13000] =	vst v63  }
0x32f: {  	s31 =	simm.s32 $0xE280;
	(v2sf) =	vpush v1, $0x8;
	s26 =	sadd.s32 s13, s4;
	s30 =	sand.u32 $0x1FFFFFF0, s25  }
0x330: {  	s4 =	spop (v2sf);
	s25 =	simm.s32 $0xE300;
	s5 =	sadd.s32 s14, s30  }
0x331: {  	(v2sf) =	vpush v63, $0x8;
	s16 =	sand.u32 $0x1FFFFFF0, s4;
	s17 =	spop (v2sf);
	s4 =	simm.s32 $0x0  }
0x332: {  	(v2sf) =	vpush v1, $0x9;
	[tilespmem:s7], [sflag:$0x2] =	stream.linear.gather [hbm4b:s26+s8], $0x80, $0x38;
	[tilespmem:$0x13000] =	vst v63  }
0x333: {  	s6 =	sadd.s32 s13, s16;
	s7 =	sand.u32 $0x1FFFFFF0, s17;
	s18 =	spop (v2sf)  }
0x334: {  	(v2sf) =	vpush v63, $0x9;
	[tilespmem:s23], [sflag:$0x2] =	stream.linear.gather [hbm4b:s5+s8], $0x80, $0x38;
	[tilespmem:$0x13000] =	vst v63  }
0x335: {  	s26 =	simm.s32 $0xE680;
	s17 =	simm.s32 $0x6400;
	s22 =	sand.u32 $0x1FFFFFF0, s18  }
0x336: {  	(v2sf) =	vpush v1, $0xA;
	[tilespmem:s2], [sflag:$0x2] =	stream.linear.gather [hbm4b:s6+s8], $0x80, $0x38;
	[tilespmem:$0x13000] =	vst v63  }
0x337: {  	s21 =	sadd.s32 s14, s7;
	s23 =	spop (v2sf);
	s24 =	sadd.s32 s13, s22  }
0x338: {  	(v2sf) =	vpush v63, $0xA;
	[tilespmem:s31], [sflag:$0x2] =	stream.linear.gather [hbm4b:s21+s4], $0x80, $0x38;
	[tilespmem:$0x13000] =	vst v63  }
0x339: {  	s5 =	simm.s32 $0x6380;
	s22 =	simm.s32 $0xE400;
	s3 =	sand.u32 $0x1FFFFFF0, s23  }
0x33a: {  	[tilespmem:s9], [sflag:$0x2] =	stream.linear.gather [hbm4b:s24+s4], $0x80, $0x38;
	[tilespmem:$0x13000] =	vst v63  }
0x33b: {  	s2 =	simm.s32 $0xE580;
	s3 =	sadd.s32 s14, s3;
	s30 =	spop (v2sf)  }
0x33c: {  	(v2sf) =	vpush v1, $0xB;
	[tilespmem:s25], [sflag:$0x2] =	stream.linear.gather [hbm4b:s3+s4], $0x80, $0x38;
	[tilespmem:$0x13000] =	vst v63  }
0x33d: {  	s9 =	simm.s32 $0xE380;
	s6 =	sand.u32 $0x1FFFFFF0, s30;
	s31 =	spop (v2sf)  }
0x33e: {  	s25 =	simm.s32 $0xE480;
	(v2sf) =	vpush v63, $0xB;
	s6 =	sadd.s32 s13, s6;
	s16 =	spop (v2sf)  }
0x33f: {  	[tilespmem:s5], [sflag:$0x2] =	stream.linear.gather [hbm4b:s6+s4], $0x80, $0x38;
	[tilespmem:$0x13000] =	vst v63  }
0x340: {  	s8 =	sand.u32 $0x1FFFFFF0, s31;
	s31 =	simm.s32 $0x6500;
	s18 =	spop (v2sf)  }
0x341: {  	s6 =	sadd.s32 s14, s8;
	s5 =	sand.u32 $0x1FFFFFF0, s16;
	(v2sf) =	vpush v1, $0xC;
	s21 =	spop (v2sf)  }
0x342: {  	[tilespmem:s9], [sflag:$0x2] =	stream.linear.gather [hbm4b:s6+s4], $0x80, $0x38;
	[tilespmem:$0x13000] =	vst v63  }
0x343: {  	s5 =	sadd.s32 s13, s5;
	(v2sf) =	vpush v63, $0xC;
	s6 =	sand.u32 $0x1FFFFFF0, s18;
	s30 =	spop (v2sf)  }
0x344: {  	[tilespmem:s17], [sflag:$0x2] =	stream.linear.gather [hbm4b:s5+s4], $0x80, $0x38;
	[tilespmem:$0x13000] =	vst v63  }
0x345: {  	s24 =	sand.u32 $0x1FFFFFF0, s21;
	s23 =	sadd.s32 s14, s6;
	s7 =	spop (v2sf)  }
0x346: {  	[tilespmem:s22], [sflag:$0x2] =	stream.linear.gather [hbm4b:s23+s4], $0x80, $0x38;
	[tilespmem:$0x13000] =	vst v63  }
0x347: {  	s6 =	sadd.s32 s13, s24;
	s5 =	sand.u32 $0x1FFFFFF0, s30;
	s8 =	spop (v2sf)  }
0x348: {  	[tilespmem:s1], [sflag:$0x2] =	stream.linear.gather [hbm4b:s6+s4], $0x80, $0x38;
	[tilespmem:$0x13000] =	vst v63  }
0x349: {  	s5 =	sadd.s32 s14, s5;
	s16 =	sand.u32 $0x1FFFFFF0, s8;
	s6 =	sand.u32 $0x1FFFFFF0, s7  }
0x34a: {  	[tilespmem:s25], [sflag:$0x2] =	stream.linear.gather [hbm4b:s5+s4], $0x80, $0x38;
	[tilespmem:$0x13000] =	vst v63  }
0x34b: {  	s18 =	sadd.s32 s14, s16;
	s9 =	sadd.s32 s13, s6;
	s17 =	spop (v2sf)  }
0x34c: {  	[tilespmem:s31], [sflag:$0x2] =	stream.linear.gather [hbm4b:s9+s4], $0x80, $0x38;
	[tilespmem:$0x13000] =	vst v63  }
0x34d: {  	s23 =	simm.s32 $0x6580;
	s21 =	sand.u32 $0x1FFFFFF0, s17;
	s22 =	spop (v2sf)  }
0x34e: {  	(v2sf) =	vpush v1, $0xD;
	[tilespmem:s0], [sflag:$0x2] =	stream.linear.gather [hbm4b:s18+s4], $0x80, $0x38;
	[tilespmem:$0x13000] =	vst v63  }
0x34f: {  	s6 =	simm.s32 $0xE700;
	(v2sf) =	vpush v63, $0xD;
	s24 =	sadd.s32 s13, s21;
	s25 =	sand.u32 $0x1FFFFFF0, s22  }
0x350: {  	(v2sf) =	vpush v1, $0xE;
	s30 =	sadd.s32 s14, s25;
	s25 =	sadd.s32 $0x10, s12;
	s31 =	spop (v2sf)  }
0x351: {  	(v2sf) =	vpush v63, $0xE;
	[tilespmem:s23], [sflag:$0x2] =	stream.linear.gather [hbm4b:s24+s4], $0x80, $0x38;
	[tilespmem:$0x13000] =	vst v63  }
0x352: {  	s24 =	sadd.s32 $0x10, s11;
	(v2sf) =	vpush v1, $0xF;
	s0 =	sand.u32 $0x1FFFFFF0, s31;
	s1 =	spop (v2sf)  }
0x353: {  	(v2sf) =	vpush v63, $0xF;
	[tilespmem:s2], [sflag:$0x2] =	stream.linear.gather [hbm4b:s30+s4], $0x80, $0x38;
	[tilespmem:$0x13000] =	vst v63  }
.LBB2_16:
0x354: {  	_ =	sdelay $0x4  }
0x355: {  	s0 =	sadd.s32 s13, s0;
	s1 =	sand.u32 $0x1FFFFFF0, s1  }
0x356: {  	[tilespmem:s29], [sflag:$0x2] =	stream.linear.gather [hbm4b:s0+s4], $0x80, $0x38;
	[tilespmem:$0x13000] =	vst v63  }
0x357: {  	s7 =	sadd.s32 s14, s1  }
0x358: {  	[tilespmem:s10], [sflag:$0x2] =	stream.linear.gather [hbm4b:s7+s4], $0x80, $0x38;
	[tilespmem:$0x13000] =	vst v63  }
0x359: {  	s2 =	spop (v2sf)  }
0x35a: {  	s8 =	sand.u32 $0x1FFFFFF0, s2;
	s9 =	spop (v2sf)  }
0x35b: {  	s10 =	sadd.s32 s13, s8;
	s11 =	sand.u32 $0x1FFFFFF0, s9;
	s12 =	spop (v2sf)  }
0x35c: {  	[tilespmem:s15], [sflag:$0x2] =	stream.linear.gather [hbm4b:s10+s4], $0x80, $0x38;
	[tilespmem:$0x13000] =	vst v63  }
0x35d: {  	s15 =	sadd.s32 s14, s11;
	s16 =	sand.u32 $0x1FFFFFF0, s12;
	s17 =	spop (v2sf)  }
0x35e: {  	[tilespmem:s26], [sflag:$0x2] =	stream.linear.gather [hbm4b:s15+s4], $0x80, $0x38;
	[tilespmem:$0x13000] =	vst v63  }
0x35f: {  	s18 =	sadd.s32 s13, s16;
	s21 =	sand.u32 $0x1FFFFFF0, s17;
	s22 =	spop (v2sf)  }
0x360: {  	[tilespmem:s28], [sflag:$0x2] =	stream.linear.gather [hbm4b:s18+s4], $0x80, $0x38;
	[tilespmem:$0x13000] =	vst v63  }
0x361: {  	s23 =	sadd.s32 s14, s21;
	s26 =	sand.u32 $0x1FFFFFF0, s22;
	s30 =	spop (v2sf)  }
0x362: {  	[tilespmem:s6], [sflag:$0x2] =	stream.linear.gather [hbm4b:s23+s4], $0x80, $0x38;
	[tilespmem:$0x13000] =	vst v63  }
0x363: {  	s31 =	sadd.s32 $0x6780, s19;
	s1 =	sadd.s32 s13, s26;
	s2 =	sand.u32 $0x1FFFFFF0, s30  }
0x364: {  	[tilespmem:s31], [sflag:$0x2] =	stream.linear.gather [hbm4b:s1+s4], $0x80, $0x38;
	[tilespmem:$0x13000] =	vst v63  }
0x365: {  	s3 =	sadd.s32 $0xE780, s19;
	s5 =	sadd.s32 s14, s2  }
0x366: {  	[tilespmem:s3], [sflag:$0x2] =	stream.linear.gather [hbm4b:s5+s4], $0x80, $0x38;
	[tilespmem:$0x13000] =	vst v63  }
0x367: {  	v0 =	vld [tilespmem:s25+$0x0];
	_ =	sdelay $0x1  }
0x368: {  	v2 =	vld [tilespmem:s24+$0x0];
	_ =	sdelay $0x2  }
0x369: {  	v1 =	vshll.u32 v0, $0x4  }
0x36a: {  	(v2sf) =	vpush v1, $0x0  }
0x36b: {  	v63 =	vshll.u32 v2, $0x4  }
0x36c: {  	s6 =	smov.u32 s20;
	(v2sf) =	vpush v63, $0x0  }
0x36d: {  	p0 =	sne.s32 s20, $0xE000;
	s9 =	simm.s32 $0x0;
	s19 =	sshra.s32 s6, $0x2  }
0x36e: {  	s20 =	sadd.s32 $0x2000, s20;
	s0 =	sadd.s32 $0x6480, s19;
	s18 =	sadd.s32 $0x6200, s19  }
0x36f: {  	s7 =	sadd.s32 $0xE500, s19;
	s14 =	sadd.s32 $0x6180, s19;
	s11 =	sadd.s32 $0xE180, s19;
	(v2sf) =	vpush v1, $0x1  }
0x370: {  	s10 =	sadd.s32 $0xE600, s19;
	s2 =	sadd.s32 $0x6100, s19;
	s31 =	sadd.s32 $0xE200, s19  }
0x371: {  	s8 =	sadd.s32 $0x6680, s19;
	s17 =	sadd.s32 $0xE280, s19;
	s16 =	sadd.s32 $0x6300, s19;
	(v2sf) =	vpush v63, $0x1  }
0x372: {  	s12 =	sadd.s32 $0xE580, s19;
	s26 =	sadd.s32 $0xE680, s19;
	[dreg:$0xf] =	wrdreg s0  }
0x373: {  	s15 =	sadd.s32 $0xE300, s19;
	s13 =	sadd.s32 $0xE480, s19;
	[dreg:$0x7] =	wrdreg s7  }
0x374: {  	s21 =	sadd.s32 $0x6500, s19;
	s30 =	sadd.s32 $0x6380, s19;
	[dreg:$0x1e] =	wrdreg s8;
	(v2sf) =	vpush v1, $0x2  }
0x375: {  	s22 =	sadd.s32 $0xE400, s19;
	s29 =	sadd.s32 $0x6600, s19;
	[dreg:$0xb] =	wrdreg s12;
	(v2sf) =	vpush v63, $0x2  }
0x376: {  	s28 =	sadd.s32 $0x6700, s19;
	s6 =	sadd.s32 $0xE700, s19;
	[dreg:$0x17] =	wrdreg s13  }
0x377: {  	s1 =	sadd.s32 $0x6580, s19;
	s7 =	sadd.s32 $0xE080, s19;
	[dreg:$0x13] =	wrdreg s21;
	(v2sf) =	vpush v1, $0x3  }
0x378: {  	s0 =	sadd.s32 $0xE100, s19;
	[dreg:$0x1c] =	wrdreg s22;
	s21 =	sadd.s32 $0x6080, s19  }
0x379: {  	s12 =	sadd.s32 $0xE380, s19;
	s13 =	sadd.s32 $0x6400, s19;
	s23 =	spop (v2sf)  }
0x37a: {  	s3 =	sadd.s32 $0xE000, s19;
	(v2sf) =	vpush v63, $0x3;
	s8 =	sand.u32 $0x1FFFFFF0, s23;
	s23 =	rddreg [dreg:$0x2]  }
0x37b: {  	s4 =	sadd.s32 $0x6000, s19;
	s22 =	spop (v2sf);
	s8 =	sadd.s32 s23, s8  }
0x37c: {  	(v2sf) =	vpush v1, $0x4;
	[tilespmem:s4], [sflag:$0x2] =	stream.linear.gather [hbm4b:s8+s9], $0x80, $0x38;
	[tilespmem:$0x13000] =	vst v63  }
0x37d: {  	s5 =	sadd.s32 $0x6280, s19;
	s22 =	sand.u32 $0x1FFFFFF0, s22;
	s8 =	rddreg [dreg:$0x3]  }
0x37e: {  	s24 =	sadd.s32 $0x10, s24;
	s23 =	spop (v2sf);
	s4 =	sadd.s32 s8, s22  }
0x37f: {  	(v2sf) =	vpush v63, $0x4;
	[tilespmem:s3], [sflag:$0x2] =	stream.linear.gather [hbm4b:s4+s9], $0x80, $0x38;
	[tilespmem:$0x13000] =	vst v63  }
0x380: {  	s22 =	sand.u32 $0x1FFFFFF0, s23;
	s23 =	spop (v2sf);
	s4 =	rddreg [dreg:$0x2]  }
0x381: {  	(v2sf) =	vpush v1, $0x5;
	s8 =	sand.u32 $0x1FFFFFF0, s23;
	s23 =	rddreg [dreg:$0x3];
	s3 =	sadd.s32 s4, s22  }
0x382: {  	[tilespmem:s21], [sflag:$0x2] =	stream.linear.gather [hbm4b:s3+s9], $0x80, $0x38;
	[tilespmem:$0x13000] =	vst v63  }
0x383: {  	s25 =	sadd.s32 $0x10, s25;
	(v2sf) =	vpush v63, $0x5;
	s22 =	spop (v2sf);
	s3 =	sadd.s32 s23, s8  }
0x384: {  	s21 =	sand.u32 $0x1FFFFFF0, s22;
	s22 =	spop (v2sf);
	s23 =	rddreg [dreg:$0x2]  }
0x385: {  	(v2sf) =	vpush v1, $0x6;
	[tilespmem:s7], [sflag:$0x2] =	stream.linear.gather [hbm4b:s3+s9], $0x80, $0x38;
	[tilespmem:$0x13000] =	vst v63  }
0x386: {  	s4 =	simm.s32 $0x0;
	s8 =	spop (v2sf);
	s3 =	sadd.s32 s23, s21  }
0x387: {  	s7 =	sand.u32 $0x1FFFFFF0, s22;
	s21 =	rddreg [dreg:$0x3];
	s22 =	sand.u32 $0x1FFFFFF0, s8  }
0x388: {  	(v2sf) =	vpush v63, $0x6;
	[tilespmem:s2], [sflag:$0x2] =	stream.linear.gather [hbm4b:s3+s9], $0x80, $0x38;
	[tilespmem:$0x13000] =	vst v63  }
0x389: {  	s23 =	spop (v2sf);
	s2 =	sadd.s32 s21, s7;
	s7 =	rddreg [dreg:$0x2]  }
0x38a: {  	(v2sf) =	vpush v1, $0x7;
	[tilespmem:s0], [sflag:$0x2] =	stream.linear.gather [hbm4b:s2+s9], $0x80, $0x38;
	[tilespmem:$0x13000] =	vst v63  }
0x38b: {  	s0 =	sadd.s32 s7, s22;
	s9 =	spop (v2sf);
	s7 =	rddreg [dreg:$0x2]  }
0x38c: {  	(v2sf) =	vpush v63, $0x7;
	[tilespmem:s14], [sflag:$0x2] =	stream.linear.gather [hbm4b:s0+s4], $0x80, $0x38;
	[tilespmem:$0x13000] =	vst v63  }
0x38d: {  	s8 =	sand.u32 $0x1FFFFFF0, s23;
	s22 =	sand.u32 $0x1FFFFFF0, s9;
	s14 =	rddreg [dreg:$0x3]  }
0x38e: {  	s0 =	sadd.s32 s7, s22;
	s21 =	sadd.s32 s14, s8;
	s23 =	spop (v2sf)  }
0x38f: {  	(v2sf) =	vpush v1, $0x8;
	[tilespmem:s11], [sflag:$0x2] =	stream.linear.gather [hbm4b:s21+s4], $0x80, $0x38;
	[tilespmem:$0x13000] =	vst v63  }
0x390: {  	s22 =	rddreg [dreg:$0x2];
	s8 =	sand.u32 $0x1FFFFFF0, s23;
	s9 =	spop (v2sf)  }
0x391: {  	(v2sf) =	vpush v63, $0x8;
	[tilespmem:s18], [sflag:$0x2] =	stream.linear.gather [hbm4b:s0+s4], $0x80, $0x38;
	[tilespmem:$0x13000] =	vst v63  }
0x392: {  	(v2sf) =	vpush v1, $0x9;
	s11 =	sadd.s32 s14, s8;
	s18 =	sand.u32 $0x1FFFFFF0, s9;
	s21 =	spop (v2sf)  }
0x393: {  	[tilespmem:s31], [sflag:$0x2] =	stream.linear.gather [hbm4b:s11+s4], $0x80, $0x38;
	[tilespmem:$0x13000] =	vst v63  }
0x394: {  	s7 =	rddreg [dreg:$0x2];
	(v2sf) =	vpush v63, $0x9;
	s0 =	sadd.s32 s22, s18;
	s31 =	spop (v2sf)  }
0x395: {  	s23 =	sand.u32 $0x1FFFFFF0, s21;
	s18 =	rddreg [dreg:$0x2];
	s3 =	sand.u32 $0x1FFFFFF0, s31  }
0x396: {  	[tilespmem:s5], [sflag:$0x2] =	stream.linear.gather [hbm4b:s0+s4], $0x80, $0x38;
	[tilespmem:$0x13000] =	vst v63  }
0x397: {  	s2 =	sadd.s32 s14, s23;
	s5 =	spop (v2sf);
	s0 =	sadd.s32 s7, s3  }
0x398: {  	(v2sf) =	vpush v1, $0xA;
	[tilespmem:s17], [sflag:$0x2] =	stream.linear.gather [hbm4b:s2+s4], $0x80, $0x38;
	[tilespmem:$0x13000] =	vst v63  }
0x399: {  	s8 =	sand.u32 $0x1FFFFFF0, s5;
	s9 =	spop (v2sf);
	s5 =	rddreg [dreg:$0x2]  }
0x39a: {  	(v2sf) =	vpush v63, $0xA;
	[tilespmem:s16], [sflag:$0x2] =	stream.linear.gather [hbm4b:s0+s4], $0x80, $0x38;
	[tilespmem:$0x13000] =	vst v63  }
0x39b: {  	s11 =	sadd.s32 s14, s8;
	s17 =	spop (v2sf);
	s16 =	sand.u32 $0x1FFFFFF0, s9  }
0x39c: {  	s21 =	sand.u32 $0x1FFFFFF0, s17;
	s0 =	sadd.s32 s18, s16;
	s16 =	rddreg [dreg:$0x1c]  }
0x39d: {  	[tilespmem:s15], [sflag:$0x2] =	stream.linear.gather [hbm4b:s11+s4], $0x80, $0x38;
	[tilespmem:$0x13000] =	vst v63  }
0x39e: {  	(v2sf) =	vpush v1, $0xB;
	s23 =	sadd.s32 s14, s21;
	s22 =	spop (v2sf);
	s15 =	rddreg [dreg:$0x1e]  }
0x39f: {  	[tilespmem:s30], [sflag:$0x2] =	stream.linear.gather [hbm4b:s0+s4], $0x80, $0x38;
	[tilespmem:$0x13000] =	vst v63  }
0x3a0: {  	(v2sf) =	vpush v63, $0xB;
	s30 =	sand.u32 $0x1FFFFFF0, s22;
	s31 =	spop (v2sf);
	s22 =	rddreg [dreg:$0xf]  }
0x3a1: {  	(v2sf) =	vpush v1, $0xC;
	s0 =	sadd.s32 s5, s30;
	s7 =	sand.u32 $0x1FFFFFF0, s31;
	s8 =	spop (v2sf)  }
0x3a2: {  	[tilespmem:s12], [sflag:$0x2] =	stream.linear.gather [hbm4b:s23+s4], $0x80, $0x38;
	[tilespmem:$0x13000] =	vst v63  }
0x3a3: {  	(v2sf) =	vpush v63, $0xC;
	s9 =	sadd.s32 s14, s7;
	s7 =	rddreg [dreg:$0x17];
	s12 =	spop (v2sf)  }
0x3a4: {  	[tilespmem:s13], [sflag:$0x2] =	stream.linear.gather [hbm4b:s0+s4], $0x80, $0x38;
	[tilespmem:$0x13000] =	vst v63  }
0x3a5: {  	s11 =	sand.u32 $0x1FFFFFF0, s8;
	s13 =	rddreg [dreg:$0x2];
	s18 =	sand.u32 $0x1FFFFFF0, s12  }
0x3a6: {  	[tilespmem:s16], [sflag:$0x2] =	stream.linear.gather [hbm4b:s9+s4], $0x80, $0x38;
	[tilespmem:$0x13000] =	vst v63  }
0x3a7: {  	s12 =	rddreg [dreg:$0x13];
	s17 =	sadd.s32 s13, s11;
	s21 =	spop (v2sf)  }
0x3a8: {  	[tilespmem:s22], [sflag:$0x2] =	stream.linear.gather [hbm4b:s17+s4], $0x80, $0x38;
	[tilespmem:$0x13000] =	vst v63  }
0x3a9: {  	s23 =	sadd.s32 s14, s18;
	s30 =	sand.u32 $0x1FFFFFF0, s21;
	s31 =	spop (v2sf)  }
0x3aa: {  	[tilespmem:s7], [sflag:$0x2] =	stream.linear.gather [hbm4b:s23+s4], $0x80, $0x38;
	[tilespmem:$0x13000] =	vst v63  }
0x3ab: {  	s21 =	rddreg [dreg:$0x7];
	s8 =	sadd.s32 s13, s30;
	s9 =	sand.u32 $0x1FFFFFF0, s31  }
0x3ac: {  	[tilespmem:s12], [sflag:$0x2] =	stream.linear.gather [hbm4b:s8+s4], $0x80, $0x38;
	[tilespmem:$0x13000] =	vst v63  }
0x3ad: {  	s11 =	spop (v2sf);
	s31 =	rddreg [dreg:$0xb];
	s16 =	sadd.s32 s14, s9  }
0x3ae: {  	(v2sf) =	vpush v1, $0xD;
	[tilespmem:s21], [sflag:$0x2] =	stream.linear.gather [hbm4b:s16+s4], $0x80, $0x38;
	[tilespmem:$0x13000] =	vst v63  }
.Ltmp9:
0x3af: {  	(v2sf) =	vpush v63, $0xD;
	s17 =	sand.u32 $0x1FFFFFF0, s11;
	s18 =	spop (v2sf);
	(pc) =	sbr.rel @p0 .LBB2_16-.Ltmp9, $4  }
0x3b0: {  	(v2sf) =	vpush v1, $0xE;
	s22 =	sadd.s32 s13, s17;
	s23 =	sand.u32 $0x1FFFFFF0, s18;
	s30 =	spop (v2sf)  }
0x3b1: {  	(v2sf) =	vpush v63, $0xE;
	[tilespmem:s1], [sflag:$0x2] =	stream.linear.gather [hbm4b:s22+s4], $0x80, $0x38;
	[tilespmem:$0x13000] =	vst v63  }
0x3b2: {  	(v2sf) =	vpush v1, $0xF;
	s2 =	sadd.s32 s14, s23;
	s0 =	sand.u32 $0x1FFFFFF0, s30;
	s1 =	spop (v2sf)  }
0x3b3: {  	(v2sf) =	vpush v63, $0xF;
	[tilespmem:s31], [sflag:$0x2] =	stream.linear.gather [hbm4b:s2+s4], $0x80, $0x38;
	[tilespmem:$0x13000] =	vst v63  }
0x3b4: {  	_ =	sdelay $0x4  }
0x3b5: {  	s0 =	sadd.s32 s13, s0;
	s1 =	sand.u32 $0x1FFFFFF0, s1  }
0x3b6: {  	[tilespmem:s29], [sflag:$0x2] =	stream.linear.gather [hbm4b:s0+s4], $0x80, $0x38;
	[tilespmem:$0x13000] =	vst v63  }
0x3b7: {  	s24 =	sadd.s32 $0x6780, s19;
	s5 =	sadd.s32 s14, s1  }
0x3b8: {  	[tilespmem:s10], [sflag:$0x2] =	stream.linear.gather [hbm4b:s5+s4], $0x80, $0x38;
	[tilespmem:$0x13000] =	vst v63  }
0x3b9: {  	s25 =	sadd.s32 $0xE780, s19;
	s30 =	sld [smem:$0x7F5];
	s2 =	spop (v2sf)  }
0x3ba: {  	s31 =	sld [smem:$0x7F6];
	s7 =	sand.u32 $0x1FFFFFF0, s2;
	s8 =	spop (v2sf)  }
0x3bb: {  	s9 =	sadd.s32 s13, s7;
	s10 =	sand.u32 $0x1FFFFFF0, s8;
	s11 =	spop (v2sf)  }
0x3bc: {  	[tilespmem:s15], [sflag:$0x2] =	stream.linear.gather [hbm4b:s9+s4], $0x80, $0x38;
	[tilespmem:$0x13000] =	vst v63  }
0x3bd: {  	s29 =	sld [smem:$0x7F4];
	s12 =	sadd.s32 s14, s10;
	s15 =	sand.u32 $0x1FFFFFF0, s11  }
0x3be: {  	[tilespmem:s26], [sflag:$0x2] =	stream.linear.gather [hbm4b:s12+s4], $0x80, $0x38;
	[tilespmem:$0x13000] =	vst v63  }
0x3bf: {  	s16 =	spop (v2sf);
	s11 =	sld [smem:$0x7F2];
	s17 =	sadd.s32 s13, s15  }
0x3c0: {  	[tilespmem:s28], [sflag:$0x2] =	stream.linear.gather [hbm4b:s17+s4], $0x80, $0x38;
	[tilespmem:$0x13000] =	vst v63  }
0x3c1: {  	s18 =	sand.u32 $0x1FFFFFF0, s16;
	s20 =	spop (v2sf);
	s28 =	sld [smem:$0x7F3]  }
0x3c2: {  	s21 =	sadd.s32 s14, s18;
	s22 =	sand.u32 $0x1FFFFFF0, s20;
	s23 =	spop (v2sf)  }
0x3c3: {  	[tilespmem:s6], [sflag:$0x2] =	stream.linear.gather [hbm4b:s21+s4], $0x80, $0x38;
	[tilespmem:$0x13000] =	vst v63  }
0x3c4: {  	s1 =	sadd.s32 s13, s22;
	s2 =	sand.u32 $0x1FFFFFF0, s23;
	s0 =	sadd.s32 $0x100, s28  }
0x3c5: {  	[tilespmem:s24], [sflag:$0x2] =	stream.linear.gather [hbm4b:s1+s4], $0x80, $0x38;
	[tilespmem:$0x13000] =	vst v63  }
.Ltmp10:
0x3c6: {  	[smem:$0x7F3] =	sst s0;
	s0 =	sadd.s32 $0x100, s29;
	(pc) =	sbr.rel .LBB2_6-.Ltmp10, $4  }
0x3c7: {  	s26 =	sadd.s32 s14, s2;
	[smem:$0x7F4] =	sst s0;
	s0 =	sadd.s32 $0x100, s30  }
0x3c8: {  	[tilespmem:s25], [sflag:$0x2] =	stream.linear.gather [hbm4b:s26+s4], $0x80, $0x38;
	[tilespmem:$0x13000] =	vst v63  }
0x3c9: {  	[smem:$0x7F5] =	sst s0;
	s0 =	sadd.s32 $0x100, s31  }
0x3ca: {  	s11 =	sadd.s32 $0x1, s11;
	[smem:$0x7F6] =	sst s0  }
.LBB2_19:
0x3cb: {  	_ =	sfence.sel $0x180000  }
0x3cc: {  	[bflag:$0x0] =	sbarrier.arrive $0xFFFF  }
0x3cd: {  	_ =	strace $0x90000047  }
0x3ce: {  	s0 =	stileid.u32;
	[bflag:$0x2] =	sbarrier.arrive $0xFFFF  }
0x3cf: {  	p0 =	sne.s32 s0, $0x0;
	s0 =	rddreg [dreg:$0x1]  }
0x3d0: {  	s0 =	sadd.s32 @!p0 $0x100000, s0  }
0x3d1: {  	[sflag:s0] =	ssyncadd.tile.s32 @!p0 $0x1;
	_ =	shalt  }
.Lfunc_end2:
_tile_overlayer_lowered:
.L_overlay_start_2:
0x3d2: {  	(tag) =	ssettag $0x2  }
0x3d3: {  	s0 =	rddreg [dreg:$0x0];
	s2 =	stileid.u32  }
0x3d4: {  	s1 =	rddreg [dreg:$0x1];
	p0 =	sne.s32 s2, $0x0  }
0x3d5: {  	s3 =	rddreg [dreg:$0x2];
	[bflag:$0x3] =	sbarrier.arrive $0xFFFF;
	s2 =	simm.s32 @!p0 $0x1C03  }
0x3d6: {  	[timem:s3], [sflag:s2] =	dma.local @!p0 [hbm:s0], s1  }
0x3d7: {  	s0 =	simm.s32 @!p0 $0x3  }
0x3d8: {  	_ =	swait.ge @!p0 [sflag:s0], s1  }
0x3d9: {  	s1 =	ssub.s32 @!p0 $0x0, s1;
	[sflag:s0] =	ssyncset.done @!p0 $0x0  }
0x3da: {  	[sflag:s0] =	ssyncadd.s32 @!p0 s1  }
0x3db: {  	[bflag:$0x3] =	sbarrier.arrive $0xFFFF  }
0x3dc: {  	_ =	shalt  }

</sc_bundles>
